<compile_context>
chip_gen: v7x
topology: tpu7x:2x2x1
jax: 0.10.2.dev20260603
libtpu: 0.0.44.dev20260713+nightly
codegen_flags: <defaults>
</compile_context>

<pallas_src>
import functools

import jax
import jax.numpy as jnp
import numpy as np
from jax import lax
from jax.experimental import pallas as pl
from jax.experimental.pallas import tpu as pltpu
from jax.experimental.pallas import tpu_sc as plsc

S = 30.0
M = 0.5
ARC_START_EPOCH = 1
GAMMA = 2.0
COS_M = float(np.cos(M))
SIN_M = float(np.sin(M))
BORDER = float(np.cos(np.pi - M))

_LOG1P_COEF = [float(c) for c in
               np.polynomial.chebyshev.Chebyshev.interpolate(
                   np.log1p, 7, domain=[0.0, 1.0])
               .convert(kind=np.polynomial.Polynomial).coef]

NW = 32
L = 16

TC_ROWS = 13312



def _tc_body(use_arc_ref, scale_ref, fc_ref, label_ref, focal_ref, acc_ref,
             lacc_ref, cacc_ref, *, rows, rsub, unroll):
    i = pl.program_id(0)
    nsteps = pl.num_programs(0)
    use_arc = use_arc_ref[0, 0] != 0
    scale = scale_ref[0, 0]

    @pl.when(i == 0)
    def _init():
        lacc_ref[...] = jnp.zeros_like(lacc_ref)
        cacc_ref[...] = jnp.zeros_like(cacc_ref)

    def tile(k):
        c = fc_ref[pl.ds(k * rsub, rsub), :]
        t = label_ref[pl.ds(k * rsub, rsub), :]

        sin_t = jnp.sqrt(jnp.maximum(1.0 - c * c, 0.0))
        phai = c * COS_M - sin_t * SIN_M
        phai = jnp.where(c > BORDER, phai, -2.0 - phai)

        tmask = t != 0.0
        inner = jnp.where(use_arc, phai, c)
        v = scale * jnp.where(tmask, -inner, c)

        log2e = 1.4426950408889634
        ln2 = 0.6931471805599453
        q = jnp.exp2(jnp.minimum(v, -v) * log2e)
        sp = jnp.maximum(v, 0.0) + jnp.log2(1.0 + q) * ln2
        loss = jnp.exp2((2.0 * log2e) * (v - sp)) * sp

        corr = jnp.where(v < 0.0, 1.0, 0.0)
        return loss, corr

    def group_step(g, carry):
        parts = [tile(g * unroll + j) for j in range(unroll)]
        ls = [p[0] for p in parts]
        cs = [p[1] for p in parts]
        while len(ls) > 1:
            ls = [a + b for a, b in zip(ls[::2], ls[1::2])]
            cs = [a + b for a, b in zip(cs[::2], cs[1::2])]
        lacc_ref[...] += ls[0]
        cacc_ref[...] += cs[0]
        return carry

    jax.lax.fori_loop(0, rows // rsub // unroll, group_step, 0)

    @pl.when(i == nsteps - 1)
    def _fin():
        focal_ref[0, 0] = jnp.sum(lacc_ref[...])
        acc_ref[0, 0] = jnp.sum(cacc_ref[...])


def _tc_partial_sums(fc, label, use_arc_i, scale):
    B, C = fc.shape
    BR = 512
    RSUB = 8
    UNROLL = 16
    nb = TC_ROWS // BR

    focal2d, acc2d = pl.pallas_call(
        functools.partial(_tc_body, rows=BR, rsub=RSUB, unroll=UNROLL),
        grid=(nb,),
        in_specs=[
            pl.BlockSpec(memory_space=pltpu.SMEM),
            pl.BlockSpec(memory_space=pltpu.SMEM),
            pl.BlockSpec((BR, C), lambda i: (i, 0)),
            pl.BlockSpec((BR, C), lambda i: (i, 0)),
        ],
        out_specs=[
            pl.BlockSpec(memory_space=pltpu.SMEM),
            pl.BlockSpec(memory_space=pltpu.SMEM),
        ],
        out_shape=[
            jax.ShapeDtypeStruct((1, 1), jnp.float32),
            jax.ShapeDtypeStruct((1, 1), jnp.float32),
        ],
        scratch_shapes=[
            pltpu.VMEM((RSUB, C), jnp.float32),
            pltpu.VMEM((RSUB, C), jnp.float32),
        ],
    )(use_arc_i.reshape(1, 1), scale.reshape(1, 1), fc, label)
    return focal2d[0, 0], acc2d[0, 0]



def _sc_loss_tile(c, t, arc_b, scale_v):
    x = jnp.maximum(1.0 - c * c, 0.0)
    i = lax.bitcast_convert_type(x, jnp.int32)
    i = jnp.int32(0x5F3759DF) - lax.shift_right_arithmetic(i, 1)
    y = lax.bitcast_convert_type(i, jnp.float32)
    hx = 0.5 * x
    y = y * (1.5 - hx * y * y)
    y = y * (1.5 - hx * y * y)
    s = x * y

    phai = c * COS_M - s * SIN_M
    phai = jnp.where(c > BORDER, phai, -2.0 - phai)

    tmask = t != 0.0
    inner = jnp.where(arc_b, phai, c)
    v = scale_v * jnp.where(tmask, -inner, c)

    q = jnp.exp(jnp.minimum(v, -v))
    p = _LOG1P_COEF[7]
    for k in range(6, -1, -1):
        p = p * q + _LOG1P_COEF[k]
    sp = jnp.maximum(v, 0.0) + p
    loss = jnp.exp(2.0 * (v - sp)) * sp
    corr = jnp.where(v < 0.0, 1.0, 0.0)
    return loss, corr


def _sc_body(arc_hbm, fc_hbm, lb_hbm, loss_out, corr_out,
             fcv0, lbv0, fcv1, lbv1, pvec, stage, sem0, sem1,
             *, base_row, rows_per_w, rch, ncols):
    cid = lax.axis_index("c")
    sid = lax.axis_index("s")
    wid = sid * 2 + cid
    row0 = base_row + wid * rows_per_w
    nch = rows_per_w // rch

    pltpu.sync_copy(arc_hbm, pvec)
    arc_b = pvec[...] != 0.0
    scale_v = jnp.where(arc_b, jnp.float32(S), jnp.float32(1.0))

    bufs = ((fcv0, lbv0, sem0), (fcv1, lbv1, sem1))

    def start(g, b):
        r = row0 + g * rch
        pltpu.async_copy(fc_hbm.at[pl.ds(r, rch), :], bufs[b][0], bufs[b][2])
        pltpu.async_copy(lb_hbm.at[pl.ds(r, rch), :], bufs[b][1], bufs[b][2])

    def wait(b):
        pltpu.make_async_copy(fc_hbm.at[pl.ds(0, rch), :], bufs[b][0],
                              bufs[b][2]).wait()
        pltpu.make_async_copy(lb_hbm.at[pl.ds(0, rch), :], bufs[b][1],
                              bufs[b][2]).wait()

    nfull = ncols // L
    tail0 = ncols - L
    taillo = nfull * L - tail0

    def compute(b, lacc, cacc):
        fcv, lbv = bufs[b][0], bufs[b][1]
        tail_mask = lax.iota(jnp.int32, L) >= taillo

        def row_step(r, carry):
            la, ca = carry

            def col_step(j, carry2):
                la2, ca2 = carry2
                c = fcv[r, pl.ds(j * L, L)]
                t = lbv[r, pl.ds(j * L, L)]
                lo, co = _sc_loss_tile(c, t, arc_b, scale_v)
                return la2 + lo, ca2 + co

            la, ca = lax.fori_loop(0, nfull, col_step, (la, ca), unroll=4)
            c = fcv[r, pl.ds(tail0, L)]
            t = lbv[r, pl.ds(tail0, L)]
            lo, co = _sc_loss_tile(c, t, arc_b, scale_v)
            la = la + jnp.where(tail_mask, lo, 0.0)
            ca = ca + jnp.where(tail_mask, co, 0.0)
            return la, ca

        return lax.fori_loop(0, rch, row_step, (lacc, cacc))

    zero = jnp.zeros((L,), jnp.float32)
    start(0, 0)

    def chunk_pair(i2, carry):
        lacc, cacc = carry
        g = i2 * 2
        wait(0)

        @pl.when(g + 1 < nch)
        def _():
            start(g + 1, 1)

        lacc, cacc = compute(0, lacc, cacc)
        wait(1)

        @pl.when(g + 2 < nch)
        def _():
            start(g + 2, 0)

        lacc, cacc = compute(1, lacc, cacc)
        return lacc, cacc

    lacc, cacc = lax.fori_loop(0, nch // 2, chunk_pair, (zero, zero))

    stage[...] = lacc
    pltpu.sync_copy(stage, loss_out.at[wid])
    stage[...] = cacc
    pltpu.sync_copy(stage, corr_out.at[wid])


def _sc_partial_sums(fc, label, use_arc_f):
    B, C = fc.shape
    sc_rows = B - TC_ROWS
    rows_per_w = sc_rows // NW
    RCH = 16
    mesh = plsc.VectorSubcoreMesh(core_axis_name="c", subcore_axis_name="s")
    arc_vec = jnp.full((L,), use_arc_f, jnp.float32)

    kfn = pl.kernel(
        functools.partial(_sc_body, base_row=TC_ROWS,
                          rows_per_w=rows_per_w, rch=RCH, ncols=C),
        mesh=mesh,
        out_type=[
            jax.ShapeDtypeStruct((NW, L), jnp.float32),
            jax.ShapeDtypeStruct((NW, L), jnp.float32),
        ],
        scratch_types=[
            pltpu.VMEM((RCH, C), jnp.float32),
            pltpu.VMEM((RCH, C), jnp.float32),
            pltpu.VMEM((RCH, C), jnp.float32),
            pltpu.VMEM((RCH, C), jnp.float32),
            pltpu.VMEM((L,), jnp.float32),
            pltpu.VMEM((L,), jnp.float32),
            pltpu.SemaphoreType.DMA,
            pltpu.SemaphoreType.DMA,
        ],
    )
    return kfn(arc_vec, fc, label)



def kernel(fc, label, epoch):
    B, C = fc.shape
    use_arc_i = (jnp.asarray(epoch, jnp.int32) >= ARC_START_EPOCH).astype(jnp.int32)
    use_arc_f = use_arc_i.astype(jnp.float32)
    scale = jnp.where(use_arc_i != 0, jnp.float32(S), jnp.float32(1.0))

    tc_f, tc_c = _tc_partial_sums(fc, label, use_arc_i, scale)
    sc_lp, sc_cp = _sc_partial_sums(fc, label, use_arc_f)

    inv_n = 1.0 / (B * C)
    focal = (tc_f + jnp.sum(sc_lp)) * inv_n
    acc = (tc_c + jnp.sum(sc_cp)) * inv_n
    return (focal, acc, focal)

# --- scband reference (transcript-rebuilt; emitter-appended) ---
"""Pipeline reference for scband-loss-v4-53326313947691 (READ-ONLY COPY).

The authoritative reference and input builder live on the scoring server;
editing this copy changes nothing except your own understanding.
"""

import jax, jax.numpy as jnp
import numpy as np

S = 30.0
M = 0.5
ARC_START_EPOCH = 1
GAMMA = 2.0
COS_M = float(np.cos(M))
SIN_M = float(np.sin(M))
BORDER = float(np.cos(np.pi - M))


def setup_inputs(seed: int = 0) -> dict:
    key = jax.random.key(seed)
    k1, k2 = jax.random.split(key)
    B, C = 16384, 1000
    # fc holds cosine similarities (ArcFace-style head), so values in (-1, 1)
    fc = jax.random.uniform(k1, (B, C), minval=-1.0, maxval=1.0, dtype=jnp.float32)
    # multi-hot binary labels (float, as required by BCE-with-logits style focal loss)
    label = jax.random.randint(k2, (B, C), 0, 2).astype(jnp.float32)
    epoch = 10  # >= arcloss_start_epoch -> ArcFace margin branch is exercised
    return {"fc": fc, "label": label, "epoch": epoch}


def _focal_loss(logit, target, gamma=GAMMA):
    # numerically-stable binary-cross-entropy-with-logits focal loss
    max_val = jnp.clip(-logit, 0.0, None)
    loss = logit - logit * target + max_val + jnp.log(jnp.exp(-max_val) + jnp.exp(-logit - max_val))
    invprobs = jax.nn.log_sigmoid(-logit * (target * 2.0 - 1.0))
    loss = jnp.exp(invprobs * gamma) * loss
    return loss.mean()


def reference(fc, label, epoch):
    # training branch of Loss_v4
    cos_theta = fc
    # torch code indexes nonzero label positions; equivalent to an elementwise mask
    sin_theta = jnp.sqrt(jnp.clip(1.0 - cos_theta ** 2, 0.0, None))
    phai = cos_theta * COS_M - sin_theta * SIN_M
    phai = jnp.where(cos_theta > BORDER, phai, -2.0 - phai)
    phai_theta = jnp.where(label != 0, phai, cos_theta)
    score = jnp.where(epoch < ARC_START_EPOCH, fc, S * phai_theta)
    focal = _focal_loss(score, label)
    acc = ((score > 0.0) == (label > 0.5)).astype(jnp.float32).mean()
    total = focal
    # loss_dict: focal, acc, total
    return (focal, acc, total)

if __name__ == "__main__":
    import jax
    _d = setup_inputs()
    print(jax.jit(kernel)(*tuple(_d.values())))

</pallas_src>

<mosaic_0001>
#map = affine_map<(d0, d1) -> (0)>
#map1 = affine_map<(d0, d1) -> (0, 0)>
module attributes {stable_mosaic.version = 14 : i64} {
  func.func @_sc_body(%arg0: i32, %arg1: i32, %arg2: memref<16xf32, #tpu.memory_space<hbm>>, %arg3: memref<16384x1000xf32, #tpu.memory_space<hbm>>, %arg4: memref<16384x1000xf32, #tpu.memory_space<hbm>>, %arg5: memref<32x16xf32, #tpu.memory_space<hbm>>, %arg6: memref<32x16xf32, #tpu.memory_space<hbm>>, %arg7: memref<16x1000xf32, #tpu.memory_space<vmem>>, %arg8: memref<16x1000xf32, #tpu.memory_space<vmem>>, %arg9: memref<16x1000xf32, #tpu.memory_space<vmem>>, %arg10: memref<16x1000xf32, #tpu.memory_space<vmem>>, %arg11: memref<16xf32, #tpu.memory_space<vmem>>, %arg12: memref<16xf32, #tpu.memory_space<vmem>>, %arg13: memref<!tpu.dma_semaphore, #tpu.memory_space<semaphore_mem>>, %arg14: memref<!tpu.dma_semaphore, #tpu.memory_space<semaphore_mem>>) attributes {dimension_semantics = [#tpu.dimension_semantics<core_parallel>, #tpu.dimension_semantics<subcore_parallel>], iteration_bounds = array<i64: 2, 16>, scalar_prefetch = 0 : i64, scratch_operands = 8 : i64, tpu.core_type = #tpu.core_type<sc_vector_subcore>, window_params = [{transform_indices = #map}, {transform_indices = #map1}, {transform_indices = #map1}, {transform_indices = #map1}, {transform_indices = #map1}]} {
    %mul3A = arith.constant 2 : i32
    %mul3A_0 = arith.muli %arg1, %mul3A : i32
    %add3A = arith.addi %mul3A_0, %arg0 : i32
    %mul3A_1 = arith.constant 96 : i32
    %mul3A_2 = arith.muli %add3A, %mul3A_1 : i32
    %add3A_3 = arith.constant 13312 : i32
    %add3A_4 = arith.addi %add3A_3, %mul3A_2 : i32
    "tpu.region"() ({
      %run_scoped3A = tpu.sem_alloc : memref<!tpu.dma_semaphore, #tpu.memory_space<semaphore_mem>>
      tpu.enqueue_dma source(%arg2 : memref<16xf32, #tpu.memory_space<hbm>>) target(%arg11 : memref<16xf32, #tpu.memory_space<vmem>>) target_semaphore(%run_scoped3A : memref<!tpu.dma_semaphore, #tpu.memory_space<semaphore_mem>>)
      tpu.wait_dma2 semaphore(%run_scoped3A : memref<!tpu.dma_semaphore, #tpu.memory_space<semaphore_mem>>) src(%arg2 : memref<16xf32, #tpu.memory_space<hbm>>) dst(%arg11 : memref<16xf32, #tpu.memory_space<vmem>>)
      tpu.yield
    }) : () -> ()
    %get3A = arith.constant 0 : index
    %get3A_5 = tpu.vector_load %arg11[%get3A] {strides = array<i32>} : memref<16xf32, #tpu.memory_space<vmem>>, vector<16xf32>,
    %get3A_6 = vector.shape_cast %get3A_5 : vector<16xf32> to vector<16xf32>
    %ne3A = arith.constant 0.000000e+00 : f32
    %ne3A_7 = vector.broadcast %ne3A : f32 to vector<16xf32>
    %ne3A_8 = arith.cmpf one, %get3A_6, %ne3A_7 : vector<16xf32>
    %jit3A = arith.constant 3.000000e+01 : f32
    %jit3A_9 = arith.constant 1.000000e+00 : f32
    %broadcast_in_dim3A = vector.broadcast %jit3A : f32 to vector<16xf32>
    %broadcast_in_dim3A_10 = vector.broadcast %jit3A_9 : f32 to vector<16xf32>
    %select_n3A = arith.select %ne3A_8, %broadcast_in_dim3A, %broadcast_in_dim3A_10 : vector<16xi1>, vector<16xf32>
    %broadcast_in_dim3A_11 = arith.constant 0.000000e+00 : f32
    %broadcast_in_dim3A_12 = vector.broadcast %broadcast_in_dim3A_11 : f32 to vector<16xf32>
    %add3A_13 = arith.constant 0 : i32
    %add3A_14 = arith.addi %add3A_4, %add3A_13 : i32
    %dma_start3A = arith.constant 0 : i32
    %dma_start3A_15 = tpu.memref_slice %arg3[%add3A_14, %dma_start3A] : memref<16384x1000xf32, #tpu.memory_space<hbm>> -> memref<16x1000xf32, #tpu.memory_space<hbm>>
    %dma_start3A_16 = arith.constant 0 : i32
    %dma_start3A_17 = tpu.memref_slice %arg3[%add3A_14, %dma_start3A_16] : memref<16384x1000xf32, #tpu.memory_space<hbm>> -> memref<16x1000xf32, #tpu.memory_space<hbm>>
    tpu.enqueue_dma source(%dma_start3A_17 : memref<16x1000xf32, #tpu.memory_space<hbm>>) target(%arg7 : memref<16x1000xf32, #tpu.memory_space<vmem>>) target_semaphore(%arg13 : memref<!tpu.dma_semaphore, #tpu.memory_space<semaphore_mem>>)
    %dma_start3A_18 = arith.constant 0 : i32
    %dma_start3A_19 = tpu.memref_slice %arg4[%add3A_14, %dma_start3A_18] : memref<16384x1000xf32, #tpu.memory_space<hbm>> -> memref<16x1000xf32, #tpu.memory_space<hbm>>
    %dma_start3A_20 = arith.constant 0 : i32
    %dma_start3A_21 = tpu.memref_slice %arg4[%add3A_14, %dma_start3A_20] : memref<16384x1000xf32, #tpu.memory_space<hbm>> -> memref<16x1000xf32, #tpu.memory_space<hbm>>
    tpu.enqueue_dma source(%dma_start3A_21 : memref<16x1000xf32, #tpu.memory_space<hbm>>) target(%arg8 : memref<16x1000xf32, #tpu.memory_space<vmem>>) target_semaphore(%arg13 : memref<!tpu.dma_semaphore, #tpu.memory_space<semaphore_mem>>)
    %scan3A = arith.constant 0 : i32
    %scan3A_22 = arith.constant 3 : i32
    %scan3A_23 = arith.addi %scan3A, %scan3A_22 : i32
    %scan3A_24 = arith.constant 1 : i32
    %scan3A_25:2 = scf.for %scan3A_34 = %scan3A to %scan3A_23 step %scan3A_24 iter_args(%scan3A_35 = %broadcast_in_dim3A_12, %scan3A_36 = %broadcast_in_dim3A_12) -> (vector<16xf32>, vector<16xf32>)  : i32 {
      %mul3A_37 = arith.constant 2 : i32
      %mul3A_38 = arith.muli %scan3A_34, %mul3A_37 : i32
      %dma_wait3A = arith.constant 0 : i32
      %dma_wait3A_39 = arith.constant 0 : i32
      %dma_wait3A_40 = tpu.memref_slice %arg3[%dma_wait3A, %dma_wait3A_39] : memref<16384x1000xf32, #tpu.memory_space<hbm>> -> memref<16x1000xf32, #tpu.memory_space<hbm>>
      %dma_wait3A_41 = arith.constant 0 : i32
      %dma_wait3A_42 = arith.constant 0 : i32
      %dma_wait3A_43 = tpu.memref_slice %arg3[%dma_wait3A_41, %dma_wait3A_42] : memref<16384x1000xf32, #tpu.memory_space<hbm>> -> memref<16x1000xf32, #tpu.memory_space<hbm>>
      tpu.wait_dma2 semaphore(%arg13 : memref<!tpu.dma_semaphore, #tpu.memory_space<semaphore_mem>>) src(%dma_wait3A_43 : memref<16x1000xf32, #tpu.memory_space<hbm>>) dst(%arg7 : memref<16x1000xf32, #tpu.memory_space<vmem>>)
      %dma_wait3A_44 = arith.constant 0 : i32
      %dma_wait3A_45 = arith.constant 0 : i32
      %dma_wait3A_46 = tpu.memref_slice %arg4[%dma_wait3A_44, %dma_wait3A_45] : memref<16384x1000xf32, #tpu.memory_space<hbm>> -> memref<16x1000xf32, #tpu.memory_space<hbm>>
      %dma_wait3A_47 = arith.constant 0 : i32
      %dma_wait3A_48 = arith.constant 0 : i32
      %dma_wait3A_49 = tpu.memref_slice %arg4[%dma_wait3A_47, %dma_wait3A_48] : memref<16384x1000xf32, #tpu.memory_space<hbm>> -> memref<16x1000xf32, #tpu.memory_space<hbm>>
      tpu.wait_dma2 semaphore(%arg13 : memref<!tpu.dma_semaphore, #tpu.memory_space<semaphore_mem>>) src(%dma_wait3A_49 : memref<16x1000xf32, #tpu.memory_space<hbm>>) dst(%arg8 : memref<16x1000xf32, #tpu.memory_space<vmem>>)
      %add3A_50 = arith.constant 1 : i32
      %add3A_51 = arith.addi %mul3A_38, %add3A_50 : i32
      %lt3A = arith.constant 6 : i32
      %lt3A_52 = arith.cmpi slt, %add3A_51, %lt3A : i32
      %convert_element_type3A = arith.extui %lt3A_52 : i1 to i32
      %cond3A = arith.constant 0 : i32
      %cond3A_53 = arith.cmpi ne, %convert_element_type3A, %cond3A : i32
      scf.if %cond3A_53 {
        %add3A_91 = arith.constant 1 : i32
        %add3A_92 = arith.addi %mul3A_38, %add3A_91 : i32
        %mul3A_93 = arith.constant 16 : i32
        %mul3A_94 = arith.muli %add3A_92, %mul3A_93 : i32
        %add3A_95 = arith.addi %add3A_4, %mul3A_94 : i32
        %dma_start3A_96 = arith.constant 0 : i32
        %dma_start3A_97 = tpu.memref_slice %arg3[%add3A_95, %dma_start3A_96] : memref<16384x1000xf32, #tpu.memory_space<hbm>> -> memref<16x1000xf32, #tpu.memory_space<hbm>>
        %dma_start3A_98 = arith.constant 0 : i32
        %dma_start3A_99 = tpu.memref_slice %arg3[%add3A_95, %dma_start3A_98] : memref<16384x1000xf32, #tpu.memory_space<hbm>> -> memref<16x1000xf32, #tpu.memory_space<hbm>>
        tpu.enqueue_dma source(%dma_start3A_99 : memref<16x1000xf32, #tpu.memory_space<hbm>>) target(%arg9 : memref<16x1000xf32, #tpu.memory_space<vmem>>) target_semaphore(%arg14 : memref<!tpu.dma_semaphore, #tpu.memory_space<semaphore_mem>>)
        %dma_start3A_100 = arith.constant 0 : i32
        %dma_start3A_101 = tpu.memref_slice %arg4[%add3A_95, %dma_start3A_100] : memref<16384x1000xf32, #tpu.memory_space<hbm>> -> memref<16x1000xf32, #tpu.memory_space<hbm>>
        %dma_start3A_102 = arith.constant 0 : i32
        %dma_start3A_103 = tpu.memref_slice %arg4[%add3A_95, %dma_start3A_102] : memref<16384x1000xf32, #tpu.memory_space<hbm>> -> memref<16x1000xf32, #tpu.memory_space<hbm>>
        tpu.enqueue_dma source(%dma_start3A_103 : memref<16x1000xf32, #tpu.memory_space<hbm>>) target(%arg10 : memref<16x1000xf32, #tpu.memory_space<vmem>>) target_semaphore(%arg14 : memref<!tpu.dma_semaphore, #tpu.memory_space<semaphore_mem>>)
      } else {
      }
      %iota3A = tpu.iota {dimensions = array<i32: 0>} : vector<16xi32>
      %ge3A = arith.constant 8 : i32
      %ge3A_54 = vector.broadcast %ge3A : i32 to vector<16xi32>
      %ge3A_55 = arith.cmpi sge, %iota3A, %ge3A_54 : vector<16xi32>
      %scan3A_56 = arith.constant 0 : i32
      %scan3A_57 = arith.constant 16 : i32
      %scan3A_58 = arith.addi %scan3A_56, %scan3A_57 : i32
      %scan3A_59 = arith.constant 1 : i32
      %scan3A_60:2 = scf.for %scan3A_91 = %scan3A_56 to %scan3A_58 step %scan3A_59 iter_args(%scan3A_92 = %scan3A_35, %scan3A_93 = %scan3A_36) -> (vector<16xf32>, vector<16xf32>)  : i32 {
        %scan3A_94 = arith.constant 0 : i32
        %scan3A_95 = arith.constant 60 : i32
        %scan3A_96 = arith.addi %scan3A_94, %scan3A_95 : i32
        %scan3A_97 = arith.constant 4 : i32
        %scan3A_98:2 = scf.for %scan3A_461 = %scan3A_94 to %scan3A_96 step %scan3A_97 iter_args(%scan3A_462 = %scan3A_92, %scan3A_463 = %scan3A_93) -> (vector<16xf32>, vector<16xf32>)  : i32 {
          %mul3A_464 = arith.constant 16 : i32
          %mul3A_465 = arith.muli %scan3A_461, %mul3A_464 : i32
          %get3A_466 = arith.index_cast %scan3A_91 : i32 to index
          %get3A_467 = arith.index_cast %mul3A_465 : i32 to index
          %get3A_468 = tpu.vector_load %arg7[%get3A_466, %get3A_467] {strides = array<i32>} : memref<16x1000xf32, #tpu.memory_space<vmem>>, vector<1x16xf32>,
          %get3A_469 = vector.shape_cast %get3A_468 : vector<1x16xf32> to vector<16xf32>
          %mul3A_470 = arith.constant 16 : i32
          %mul3A_471 = arith.muli %scan3A_461, %mul3A_470 : i32
          %get3A_472 = arith.index_cast %scan3A_91 : i32 to index
          %get3A_473 = arith.index_cast %mul3A_471 : i32 to index
          %get3A_474 = tpu.vector_load %arg8[%get3A_472, %get3A_473] {strides = array<i32>} : memref<16x1000xf32, #tpu.memory_space<vmem>>, vector<1x16xf32>,
          %get3A_475 = vector.shape_cast %get3A_474 : vector<1x16xf32> to vector<16xf32>
          %mul3A_476 = arith.mulf %get3A_469, %get3A_469 : vector<16xf32>
          %sub3A_477 = arith.constant 1.000000e+00 : f32
          %sub3A_478 = vector.broadcast %sub3A_477 : f32 to vector<16xf32>
          %sub3A_479 = arith.subf %sub3A_478, %mul3A_476 : vector<16xf32>
          %max3A_480 = arith.constant 0.000000e+00 : f32
          %max3A_481 = vector.broadcast %max3A_480 : f32 to vector<16xf32>
          %max3A_482 = arith.maximumf %sub3A_479, %max3A_481 : vector<16xf32>
          %bitcast_convert_type3A_483 = tpu.bitcast %max3A_482 : vector<16xf32> -> vector<16xi32>
          %shift_right_arithmetic3A_484 = arith.constant 1 : i32
          %shift_right_arithmetic3A_485 = vector.broadcast %shift_right_arithmetic3A_484 : i32 to vector<16xi32>
          %shift_right_arithmetic3A_486 = arith.shrsi %bitcast_convert_type3A_483, %shift_right_arithmetic3A_485 : vector<16xi32>
          %sub3A_487 = arith.constant 1597463007 : i32
          %sub3A_488 = vector.broadcast %sub3A_487 : i32 to vector<16xi32>
          %sub3A_489 = arith.subi %sub3A_488, %shift_right_arithmetic3A_486 : vector<16xi32>
          %bitcast_convert_type3A_490 = tpu.bitcast %sub3A_489 : vector<16xi32> -> vector<16xf32>
          %mul3A_491 = arith.constant 5.000000e-01 : f32
          %mul3A_492 = vector.broadcast %mul3A_491 : f32 to vector<16xf32>
          %mul3A_493 = arith.mulf %mul3A_492, %max3A_482 : vector<16xf32>
          %mul3A_494 = arith.mulf %mul3A_493, %bitcast_convert_type3A_490 : vector<16xf32>
          %mul3A_495 = arith.mulf %mul3A_494, %bitcast_convert_type3A_490 : vector<16xf32>
          %sub3A_496 = arith.constant 1.500000e+00 : f32
          %sub3A_497 = vector.broadcast %sub3A_496 : f32 to vector<16xf32>
          %sub3A_498 = arith.subf %sub3A_497, %mul3A_495 : vector<16xf32>
          %mul3A_499 = arith.mulf %bitcast_convert_type3A_490, %sub3A_498 : vector<16xf32>
          %mul3A_500 = arith.mulf %mul3A_493, %mul3A_499 : vector<16xf32>
          %mul3A_501 = arith.mulf %mul3A_500, %mul3A_499 : vector<16xf32>
          %sub3A_502 = arith.constant 1.500000e+00 : f32
          %sub3A_503 = vector.broadcast %sub3A_502 : f32 to vector<16xf32>
          %sub3A_504 = arith.subf %sub3A_503, %mul3A_501 : vector<16xf32>
          %mul3A_505 = arith.mulf %mul3A_499, %sub3A_504 : vector<16xf32>
          %mul3A_506 = arith.mulf %max3A_482, %mul3A_505 : vector<16xf32>
          %mul3A_507 = arith.constant 0.87758255 : f32
          %mul3A_508 = vector.broadcast %mul3A_507 : f32 to vector<16xf32>
          %mul3A_509 = arith.mulf %get3A_469, %mul3A_508 : vector<16xf32>
          %mul3A_510 = arith.constant 0.47942555 : f32
          %mul3A_511 = vector.broadcast %mul3A_510 : f32 to vector<16xf32>
          %mul3A_512 = arith.mulf %mul3A_506, %mul3A_511 : vector<16xf32>
          %sub3A_513 = arith.subf %mul3A_509, %mul3A_512 : vector<16xf32>
          %gt3A_514 = arith.constant -0.87758255 : f32
          %gt3A_515 = vector.broadcast %gt3A_514 : f32 to vector<16xf32>
          %gt3A_516 = arith.cmpf ogt, %get3A_469, %gt3A_515 : vector<16xf32>
          %sub3A_517 = arith.constant -2.000000e+00 : f32
          %sub3A_518 = vector.broadcast %sub3A_517 : f32 to vector<16xf32>
          %sub3A_519 = arith.subf %sub3A_518, %sub3A_513 : vector<16xf32>
          %select_n3A_520 = arith.select %gt3A_516, %sub3A_513, %sub3A_519 : vector<16xi1>, vector<16xf32>
          %ne3A_521 = arith.constant 0.000000e+00 : f32
          %ne3A_522 = vector.broadcast %ne3A_521 : f32 to vector<16xf32>
          %ne3A_523 = arith.cmpf one, %get3A_475, %ne3A_522 : vector<16xf32>
          %select_n3A_524 = arith.select %ne3A_8, %select_n3A_520, %get3A_469 : vector<16xi1>, vector<16xf32>
          %neg3A_525 = arith.constant 0.000000e+00 : f32
          %neg3A_526 = vector.broadcast %neg3A_525 : f32 to vector<16xf32>
          %neg3A_527 = arith.subf %neg3A_526, %select_n3A_524 : vector<16xf32>
          %select_n3A_528 = arith.select %ne3A_523, %neg3A_527, %get3A_469 : vector<16xi1>, vector<16xf32>
          %mul3A_529 = arith.mulf %select_n3A, %select_n3A_528 : vector<16xf32>
          %neg3A_530 = arith.constant 0.000000e+00 : f32
          %neg3A_531 = vector.broadcast %neg3A_530 : f32 to vector<16xf32>
          %neg3A_532 = arith.subf %neg3A_531, %mul3A_529 : vector<16xf32>
          %min3A_533 = arith.minimumf %mul3A_529, %neg3A_532 : vector<16xf32>
          %exp3A_534 = math.exp %min3A_533 : vector<16xf32>
          %mul3A_535 = arith.constant 0.0100092897 : f32
          %mul3A_536 = vector.broadcast %mul3A_535 : f32 to vector<16xf32>
          %mul3A_537 = arith.mulf %mul3A_536, %exp3A_534 : vector<16xf32>
          %add3A_538 = arith.constant -0.0524375364 : f32
          %add3A_539 = vector.broadcast %add3A_538 : f32 to vector<16xf32>
          %add3A_540 = arith.addf %mul3A_537, %add3A_539 : vector<16xf32>
          %mul3A_541 = arith.mulf %add3A_540, %exp3A_534 : vector<16xf32>
          %add3A_542 = arith.constant 0.130833432 : f32
          %add3A_543 = vector.broadcast %add3A_542 : f32 to vector<16xf32>
          %add3A_544 = arith.addf %mul3A_541, %add3A_543 : vector<16xf32>
          %mul3A_545 = arith.mulf %add3A_544, %exp3A_534 : vector<16xf32>
          %add3A_546 = arith.constant -0.22316587 : f32
          %add3A_547 = vector.broadcast %add3A_546 : f32 to vector<16xf32>
          %add3A_548 = arith.addf %mul3A_545, %add3A_547 : vector<16xf32>
          %mul3A_549 = arith.mulf %add3A_548, %exp3A_534 : vector<16xf32>
          %add3A_550 = arith.constant 0.327225715 : f32
          %add3A_551 = vector.broadcast %add3A_550 : f32 to vector<16xf32>
          %add3A_552 = arith.addf %mul3A_549, %add3A_551 : vector<16xf32>
          %mul3A_553 = arith.mulf %add3A_552, %exp3A_534 : vector<16xf32>
          %add3A_554 = arith.constant -0.499285042 : f32
          %add3A_555 = vector.broadcast %add3A_554 : f32 to vector<16xf32>
          %add3A_556 = arith.addf %mul3A_553, %add3A_555 : vector<16xf32>
          %mul3A_557 = arith.mulf %add3A_556, %exp3A_534 : vector<16xf32>
          %add3A_558 = arith.constant 0.999967098 : f32
          %add3A_559 = vector.broadcast %add3A_558 : f32 to vector<16xf32>
          %add3A_560 = arith.addf %mul3A_557, %add3A_559 : vector<16xf32>
          %mul3A_561 = arith.mulf %add3A_560, %exp3A_534 : vector<16xf32>
          %add3A_562 = arith.constant 2.55467313E-7 : f32
          %add3A_563 = vector.broadcast %add3A_562 : f32 to vector<16xf32>
          %add3A_564 = arith.addf %mul3A_561, %add3A_563 : vector<16xf32>
          %max3A_565 = arith.constant 0.000000e+00 : f32
          %max3A_566 = vector.broadcast %max3A_565 : f32 to vector<16xf32>
          %max3A_567 = arith.maximumf %mul3A_529, %max3A_566 : vector<16xf32>
          %add3A_568 = arith.addf %max3A_567, %add3A_564 : vector<16xf32>
          %sub3A_569 = arith.subf %mul3A_529, %add3A_568 : vector<16xf32>
          %mul3A_570 = arith.constant 2.000000e+00 : f32
          %mul3A_571 = vector.broadcast %mul3A_570 : f32 to vector<16xf32>
          %mul3A_572 = arith.mulf %mul3A_571, %sub3A_569 : vector<16xf32>
          %exp3A_573 = math.exp %mul3A_572 : vector<16xf32>
          %mul3A_574 = arith.mulf %exp3A_573, %add3A_568 : vector<16xf32>
          %lt3A_575 = arith.constant 0.000000e+00 : f32
          %lt3A_576 = vector.broadcast %lt3A_575 : f32 to vector<16xf32>
          %lt3A_577 = arith.cmpf olt, %mul3A_529, %lt3A_576 : vector<16xf32>
          %jit3A_578 = arith.constant 1.000000e+00 : f32
          %jit3A_579 = arith.constant 0.000000e+00 : f32
          %broadcast_in_dim3A_580 = vector.broadcast %jit3A_578 : f32 to vector<16xf32>
          %broadcast_in_dim3A_581 = vector.broadcast %jit3A_579 : f32 to vector<16xf32>
          %select_n3A_582 = arith.select %lt3A_577, %broadcast_in_dim3A_580, %broadcast_in_dim3A_581 : vector<16xi1>, vector<16xf32>
          %add3A_583 = arith.addf %scan3A_462, %mul3A_574 : vector<16xf32>
          %add3A_584 = arith.addf %scan3A_463, %select_n3A_582 : vector<16xf32>
          %scan3A_585 = arith.constant 1 : i32
          %scan3A_586 = arith.addi %scan3A_461, %scan3A_585 : i32
          %mul3A_587 = arith.constant 16 : i32
          %mul3A_588 = arith.muli %scan3A_586, %mul3A_587 : i32
          %get3A_589 = arith.index_cast %scan3A_91 : i32 to index
          %get3A_590 = arith.index_cast %mul3A_588 : i32 to index
          %get3A_591 = tpu.vector_load %arg7[%get3A_589, %get3A_590] {strides = array<i32>} : memref<16x1000xf32, #tpu.memory_space<vmem>>, vector<1x16xf32>,
          %get3A_592 = vector.shape_cast %get3A_591 : vector<1x16xf32> to vector<16xf32>
          %mul3A_593 = arith.constant 16 : i32
          %mul3A_594 = arith.muli %scan3A_586, %mul3A_593 : i32
          %get3A_595 = arith.index_cast %scan3A_91 : i32 to index
          %get3A_596 = arith.index_cast %mul3A_594 : i32 to index
          %get3A_597 = tpu.vector_load %arg8[%get3A_595, %get3A_596] {strides = array<i32>} : memref<16x1000xf32, #tpu.memory_space<vmem>>, vector<1x16xf32>,
          %get3A_598 = vector.shape_cast %get3A_597 : vector<1x16xf32> to vector<16xf32>
          %mul3A_599 = arith.mulf %get3A_592, %get3A_592 : vector<16xf32>
          %sub3A_600 = arith.constant 1.000000e+00 : f32
          %sub3A_601 = vector.broadcast %sub3A_600 : f32 to vector<16xf32>
          %sub3A_602 = arith.subf %sub3A_601, %mul3A_599 : vector<16xf32>
          %max3A_603 = arith.constant 0.000000e+00 : f32
          %max3A_604 = vector.broadcast %max3A_603 : f32 to vector<16xf32>
          %max3A_605 = arith.maximumf %sub3A_602, %max3A_604 : vector<16xf32>
          %bitcast_convert_type3A_606 = tpu.bitcast %max3A_605 : vector<16xf32> -> vector<16xi32>
          %shift_right_arithmetic3A_607 = arith.constant 1 : i32
          %shift_right_arithmetic3A_608 = vector.broadcast %shift_right_arithmetic3A_607 : i32 to vector<16xi32>
          %shift_right_arithmetic3A_609 = arith.shrsi %bitcast_convert_type3A_606, %shift_right_arithmetic3A_608 : vector<16xi32>
          %sub3A_610 = arith.constant 1597463007 : i32
          %sub3A_611 = vector.broadcast %sub3A_610 : i32 to vector<16xi32>
          %sub3A_612 = arith.subi %sub3A_611, %shift_right_arithmetic3A_609 : vector<16xi32>
          %bitcast_convert_type3A_613 = tpu.bitcast %sub3A_612 : vector<16xi32> -> vector<16xf32>
          %mul3A_614 = arith.constant 5.000000e-01 : f32
          %mul3A_615 = vector.broadcast %mul3A_614 : f32 to vector<16xf32>
          %mul3A_616 = arith.mulf %mul3A_615, %max3A_605 : vector<16xf32>
          %mul3A_617 = arith.mulf %mul3A_616, %bitcast_convert_type3A_613 : vector<16xf32>
          %mul3A_618 = arith.mulf %mul3A_617, %bitcast_convert_type3A_613 : vector<16xf32>
          %sub3A_619 = arith.constant 1.500000e+00 : f32
          %sub3A_620 = vector.broadcast %sub3A_619 : f32 to vector<16xf32>
          %sub3A_621 = arith.subf %sub3A_620, %mul3A_618 : vector<16xf32>
          %mul3A_622 = arith.mulf %bitcast_convert_type3A_613, %sub3A_621 : vector<16xf32>
          %mul3A_623 = arith.mulf %mul3A_616, %mul3A_622 : vector<16xf32>
          %mul3A_624 = arith.mulf %mul3A_623, %mul3A_622 : vector<16xf32>
          %sub3A_625 = arith.constant 1.500000e+00 : f32
          %sub3A_626 = vector.broadcast %sub3A_625 : f32 to vector<16xf32>
          %sub3A_627 = arith.subf %sub3A_626, %mul3A_624 : vector<16xf32>
          %mul3A_628 = arith.mulf %mul3A_622, %sub3A_627 : vector<16xf32>
          %mul3A_629 = arith.mulf %max3A_605, %mul3A_628 : vector<16xf32>
          %mul3A_630 = arith.constant 0.87758255 : f32
          %mul3A_631 = vector.broadcast %mul3A_630 : f32 to vector<16xf32>
          %mul3A_632 = arith.mulf %get3A_592, %mul3A_631 : vector<16xf32>
          %mul3A_633 = arith.constant 0.47942555 : f32
          %mul3A_634 = vector.broadcast %mul3A_633 : f32 to vector<16xf32>
          %mul3A_635 = arith.mulf %mul3A_629, %mul3A_634 : vector<16xf32>
          %sub3A_636 = arith.subf %mul3A_632, %mul3A_635 : vector<16xf32>
          %gt3A_637 = arith.constant -0.87758255 : f32
          %gt3A_638 = vector.broadcast %gt3A_637 : f32 to vector<16xf32>
          %gt3A_639 = arith.cmpf ogt, %get3A_592, %gt3A_638 : vector<16xf32>
          %sub3A_640 = arith.constant -2.000000e+00 : f32
          %sub3A_641 = vector.broadcast %sub3A_640 : f32 to vector<16xf32>
          %sub3A_642 = arith.subf %sub3A_641, %sub3A_636 : vector<16xf32>
          %select_n3A_643 = arith.select %gt3A_639, %sub3A_636, %sub3A_642 : vector<16xi1>, vector<16xf32>
          %ne3A_644 = arith.constant 0.000000e+00 : f32
          %ne3A_645 = vector.broadcast %ne3A_644 : f32 to vector<16xf32>
          %ne3A_646 = arith.cmpf one, %get3A_598, %ne3A_645 : vector<16xf32>
          %select_n3A_647 = arith.select %ne3A_8, %select_n3A_643, %get3A_592 : vector<16xi1>, vector<16xf32>
          %neg3A_648 = arith.constant 0.000000e+00 : f32
          %neg3A_649 = vector.broadcast %neg3A_648 : f32 to vector<16xf32>
          %neg3A_650 = arith.subf %neg3A_649, %select_n3A_647 : vector<16xf32>
          %select_n3A_651 = arith.select %ne3A_646, %neg3A_650, %get3A_592 : vector<16xi1>, vector<16xf32>
          %mul3A_652 = arith.mulf %select_n3A, %select_n3A_651 : vector<16xf32>
          %neg3A_653 = arith.constant 0.000000e+00 : f32
          %neg3A_654 = vector.broadcast %neg3A_653 : f32 to vector<16xf32>
          %neg3A_655 = arith.subf %neg3A_654, %mul3A_652 : vector<16xf32>
          %min3A_656 = arith.minimumf %mul3A_652, %neg3A_655 : vector<16xf32>
          %exp3A_657 = math.exp %min3A_656 : vector<16xf32>
          %mul3A_658 = arith.constant 0.0100092897 : f32
          %mul3A_659 = vector.broadcast %mul3A_658 : f32 to vector<16xf32>
          %mul3A_660 = arith.mulf %mul3A_659, %exp3A_657 : vector<16xf32>
          %add3A_661 = arith.constant -0.0524375364 : f32
          %add3A_662 = vector.broadcast %add3A_661 : f32 to vector<16xf32>
          %add3A_663 = arith.addf %mul3A_660, %add3A_662 : vector<16xf32>
          %mul3A_664 = arith.mulf %add3A_663, %exp3A_657 : vector<16xf32>
          %add3A_665 = arith.constant 0.130833432 : f32
          %add3A_666 = vector.broadcast %add3A_665 : f32 to vector<16xf32>
          %add3A_667 = arith.addf %mul3A_664, %add3A_666 : vector<16xf32>
          %mul3A_668 = arith.mulf %add3A_667, %exp3A_657 : vector<16xf32>
          %add3A_669 = arith.constant -0.22316587 : f32
          %add3A_670 = vector.broadcast %add3A_669 : f32 to vector<16xf32>
          %add3A_671 = arith.addf %mul3A_668, %add3A_670 : vector<16xf32>
          %mul3A_672 = arith.mulf %add3A_671, %exp3A_657 : vector<16xf32>
          %add3A_673 = arith.constant 0.327225715 : f32
          %add3A_674 = vector.broadcast %add3A_673 : f32 to vector<16xf32>
          %add3A_675 = arith.addf %mul3A_672, %add3A_674 : vector<16xf32>
          %mul3A_676 = arith.mulf %add3A_675, %exp3A_657 : vector<16xf32>
          %add3A_677 = arith.constant -0.499285042 : f32
          %add3A_678 = vector.broadcast %add3A_677 : f32 to vector<16xf32>
          %add3A_679 = arith.addf %mul3A_676, %add3A_678 : vector<16xf32>
          %mul3A_680 = arith.mulf %add3A_679, %exp3A_657 : vector<16xf32>
          %add3A_681 = arith.constant 0.999967098 : f32
          %add3A_682 = vector.broadcast %add3A_681 : f32 to vector<16xf32>
          %add3A_683 = arith.addf %mul3A_680, %add3A_682 : vector<16xf32>
          %mul3A_684 = arith.mulf %add3A_683, %exp3A_657 : vector<16xf32>
          %add3A_685 = arith.constant 2.55467313E-7 : f32
          %add3A_686 = vector.broadcast %add3A_685 : f32 to vector<16xf32>
          %add3A_687 = arith.addf %mul3A_684, %add3A_686 : vector<16xf32>
          %max3A_688 = arith.constant 0.000000e+00 : f32
          %max3A_689 = vector.broadcast %max3A_688 : f32 to vector<16xf32>
          %max3A_690 = arith.maximumf %mul3A_652, %max3A_689 : vector<16xf32>
          %add3A_691 = arith.addf %max3A_690, %add3A_687 : vector<16xf32>
          %sub3A_692 = arith.subf %mul3A_652, %add3A_691 : vector<16xf32>
          %mul3A_693 = arith.constant 2.000000e+00 : f32
          %mul3A_694 = vector.broadcast %mul3A_693 : f32 to vector<16xf32>
          %mul3A_695 = arith.mulf %mul3A_694, %sub3A_692 : vector<16xf32>
          %exp3A_696 = math.exp %mul3A_695 : vector<16xf32>
          %mul3A_697 = arith.mulf %exp3A_696, %add3A_691 : vector<16xf32>
          %lt3A_698 = arith.constant 0.000000e+00 : f32
          %lt3A_699 = vector.broadcast %lt3A_698 : f32 to vector<16xf32>
          %lt3A_700 = arith.cmpf olt, %mul3A_652, %lt3A_699 : vector<16xf32>
          %jit3A_701 = arith.constant 1.000000e+00 : f32
          %jit3A_702 = arith.constant 0.000000e+00 : f32
          %broadcast_in_dim3A_703 = vector.broadcast %jit3A_701 : f32 to vector<16xf32>
          %broadcast_in_dim3A_704 = vector.broadcast %jit3A_702 : f32 to vector<16xf32>
          %select_n3A_705 = arith.select %lt3A_700, %broadcast_in_dim3A_703, %broadcast_in_dim3A_704 : vector<16xi1>, vector<16xf32>
          %add3A_706 = arith.addf %add3A_583, %mul3A_697 : vector<16xf32>
          %add3A_707 = arith.addf %add3A_584, %select_n3A_705 : vector<16xf32>
          %scan3A_708 = arith.constant 2 : i32
          %scan3A_709 = arith.addi %scan3A_461, %scan3A_708 : i32
          %mul3A_710 = arith.constant 16 : i32
          %mul3A_711 = arith.muli %scan3A_709, %mul3A_710 : i32
          %get3A_712 = arith.index_cast %scan3A_91 : i32 to index
          %get3A_713 = arith.index_cast %mul3A_711 : i32 to index
          %get3A_714 = tpu.vector_load %arg7[%get3A_712, %get3A_713] {strides = array<i32>} : memref<16x1000xf32, #tpu.memory_space<vmem>>, vector<1x16xf32>,
          %get3A_715 = vector.shape_cast %get3A_714 : vector<1x16xf32> to vector<16xf32>
          %mul3A_716 = arith.constant 16 : i32
          %mul3A_717 = arith.muli %scan3A_709, %mul3A_716 : i32
          %get3A_718 = arith.index_cast %scan3A_91 : i32 to index
          %get3A_719 = arith.index_cast %mul3A_717 : i32 to index
          %get3A_720 = tpu.vector_load %arg8[%get3A_718, %get3A_719] {strides = array<i32>} : memref<16x1000xf32, #tpu.memory_space<vmem>>, vector<1x16xf32>,
          %get3A_721 = vector.shape_cast %get3A_720 : vector<1x16xf32> to vector<16xf32>
          %mul3A_722 = arith.mulf %get3A_715, %get3A_715 : vector<16xf32>
          %sub3A_723 = arith.constant 1.000000e+00 : f32
          %sub3A_724 = vector.broadcast %sub3A_723 : f32 to vector<16xf32>
          %sub3A_725 = arith.subf %sub3A_724, %mul3A_722 : vector<16xf32>
          %max3A_726 = arith.constant 0.000000e+00 : f32
          %max3A_727 = vector.broadcast %max3A_726 : f32 to vector<16xf32>
          %max3A_728 = arith.maximumf %sub3A_725, %max3A_727 : vector<16xf32>
          %bitcast_convert_type3A_729 = tpu.bitcast %max3A_728 : vector<16xf32> -> vector<16xi32>
          %shift_right_arithmetic3A_730 = arith.constant 1 : i32
          %shift_right_arithmetic3A_731 = vector.broadcast %shift_right_arithmetic3A_730 : i32 to vector<16xi32>
          %shift_right_arithmetic3A_732 = arith.shrsi %bitcast_convert_type3A_729, %shift_right_arithmetic3A_731 : vector<16xi32>
          %sub3A_733 = arith.constant 1597463007 : i32
          %sub3A_734 = vector.broadcast %sub3A_733 : i32 to vector<16xi32>
          %sub3A_735 = arith.subi %sub3A_734, %shift_right_arithmetic3A_732 : vector<16xi32>
          %bitcast_convert_type3A_736 = tpu.bitcast %sub3A_735 : vector<16xi32> -> vector<16xf32>
          %mul3A_737 = arith.constant 5.000000e-01 : f32
          %mul3A_738 = vector.broadcast %mul3A_737 : f32 to vector<16xf32>
          %mul3A_739 = arith.mulf %mul3A_738, %max3A_728 : vector<16xf32>
          %mul3A_740 = arith.mulf %mul3A_739, %bitcast_convert_type3A_736 : vector<16xf32>
          %mul3A_741 = arith.mulf %mul3A_740, %bitcast_convert_type3A_736 : vector<16xf32>
          %sub3A_742 = arith.constant 1.500000e+00 : f32
          %sub3A_743 = vector.broadcast %sub3A_742 : f32 to vector<16xf32>
          %sub3A_744 = arith.subf %sub3A_743, %mul3A_741 : vector<16xf32>
          %mul3A_745 = arith.mulf %bitcast_convert_type3A_736, %sub3A_744 : vector<16xf32>
          %mul3A_746 = arith.mulf %mul3A_739, %mul3A_745 : vector<16xf32>
          %mul3A_747 = arith.mulf %mul3A_746, %mul3A_745 : vector<16xf32>
          %sub3A_748 = arith.constant 1.500000e+00 : f32
          %sub3A_749 = vector.broadcast %sub3A_748 : f32 to vector<16xf32>
          %sub3A_750 = arith.subf %sub3A_749, %mul3A_747 : vector<16xf32>
          %mul3A_751 = arith.mulf %mul3A_745, %sub3A_750 : vector<16xf32>
          %mul3A_752 = arith.mulf %max3A_728, %mul3A_751 : vector<16xf32>
          %mul3A_753 = arith.constant 0.87758255 : f32
          %mul3A_754 = vector.broadcast %mul3A_753 : f32 to vector<16xf32>
          %mul3A_755 = arith.mulf %get3A_715, %mul3A_754 : vector<16xf32>
          %mul3A_756 = arith.constant 0.47942555 : f32
          %mul3A_757 = vector.broadcast %mul3A_756 : f32 to vector<16xf32>
          %mul3A_758 = arith.mulf %mul3A_752, %mul3A_757 : vector<16xf32>
          %sub3A_759 = arith.subf %mul3A_755, %mul3A_758 : vector<16xf32>
          %gt3A_760 = arith.constant -0.87758255 : f32
          %gt3A_761 = vector.broadcast %gt3A_760 : f32 to vector<16xf32>
          %gt3A_762 = arith.cmpf ogt, %get3A_715, %gt3A_761 : vector<16xf32>
          %sub3A_763 = arith.constant -2.000000e+00 : f32
          %sub3A_764 = vector.broadcast %sub3A_763 : f32 to vector<16xf32>
          %sub3A_765 = arith.subf %sub3A_764, %sub3A_759 : vector<16xf32>
          %select_n3A_766 = arith.select %gt3A_762, %sub3A_759, %sub3A_765 : vector<16xi1>, vector<16xf32>
          %ne3A_767 = arith.constant 0.000000e+00 : f32
          %ne3A_768 = vector.broadcast %ne3A_767 : f32 to vector<16xf32>
          %ne3A_769 = arith.cmpf one, %get3A_721, %ne3A_768 : vector<16xf32>
          %select_n3A_770 = arith.select %ne3A_8, %select_n3A_766, %get3A_715 : vector<16xi1>, vector<16xf32>
          %neg3A_771 = arith.constant 0.000000e+00 : f32
          %neg3A_772 = vector.broadcast %neg3A_771 : f32 to vector<16xf32>
          %neg3A_773 = arith.subf %neg3A_772, %select_n3A_770 : vector<16xf32>
          %select_n3A_774 = arith.select %ne3A_769, %neg3A_773, %get3A_715 : vector<16xi1>, vector<16xf32>
          %mul3A_775 = arith.mulf %select_n3A, %select_n3A_774 : vector<16xf32>
          %neg3A_776 = arith.constant 0.000000e+00 : f32
          %neg3A_777 = vector.broadcast %neg3A_776 : f32 to vector<16xf32>
          %neg3A_778 = arith.subf %neg3A_777, %mul3A_775 : vector<16xf32>
          %min3A_779 = arith.minimumf %mul3A_775, %neg3A_778 : vector<16xf32>
          %exp3A_780 = math.exp %min3A_779 : vector<16xf32>
          %mul3A_781 = arith.constant 0.0100092897 : f32
          %mul3A_782 = vector.broadcast %mul3A_781 : f32 to vector<16xf32>
          %mul3A_783 = arith.mulf %mul3A_782, %exp3A_780 : vector<16xf32>
          %add3A_784 = arith.constant -0.0524375364 : f32
          %add3A_785 = vector.broadcast %add3A_784 : f32 to vector<16xf32>
          %add3A_786 = arith.addf %mul3A_783, %add3A_785 : vector<16xf32>
          %mul3A_787 = arith.mulf %add3A_786, %exp3A_780 : vector<16xf32>
          %add3A_788 = arith.constant 0.130833432 : f32
          %add3A_789 = vector.broadcast %add3A_788 : f32 to vector<16xf32>
          %add3A_790 = arith.addf %mul3A_787, %add3A_789 : vector<16xf32>
          %mul3A_791 = arith.mulf %add3A_790, %exp3A_780 : vector<16xf32>
          %add3A_792 = arith.constant -0.22316587 : f32
          %add3A_793 = vector.broadcast %add3A_792 : f32 to vector<16xf32>
          %add3A_794 = arith.addf %mul3A_791, %add3A_793 : vector<16xf32>
          %mul3A_795 = arith.mulf %add3A_794, %exp3A_780 : vector<16xf32>
          %add3A_796 = arith.constant 0.327225715 : f32
          %add3A_797 = vector.broadcast %add3A_796 : f32 to vector<16xf32>
          %add3A_798 = arith.addf %mul3A_795, %add3A_797 : vector<16xf32>
          %mul3A_799 = arith.mulf %add3A_798, %exp3A_780 : vector<16xf32>
          %add3A_800 = arith.constant -0.499285042 : f32
          %add3A_801 = vector.broadcast %add3A_800 : f32 to vector<16xf32>
          %add3A_802 = arith.addf %mul3A_799, %add3A_801 : vector<16xf32>
          %mul3A_803 = arith.mulf %add3A_802, %exp3A_780 : vector<16xf32>
          %add3A_804 = arith.constant 0.999967098 : f32
          %add3A_805 = vector.broadcast %add3A_804 : f32 to vector<16xf32>
          %add3A_806 = arith.addf %mul3A_803, %add3A_805 : vector<16xf32>
          %mul3A_807 = arith.mulf %add3A_806, %exp3A_780 : vector<16xf32>
          %add3A_808 = arith.constant 2.55467313E-7 : f32
          %add3A_809 = vector.broadcast %add3A_808 : f32 to vector<16xf32>
          %add3A_810 = arith.addf %mul3A_807, %add3A_809 : vector<16xf32>
          %max3A_811 = arith.constant 0.000000e+00 : f32
          %max3A_812 = vector.broadcast %max3A_811 : f32 to vector<16xf32>
          %max3A_813 = arith.maximumf %mul3A_775, %max3A_812 : vector<16xf32>
          %add3A_814 = arith.addf %max3A_813, %add3A_810 : vector<16xf32>
          %sub3A_815 = arith.subf %mul3A_775, %add3A_814 : vector<16xf32>
          %mul3A_816 = arith.constant 2.000000e+00 : f32
          %mul3A_817 = vector.broadcast %mul3A_816 : f32 to vector<16xf32>
          %mul3A_818 = arith.mulf %mul3A_817, %sub3A_815 : vector<16xf32>
          %exp3A_819 = math.exp %mul3A_818 : vector<16xf32>
          %mul3A_820 = arith.mulf %exp3A_819, %add3A_814 : vector<16xf32>
          %lt3A_821 = arith.constant 0.000000e+00 : f32
          %lt3A_822 = vector.broadcast %lt3A_821 : f32 to vector<16xf32>
          %lt3A_823 = arith.cmpf olt, %mul3A_775, %lt3A_822 : vector<16xf32>
          %jit3A_824 = arith.constant 1.000000e+00 : f32
          %jit3A_825 = arith.constant 0.000000e+00 : f32
          %broadcast_in_dim3A_826 = vector.broadcast %jit3A_824 : f32 to vector<16xf32>
          %broadcast_in_dim3A_827 = vector.broadcast %jit3A_825 : f32 to vector<16xf32>
          %select_n3A_828 = arith.select %lt3A_823, %broadcast_in_dim3A_826, %broadcast_in_dim3A_827 : vector<16xi1>, vector<16xf32>
          %add3A_829 = arith.addf %add3A_706, %mul3A_820 : vector<16xf32>
          %add3A_830 = arith.addf %add3A_707, %select_n3A_828 : vector<16xf32>
          %scan3A_831 = arith.constant 3 : i32
          %scan3A_832 = arith.addi %scan3A_461, %scan3A_831 : i32
          %mul3A_833 = arith.constant 16 : i32
          %mul3A_834 = arith.muli %scan3A_832, %mul3A_833 : i32
          %get3A_835 = arith.index_cast %scan3A_91 : i32 to index
          %get3A_836 = arith.index_cast %mul3A_834 : i32 to index
          %get3A_837 = tpu.vector_load %arg7[%get3A_835, %get3A_836] {strides = array<i32>} : memref<16x1000xf32, #tpu.memory_space<vmem>>, vector<1x16xf32>,
          %get3A_838 = vector.shape_cast %get3A_837 : vector<1x16xf32> to vector<16xf32>
          %mul3A_839 = arith.constant 16 : i32
          %mul3A_840 = arith.muli %scan3A_832, %mul3A_839 : i32
          %get3A_841 = arith.index_cast %scan3A_91 : i32 to index
          %get3A_842 = arith.index_cast %mul3A_840 : i32 to index
          %get3A_843 = tpu.vector_load %arg8[%get3A_841, %get3A_842] {strides = array<i32>} : memref<16x1000xf32, #tpu.memory_space<vmem>>, vector<1x16xf32>,
          %get3A_844 = vector.shape_cast %get3A_843 : vector<1x16xf32> to vector<16xf32>
          %mul3A_845 = arith.mulf %get3A_838, %get3A_838 : vector<16xf32>
          %sub3A_846 = arith.constant 1.000000e+00 : f32
          %sub3A_847 = vector.broadcast %sub3A_846 : f32 to vector<16xf32>
          %sub3A_848 = arith.subf %sub3A_847, %mul3A_845 : vector<16xf32>
          %max3A_849 = arith.constant 0.000000e+00 : f32
          %max3A_850 = vector.broadcast %max3A_849 : f32 to vector<16xf32>
          %max3A_851 = arith.maximumf %sub3A_848, %max3A_850 : vector<16xf32>
          %bitcast_convert_type3A_852 = tpu.bitcast %max3A_851 : vector<16xf32> -> vector<16xi32>
          %shift_right_arithmetic3A_853 = arith.constant 1 : i32
          %shift_right_arithmetic3A_854 = vector.broadcast %shift_right_arithmetic3A_853 : i32 to vector<16xi32>
          %shift_right_arithmetic3A_855 = arith.shrsi %bitcast_convert_type3A_852, %shift_right_arithmetic3A_854 : vector<16xi32>
          %sub3A_856 = arith.constant 1597463007 : i32
          %sub3A_857 = vector.broadcast %sub3A_856 : i32 to vector<16xi32>
          %sub3A_858 = arith.subi %sub3A_857, %shift_right_arithmetic3A_855 : vector<16xi32>
          %bitcast_convert_type3A_859 = tpu.bitcast %sub3A_858 : vector<16xi32> -> vector<16xf32>
          %mul3A_860 = arith.constant 5.000000e-01 : f32
          %mul3A_861 = vector.broadcast %mul3A_860 : f32 to vector<16xf32>
          %mul3A_862 = arith.mulf %mul3A_861, %max3A_851 : vector<16xf32>
          %mul3A_863 = arith.mulf %mul3A_862, %bitcast_convert_type3A_859 : vector<16xf32>
          %mul3A_864 = arith.mulf %mul3A_863, %bitcast_convert_type3A_859 : vector<16xf32>
          %sub3A_865 = arith.constant 1.500000e+00 : f32
          %sub3A_866 = vector.broadcast %sub3A_865 : f32 to vector<16xf32>
          %sub3A_867 = arith.subf %sub3A_866, %mul3A_864 : vector<16xf32>
          %mul3A_868 = arith.mulf %bitcast_convert_type3A_859, %sub3A_867 : vector<16xf32>
          %mul3A_869 = arith.mulf %mul3A_862, %mul3A_868 : vector<16xf32>
          %mul3A_870 = arith.mulf %mul3A_869, %mul3A_868 : vector<16xf32>
          %sub3A_871 = arith.constant 1.500000e+00 : f32
          %sub3A_872 = vector.broadcast %sub3A_871 : f32 to vector<16xf32>
          %sub3A_873 = arith.subf %sub3A_872, %mul3A_870 : vector<16xf32>
          %mul3A_874 = arith.mulf %mul3A_868, %sub3A_873 : vector<16xf32>
          %mul3A_875 = arith.mulf %max3A_851, %mul3A_874 : vector<16xf32>
          %mul3A_876 = arith.constant 0.87758255 : f32
          %mul3A_877 = vector.broadcast %mul3A_876 : f32 to vector<16xf32>
          %mul3A_878 = arith.mulf %get3A_838, %mul3A_877 : vector<16xf32>
          %mul3A_879 = arith.constant 0.47942555 : f32
          %mul3A_880 = vector.broadcast %mul3A_879 : f32 to vector<16xf32>
          %mul3A_881 = arith.mulf %mul3A_875, %mul3A_880 : vector<16xf32>
          %sub3A_882 = arith.subf %mul3A_878, %mul3A_881 : vector<16xf32>
          %gt3A_883 = arith.constant -0.87758255 : f32
          %gt3A_884 = vector.broadcast %gt3A_883 : f32 to vector<16xf32>
          %gt3A_885 = arith.cmpf ogt, %get3A_838, %gt3A_884 : vector<16xf32>
          %sub3A_886 = arith.constant -2.000000e+00 : f32
          %sub3A_887 = vector.broadcast %sub3A_886 : f32 to vector<16xf32>
          %sub3A_888 = arith.subf %sub3A_887, %sub3A_882 : vector<16xf32>
          %select_n3A_889 = arith.select %gt3A_885, %sub3A_882, %sub3A_888 : vector<16xi1>, vector<16xf32>
          %ne3A_890 = arith.constant 0.000000e+00 : f32
          %ne3A_891 = vector.broadcast %ne3A_890 : f32 to vector<16xf32>
          %ne3A_892 = arith.cmpf one, %get3A_844, %ne3A_891 : vector<16xf32>
          %select_n3A_893 = arith.select %ne3A_8, %select_n3A_889, %get3A_838 : vector<16xi1>, vector<16xf32>
          %neg3A_894 = arith.constant 0.000000e+00 : f32
          %neg3A_895 = vector.broadcast %neg3A_894 : f32 to vector<16xf32>
          %neg3A_896 = arith.subf %neg3A_895, %select_n3A_893 : vector<16xf32>
          %select_n3A_897 = arith.select %ne3A_892, %neg3A_896, %get3A_838 : vector<16xi1>, vector<16xf32>
          %mul3A_898 = arith.mulf %select_n3A, %select_n3A_897 : vector<16xf32>
          %neg3A_899 = arith.constant 0.000000e+00 : f32
          %neg3A_900 = vector.broadcast %neg3A_899 : f32 to vector<16xf32>
          %neg3A_901 = arith.subf %neg3A_900, %mul3A_898 : vector<16xf32>
          %min3A_902 = arith.minimumf %mul3A_898, %neg3A_901 : vector<16xf32>
          %exp3A_903 = math.exp %min3A_902 : vector<16xf32>
          %mul3A_904 = arith.constant 0.0100092897 : f32
          %mul3A_905 = vector.broadcast %mul3A_904 : f32 to vector<16xf32>
          %mul3A_906 = arith.mulf %mul3A_905, %exp3A_903 : vector<16xf32>
          %add3A_907 = arith.constant -0.0524375364 : f32
          %add3A_908 = vector.broadcast %add3A_907 : f32 to vector<16xf32>
          %add3A_909 = arith.addf %mul3A_906, %add3A_908 : vector<16xf32>
          %mul3A_910 = arith.mulf %add3A_909, %exp3A_903 : vector<16xf32>
          %add3A_911 = arith.constant 0.130833432 : f32
          %add3A_912 = vector.broadcast %add3A_911 : f32 to vector<16xf32>
          %add3A_913 = arith.addf %mul3A_910, %add3A_912 : vector<16xf32>
          %mul3A_914 = arith.mulf %add3A_913, %exp3A_903 : vector<16xf32>
          %add3A_915 = arith.constant -0.22316587 : f32
          %add3A_916 = vector.broadcast %add3A_915 : f32 to vector<16xf32>
          %add3A_917 = arith.addf %mul3A_914, %add3A_916 : vector<16xf32>
          %mul3A_918 = arith.mulf %add3A_917, %exp3A_903 : vector<16xf32>
          %add3A_919 = arith.constant 0.327225715 : f32
          %add3A_920 = vector.broadcast %add3A_919 : f32 to vector<16xf32>
          %add3A_921 = arith.addf %mul3A_918, %add3A_920 : vector<16xf32>
          %mul3A_922 = arith.mulf %add3A_921, %exp3A_903 : vector<16xf32>
          %add3A_923 = arith.constant -0.499285042 : f32
          %add3A_924 = vector.broadcast %add3A_923 : f32 to vector<16xf32>
          %add3A_925 = arith.addf %mul3A_922, %add3A_924 : vector<16xf32>
          %mul3A_926 = arith.mulf %add3A_925, %exp3A_903 : vector<16xf32>
          %add3A_927 = arith.constant 0.999967098 : f32
          %add3A_928 = vector.broadcast %add3A_927 : f32 to vector<16xf32>
          %add3A_929 = arith.addf %mul3A_926, %add3A_928 : vector<16xf32>
          %mul3A_930 = arith.mulf %add3A_929, %exp3A_903 : vector<16xf32>
          %add3A_931 = arith.constant 2.55467313E-7 : f32
          %add3A_932 = vector.broadcast %add3A_931 : f32 to vector<16xf32>
          %add3A_933 = arith.addf %mul3A_930, %add3A_932 : vector<16xf32>
          %max3A_934 = arith.constant 0.000000e+00 : f32
          %max3A_935 = vector.broadcast %max3A_934 : f32 to vector<16xf32>
          %max3A_936 = arith.maximumf %mul3A_898, %max3A_935 : vector<16xf32>
          %add3A_937 = arith.addf %max3A_936, %add3A_933 : vector<16xf32>
          %sub3A_938 = arith.subf %mul3A_898, %add3A_937 : vector<16xf32>
          %mul3A_939 = arith.constant 2.000000e+00 : f32
          %mul3A_940 = vector.broadcast %mul3A_939 : f32 to vector<16xf32>
          %mul3A_941 = arith.mulf %mul3A_940, %sub3A_938 : vector<16xf32>
          %exp3A_942 = math.exp %mul3A_941 : vector<16xf32>
          %mul3A_943 = arith.mulf %exp3A_942, %add3A_937 : vector<16xf32>
          %lt3A_944 = arith.constant 0.000000e+00 : f32
          %lt3A_945 = vector.broadcast %lt3A_944 : f32 to vector<16xf32>
          %lt3A_946 = arith.cmpf olt, %mul3A_898, %lt3A_945 : vector<16xf32>
          %jit3A_947 = arith.constant 1.000000e+00 : f32
          %jit3A_948 = arith.constant 0.000000e+00 : f32
          %broadcast_in_dim3A_949 = vector.broadcast %jit3A_947 : f32 to vector<16xf32>
          %broadcast_in_dim3A_950 = vector.broadcast %jit3A_948 : f32 to vector<16xf32>
          %select_n3A_951 = arith.select %lt3A_946, %broadcast_in_dim3A_949, %broadcast_in_dim3A_950 : vector<16xi1>, vector<16xf32>
          %add3A_952 = arith.addf %add3A_829, %mul3A_943 : vector<16xf32>
          %add3A_953 = arith.addf %add3A_830, %select_n3A_951 : vector<16xf32>
          scf.yield %add3A_952, %add3A_953 : vector<16xf32>, vector<16xf32>
        }
        %scan3A_99 = arith.constant 60 : i32
        %scan3A_100 = arith.addi %scan3A_94, %scan3A_99 : i32
        %mul3A_101 = arith.constant 16 : i32
        %mul3A_102 = arith.muli %scan3A_100, %mul3A_101 : i32
        %get3A_103 = arith.index_cast %scan3A_91 : i32 to index
        %get3A_104 = arith.index_cast %mul3A_102 : i32 to index
        %get3A_105 = tpu.vector_load %arg7[%get3A_103, %get3A_104] {strides = array<i32>} : memref<16x1000xf32, #tpu.memory_space<vmem>>, vector<1x16xf32>,
        %get3A_106 = vector.shape_cast %get3A_105 : vector<1x16xf32> to vector<16xf32>
        %mul3A_107 = arith.constant 16 : i32
        %mul3A_108 = arith.muli %scan3A_100, %mul3A_107 : i32
        %get3A_109 = arith.index_cast %scan3A_91 : i32 to index
        %get3A_110 = arith.index_cast %mul3A_108 : i32 to index
        %get3A_111 = tpu.vector_load %arg8[%get3A_109, %get3A_110] {strides = array<i32>} : memref<16x1000xf32, #tpu.memory_space<vmem>>, vector<1x16xf32>,
        %get3A_112 = vector.shape_cast %get3A_111 : vector<1x16xf32> to vector<16xf32>
        %mul3A_113 = arith.mulf %get3A_106, %get3A_106 : vector<16xf32>
        %sub3A = arith.constant 1.000000e+00 : f32
        %sub3A_114 = vector.broadcast %sub3A : f32 to vector<16xf32>
        %sub3A_115 = arith.subf %sub3A_114, %mul3A_113 : vector<16xf32>
        %max3A = arith.constant 0.000000e+00 : f32
        %max3A_116 = vector.broadcast %max3A : f32 to vector<16xf32>
        %max3A_117 = arith.maximumf %sub3A_115, %max3A_116 : vector<16xf32>
        %bitcast_convert_type3A = tpu.bitcast %max3A_117 : vector<16xf32> -> vector<16xi32>
        %shift_right_arithmetic3A = arith.constant 1 : i32
        %shift_right_arithmetic3A_118 = vector.broadcast %shift_right_arithmetic3A : i32 to vector<16xi32>
        %shift_right_arithmetic3A_119 = arith.shrsi %bitcast_convert_type3A, %shift_right_arithmetic3A_118 : vector<16xi32>
        %sub3A_120 = arith.constant 1597463007 : i32
        %sub3A_121 = vector.broadcast %sub3A_120 : i32 to vector<16xi32>
        %sub3A_122 = arith.subi %sub3A_121, %shift_right_arithmetic3A_119 : vector<16xi32>
        %bitcast_convert_type3A_123 = tpu.bitcast %sub3A_122 : vector<16xi32> -> vector<16xf32>
        %mul3A_124 = arith.constant 5.000000e-01 : f32
        %mul3A_125 = vector.broadcast %mul3A_124 : f32 to vector<16xf32>
        %mul3A_126 = arith.mulf %mul3A_125, %max3A_117 : vector<16xf32>
        %mul3A_127 = arith.mulf %mul3A_126, %bitcast_convert_type3A_123 : vector<16xf32>
        %mul3A_128 = arith.mulf %mul3A_127, %bitcast_convert_type3A_123 : vector<16xf32>
        %sub3A_129 = arith.constant 1.500000e+00 : f32
        %sub3A_130 = vector.broadcast %sub3A_129 : f32 to vector<16xf32>
        %sub3A_131 = arith.subf %sub3A_130, %mul3A_128 : vector<16xf32>
        %mul3A_132 = arith.mulf %bitcast_convert_type3A_123, %sub3A_131 : vector<16xf32>
        %mul3A_133 = arith.mulf %mul3A_126, %mul3A_132 : vector<16xf32>
        %mul3A_134 = arith.mulf %mul3A_133, %mul3A_132 : vector<16xf32>
        %sub3A_135 = arith.constant 1.500000e+00 : f32
        %sub3A_136 = vector.broadcast %sub3A_135 : f32 to vector<16xf32>
        %sub3A_137 = arith.subf %sub3A_136, %mul3A_134 : vector<16xf32>
        %mul3A_138 = arith.mulf %mul3A_132, %sub3A_137 : vector<16xf32>
        %mul3A_139 = arith.mulf %max3A_117, %mul3A_138 : vector<16xf32>
        %mul3A_140 = arith.constant 0.87758255 : f32
        %mul3A_141 = vector.broadcast %mul3A_140 : f32 to vector<16xf32>
        %mul3A_142 = arith.mulf %get3A_106, %mul3A_141 : vector<16xf32>
        %mul3A_143 = arith.constant 0.47942555 : f32
        %mul3A_144 = vector.broadcast %mul3A_143 : f32 to vector<16xf32>
        %mul3A_145 = arith.mulf %mul3A_139, %mul3A_144 : vector<16xf32>
        %sub3A_146 = arith.subf %mul3A_142, %mul3A_145 : vector<16xf32>
        %gt3A = arith.constant -0.87758255 : f32
        %gt3A_147 = vector.broadcast %gt3A : f32 to vector<16xf32>
        %gt3A_148 = arith.cmpf ogt, %get3A_106, %gt3A_147 : vector<16xf32>
        %sub3A_149 = arith.constant -2.000000e+00 : f32
        %sub3A_150 = vector.broadcast %sub3A_149 : f32 to vector<16xf32>
        %sub3A_151 = arith.subf %sub3A_150, %sub3A_146 : vector<16xf32>
        %select_n3A_152 = arith.select %gt3A_148, %sub3A_146, %sub3A_151 : vector<16xi1>, vector<16xf32>
        %ne3A_153 = arith.constant 0.000000e+00 : f32
        %ne3A_154 = vector.broadcast %ne3A_153 : f32 to vector<16xf32>
        %ne3A_155 = arith.cmpf one, %get3A_112, %ne3A_154 : vector<16xf32>
        %select_n3A_156 = arith.select %ne3A_8, %select_n3A_152, %get3A_106 : vector<16xi1>, vector<16xf32>
        %neg3A = arith.constant 0.000000e+00 : f32
        %neg3A_157 = vector.broadcast %neg3A : f32 to vector<16xf32>
        %neg3A_158 = arith.subf %neg3A_157, %select_n3A_156 : vector<16xf32>
        %select_n3A_159 = arith.select %ne3A_155, %neg3A_158, %get3A_106 : vector<16xi1>, vector<16xf32>
        %mul3A_160 = arith.mulf %select_n3A, %select_n3A_159 : vector<16xf32>
        %neg3A_161 = arith.constant 0.000000e+00 : f32
        %neg3A_162 = vector.broadcast %neg3A_161 : f32 to vector<16xf32>
        %neg3A_163 = arith.subf %neg3A_162, %mul3A_160 : vector<16xf32>
        %min3A = arith.minimumf %mul3A_160, %neg3A_163 : vector<16xf32>
        %exp3A = math.exp %min3A : vector<16xf32>
        %mul3A_164 = arith.constant 0.0100092897 : f32
        %mul3A_165 = vector.broadcast %mul3A_164 : f32 to vector<16xf32>
        %mul3A_166 = arith.mulf %mul3A_165, %exp3A : vector<16xf32>
        %add3A_167 = arith.constant -0.0524375364 : f32
        %add3A_168 = vector.broadcast %add3A_167 : f32 to vector<16xf32>
        %add3A_169 = arith.addf %mul3A_166, %add3A_168 : vector<16xf32>
        %mul3A_170 = arith.mulf %add3A_169, %exp3A : vector<16xf32>
        %add3A_171 = arith.constant 0.130833432 : f32
        %add3A_172 = vector.broadcast %add3A_171 : f32 to vector<16xf32>
        %add3A_173 = arith.addf %mul3A_170, %add3A_172 : vector<16xf32>
        %mul3A_174 = arith.mulf %add3A_173, %exp3A : vector<16xf32>
        %add3A_175 = arith.constant -0.22316587 : f32
        %add3A_176 = vector.broadcast %add3A_175 : f32 to vector<16xf32>
        %add3A_177 = arith.addf %mul3A_174, %add3A_176 : vector<16xf32>
        %mul3A_178 = arith.mulf %add3A_177, %exp3A : vector<16xf32>
        %add3A_179 = arith.constant 0.327225715 : f32
        %add3A_180 = vector.broadcast %add3A_179 : f32 to vector<16xf32>
        %add3A_181 = arith.addf %mul3A_178, %add3A_180 : vector<16xf32>
        %mul3A_182 = arith.mulf %add3A_181, %exp3A : vector<16xf32>
        %add3A_183 = arith.constant -0.499285042 : f32
        %add3A_184 = vector.broadcast %add3A_183 : f32 to vector<16xf32>
        %add3A_185 = arith.addf %mul3A_182, %add3A_184 : vector<16xf32>
        %mul3A_186 = arith.mulf %add3A_185, %exp3A : vector<16xf32>
        %add3A_187 = arith.constant 0.999967098 : f32
        %add3A_188 = vector.broadcast %add3A_187 : f32 to vector<16xf32>
        %add3A_189 = arith.addf %mul3A_186, %add3A_188 : vector<16xf32>
        %mul3A_190 = arith.mulf %add3A_189, %exp3A : vector<16xf32>
        %add3A_191 = arith.constant 2.55467313E-7 : f32
        %add3A_192 = vector.broadcast %add3A_191 : f32 to vector<16xf32>
        %add3A_193 = arith.addf %mul3A_190, %add3A_192 : vector<16xf32>
        %max3A_194 = arith.constant 0.000000e+00 : f32
        %max3A_195 = vector.broadcast %max3A_194 : f32 to vector<16xf32>
        %max3A_196 = arith.maximumf %mul3A_160, %max3A_195 : vector<16xf32>
        %add3A_197 = arith.addf %max3A_196, %add3A_193 : vector<16xf32>
        %sub3A_198 = arith.subf %mul3A_160, %add3A_197 : vector<16xf32>
        %mul3A_199 = arith.constant 2.000000e+00 : f32
        %mul3A_200 = vector.broadcast %mul3A_199 : f32 to vector<16xf32>
        %mul3A_201 = arith.mulf %mul3A_200, %sub3A_198 : vector<16xf32>
        %exp3A_202 = math.exp %mul3A_201 : vector<16xf32>
        %mul3A_203 = arith.mulf %exp3A_202, %add3A_197 : vector<16xf32>
        %lt3A_204 = arith.constant 0.000000e+00 : f32
        %lt3A_205 = vector.broadcast %lt3A_204 : f32 to vector<16xf32>
        %lt3A_206 = arith.cmpf olt, %mul3A_160, %lt3A_205 : vector<16xf32>
        %jit3A_207 = arith.constant 1.000000e+00 : f32
        %jit3A_208 = arith.constant 0.000000e+00 : f32
        %broadcast_in_dim3A_209 = vector.broadcast %jit3A_207 : f32 to vector<16xf32>
        %broadcast_in_dim3A_210 = vector.broadcast %jit3A_208 : f32 to vector<16xf32>
        %select_n3A_211 = arith.select %lt3A_206, %broadcast_in_dim3A_209, %broadcast_in_dim3A_210 : vector<16xi1>, vector<16xf32>
        %add3A_212 = arith.addf %scan3A_98#0, %mul3A_203 : vector<16xf32>
        %add3A_213 = arith.addf %scan3A_98#1, %select_n3A_211 : vector<16xf32>
        %scan3A_214 = arith.constant 61 : i32
        %scan3A_215 = arith.addi %scan3A_94, %scan3A_214 : i32
        %mul3A_216 = arith.constant 16 : i32
        %mul3A_217 = arith.muli %scan3A_215, %mul3A_216 : i32
        %get3A_218 = arith.index_cast %scan3A_91 : i32 to index
        %get3A_219 = arith.index_cast %mul3A_217 : i32 to index
        %get3A_220 = tpu.vector_load %arg7[%get3A_218, %get3A_219] {strides = array<i32>} : memref<16x1000xf32, #tpu.memory_space<vmem>>, vector<1x16xf32>,
        %get3A_221 = vector.shape_cast %get3A_220 : vector<1x16xf32> to vector<16xf32>
        %mul3A_222 = arith.constant 16 : i32
        %mul3A_223 = arith.muli %scan3A_215, %mul3A_222 : i32
        %get3A_224 = arith.index_cast %scan3A_91 : i32 to index
        %get3A_225 = arith.index_cast %mul3A_223 : i32 to index
        %get3A_226 = tpu.vector_load %arg8[%get3A_224, %get3A_225] {strides = array<i32>} : memref<16x1000xf32, #tpu.memory_space<vmem>>, vector<1x16xf32>,
        %get3A_227 = vector.shape_cast %get3A_226 : vector<1x16xf32> to vector<16xf32>
        %mul3A_228 = arith.mulf %get3A_221, %get3A_221 : vector<16xf32>
        %sub3A_229 = arith.constant 1.000000e+00 : f32
        %sub3A_230 = vector.broadcast %sub3A_229 : f32 to vector<16xf32>
        %sub3A_231 = arith.subf %sub3A_230, %mul3A_228 : vector<16xf32>
        %max3A_232 = arith.constant 0.000000e+00 : f32
        %max3A_233 = vector.broadcast %max3A_232 : f32 to vector<16xf32>
        %max3A_234 = arith.maximumf %sub3A_231, %max3A_233 : vector<16xf32>
        %bitcast_convert_type3A_235 = tpu.bitcast %max3A_234 : vector<16xf32> -> vector<16xi32>
        %shift_right_arithmetic3A_236 = arith.constant 1 : i32
        %shift_right_arithmetic3A_237 = vector.broadcast %shift_right_arithmetic3A_236 : i32 to vector<16xi32>
        %shift_right_arithmetic3A_238 = arith.shrsi %bitcast_convert_type3A_235, %shift_right_arithmetic3A_237 : vector<16xi32>
        %sub3A_239 = arith.constant 1597463007 : i32
        %sub3A_240 = vector.broadcast %sub3A_239 : i32 to vector<16xi32>
        %sub3A_241 = arith.subi %sub3A_240, %shift_right_arithmetic3A_238 : vector<16xi32>
        %bitcast_convert_type3A_242 = tpu.bitcast %sub3A_241 : vector<16xi32> -> vector<16xf32>
        %mul3A_243 = arith.constant 5.000000e-01 : f32
        %mul3A_244 = vector.broadcast %mul3A_243 : f32 to vector<16xf32>
        %mul3A_245 = arith.mulf %mul3A_244, %max3A_234 : vector<16xf32>
        %mul3A_246 = arith.mulf %mul3A_245, %bitcast_convert_type3A_242 : vector<16xf32>
        %mul3A_247 = arith.mulf %mul3A_246, %bitcast_convert_type3A_242 : vector<16xf32>
        %sub3A_248 = arith.constant 1.500000e+00 : f32
        %sub3A_249 = vector.broadcast %sub3A_248 : f32 to vector<16xf32>
        %sub3A_250 = arith.subf %sub3A_249, %mul3A_247 : vector<16xf32>
        %mul3A_251 = arith.mulf %bitcast_convert_type3A_242, %sub3A_250 : vector<16xf32>
        %mul3A_252 = arith.mulf %mul3A_245, %mul3A_251 : vector<16xf32>
        %mul3A_253 = arith.mulf %mul3A_252, %mul3A_251 : vector<16xf32>
        %sub3A_254 = arith.constant 1.500000e+00 : f32
        %sub3A_255 = vector.broadcast %sub3A_254 : f32 to vector<16xf32>
        %sub3A_256 = arith.subf %sub3A_255, %mul3A_253 : vector<16xf32>
        %mul3A_257 = arith.mulf %mul3A_251, %sub3A_256 : vector<16xf32>
        %mul3A_258 = arith.mulf %max3A_234, %mul3A_257 : vector<16xf32>
        %mul3A_259 = arith.constant 0.87758255 : f32
        %mul3A_260 = vector.broadcast %mul3A_259 : f32 to vector<16xf32>
        %mul3A_261 = arith.mulf %get3A_221, %mul3A_260 : vector<16xf32>
        %mul3A_262 = arith.constant 0.47942555 : f32
        %mul3A_263 = vector.broadcast %mul3A_262 : f32 to vector<16xf32>
        %mul3A_264 = arith.mulf %mul3A_258, %mul3A_263 : vector<16xf32>
        %sub3A_265 = arith.subf %mul3A_261, %mul3A_264 : vector<16xf32>
        %gt3A_266 = arith.constant -0.87758255 : f32
        %gt3A_267 = vector.broadcast %gt3A_266 : f32 to vector<16xf32>
        %gt3A_268 = arith.cmpf ogt, %get3A_221, %gt3A_267 : vector<16xf32>
        %sub3A_269 = arith.constant -2.000000e+00 : f32
        %sub3A_270 = vector.broadcast %sub3A_269 : f32 to vector<16xf32>
        %sub3A_271 = arith.subf %sub3A_270, %sub3A_265 : vector<16xf32>
        %select_n3A_272 = arith.select %gt3A_268, %sub3A_265, %sub3A_271 : vector<16xi1>, vector<16xf32>
        %ne3A_273 = arith.constant 0.000000e+00 : f32
        %ne3A_274 = vector.broadcast %ne3A_273 : f32 to vector<16xf32>
        %ne3A_275 = arith.cmpf one, %get3A_227, %ne3A_274 : vector<16xf32>
        %select_n3A_276 = arith.select %ne3A_8, %select_n3A_272, %get3A_221 : vector<16xi1>, vector<16xf32>
        %neg3A_277 = arith.constant 0.000000e+00 : f32
        %neg3A_278 = vector.broadcast %neg3A_277 : f32 to vector<16xf32>
        %neg3A_279 = arith.subf %neg3A_278, %select_n3A_276 : vector<16xf32>
        %select_n3A_280 = arith.select %ne3A_275, %neg3A_279, %get3A_221 : vector<16xi1>, vector<16xf32>
        %mul3A_281 = arith.mulf %select_n3A, %select_n3A_280 : vector<16xf32>
        %neg3A_282 = arith.constant 0.000000e+00 : f32
        %neg3A_283 = vector.broadcast %neg3A_282 : f32 to vector<16xf32>
        %neg3A_284 = arith.subf %neg3A_283, %mul3A_281 : vector<16xf32>
        %min3A_285 = arith.minimumf %mul3A_281, %neg3A_284 : vector<16xf32>
        %exp3A_286 = math.exp %min3A_285 : vector<16xf32>
        %mul3A_287 = arith.constant 0.0100092897 : f32
        %mul3A_288 = vector.broadcast %mul3A_287 : f32 to vector<16xf32>
        %mul3A_289 = arith.mulf %mul3A_288, %exp3A_286 : vector<16xf32>
        %add3A_290 = arith.constant -0.0524375364 : f32
        %add3A_291 = vector.broadcast %add3A_290 : f32 to vector<16xf32>
        %add3A_292 = arith.addf %mul3A_289, %add3A_291 : vector<16xf32>
        %mul3A_293 = arith.mulf %add3A_292, %exp3A_286 : vector<16xf32>
        %add3A_294 = arith.constant 0.130833432 : f32
        %add3A_295 = vector.broadcast %add3A_294 : f32 to vector<16xf32>
        %add3A_296 = arith.addf %mul3A_293, %add3A_295 : vector<16xf32>
        %mul3A_297 = arith.mulf %add3A_296, %exp3A_286 : vector<16xf32>
        %add3A_298 = arith.constant -0.22316587 : f32
        %add3A_299 = vector.broadcast %add3A_298 : f32 to vector<16xf32>
        %add3A_300 = arith.addf %mul3A_297, %add3A_299 : vector<16xf32>
        %mul3A_301 = arith.mulf %add3A_300, %exp3A_286 : vector<16xf32>
        %add3A_302 = arith.constant 0.327225715 : f32
        %add3A_303 = vector.broadcast %add3A_302 : f32 to vector<16xf32>
        %add3A_304 = arith.addf %mul3A_301, %add3A_303 : vector<16xf32>
        %mul3A_305 = arith.mulf %add3A_304, %exp3A_286 : vector<16xf32>
        %add3A_306 = arith.constant -0.499285042 : f32
        %add3A_307 = vector.broadcast %add3A_306 : f32 to vector<16xf32>
        %add3A_308 = arith.addf %mul3A_305, %add3A_307 : vector<16xf32>
        %mul3A_309 = arith.mulf %add3A_308, %exp3A_286 : vector<16xf32>
        %add3A_310 = arith.constant 0.999967098 : f32
        %add3A_311 = vector.broadcast %add3A_310 : f32 to vector<16xf32>
        %add3A_312 = arith.addf %mul3A_309, %add3A_311 : vector<16xf32>
        %mul3A_313 = arith.mulf %add3A_312, %exp3A_286 : vector<16xf32>
        %add3A_314 = arith.constant 2.55467313E-7 : f32
        %add3A_315 = vector.broadcast %add3A_314 : f32 to vector<16xf32>
        %add3A_316 = arith.addf %mul3A_313, %add3A_315 : vector<16xf32>
        %max3A_317 = arith.constant 0.000000e+00 : f32
        %max3A_318 = vector.broadcast %max3A_317 : f32 to vector<16xf32>
        %max3A_319 = arith.maximumf %mul3A_281, %max3A_318 : vector<16xf32>
        %add3A_320 = arith.addf %max3A_319, %add3A_316 : vector<16xf32>
        %sub3A_321 = arith.subf %mul3A_281, %add3A_320 : vector<16xf32>
        %mul3A_322 = arith.constant 2.000000e+00 : f32
        %mul3A_323 = vector.broadcast %mul3A_322 : f32 to vector<16xf32>
        %mul3A_324 = arith.mulf %mul3A_323, %sub3A_321 : vector<16xf32>
        %exp3A_325 = math.exp %mul3A_324 : vector<16xf32>
        %mul3A_326 = arith.mulf %exp3A_325, %add3A_320 : vector<16xf32>
        %lt3A_327 = arith.constant 0.000000e+00 : f32
        %lt3A_328 = vector.broadcast %lt3A_327 : f32 to vector<16xf32>
        %lt3A_329 = arith.cmpf olt, %mul3A_281, %lt3A_328 : vector<16xf32>
        %jit3A_330 = arith.constant 1.000000e+00 : f32
        %jit3A_331 = arith.constant 0.000000e+00 : f32
        %broadcast_in_dim3A_332 = vector.broadcast %jit3A_330 : f32 to vector<16xf32>
        %broadcast_in_dim3A_333 = vector.broadcast %jit3A_331 : f32 to vector<16xf32>
        %select_n3A_334 = arith.select %lt3A_329, %broadcast_in_dim3A_332, %broadcast_in_dim3A_333 : vector<16xi1>, vector<16xf32>
        %add3A_335 = arith.addf %add3A_212, %mul3A_326 : vector<16xf32>
        %add3A_336 = arith.addf %add3A_213, %select_n3A_334 : vector<16xf32>
        %scan3A_337 = arith.constant 62 : i32
        %get3A_338 = arith.index_cast %scan3A_91 : i32 to index
        %get3A_339 = arith.constant 984 : index
        %get3A_340 = tpu.vector_load %arg7[%get3A_338, %get3A_339] {strides = array<i32>} : memref<16x1000xf32, #tpu.memory_space<vmem>>, vector<1x16xf32>,
        %get3A_341 = vector.shape_cast %get3A_340 : vector<1x16xf32> to vector<16xf32>
        %get3A_342 = arith.index_cast %scan3A_91 : i32 to index
        %get3A_343 = arith.constant 984 : index
        %get3A_344 = tpu.vector_load %arg8[%get3A_342, %get3A_343] {strides = array<i32>} : memref<16x1000xf32, #tpu.memory_space<vmem>>, vector<1x16xf32>,
        %get3A_345 = vector.shape_cast %get3A_344 : vector<1x16xf32> to vector<16xf32>
        %mul3A_346 = arith.mulf %get3A_341, %get3A_341 : vector<16xf32>
        %sub3A_347 = arith.constant 1.000000e+00 : f32
        %sub3A_348 = vector.broadcast %sub3A_347 : f32 to vector<16xf32>
        %sub3A_349 = arith.subf %sub3A_348, %mul3A_346 : vector<16xf32>
        %max3A_350 = arith.constant 0.000000e+00 : f32
        %max3A_351 = vector.broadcast %max3A_350 : f32 to vector<16xf32>
        %max3A_352 = arith.maximumf %sub3A_349, %max3A_351 : vector<16xf32>
        %bitcast_convert_type3A_353 = tpu.bitcast %max3A_352 : vector<16xf32> -> vector<16xi32>
        %shift_right_arithmetic3A_354 = arith.constant 1 : i32
        %shift_right_arithmetic3A_355 = vector.broadcast %shift_right_arithmetic3A_354 : i32 to vector<16xi32>
        %shift_right_arithmetic3A_356 = arith.shrsi %bitcast_convert_type3A_353, %shift_right_arithmetic3A_355 : vector<16xi32>
        %sub3A_357 = arith.constant 1597463007 : i32
        %sub3A_358 = vector.broadcast %sub3A_357 : i32 to vector<16xi32>
        %sub3A_359 = arith.subi %sub3A_358, %shift_right_arithmetic3A_356 : vector<16xi32>
        %bitcast_convert_type3A_360 = tpu.bitcast %sub3A_359 : vector<16xi32> -> vector<16xf32>
        %mul3A_361 = arith.constant 5.000000e-01 : f32
        %mul3A_362 = vector.broadcast %mul3A_361 : f32 to vector<16xf32>
        %mul3A_363 = arith.mulf %mul3A_362, %max3A_352 : vector<16xf32>
        %mul3A_364 = arith.mulf %mul3A_363, %bitcast_convert_type3A_360 : vector<16xf32>
        %mul3A_365 = arith.mulf %mul3A_364, %bitcast_convert_type3A_360 : vector<16xf32>
        %sub3A_366 = arith.constant 1.500000e+00 : f32
        %sub3A_367 = vector.broadcast %sub3A_366 : f32 to vector<16xf32>
        %sub3A_368 = arith.subf %sub3A_367, %mul3A_365 : vector<16xf32>
        %mul3A_369 = arith.mulf %bitcast_convert_type3A_360, %sub3A_368 : vector<16xf32>
        %mul3A_370 = arith.mulf %mul3A_363, %mul3A_369 : vector<16xf32>
        %mul3A_371 = arith.mulf %mul3A_370, %mul3A_369 : vector<16xf32>
        %sub3A_372 = arith.constant 1.500000e+00 : f32
        %sub3A_373 = vector.broadcast %sub3A_372 : f32 to vector<16xf32>
        %sub3A_374 = arith.subf %sub3A_373, %mul3A_371 : vector<16xf32>
        %mul3A_375 = arith.mulf %mul3A_369, %sub3A_374 : vector<16xf32>
        %mul3A_376 = arith.mulf %max3A_352, %mul3A_375 : vector<16xf32>
        %mul3A_377 = arith.constant 0.87758255 : f32
        %mul3A_378 = vector.broadcast %mul3A_377 : f32 to vector<16xf32>
        %mul3A_379 = arith.mulf %get3A_341, %mul3A_378 : vector<16xf32>
        %mul3A_380 = arith.constant 0.47942555 : f32
        %mul3A_381 = vector.broadcast %mul3A_380 : f32 to vector<16xf32>
        %mul3A_382 = arith.mulf %mul3A_376, %mul3A_381 : vector<16xf32>
        %sub3A_383 = arith.subf %mul3A_379, %mul3A_382 : vector<16xf32>
        %gt3A_384 = arith.constant -0.87758255 : f32
        %gt3A_385 = vector.broadcast %gt3A_384 : f32 to vector<16xf32>
        %gt3A_386 = arith.cmpf ogt, %get3A_341, %gt3A_385 : vector<16xf32>
        %sub3A_387 = arith.constant -2.000000e+00 : f32
        %sub3A_388 = vector.broadcast %sub3A_387 : f32 to vector<16xf32>
        %sub3A_389 = arith.subf %sub3A_388, %sub3A_383 : vector<16xf32>
        %select_n3A_390 = arith.select %gt3A_386, %sub3A_383, %sub3A_389 : vector<16xi1>, vector<16xf32>
        %ne3A_391 = arith.constant 0.000000e+00 : f32
        %ne3A_392 = vector.broadcast %ne3A_391 : f32 to vector<16xf32>
        %ne3A_393 = arith.cmpf one, %get3A_345, %ne3A_392 : vector<16xf32>
        %select_n3A_394 = arith.select %ne3A_8, %select_n3A_390, %get3A_341 : vector<16xi1>, vector<16xf32>
        %neg3A_395 = arith.constant 0.000000e+00 : f32
        %neg3A_396 = vector.broadcast %neg3A_395 : f32 to vector<16xf32>
        %neg3A_397 = arith.subf %neg3A_396, %select_n3A_394 : vector<16xf32>
        %select_n3A_398 = arith.select %ne3A_393, %neg3A_397, %get3A_341 : vector<16xi1>, vector<16xf32>
        %mul3A_399 = arith.mulf %select_n3A, %select_n3A_398 : vector<16xf32>
        %neg3A_400 = arith.constant 0.000000e+00 : f32
        %neg3A_401 = vector.broadcast %neg3A_400 : f32 to vector<16xf32>
        %neg3A_402 = arith.subf %neg3A_401, %mul3A_399 : vector<16xf32>
        %min3A_403 = arith.minimumf %mul3A_399, %neg3A_402 : vector<16xf32>
        %exp3A_404 = math.exp %min3A_403 : vector<16xf32>
        %mul3A_405 = arith.constant 0.0100092897 : f32
        %mul3A_406 = vector.broadcast %mul3A_405 : f32 to vector<16xf32>
        %mul3A_407 = arith.mulf %mul3A_406, %exp3A_404 : vector<16xf32>
        %add3A_408 = arith.constant -0.0524375364 : f32
        %add3A_409 = vector.broadcast %add3A_408 : f32 to vector<16xf32>
        %add3A_410 = arith.addf %mul3A_407, %add3A_409 : vector<16xf32>
        %mul3A_411 = arith.mulf %add3A_410, %exp3A_404 : vector<16xf32>
        %add3A_412 = arith.constant 0.130833432 : f32
        %add3A_413 = vector.broadcast %add3A_412 : f32 to vector<16xf32>
        %add3A_414 = arith.addf %mul3A_411, %add3A_413 : vector<16xf32>
        %mul3A_415 = arith.mulf %add3A_414, %exp3A_404 : vector<16xf32>
        %add3A_416 = arith.constant -0.22316587 : f32
        %add3A_417 = vector.broadcast %add3A_416 : f32 to vector<16xf32>
        %add3A_418 = arith.addf %mul3A_415, %add3A_417 : vector<16xf32>
        %mul3A_419 = arith.mulf %add3A_418, %exp3A_404 : vector<16xf32>
        %add3A_420 = arith.constant 0.327225715 : f32
        %add3A_421 = vector.broadcast %add3A_420 : f32 to vector<16xf32>
        %add3A_422 = arith.addf %mul3A_419, %add3A_421 : vector<16xf32>
        %mul3A_423 = arith.mulf %add3A_422, %exp3A_404 : vector<16xf32>
        %add3A_424 = arith.constant -0.499285042 : f32
        %add3A_425 = vector.broadcast %add3A_424 : f32 to vector<16xf32>
        %add3A_426 = arith.addf %mul3A_423, %add3A_425 : vector<16xf32>
        %mul3A_427 = arith.mulf %add3A_426, %exp3A_404 : vector<16xf32>
        %add3A_428 = arith.constant 0.999967098 : f32
        %add3A_429 = vector.broadcast %add3A_428 : f32 to vector<16xf32>
        %add3A_430 = arith.addf %mul3A_427, %add3A_429 : vector<16xf32>
        %mul3A_431 = arith.mulf %add3A_430, %exp3A_404 : vector<16xf32>
        %add3A_432 = arith.constant 2.55467313E-7 : f32
        %add3A_433 = vector.broadcast %add3A_432 : f32 to vector<16xf32>
        %add3A_434 = arith.addf %mul3A_431, %add3A_433 : vector<16xf32>
        %max3A_435 = arith.constant 0.000000e+00 : f32
        %max3A_436 = vector.broadcast %max3A_435 : f32 to vector<16xf32>
        %max3A_437 = arith.maximumf %mul3A_399, %max3A_436 : vector<16xf32>
        %add3A_438 = arith.addf %max3A_437, %add3A_434 : vector<16xf32>
        %sub3A_439 = arith.subf %mul3A_399, %add3A_438 : vector<16xf32>
        %mul3A_440 = arith.constant 2.000000e+00 : f32
        %mul3A_441 = vector.broadcast %mul3A_440 : f32 to vector<16xf32>
        %mul3A_442 = arith.mulf %mul3A_441, %sub3A_439 : vector<16xf32>
        %exp3A_443 = math.exp %mul3A_442 : vector<16xf32>
        %mul3A_444 = arith.mulf %exp3A_443, %add3A_438 : vector<16xf32>
        %lt3A_445 = arith.constant 0.000000e+00 : f32
        %lt3A_446 = vector.broadcast %lt3A_445 : f32 to vector<16xf32>
        %lt3A_447 = arith.cmpf olt, %mul3A_399, %lt3A_446 : vector<16xf32>
        %jit3A_448 = arith.constant 1.000000e+00 : f32
        %jit3A_449 = arith.constant 0.000000e+00 : f32
        %broadcast_in_dim3A_450 = vector.broadcast %jit3A_448 : f32 to vector<16xf32>
        %broadcast_in_dim3A_451 = vector.broadcast %jit3A_449 : f32 to vector<16xf32>
        %select_n3A_452 = arith.select %lt3A_447, %broadcast_in_dim3A_450, %broadcast_in_dim3A_451 : vector<16xi1>, vector<16xf32>
        %jit3A_453 = arith.constant 0.000000e+00 : f32
        %broadcast_in_dim3A_454 = vector.broadcast %jit3A_453 : f32 to vector<16xf32>
        %select_n3A_455 = arith.select %ge3A_55, %mul3A_444, %broadcast_in_dim3A_454 : vector<16xi1>, vector<16xf32>
        %add3A_456 = arith.addf %add3A_335, %select_n3A_455 : vector<16xf32>
        %jit3A_457 = arith.constant 0.000000e+00 : f32
        %broadcast_in_dim3A_458 = vector.broadcast %jit3A_457 : f32 to vector<16xf32>
        %select_n3A_459 = arith.select %ge3A_55, %select_n3A_452, %broadcast_in_dim3A_458 : vector<16xi1>, vector<16xf32>
        %add3A_460 = arith.addf %add3A_336, %select_n3A_459 : vector<16xf32>
        scf.yield %add3A_456, %add3A_460 : vector<16xf32>, vector<16xf32>
      }
      %scan3A_61 = arith.constant 16 : i32
      %dma_wait3A_62 = arith.constant 0 : i32
      %dma_wait3A_63 = arith.constant 0 : i32
      %dma_wait3A_64 = tpu.memref_slice %arg3[%dma_wait3A_62, %dma_wait3A_63] : memref<16384x1000xf32, #tpu.memory_space<hbm>> -> memref<16x1000xf32, #tpu.memory_space<hbm>>
      %dma_wait3A_65 = arith.constant 0 : i32
      %dma_wait3A_66 = arith.constant 0 : i32
      %dma_wait3A_67 = tpu.memref_slice %arg3[%dma_wait3A_65, %dma_wait3A_66] : memref<16384x1000xf32, #tpu.memory_space<hbm>> -> memref<16x1000xf32, #tpu.memory_space<hbm>>
      tpu.wait_dma2 semaphore(%arg14 : memref<!tpu.dma_semaphore, #tpu.memory_space<semaphore_mem>>) src(%dma_wait3A_67 : memref<16x1000xf32, #tpu.memory_space<hbm>>) dst(%arg9 : memref<16x1000xf32, #tpu.memory_space<vmem>>)
      %dma_wait3A_68 = arith.constant 0 : i32
      %dma_wait3A_69 = arith.constant 0 : i32
      %dma_wait3A_70 = tpu.memref_slice %arg4[%dma_wait3A_68, %dma_wait3A_69] : memref<16384x1000xf32, #tpu.memory_space<hbm>> -> memref<16x1000xf32, #tpu.memory_space<hbm>>
      %dma_wait3A_71 = arith.constant 0 : i32
      %dma_wait3A_72 = arith.constant 0 : i32
      %dma_wait3A_73 = tpu.memref_slice %arg4[%dma_wait3A_71, %dma_wait3A_72] : memref<16384x1000xf32, #tpu.memory_space<hbm>> -> memref<16x1000xf32, #tpu.memory_space<hbm>>
      tpu.wait_dma2 semaphore(%arg14 : memref<!tpu.dma_semaphore, #tpu.memory_space<semaphore_mem>>) src(%dma_wait3A_73 : memref<16x1000xf32, #tpu.memory_space<hbm>>) dst(%arg10 : memref<16x1000xf32, #tpu.memory_space<vmem>>)
      %add3A_74 = arith.constant 2 : i32
      %add3A_75 = arith.addi %mul3A_38, %add3A_74 : i32
      %lt3A_76 = arith.constant 6 : i32
      %lt3A_77 = arith.cmpi slt, %add3A_75, %lt3A_76 : i32
      %convert_element_type3A_78 = arith.extui %lt3A_77 : i1 to i32
      %cond3A_79 = arith.constant 0 : i32
      %cond3A_80 = arith.cmpi ne, %convert_element_type3A_78, %cond3A_79 : i32
      scf.if %cond3A_80 {
        %add3A_91 = arith.constant 2 : i32
        %add3A_92 = arith.addi %mul3A_38, %add3A_91 : i32
        %mul3A_93 = arith.constant 16 : i32
        %mul3A_94 = arith.muli %add3A_92, %mul3A_93 : i32
        %add3A_95 = arith.addi %add3A_4, %mul3A_94 : i32
        %dma_start3A_96 = arith.constant 0 : i32
        %dma_start3A_97 = tpu.memref_slice %arg3[%add3A_95, %dma_start3A_96] : memref<16384x1000xf32, #tpu.memory_space<hbm>> -> memref<16x1000xf32, #tpu.memory_space<hbm>>
        %dma_start3A_98 = arith.constant 0 : i32
        %dma_start3A_99 = tpu.memref_slice %arg3[%add3A_95, %dma_start3A_98] : memref<16384x1000xf32, #tpu.memory_space<hbm>> -> memref<16x1000xf32, #tpu.memory_space<hbm>>
        tpu.enqueue_dma source(%dma_start3A_99 : memref<16x1000xf32, #tpu.memory_space<hbm>>) target(%arg7 : memref<16x1000xf32, #tpu.memory_space<vmem>>) target_semaphore(%arg13 : memref<!tpu.dma_semaphore, #tpu.memory_space<semaphore_mem>>)
        %dma_start3A_100 = arith.constant 0 : i32
        %dma_start3A_101 = tpu.memref_slice %arg4[%add3A_95, %dma_start3A_100] : memref<16384x1000xf32, #tpu.memory_space<hbm>> -> memref<16x1000xf32, #tpu.memory_space<hbm>>
        %dma_start3A_102 = arith.constant 0 : i32
        %dma_start3A_103 = tpu.memref_slice %arg4[%add3A_95, %dma_start3A_102] : memref<16384x1000xf32, #tpu.memory_space<hbm>> -> memref<16x1000xf32, #tpu.memory_space<hbm>>
        tpu.enqueue_dma source(%dma_start3A_103 : memref<16x1000xf32, #tpu.memory_space<hbm>>) target(%arg8 : memref<16x1000xf32, #tpu.memory_space<vmem>>) target_semaphore(%arg13 : memref<!tpu.dma_semaphore, #tpu.memory_space<semaphore_mem>>)
      } else {
      }
      %iota3A_81 = tpu.iota {dimensions = array<i32: 0>} : vector<16xi32>
      %ge3A_82 = arith.constant 8 : i32
      %ge3A_83 = vector.broadcast %ge3A_82 : i32 to vector<16xi32>
      %ge3A_84 = arith.cmpi sge, %iota3A_81, %ge3A_83 : vector<16xi32>
      %scan3A_85 = arith.constant 0 : i32
      %scan3A_86 = arith.constant 16 : i32
      %scan3A_87 = arith.addi %scan3A_85, %scan3A_86 : i32
      %scan3A_88 = arith.constant 1 : i32
      %scan3A_89:2 = scf.for %scan3A_91 = %scan3A_85 to %scan3A_87 step %scan3A_88 iter_args(%scan3A_92 = %scan3A_60#0, %scan3A_93 = %scan3A_60#1) -> (vector<16xf32>, vector<16xf32>)  : i32 {
        %scan3A_94 = arith.constant 0 : i32
        %scan3A_95 = arith.constant 60 : i32
        %scan3A_96 = arith.addi %scan3A_94, %scan3A_95 : i32
        %scan3A_97 = arith.constant 4 : i32
        %scan3A_98:2 = scf.for %scan3A_461 = %scan3A_94 to %scan3A_96 step %scan3A_97 iter_args(%scan3A_462 = %scan3A_92, %scan3A_463 = %scan3A_93) -> (vector<16xf32>, vector<16xf32>)  : i32 {
          %mul3A_464 = arith.constant 16 : i32
          %mul3A_465 = arith.muli %scan3A_461, %mul3A_464 : i32
          %get3A_466 = arith.index_cast %scan3A_91 : i32 to index
          %get3A_467 = arith.index_cast %mul3A_465 : i32 to index
          %get3A_468 = tpu.vector_load %arg9[%get3A_466, %get3A_467] {strides = array<i32>} : memref<16x1000xf32, #tpu.memory_space<vmem>>, vector<1x16xf32>,
          %get3A_469 = vector.shape_cast %get3A_468 : vector<1x16xf32> to vector<16xf32>
          %mul3A_470 = arith.constant 16 : i32
          %mul3A_471 = arith.muli %scan3A_461, %mul3A_470 : i32
          %get3A_472 = arith.index_cast %scan3A_91 : i32 to index
          %get3A_473 = arith.index_cast %mul3A_471 : i32 to index
          %get3A_474 = tpu.vector_load %arg10[%get3A_472, %get3A_473] {strides = array<i32>} : memref<16x1000xf32, #tpu.memory_space<vmem>>, vector<1x16xf32>,
          %get3A_475 = vector.shape_cast %get3A_474 : vector<1x16xf32> to vector<16xf32>
          %mul3A_476 = arith.mulf %get3A_469, %get3A_469 : vector<16xf32>
          %sub3A_477 = arith.constant 1.000000e+00 : f32
          %sub3A_478 = vector.broadcast %sub3A_477 : f32 to vector<16xf32>
          %sub3A_479 = arith.subf %sub3A_478, %mul3A_476 : vector<16xf32>
          %max3A_480 = arith.constant 0.000000e+00 : f32
          %max3A_481 = vector.broadcast %max3A_480 : f32 to vector<16xf32>
          %max3A_482 = arith.maximumf %sub3A_479, %max3A_481 : vector<16xf32>
          %bitcast_convert_type3A_483 = tpu.bitcast %max3A_482 : vector<16xf32> -> vector<16xi32>
          %shift_right_arithmetic3A_484 = arith.constant 1 : i32
          %shift_right_arithmetic3A_485 = vector.broadcast %shift_right_arithmetic3A_484 : i32 to vector<16xi32>
          %shift_right_arithmetic3A_486 = arith.shrsi %bitcast_convert_type3A_483, %shift_right_arithmetic3A_485 : vector<16xi32>
          %sub3A_487 = arith.constant 1597463007 : i32
          %sub3A_488 = vector.broadcast %sub3A_487 : i32 to vector<16xi32>
          %sub3A_489 = arith.subi %sub3A_488, %shift_right_arithmetic3A_486 : vector<16xi32>
          %bitcast_convert_type3A_490 = tpu.bitcast %sub3A_489 : vector<16xi32> -> vector<16xf32>
          %mul3A_491 = arith.constant 5.000000e-01 : f32
          %mul3A_492 = vector.broadcast %mul3A_491 : f32 to vector<16xf32>
          %mul3A_493 = arith.mulf %mul3A_492, %max3A_482 : vector<16xf32>
          %mul3A_494 = arith.mulf %mul3A_493, %bitcast_convert_type3A_490 : vector<16xf32>
          %mul3A_495 = arith.mulf %mul3A_494, %bitcast_convert_type3A_490 : vector<16xf32>
          %sub3A_496 = arith.constant 1.500000e+00 : f32
          %sub3A_497 = vector.broadcast %sub3A_496 : f32 to vector<16xf32>
          %sub3A_498 = arith.subf %sub3A_497, %mul3A_495 : vector<16xf32>
          %mul3A_499 = arith.mulf %bitcast_convert_type3A_490, %sub3A_498 : vector<16xf32>
          %mul3A_500 = arith.mulf %mul3A_493, %mul3A_499 : vector<16xf32>
          %mul3A_501 = arith.mulf %mul3A_500, %mul3A_499 : vector<16xf32>
          %sub3A_502 = arith.constant 1.500000e+00 : f32
          %sub3A_503 = vector.broadcast %sub3A_502 : f32 to vector<16xf32>
          %sub3A_504 = arith.subf %sub3A_503, %mul3A_501 : vector<16xf32>
          %mul3A_505 = arith.mulf %mul3A_499, %sub3A_504 : vector<16xf32>
          %mul3A_506 = arith.mulf %max3A_482, %mul3A_505 : vector<16xf32>
          %mul3A_507 = arith.constant 0.87758255 : f32
          %mul3A_508 = vector.broadcast %mul3A_507 : f32 to vector<16xf32>
          %mul3A_509 = arith.mulf %get3A_469, %mul3A_508 : vector<16xf32>
          %mul3A_510 = arith.constant 0.47942555 : f32
          %mul3A_511 = vector.broadcast %mul3A_510 : f32 to vector<16xf32>
          %mul3A_512 = arith.mulf %mul3A_506, %mul3A_511 : vector<16xf32>
          %sub3A_513 = arith.subf %mul3A_509, %mul3A_512 : vector<16xf32>
          %gt3A_514 = arith.constant -0.87758255 : f32
          %gt3A_515 = vector.broadcast %gt3A_514 : f32 to vector<16xf32>
          %gt3A_516 = arith.cmpf ogt, %get3A_469, %gt3A_515 : vector<16xf32>
          %sub3A_517 = arith.constant -2.000000e+00 : f32
          %sub3A_518 = vector.broadcast %sub3A_517 : f32 to vector<16xf32>
          %sub3A_519 = arith.subf %sub3A_518, %sub3A_513 : vector<16xf32>
          %select_n3A_520 = arith.select %gt3A_516, %sub3A_513, %sub3A_519 : vector<16xi1>, vector<16xf32>
          %ne3A_521 = arith.constant 0.000000e+00 : f32
          %ne3A_522 = vector.broadcast %ne3A_521 : f32 to vector<16xf32>
          %ne3A_523 = arith.cmpf one, %get3A_475, %ne3A_522 : vector<16xf32>
          %select_n3A_524 = arith.select %ne3A_8, %select_n3A_520, %get3A_469 : vector<16xi1>, vector<16xf32>
          %neg3A_525 = arith.constant 0.000000e+00 : f32
          %neg3A_526 = vector.broadcast %neg3A_525 : f32 to vector<16xf32>
          %neg3A_527 = arith.subf %neg3A_526, %select_n3A_524 : vector<16xf32>
          %select_n3A_528 = arith.select %ne3A_523, %neg3A_527, %get3A_469 : vector<16xi1>, vector<16xf32>
          %mul3A_529 = arith.mulf %select_n3A, %select_n3A_528 : vector<16xf32>
          %neg3A_530 = arith.constant 0.000000e+00 : f32
          %neg3A_531 = vector.broadcast %neg3A_530 : f32 to vector<16xf32>
          %neg3A_532 = arith.subf %neg3A_531, %mul3A_529 : vector<16xf32>
          %min3A_533 = arith.minimumf %mul3A_529, %neg3A_532 : vector<16xf32>
          %exp3A_534 = math.exp %min3A_533 : vector<16xf32>
          %mul3A_535 = arith.constant 0.0100092897 : f32
          %mul3A_536 = vector.broadcast %mul3A_535 : f32 to vector<16xf32>
          %mul3A_537 = arith.mulf %mul3A_536, %exp3A_534 : vector<16xf32>
          %add3A_538 = arith.constant -0.0524375364 : f32
          %add3A_539 = vector.broadcast %add3A_538 : f32 to vector<16xf32>
          %add3A_540 = arith.addf %mul3A_537, %add3A_539 : vector<16xf32>
          %mul3A_541 = arith.mulf %add3A_540, %exp3A_534 : vector<16xf32>
          %add3A_542 = arith.constant 0.130833432 : f32
          %add3A_543 = vector.broadcast %add3A_542 : f32 to vector<16xf32>
          %add3A_544 = arith.addf %mul3A_541, %add3A_543 : vector<16xf32>
          %mul3A_545 = arith.mulf %add3A_544, %exp3A_534 : vector<16xf32>
          %add3A_546 = arith.constant -0.22316587 : f32
          %add3A_547 = vector.broadcast %add3A_546 : f32 to vector<16xf32>
          %add3A_548 = arith.addf %mul3A_545, %add3A_547 : vector<16xf32>
          %mul3A_549 = arith.mulf %add3A_548, %exp3A_534 : vector<16xf32>
          %add3A_550 = arith.constant 0.327225715 : f32
          %add3A_551 = vector.broadcast %add3A_550 : f32 to vector<16xf32>
          %add3A_552 = arith.addf %mul3A_549, %add3A_551 : vector<16xf32>
          %mul3A_553 = arith.mulf %add3A_552, %exp3A_534 : vector<16xf32>
          %add3A_554 = arith.constant -0.499285042 : f32
          %add3A_555 = vector.broadcast %add3A_554 : f32 to vector<16xf32>
          %add3A_556 = arith.addf %mul3A_553, %add3A_555 : vector<16xf32>
          %mul3A_557 = arith.mulf %add3A_556, %exp3A_534 : vector<16xf32>
          %add3A_558 = arith.constant 0.999967098 : f32
          %add3A_559 = vector.broadcast %add3A_558 : f32 to vector<16xf32>
          %add3A_560 = arith.addf %mul3A_557, %add3A_559 : vector<16xf32>
          %mul3A_561 = arith.mulf %add3A_560, %exp3A_534 : vector<16xf32>
          %add3A_562 = arith.constant 2.55467313E-7 : f32
          %add3A_563 = vector.broadcast %add3A_562 : f32 to vector<16xf32>
          %add3A_564 = arith.addf %mul3A_561, %add3A_563 : vector<16xf32>
          %max3A_565 = arith.constant 0.000000e+00 : f32
          %max3A_566 = vector.broadcast %max3A_565 : f32 to vector<16xf32>
          %max3A_567 = arith.maximumf %mul3A_529, %max3A_566 : vector<16xf32>
          %add3A_568 = arith.addf %max3A_567, %add3A_564 : vector<16xf32>
          %sub3A_569 = arith.subf %mul3A_529, %add3A_568 : vector<16xf32>
          %mul3A_570 = arith.constant 2.000000e+00 : f32
          %mul3A_571 = vector.broadcast %mul3A_570 : f32 to vector<16xf32>
          %mul3A_572 = arith.mulf %mul3A_571, %sub3A_569 : vector<16xf32>
          %exp3A_573 = math.exp %mul3A_572 : vector<16xf32>
          %mul3A_574 = arith.mulf %exp3A_573, %add3A_568 : vector<16xf32>
          %lt3A_575 = arith.constant 0.000000e+00 : f32
          %lt3A_576 = vector.broadcast %lt3A_575 : f32 to vector<16xf32>
          %lt3A_577 = arith.cmpf olt, %mul3A_529, %lt3A_576 : vector<16xf32>
          %jit3A_578 = arith.constant 1.000000e+00 : f32
          %jit3A_579 = arith.constant 0.000000e+00 : f32
          %broadcast_in_dim3A_580 = vector.broadcast %jit3A_578 : f32 to vector<16xf32>
          %broadcast_in_dim3A_581 = vector.broadcast %jit3A_579 : f32 to vector<16xf32>
          %select_n3A_582 = arith.select %lt3A_577, %broadcast_in_dim3A_580, %broadcast_in_dim3A_581 : vector<16xi1>, vector<16xf32>
          %add3A_583 = arith.addf %scan3A_462, %mul3A_574 : vector<16xf32>
          %add3A_584 = arith.addf %scan3A_463, %select_n3A_582 : vector<16xf32>
          %scan3A_585 = arith.constant 1 : i32
          %scan3A_586 = arith.addi %scan3A_461, %scan3A_585 : i32
          %mul3A_587 = arith.constant 16 : i32
          %mul3A_588 = arith.muli %scan3A_586, %mul3A_587 : i32
          %get3A_589 = arith.index_cast %scan3A_91 : i32 to index
          %get3A_590 = arith.index_cast %mul3A_588 : i32 to index
          %get3A_591 = tpu.vector_load %arg9[%get3A_589, %get3A_590] {strides = array<i32>} : memref<16x1000xf32, #tpu.memory_space<vmem>>, vector<1x16xf32>,
          %get3A_592 = vector.shape_cast %get3A_591 : vector<1x16xf32> to vector<16xf32>
          %mul3A_593 = arith.constant 16 : i32
          %mul3A_594 = arith.muli %scan3A_586, %mul3A_593 : i32
          %get3A_595 = arith.index_cast %scan3A_91 : i32 to index
          %get3A_596 = arith.index_cast %mul3A_594 : i32 to index
          %get3A_597 = tpu.vector_load %arg10[%get3A_595, %get3A_596] {strides = array<i32>} : memref<16x1000xf32, #tpu.memory_space<vmem>>, vector<1x16xf32>,
          %get3A_598 = vector.shape_cast %get3A_597 : vector<1x16xf32> to vector<16xf32>
          %mul3A_599 = arith.mulf %get3A_592, %get3A_592 : vector<16xf32>
          %sub3A_600 = arith.constant 1.000000e+00 : f32
          %sub3A_601 = vector.broadcast %sub3A_600 : f32 to vector<16xf32>
          %sub3A_602 = arith.subf %sub3A_601, %mul3A_599 : vector<16xf32>
          %max3A_603 = arith.constant 0.000000e+00 : f32
          %max3A_604 = vector.broadcast %max3A_603 : f32 to vector<16xf32>
          %max3A_605 = arith.maximumf %sub3A_602, %max3A_604 : vector<16xf32>
          %bitcast_convert_type3A_606 = tpu.bitcast %max3A_605 : vector<16xf32> -> vector<16xi32>
          %shift_right_arithmetic3A_607 = arith.constant 1 : i32
          %shift_right_arithmetic3A_608 = vector.broadcast %shift_right_arithmetic3A_607 : i32 to vector<16xi32>
          %shift_right_arithmetic3A_609 = arith.shrsi %bitcast_convert_type3A_606, %shift_right_arithmetic3A_608 : vector<16xi32>
          %sub3A_610 = arith.constant 1597463007 : i32
          %sub3A_611 = vector.broadcast %sub3A_610 : i32 to vector<16xi32>
          %sub3A_612 = arith.subi %sub3A_611, %shift_right_arithmetic3A_609 : vector<16xi32>
          %bitcast_convert_type3A_613 = tpu.bitcast %sub3A_612 : vector<16xi32> -> vector<16xf32>
          %mul3A_614 = arith.constant 5.000000e-01 : f32
          %mul3A_615 = vector.broadcast %mul3A_614 : f32 to vector<16xf32>
          %mul3A_616 = arith.mulf %mul3A_615, %max3A_605 : vector<16xf32>
          %mul3A_617 = arith.mulf %mul3A_616, %bitcast_convert_type3A_613 : vector<16xf32>
          %mul3A_618 = arith.mulf %mul3A_617, %bitcast_convert_type3A_613 : vector<16xf32>
          %sub3A_619 = arith.constant 1.500000e+00 : f32
          %sub3A_620 = vector.broadcast %sub3A_619 : f32 to vector<16xf32>
          %sub3A_621 = arith.subf %sub3A_620, %mul3A_618 : vector<16xf32>
          %mul3A_622 = arith.mulf %bitcast_convert_type3A_613, %sub3A_621 : vector<16xf32>
          %mul3A_623 = arith.mulf %mul3A_616, %mul3A_622 : vector<16xf32>
          %mul3A_624 = arith.mulf %mul3A_623, %mul3A_622 : vector<16xf32>
          %sub3A_625 = arith.constant 1.500000e+00 : f32
          %sub3A_626 = vector.broadcast %sub3A_625 : f32 to vector<16xf32>
          %sub3A_627 = arith.subf %sub3A_626, %mul3A_624 : vector<16xf32>
          %mul3A_628 = arith.mulf %mul3A_622, %sub3A_627 : vector<16xf32>
          %mul3A_629 = arith.mulf %max3A_605, %mul3A_628 : vector<16xf32>
          %mul3A_630 = arith.constant 0.87758255 : f32
          %mul3A_631 = vector.broadcast %mul3A_630 : f32 to vector<16xf32>
          %mul3A_632 = arith.mulf %get3A_592, %mul3A_631 : vector<16xf32>
          %mul3A_633 = arith.constant 0.47942555 : f32
          %mul3A_634 = vector.broadcast %mul3A_633 : f32 to vector<16xf32>
          %mul3A_635 = arith.mulf %mul3A_629, %mul3A_634 : vector<16xf32>
          %sub3A_636 = arith.subf %mul3A_632, %mul3A_635 : vector<16xf32>
          %gt3A_637 = arith.constant -0.87758255 : f32
          %gt3A_638 = vector.broadcast %gt3A_637 : f32 to vector<16xf32>
          %gt3A_639 = arith.cmpf ogt, %get3A_592, %gt3A_638 : vector<16xf32>
          %sub3A_640 = arith.constant -2.000000e+00 : f32
          %sub3A_641 = vector.broadcast %sub3A_640 : f32 to vector<16xf32>
          %sub3A_642 = arith.subf %sub3A_641, %sub3A_636 : vector<16xf32>
          %select_n3A_643 = arith.select %gt3A_639, %sub3A_636, %sub3A_642 : vector<16xi1>, vector<16xf32>
          %ne3A_644 = arith.constant 0.000000e+00 : f32
          %ne3A_645 = vector.broadcast %ne3A_644 : f32 to vector<16xf32>
          %ne3A_646 = arith.cmpf one, %get3A_598, %ne3A_645 : vector<16xf32>
          %select_n3A_647 = arith.select %ne3A_8, %select_n3A_643, %get3A_592 : vector<16xi1>, vector<16xf32>
          %neg3A_648 = arith.constant 0.000000e+00 : f32
          %neg3A_649 = vector.broadcast %neg3A_648 : f32 to vector<16xf32>
          %neg3A_650 = arith.subf %neg3A_649, %select_n3A_647 : vector<16xf32>
          %select_n3A_651 = arith.select %ne3A_646, %neg3A_650, %get3A_592 : vector<16xi1>, vector<16xf32>
          %mul3A_652 = arith.mulf %select_n3A, %select_n3A_651 : vector<16xf32>
          %neg3A_653 = arith.constant 0.000000e+00 : f32
          %neg3A_654 = vector.broadcast %neg3A_653 : f32 to vector<16xf32>
          %neg3A_655 = arith.subf %neg3A_654, %mul3A_652 : vector<16xf32>
          %min3A_656 = arith.minimumf %mul3A_652, %neg3A_655 : vector<16xf32>
          %exp3A_657 = math.exp %min3A_656 : vector<16xf32>
          %mul3A_658 = arith.constant 0.0100092897 : f32
          %mul3A_659 = vector.broadcast %mul3A_658 : f32 to vector<16xf32>
          %mul3A_660 = arith.mulf %mul3A_659, %exp3A_657 : vector<16xf32>
          %add3A_661 = arith.constant -0.0524375364 : f32
          %add3A_662 = vector.broadcast %add3A_661 : f32 to vector<16xf32>
          %add3A_663 = arith.addf %mul3A_660, %add3A_662 : vector<16xf32>
          %mul3A_664 = arith.mulf %add3A_663, %exp3A_657 : vector<16xf32>
          %add3A_665 = arith.constant 0.130833432 : f32
          %add3A_666 = vector.broadcast %add3A_665 : f32 to vector<16xf32>
          %add3A_667 = arith.addf %mul3A_664, %add3A_666 : vector<16xf32>
          %mul3A_668 = arith.mulf %add3A_667, %exp3A_657 : vector<16xf32>
          %add3A_669 = arith.constant -0.22316587 : f32
          %add3A_670 = vector.broadcast %add3A_669 : f32 to vector<16xf32>
          %add3A_671 = arith.addf %mul3A_668, %add3A_670 : vector<16xf32>
          %mul3A_672 = arith.mulf %add3A_671, %exp3A_657 : vector<16xf32>
          %add3A_673 = arith.constant 0.327225715 : f32
          %add3A_674 = vector.broadcast %add3A_673 : f32 to vector<16xf32>
          %add3A_675 = arith.addf %mul3A_672, %add3A_674 : vector<16xf32>
          %mul3A_676 = arith.mulf %add3A_675, %exp3A_657 : vector<16xf32>
          %add3A_677 = arith.constant -0.499285042 : f32
          %add3A_678 = vector.broadcast %add3A_677 : f32 to vector<16xf32>
          %add3A_679 = arith.addf %mul3A_676, %add3A_678 : vector<16xf32>
          %mul3A_680 = arith.mulf %add3A_679, %exp3A_657 : vector<16xf32>
          %add3A_681 = arith.constant 0.999967098 : f32
          %add3A_682 = vector.broadcast %add3A_681 : f32 to vector<16xf32>
          %add3A_683 = arith.addf %mul3A_680, %add3A_682 : vector<16xf32>
          %mul3A_684 = arith.mulf %add3A_683, %exp3A_657 : vector<16xf32>
          %add3A_685 = arith.constant 2.55467313E-7 : f32
          %add3A_686 = vector.broadcast %add3A_685 : f32 to vector<16xf32>
          %add3A_687 = arith.addf %mul3A_684, %add3A_686 : vector<16xf32>
          %max3A_688 = arith.constant 0.000000e+00 : f32
          %max3A_689 = vector.broadcast %max3A_688 : f32 to vector<16xf32>
          %max3A_690 = arith.maximumf %mul3A_652, %max3A_689 : vector<16xf32>
          %add3A_691 = arith.addf %max3A_690, %add3A_687 : vector<16xf32>
          %sub3A_692 = arith.subf %mul3A_652, %add3A_691 : vector<16xf32>
          %mul3A_693 = arith.constant 2.000000e+00 : f32
          %mul3A_694 = vector.broadcast %mul3A_693 : f32 to vector<16xf32>
          %mul3A_695 = arith.mulf %mul3A_694, %sub3A_692 : vector<16xf32>
          %exp3A_696 = math.exp %mul3A_695 : vector<16xf32>
          %mul3A_697 = arith.mulf %exp3A_696, %add3A_691 : vector<16xf32>
          %lt3A_698 = arith.constant 0.000000e+00 : f32
          %lt3A_699 = vector.broadcast %lt3A_698 : f32 to vector<16xf32>
          %lt3A_700 = arith.cmpf olt, %mul3A_652, %lt3A_699 : vector<16xf32>
          %jit3A_701 = arith.constant 1.000000e+00 : f32
          %jit3A_702 = arith.constant 0.000000e+00 : f32
          %broadcast_in_dim3A_703 = vector.broadcast %jit3A_701 : f32 to vector<16xf32>
          %broadcast_in_dim3A_704 = vector.broadcast %jit3A_702 : f32 to vector<16xf32>
          %select_n3A_705 = arith.select %lt3A_700, %broadcast_in_dim3A_703, %broadcast_in_dim3A_704 : vector<16xi1>, vector<16xf32>
          %add3A_706 = arith.addf %add3A_583, %mul3A_697 : vector<16xf32>
          %add3A_707 = arith.addf %add3A_584, %select_n3A_705 : vector<16xf32>
          %scan3A_708 = arith.constant 2 : i32
          %scan3A_709 = arith.addi %scan3A_461, %scan3A_708 : i32
          %mul3A_710 = arith.constant 16 : i32
          %mul3A_711 = arith.muli %scan3A_709, %mul3A_710 : i32
          %get3A_712 = arith.index_cast %scan3A_91 : i32 to index
          %get3A_713 = arith.index_cast %mul3A_711 : i32 to index
          %get3A_714 = tpu.vector_load %arg9[%get3A_712, %get3A_713] {strides = array<i32>} : memref<16x1000xf32, #tpu.memory_space<vmem>>, vector<1x16xf32>,
          %get3A_715 = vector.shape_cast %get3A_714 : vector<1x16xf32> to vector<16xf32>
          %mul3A_716 = arith.constant 16 : i32
          %mul3A_717 = arith.muli %scan3A_709, %mul3A_716 : i32
          %get3A_718 = arith.index_cast %scan3A_91 : i32 to index
          %get3A_719 = arith.index_cast %mul3A_717 : i32 to index
          %get3A_720 = tpu.vector_load %arg10[%get3A_718, %get3A_719] {strides = array<i32>} : memref<16x1000xf32, #tpu.memory_space<vmem>>, vector<1x16xf32>,
          %get3A_721 = vector.shape_cast %get3A_720 : vector<1x16xf32> to vector<16xf32>
          %mul3A_722 = arith.mulf %get3A_715, %get3A_715 : vector<16xf32>
          %sub3A_723 = arith.constant 1.000000e+00 : f32
          %sub3A_724 = vector.broadcast %sub3A_723 : f32 to vector<16xf32>
          %sub3A_725 = arith.subf %sub3A_724, %mul3A_722 : vector<16xf32>
          %max3A_726 = arith.constant 0.000000e+00 : f32
          %max3A_727 = vector.broadcast %max3A_726 : f32 to vector<16xf32>
          %max3A_728 = arith.maximumf %sub3A_725, %max3A_727 : vector<16xf32>
          %bitcast_convert_type3A_729 = tpu.bitcast %max3A_728 : vector<16xf32> -> vector<16xi32>
          %shift_right_arithmetic3A_730 = arith.constant 1 : i32
          %shift_right_arithmetic3A_731 = vector.broadcast %shift_right_arithmetic3A_730 : i32 to vector<16xi32>
          %shift_right_arithmetic3A_732 = arith.shrsi %bitcast_convert_type3A_729, %shift_right_arithmetic3A_731 : vector<16xi32>
          %sub3A_733 = arith.constant 1597463007 : i32
          %sub3A_734 = vector.broadcast %sub3A_733 : i32 to vector<16xi32>
          %sub3A_735 = arith.subi %sub3A_734, %shift_right_arithmetic3A_732 : vector<16xi32>
          %bitcast_convert_type3A_736 = tpu.bitcast %sub3A_735 : vector<16xi32> -> vector<16xf32>
          %mul3A_737 = arith.constant 5.000000e-01 : f32
          %mul3A_738 = vector.broadcast %mul3A_737 : f32 to vector<16xf32>
          %mul3A_739 = arith.mulf %mul3A_738, %max3A_728 : vector<16xf32>
          %mul3A_740 = arith.mulf %mul3A_739, %bitcast_convert_type3A_736 : vector<16xf32>
          %mul3A_741 = arith.mulf %mul3A_740, %bitcast_convert_type3A_736 : vector<16xf32>
          %sub3A_742 = arith.constant 1.500000e+00 : f32
          %sub3A_743 = vector.broadcast %sub3A_742 : f32 to vector<16xf32>
          %sub3A_744 = arith.subf %sub3A_743, %mul3A_741 : vector<16xf32>
          %mul3A_745 = arith.mulf %bitcast_convert_type3A_736, %sub3A_744 : vector<16xf32>
          %mul3A_746 = arith.mulf %mul3A_739, %mul3A_745 : vector<16xf32>
          %mul3A_747 = arith.mulf %mul3A_746, %mul3A_745 : vector<16xf32>
          %sub3A_748 = arith.constant 1.500000e+00 : f32
          %sub3A_749 = vector.broadcast %sub3A_748 : f32 to vector<16xf32>
          %sub3A_750 = arith.subf %sub3A_749, %mul3A_747 : vector<16xf32>
          %mul3A_751 = arith.mulf %mul3A_745, %sub3A_750 : vector<16xf32>
          %mul3A_752 = arith.mulf %max3A_728, %mul3A_751 : vector<16xf32>
          %mul3A_753 = arith.constant 0.87758255 : f32
          %mul3A_754 = vector.broadcast %mul3A_753 : f32 to vector<16xf32>
          %mul3A_755 = arith.mulf %get3A_715, %mul3A_754 : vector<16xf32>
          %mul3A_756 = arith.constant 0.47942555 : f32
          %mul3A_757 = vector.broadcast %mul3A_756 : f32 to vector<16xf32>
          %mul3A_758 = arith.mulf %mul3A_752, %mul3A_757 : vector<16xf32>
          %sub3A_759 = arith.subf %mul3A_755, %mul3A_758 : vector<16xf32>
          %gt3A_760 = arith.constant -0.87758255 : f32
          %gt3A_761 = vector.broadcast %gt3A_760 : f32 to vector<16xf32>
          %gt3A_762 = arith.cmpf ogt, %get3A_715, %gt3A_761 : vector<16xf32>
          %sub3A_763 = arith.constant -2.000000e+00 : f32
          %sub3A_764 = vector.broadcast %sub3A_763 : f32 to vector<16xf32>
          %sub3A_765 = arith.subf %sub3A_764, %sub3A_759 : vector<16xf32>
          %select_n3A_766 = arith.select %gt3A_762, %sub3A_759, %sub3A_765 : vector<16xi1>, vector<16xf32>
          %ne3A_767 = arith.constant 0.000000e+00 : f32
          %ne3A_768 = vector.broadcast %ne3A_767 : f32 to vector<16xf32>
          %ne3A_769 = arith.cmpf one, %get3A_721, %ne3A_768 : vector<16xf32>
          %select_n3A_770 = arith.select %ne3A_8, %select_n3A_766, %get3A_715 : vector<16xi1>, vector<16xf32>
          %neg3A_771 = arith.constant 0.000000e+00 : f32
          %neg3A_772 = vector.broadcast %neg3A_771 : f32 to vector<16xf32>
          %neg3A_773 = arith.subf %neg3A_772, %select_n3A_770 : vector<16xf32>
          %select_n3A_774 = arith.select %ne3A_769, %neg3A_773, %get3A_715 : vector<16xi1>, vector<16xf32>
          %mul3A_775 = arith.mulf %select_n3A, %select_n3A_774 : vector<16xf32>
          %neg3A_776 = arith.constant 0.000000e+00 : f32
          %neg3A_777 = vector.broadcast %neg3A_776 : f32 to vector<16xf32>
          %neg3A_778 = arith.subf %neg3A_777, %mul3A_775 : vector<16xf32>
          %min3A_779 = arith.minimumf %mul3A_775, %neg3A_778 : vector<16xf32>
          %exp3A_780 = math.exp %min3A_779 : vector<16xf32>
          %mul3A_781 = arith.constant 0.0100092897 : f32
          %mul3A_782 = vector.broadcast %mul3A_781 : f32 to vector<16xf32>
          %mul3A_783 = arith.mulf %mul3A_782, %exp3A_780 : vector<16xf32>
          %add3A_784 = arith.constant -0.0524375364 : f32
          %add3A_785 = vector.broadcast %add3A_784 : f32 to vector<16xf32>
          %add3A_786 = arith.addf %mul3A_783, %add3A_785 : vector<16xf32>
          %mul3A_787 = arith.mulf %add3A_786, %exp3A_780 : vector<16xf32>
          %add3A_788 = arith.constant 0.130833432 : f32
          %add3A_789 = vector.broadcast %add3A_788 : f32 to vector<16xf32>
          %add3A_790 = arith.addf %mul3A_787, %add3A_789 : vector<16xf32>
          %mul3A_791 = arith.mulf %add3A_790, %exp3A_780 : vector<16xf32>
          %add3A_792 = arith.constant -0.22316587 : f32
          %add3A_793 = vector.broadcast %add3A_792 : f32 to vector<16xf32>
          %add3A_794 = arith.addf %mul3A_791, %add3A_793 : vector<16xf32>
          %mul3A_795 = arith.mulf %add3A_794, %exp3A_780 : vector<16xf32>
          %add3A_796 = arith.constant 0.327225715 : f32
          %add3A_797 = vector.broadcast %add3A_796 : f32 to vector<16xf32>
          %add3A_798 = arith.addf %mul3A_795, %add3A_797 : vector<16xf32>
          %mul3A_799 = arith.mulf %add3A_798, %exp3A_780 : vector<16xf32>
          %add3A_800 = arith.constant -0.499285042 : f32
          %add3A_801 = vector.broadcast %add3A_800 : f32 to vector<16xf32>
          %add3A_802 = arith.addf %mul3A_799, %add3A_801 : vector<16xf32>
          %mul3A_803 = arith.mulf %add3A_802, %exp3A_780 : vector<16xf32>
          %add3A_804 = arith.constant 0.999967098 : f32
          %add3A_805 = vector.broadcast %add3A_804 : f32 to vector<16xf32>
          %add3A_806 = arith.addf %mul3A_803, %add3A_805 : vector<16xf32>
          %mul3A_807 = arith.mulf %add3A_806, %exp3A_780 : vector<16xf32>
          %add3A_808 = arith.constant 2.55467313E-7 : f32
          %add3A_809 = vector.broadcast %add3A_808 : f32 to vector<16xf32>
          %add3A_810 = arith.addf %mul3A_807, %add3A_809 : vector<16xf32>
          %max3A_811 = arith.constant 0.000000e+00 : f32
          %max3A_812 = vector.broadcast %max3A_811 : f32 to vector<16xf32>
          %max3A_813 = arith.maximumf %mul3A_775, %max3A_812 : vector<16xf32>
          %add3A_814 = arith.addf %max3A_813, %add3A_810 : vector<16xf32>
          %sub3A_815 = arith.subf %mul3A_775, %add3A_814 : vector<16xf32>
          %mul3A_816 = arith.constant 2.000000e+00 : f32
          %mul3A_817 = vector.broadcast %mul3A_816 : f32 to vector<16xf32>
          %mul3A_818 = arith.mulf %mul3A_817, %sub3A_815 : vector<16xf32>
          %exp3A_819 = math.exp %mul3A_818 : vector<16xf32>
          %mul3A_820 = arith.mulf %exp3A_819, %add3A_814 : vector<16xf32>
          %lt3A_821 = arith.constant 0.000000e+00 : f32
          %lt3A_822 = vector.broadcast %lt3A_821 : f32 to vector<16xf32>
          %lt3A_823 = arith.cmpf olt, %mul3A_775, %lt3A_822 : vector<16xf32>
          %jit3A_824 = arith.constant 1.000000e+00 : f32
          %jit3A_825 = arith.constant 0.000000e+00 : f32
          %broadcast_in_dim3A_826 = vector.broadcast %jit3A_824 : f32 to vector<16xf32>
          %broadcast_in_dim3A_827 = vector.broadcast %jit3A_825 : f32 to vector<16xf32>
          %select_n3A_828 = arith.select %lt3A_823, %broadcast_in_dim3A_826, %broadcast_in_dim3A_827 : vector<16xi1>, vector<16xf32>
          %add3A_829 = arith.addf %add3A_706, %mul3A_820 : vector<16xf32>
          %add3A_830 = arith.addf %add3A_707, %select_n3A_828 : vector<16xf32>
          %scan3A_831 = arith.constant 3 : i32
          %scan3A_832 = arith.addi %scan3A_461, %scan3A_831 : i32
          %mul3A_833 = arith.constant 16 : i32
          %mul3A_834 = arith.muli %scan3A_832, %mul3A_833 : i32
          %get3A_835 = arith.index_cast %scan3A_91 : i32 to index
          %get3A_836 = arith.index_cast %mul3A_834 : i32 to index
          %get3A_837 = tpu.vector_load %arg9[%get3A_835, %get3A_836] {strides = array<i32>} : memref<16x1000xf32, #tpu.memory_space<vmem>>, vector<1x16xf32>,
          %get3A_838 = vector.shape_cast %get3A_837 : vector<1x16xf32> to vector<16xf32>
          %mul3A_839 = arith.constant 16 : i32
          %mul3A_840 = arith.muli %scan3A_832, %mul3A_839 : i32
          %get3A_841 = arith.index_cast %scan3A_91 : i32 to index
          %get3A_842 = arith.index_cast %mul3A_840 : i32 to index
          %get3A_843 = tpu.vector_load %arg10[%get3A_841, %get3A_842] {strides = array<i32>} : memref<16x1000xf32, #tpu.memory_space<vmem>>, vector<1x16xf32>,
          %get3A_844 = vector.shape_cast %get3A_843 : vector<1x16xf32> to vector<16xf32>
          %mul3A_845 = arith.mulf %get3A_838, %get3A_838 : vector<16xf32>
          %sub3A_846 = arith.constant 1.000000e+00 : f32
          %sub3A_847 = vector.broadcast %sub3A_846 : f32 to vector<16xf32>
          %sub3A_848 = arith.subf %sub3A_847, %mul3A_845 : vector<16xf32>
          %max3A_849 = arith.constant 0.000000e+00 : f32
          %max3A_850 = vector.broadcast %max3A_849 : f32 to vector<16xf32>
          %max3A_851 = arith.maximumf %sub3A_848, %max3A_850 : vector<16xf32>
          %bitcast_convert_type3A_852 = tpu.bitcast %max3A_851 : vector<16xf32> -> vector<16xi32>
          %shift_right_arithmetic3A_853 = arith.constant 1 : i32
          %shift_right_arithmetic3A_854 = vector.broadcast %shift_right_arithmetic3A_853 : i32 to vector<16xi32>
          %shift_right_arithmetic3A_855 = arith.shrsi %bitcast_convert_type3A_852, %shift_right_arithmetic3A_854 : vector<16xi32>
          %sub3A_856 = arith.constant 1597463007 : i32
          %sub3A_857 = vector.broadcast %sub3A_856 : i32 to vector<16xi32>
          %sub3A_858 = arith.subi %sub3A_857, %shift_right_arithmetic3A_855 : vector<16xi32>
          %bitcast_convert_type3A_859 = tpu.bitcast %sub3A_858 : vector<16xi32> -> vector<16xf32>
          %mul3A_860 = arith.constant 5.000000e-01 : f32
          %mul3A_861 = vector.broadcast %mul3A_860 : f32 to vector<16xf32>
          %mul3A_862 = arith.mulf %mul3A_861, %max3A_851 : vector<16xf32>
          %mul3A_863 = arith.mulf %mul3A_862, %bitcast_convert_type3A_859 : vector<16xf32>
          %mul3A_864 = arith.mulf %mul3A_863, %bitcast_convert_type3A_859 : vector<16xf32>
          %sub3A_865 = arith.constant 1.500000e+00 : f32
          %sub3A_866 = vector.broadcast %sub3A_865 : f32 to vector<16xf32>
          %sub3A_867 = arith.subf %sub3A_866, %mul3A_864 : vector<16xf32>
          %mul3A_868 = arith.mulf %bitcast_convert_type3A_859, %sub3A_867 : vector<16xf32>
          %mul3A_869 = arith.mulf %mul3A_862, %mul3A_868 : vector<16xf32>
          %mul3A_870 = arith.mulf %mul3A_869, %mul3A_868 : vector<16xf32>
          %sub3A_871 = arith.constant 1.500000e+00 : f32
          %sub3A_872 = vector.broadcast %sub3A_871 : f32 to vector<16xf32>
          %sub3A_873 = arith.subf %sub3A_872, %mul3A_870 : vector<16xf32>
          %mul3A_874 = arith.mulf %mul3A_868, %sub3A_873 : vector<16xf32>
          %mul3A_875 = arith.mulf %max3A_851, %mul3A_874 : vector<16xf32>
          %mul3A_876 = arith.constant 0.87758255 : f32
          %mul3A_877 = vector.broadcast %mul3A_876 : f32 to vector<16xf32>
          %mul3A_878 = arith.mulf %get3A_838, %mul3A_877 : vector<16xf32>
          %mul3A_879 = arith.constant 0.47942555 : f32
          %mul3A_880 = vector.broadcast %mul3A_879 : f32 to vector<16xf32>
          %mul3A_881 = arith.mulf %mul3A_875, %mul3A_880 : vector<16xf32>
          %sub3A_882 = arith.subf %mul3A_878, %mul3A_881 : vector<16xf32>
          %gt3A_883 = arith.constant -0.87758255 : f32
          %gt3A_884 = vector.broadcast %gt3A_883 : f32 to vector<16xf32>
          %gt3A_885 = arith.cmpf ogt, %get3A_838, %gt3A_884 : vector<16xf32>
          %sub3A_886 = arith.constant -2.000000e+00 : f32
          %sub3A_887 = vector.broadcast %sub3A_886 : f32 to vector<16xf32>
          %sub3A_888 = arith.subf %sub3A_887, %sub3A_882 : vector<16xf32>
          %select_n3A_889 = arith.select %gt3A_885, %sub3A_882, %sub3A_888 : vector<16xi1>, vector<16xf32>
          %ne3A_890 = arith.constant 0.000000e+00 : f32
          %ne3A_891 = vector.broadcast %ne3A_890 : f32 to vector<16xf32>
          %ne3A_892 = arith.cmpf one, %get3A_844, %ne3A_891 : vector<16xf32>
          %select_n3A_893 = arith.select %ne3A_8, %select_n3A_889, %get3A_838 : vector<16xi1>, vector<16xf32>
          %neg3A_894 = arith.constant 0.000000e+00 : f32
          %neg3A_895 = vector.broadcast %neg3A_894 : f32 to vector<16xf32>
          %neg3A_896 = arith.subf %neg3A_895, %select_n3A_893 : vector<16xf32>
          %select_n3A_897 = arith.select %ne3A_892, %neg3A_896, %get3A_838 : vector<16xi1>, vector<16xf32>
          %mul3A_898 = arith.mulf %select_n3A, %select_n3A_897 : vector<16xf32>
          %neg3A_899 = arith.constant 0.000000e+00 : f32
          %neg3A_900 = vector.broadcast %neg3A_899 : f32 to vector<16xf32>
          %neg3A_901 = arith.subf %neg3A_900, %mul3A_898 : vector<16xf32>
          %min3A_902 = arith.minimumf %mul3A_898, %neg3A_901 : vector<16xf32>
          %exp3A_903 = math.exp %min3A_902 : vector<16xf32>
          %mul3A_904 = arith.constant 0.0100092897 : f32
          %mul3A_905 = vector.broadcast %mul3A_904 : f32 to vector<16xf32>
          %mul3A_906 = arith.mulf %mul3A_905, %exp3A_903 : vector<16xf32>
          %add3A_907 = arith.constant -0.0524375364 : f32
          %add3A_908 = vector.broadcast %add3A_907 : f32 to vector<16xf32>
          %add3A_909 = arith.addf %mul3A_906, %add3A_908 : vector<16xf32>
          %mul3A_910 = arith.mulf %add3A_909, %exp3A_903 : vector<16xf32>
          %add3A_911 = arith.constant 0.130833432 : f32
          %add3A_912 = vector.broadcast %add3A_911 : f32 to vector<16xf32>
          %add3A_913 = arith.addf %mul3A_910, %add3A_912 : vector<16xf32>
          %mul3A_914 = arith.mulf %add3A_913, %exp3A_903 : vector<16xf32>
          %add3A_915 = arith.constant -0.22316587 : f32
          %add3A_916 = vector.broadcast %add3A_915 : f32 to vector<16xf32>
          %add3A_917 = arith.addf %mul3A_914, %add3A_916 : vector<16xf32>
          %mul3A_918 = arith.mulf %add3A_917, %exp3A_903 : vector<16xf32>
          %add3A_919 = arith.constant 0.327225715 : f32
          %add3A_920 = vector.broadcast %add3A_919 : f32 to vector<16xf32>
          %add3A_921 = arith.addf %mul3A_918, %add3A_920 : vector<16xf32>
          %mul3A_922 = arith.mulf %add3A_921, %exp3A_903 : vector<16xf32>
          %add3A_923 = arith.constant -0.499285042 : f32
          %add3A_924 = vector.broadcast %add3A_923 : f32 to vector<16xf32>
          %add3A_925 = arith.addf %mul3A_922, %add3A_924 : vector<16xf32>
          %mul3A_926 = arith.mulf %add3A_925, %exp3A_903 : vector<16xf32>
          %add3A_927 = arith.constant 0.999967098 : f32
          %add3A_928 = vector.broadcast %add3A_927 : f32 to vector<16xf32>
          %add3A_929 = arith.addf %mul3A_926, %add3A_928 : vector<16xf32>
          %mul3A_930 = arith.mulf %add3A_929, %exp3A_903 : vector<16xf32>
          %add3A_931 = arith.constant 2.55467313E-7 : f32
          %add3A_932 = vector.broadcast %add3A_931 : f32 to vector<16xf32>
          %add3A_933 = arith.addf %mul3A_930, %add3A_932 : vector<16xf32>
          %max3A_934 = arith.constant 0.000000e+00 : f32
          %max3A_935 = vector.broadcast %max3A_934 : f32 to vector<16xf32>
          %max3A_936 = arith.maximumf %mul3A_898, %max3A_935 : vector<16xf32>
          %add3A_937 = arith.addf %max3A_936, %add3A_933 : vector<16xf32>
          %sub3A_938 = arith.subf %mul3A_898, %add3A_937 : vector<16xf32>
          %mul3A_939 = arith.constant 2.000000e+00 : f32
          %mul3A_940 = vector.broadcast %mul3A_939 : f32 to vector<16xf32>
          %mul3A_941 = arith.mulf %mul3A_940, %sub3A_938 : vector<16xf32>
          %exp3A_942 = math.exp %mul3A_941 : vector<16xf32>
          %mul3A_943 = arith.mulf %exp3A_942, %add3A_937 : vector<16xf32>
          %lt3A_944 = arith.constant 0.000000e+00 : f32
          %lt3A_945 = vector.broadcast %lt3A_944 : f32 to vector<16xf32>
          %lt3A_946 = arith.cmpf olt, %mul3A_898, %lt3A_945 : vector<16xf32>
          %jit3A_947 = arith.constant 1.000000e+00 : f32
          %jit3A_948 = arith.constant 0.000000e+00 : f32
          %broadcast_in_dim3A_949 = vector.broadcast %jit3A_947 : f32 to vector<16xf32>
          %broadcast_in_dim3A_950 = vector.broadcast %jit3A_948 : f32 to vector<16xf32>
          %select_n3A_951 = arith.select %lt3A_946, %broadcast_in_dim3A_949, %broadcast_in_dim3A_950 : vector<16xi1>, vector<16xf32>
          %add3A_952 = arith.addf %add3A_829, %mul3A_943 : vector<16xf32>
          %add3A_953 = arith.addf %add3A_830, %select_n3A_951 : vector<16xf32>
          scf.yield %add3A_952, %add3A_953 : vector<16xf32>, vector<16xf32>
        }
        %scan3A_99 = arith.constant 60 : i32
        %scan3A_100 = arith.addi %scan3A_94, %scan3A_99 : i32
        %mul3A_101 = arith.constant 16 : i32
        %mul3A_102 = arith.muli %scan3A_100, %mul3A_101 : i32
        %get3A_103 = arith.index_cast %scan3A_91 : i32 to index
        %get3A_104 = arith.index_cast %mul3A_102 : i32 to index
        %get3A_105 = tpu.vector_load %arg9[%get3A_103, %get3A_104] {strides = array<i32>} : memref<16x1000xf32, #tpu.memory_space<vmem>>, vector<1x16xf32>,
        %get3A_106 = vector.shape_cast %get3A_105 : vector<1x16xf32> to vector<16xf32>
        %mul3A_107 = arith.constant 16 : i32
        %mul3A_108 = arith.muli %scan3A_100, %mul3A_107 : i32
        %get3A_109 = arith.index_cast %scan3A_91 : i32 to index
        %get3A_110 = arith.index_cast %mul3A_108 : i32 to index
        %get3A_111 = tpu.vector_load %arg10[%get3A_109, %get3A_110] {strides = array<i32>} : memref<16x1000xf32, #tpu.memory_space<vmem>>, vector<1x16xf32>,
        %get3A_112 = vector.shape_cast %get3A_111 : vector<1x16xf32> to vector<16xf32>
        %mul3A_113 = arith.mulf %get3A_106, %get3A_106 : vector<16xf32>
        %sub3A = arith.constant 1.000000e+00 : f32
        %sub3A_114 = vector.broadcast %sub3A : f32 to vector<16xf32>
        %sub3A_115 = arith.subf %sub3A_114, %mul3A_113 : vector<16xf32>
        %max3A = arith.constant 0.000000e+00 : f32
        %max3A_116 = vector.broadcast %max3A : f32 to vector<16xf32>
        %max3A_117 = arith.maximumf %sub3A_115, %max3A_116 : vector<16xf32>
        %bitcast_convert_type3A = tpu.bitcast %max3A_117 : vector<16xf32> -> vector<16xi32>
        %shift_right_arithmetic3A = arith.constant 1 : i32
        %shift_right_arithmetic3A_118 = vector.broadcast %shift_right_arithmetic3A : i32 to vector<16xi32>
        %shift_right_arithmetic3A_119 = arith.shrsi %bitcast_convert_type3A, %shift_right_arithmetic3A_118 : vector<16xi32>
        %sub3A_120 = arith.constant 1597463007 : i32
        %sub3A_121 = vector.broadcast %sub3A_120 : i32 to vector<16xi32>
        %sub3A_122 = arith.subi %sub3A_121, %shift_right_arithmetic3A_119 : vector<16xi32>
        %bitcast_convert_type3A_123 = tpu.bitcast %sub3A_122 : vector<16xi32> -> vector<16xf32>
        %mul3A_124 = arith.constant 5.000000e-01 : f32
        %mul3A_125 = vector.broadcast %mul3A_124 : f32 to vector<16xf32>
        %mul3A_126 = arith.mulf %mul3A_125, %max3A_117 : vector<16xf32>
        %mul3A_127 = arith.mulf %mul3A_126, %bitcast_convert_type3A_123 : vector<16xf32>
        %mul3A_128 = arith.mulf %mul3A_127, %bitcast_convert_type3A_123 : vector<16xf32>
        %sub3A_129 = arith.constant 1.500000e+00 : f32
        %sub3A_130 = vector.broadcast %sub3A_129 : f32 to vector<16xf32>
        %sub3A_131 = arith.subf %sub3A_130, %mul3A_128 : vector<16xf32>
        %mul3A_132 = arith.mulf %bitcast_convert_type3A_123, %sub3A_131 : vector<16xf32>
        %mul3A_133 = arith.mulf %mul3A_126, %mul3A_132 : vector<16xf32>
        %mul3A_134 = arith.mulf %mul3A_133, %mul3A_132 : vector<16xf32>
        %sub3A_135 = arith.constant 1.500000e+00 : f32
        %sub3A_136 = vector.broadcast %sub3A_135 : f32 to vector<16xf32>
        %sub3A_137 = arith.subf %sub3A_136, %mul3A_134 : vector<16xf32>
        %mul3A_138 = arith.mulf %mul3A_132, %sub3A_137 : vector<16xf32>
        %mul3A_139 = arith.mulf %max3A_117, %mul3A_138 : vector<16xf32>
        %mul3A_140 = arith.constant 0.87758255 : f32
        %mul3A_141 = vector.broadcast %mul3A_140 : f32 to vector<16xf32>
        %mul3A_142 = arith.mulf %get3A_106, %mul3A_141 : vector<16xf32>
        %mul3A_143 = arith.constant 0.47942555 : f32
        %mul3A_144 = vector.broadcast %mul3A_143 : f32 to vector<16xf32>
        %mul3A_145 = arith.mulf %mul3A_139, %mul3A_144 : vector<16xf32>
        %sub3A_146 = arith.subf %mul3A_142, %mul3A_145 : vector<16xf32>
        %gt3A = arith.constant -0.87758255 : f32
        %gt3A_147 = vector.broadcast %gt3A : f32 to vector<16xf32>
        %gt3A_148 = arith.cmpf ogt, %get3A_106, %gt3A_147 : vector<16xf32>
        %sub3A_149 = arith.constant -2.000000e+00 : f32
        %sub3A_150 = vector.broadcast %sub3A_149 : f32 to vector<16xf32>
        %sub3A_151 = arith.subf %sub3A_150, %sub3A_146 : vector<16xf32>
        %select_n3A_152 = arith.select %gt3A_148, %sub3A_146, %sub3A_151 : vector<16xi1>, vector<16xf32>
        %ne3A_153 = arith.constant 0.000000e+00 : f32
        %ne3A_154 = vector.broadcast %ne3A_153 : f32 to vector<16xf32>
        %ne3A_155 = arith.cmpf one, %get3A_112, %ne3A_154 : vector<16xf32>
        %select_n3A_156 = arith.select %ne3A_8, %select_n3A_152, %get3A_106 : vector<16xi1>, vector<16xf32>
        %neg3A = arith.constant 0.000000e+00 : f32
        %neg3A_157 = vector.broadcast %neg3A : f32 to vector<16xf32>
        %neg3A_158 = arith.subf %neg3A_157, %select_n3A_156 : vector<16xf32>
        %select_n3A_159 = arith.select %ne3A_155, %neg3A_158, %get3A_106 : vector<16xi1>, vector<16xf32>
        %mul3A_160 = arith.mulf %select_n3A, %select_n3A_159 : vector<16xf32>
        %neg3A_161 = arith.constant 0.000000e+00 : f32
        %neg3A_162 = vector.broadcast %neg3A_161 : f32 to vector<16xf32>
        %neg3A_163 = arith.subf %neg3A_162, %mul3A_160 : vector<16xf32>
        %min3A = arith.minimumf %mul3A_160, %neg3A_163 : vector<16xf32>
        %exp3A = math.exp %min3A : vector<16xf32>
        %mul3A_164 = arith.constant 0.0100092897 : f32
        %mul3A_165 = vector.broadcast %mul3A_164 : f32 to vector<16xf32>
        %mul3A_166 = arith.mulf %mul3A_165, %exp3A : vector<16xf32>
        %add3A_167 = arith.constant -0.0524375364 : f32
        %add3A_168 = vector.broadcast %add3A_167 : f32 to vector<16xf32>
        %add3A_169 = arith.addf %mul3A_166, %add3A_168 : vector<16xf32>
        %mul3A_170 = arith.mulf %add3A_169, %exp3A : vector<16xf32>
        %add3A_171 = arith.constant 0.130833432 : f32
        %add3A_172 = vector.broadcast %add3A_171 : f32 to vector<16xf32>
        %add3A_173 = arith.addf %mul3A_170, %add3A_172 : vector<16xf32>
        %mul3A_174 = arith.mulf %add3A_173, %exp3A : vector<16xf32>
        %add3A_175 = arith.constant -0.22316587 : f32
        %add3A_176 = vector.broadcast %add3A_175 : f32 to vector<16xf32>
        %add3A_177 = arith.addf %mul3A_174, %add3A_176 : vector<16xf32>
        %mul3A_178 = arith.mulf %add3A_177, %exp3A : vector<16xf32>
        %add3A_179 = arith.constant 0.327225715 : f32
        %add3A_180 = vector.broadcast %add3A_179 : f32 to vector<16xf32>
        %add3A_181 = arith.addf %mul3A_178, %add3A_180 : vector<16xf32>
        %mul3A_182 = arith.mulf %add3A_181, %exp3A : vector<16xf32>
        %add3A_183 = arith.constant -0.499285042 : f32
        %add3A_184 = vector.broadcast %add3A_183 : f32 to vector<16xf32>
        %add3A_185 = arith.addf %mul3A_182, %add3A_184 : vector<16xf32>
        %mul3A_186 = arith.mulf %add3A_185, %exp3A : vector<16xf32>
        %add3A_187 = arith.constant 0.999967098 : f32
        %add3A_188 = vector.broadcast %add3A_187 : f32 to vector<16xf32>
        %add3A_189 = arith.addf %mul3A_186, %add3A_188 : vector<16xf32>
        %mul3A_190 = arith.mulf %add3A_189, %exp3A : vector<16xf32>
        %add3A_191 = arith.constant 2.55467313E-7 : f32
        %add3A_192 = vector.broadcast %add3A_191 : f32 to vector<16xf32>
        %add3A_193 = arith.addf %mul3A_190, %add3A_192 : vector<16xf32>
        %max3A_194 = arith.constant 0.000000e+00 : f32
        %max3A_195 = vector.broadcast %max3A_194 : f32 to vector<16xf32>
        %max3A_196 = arith.maximumf %mul3A_160, %max3A_195 : vector<16xf32>
        %add3A_197 = arith.addf %max3A_196, %add3A_193 : vector<16xf32>
        %sub3A_198 = arith.subf %mul3A_160, %add3A_197 : vector<16xf32>
        %mul3A_199 = arith.constant 2.000000e+00 : f32
        %mul3A_200 = vector.broadcast %mul3A_199 : f32 to vector<16xf32>
        %mul3A_201 = arith.mulf %mul3A_200, %sub3A_198 : vector<16xf32>
        %exp3A_202 = math.exp %mul3A_201 : vector<16xf32>
        %mul3A_203 = arith.mulf %exp3A_202, %add3A_197 : vector<16xf32>
        %lt3A_204 = arith.constant 0.000000e+00 : f32
        %lt3A_205 = vector.broadcast %lt3A_204 : f32 to vector<16xf32>
        %lt3A_206 = arith.cmpf olt, %mul3A_160, %lt3A_205 : vector<16xf32>
        %jit3A_207 = arith.constant 1.000000e+00 : f32
        %jit3A_208 = arith.constant 0.000000e+00 : f32
        %broadcast_in_dim3A_209 = vector.broadcast %jit3A_207 : f32 to vector<16xf32>
        %broadcast_in_dim3A_210 = vector.broadcast %jit3A_208 : f32 to vector<16xf32>
        %select_n3A_211 = arith.select %lt3A_206, %broadcast_in_dim3A_209, %broadcast_in_dim3A_210 : vector<16xi1>, vector<16xf32>
        %add3A_212 = arith.addf %scan3A_98#0, %mul3A_203 : vector<16xf32>
        %add3A_213 = arith.addf %scan3A_98#1, %select_n3A_211 : vector<16xf32>
        %scan3A_214 = arith.constant 61 : i32
        %scan3A_215 = arith.addi %scan3A_94, %scan3A_214 : i32
        %mul3A_216 = arith.constant 16 : i32
        %mul3A_217 = arith.muli %scan3A_215, %mul3A_216 : i32
        %get3A_218 = arith.index_cast %scan3A_91 : i32 to index
        %get3A_219 = arith.index_cast %mul3A_217 : i32 to index
        %get3A_220 = tpu.vector_load %arg9[%get3A_218, %get3A_219] {strides = array<i32>} : memref<16x1000xf32, #tpu.memory_space<vmem>>, vector<1x16xf32>,
        %get3A_221 = vector.shape_cast %get3A_220 : vector<1x16xf32> to vector<16xf32>
        %mul3A_222 = arith.constant 16 : i32
        %mul3A_223 = arith.muli %scan3A_215, %mul3A_222 : i32
        %get3A_224 = arith.index_cast %scan3A_91 : i32 to index
        %get3A_225 = arith.index_cast %mul3A_223 : i32 to index
        %get3A_226 = tpu.vector_load %arg10[%get3A_224, %get3A_225] {strides = array<i32>} : memref<16x1000xf32, #tpu.memory_space<vmem>>, vector<1x16xf32>,
        %get3A_227 = vector.shape_cast %get3A_226 : vector<1x16xf32> to vector<16xf32>
        %mul3A_228 = arith.mulf %get3A_221, %get3A_221 : vector<16xf32>
        %sub3A_229 = arith.constant 1.000000e+00 : f32
        %sub3A_230 = vector.broadcast %sub3A_229 : f32 to vector<16xf32>
        %sub3A_231 = arith.subf %sub3A_230, %mul3A_228 : vector<16xf32>
        %max3A_232 = arith.constant 0.000000e+00 : f32
        %max3A_233 = vector.broadcast %max3A_232 : f32 to vector<16xf32>
        %max3A_234 = arith.maximumf %sub3A_231, %max3A_233 : vector<16xf32>
        %bitcast_convert_type3A_235 = tpu.bitcast %max3A_234 : vector<16xf32> -> vector<16xi32>
        %shift_right_arithmetic3A_236 = arith.constant 1 : i32
        %shift_right_arithmetic3A_237 = vector.broadcast %shift_right_arithmetic3A_236 : i32 to vector<16xi32>
        %shift_right_arithmetic3A_238 = arith.shrsi %bitcast_convert_type3A_235, %shift_right_arithmetic3A_237 : vector<16xi32>
        %sub3A_239 = arith.constant 1597463007 : i32
        %sub3A_240 = vector.broadcast %sub3A_239 : i32 to vector<16xi32>
        %sub3A_241 = arith.subi %sub3A_240, %shift_right_arithmetic3A_238 : vector<16xi32>
        %bitcast_convert_type3A_242 = tpu.bitcast %sub3A_241 : vector<16xi32> -> vector<16xf32>
        %mul3A_243 = arith.constant 5.000000e-01 : f32
        %mul3A_244 = vector.broadcast %mul3A_243 : f32 to vector<16xf32>
        %mul3A_245 = arith.mulf %mul3A_244, %max3A_234 : vector<16xf32>
        %mul3A_246 = arith.mulf %mul3A_245, %bitcast_convert_type3A_242 : vector<16xf32>
        %mul3A_247 = arith.mulf %mul3A_246, %bitcast_convert_type3A_242 : vector<16xf32>
        %sub3A_248 = arith.constant 1.500000e+00 : f32
        %sub3A_249 = vector.broadcast %sub3A_248 : f32 to vector<16xf32>
        %sub3A_250 = arith.subf %sub3A_249, %mul3A_247 : vector<16xf32>
        %mul3A_251 = arith.mulf %bitcast_convert_type3A_242, %sub3A_250 : vector<16xf32>
        %mul3A_252 = arith.mulf %mul3A_245, %mul3A_251 : vector<16xf32>
        %mul3A_253 = arith.mulf %mul3A_252, %mul3A_251 : vector<16xf32>
        %sub3A_254 = arith.constant 1.500000e+00 : f32
        %sub3A_255 = vector.broadcast %sub3A_254 : f32 to vector<16xf32>
        %sub3A_256 = arith.subf %sub3A_255, %mul3A_253 : vector<16xf32>
        %mul3A_257 = arith.mulf %mul3A_251, %sub3A_256 : vector<16xf32>
        %mul3A_258 = arith.mulf %max3A_234, %mul3A_257 : vector<16xf32>
        %mul3A_259 = arith.constant 0.87758255 : f32
        %mul3A_260 = vector.broadcast %mul3A_259 : f32 to vector<16xf32>
        %mul3A_261 = arith.mulf %get3A_221, %mul3A_260 : vector<16xf32>
        %mul3A_262 = arith.constant 0.47942555 : f32
        %mul3A_263 = vector.broadcast %mul3A_262 : f32 to vector<16xf32>
        %mul3A_264 = arith.mulf %mul3A_258, %mul3A_263 : vector<16xf32>
        %sub3A_265 = arith.subf %mul3A_261, %mul3A_264 : vector<16xf32>
        %gt3A_266 = arith.constant -0.87758255 : f32
        %gt3A_267 = vector.broadcast %gt3A_266 : f32 to vector<16xf32>
        %gt3A_268 = arith.cmpf ogt, %get3A_221, %gt3A_267 : vector<16xf32>
        %sub3A_269 = arith.constant -2.000000e+00 : f32
        %sub3A_270 = vector.broadcast %sub3A_269 : f32 to vector<16xf32>
        %sub3A_271 = arith.subf %sub3A_270, %sub3A_265 : vector<16xf32>
        %select_n3A_272 = arith.select %gt3A_268, %sub3A_265, %sub3A_271 : vector<16xi1>, vector<16xf32>
        %ne3A_273 = arith.constant 0.000000e+00 : f32
        %ne3A_274 = vector.broadcast %ne3A_273 : f32 to vector<16xf32>
        %ne3A_275 = arith.cmpf one, %get3A_227, %ne3A_274 : vector<16xf32>
        %select_n3A_276 = arith.select %ne3A_8, %select_n3A_272, %get3A_221 : vector<16xi1>, vector<16xf32>
        %neg3A_277 = arith.constant 0.000000e+00 : f32
        %neg3A_278 = vector.broadcast %neg3A_277 : f32 to vector<16xf32>
        %neg3A_279 = arith.subf %neg3A_278, %select_n3A_276 : vector<16xf32>
        %select_n3A_280 = arith.select %ne3A_275, %neg3A_279, %get3A_221 : vector<16xi1>, vector<16xf32>
        %mul3A_281 = arith.mulf %select_n3A, %select_n3A_280 : vector<16xf32>
        %neg3A_282 = arith.constant 0.000000e+00 : f32
        %neg3A_283 = vector.broadcast %neg3A_282 : f32 to vector<16xf32>
        %neg3A_284 = arith.subf %neg3A_283, %mul3A_281 : vector<16xf32>
        %min3A_285 = arith.minimumf %mul3A_281, %neg3A_284 : vector<16xf32>
        %exp3A_286 = math.exp %min3A_285 : vector<16xf32>
        %mul3A_287 = arith.constant 0.0100092897 : f32
        %mul3A_288 = vector.broadcast %mul3A_287 : f32 to vector<16xf32>
        %mul3A_289 = arith.mulf %mul3A_288, %exp3A_286 : vector<16xf32>
        %add3A_290 = arith.constant -0.0524375364 : f32
        %add3A_291 = vector.broadcast %add3A_290 : f32 to vector<16xf32>
        %add3A_292 = arith.addf %mul3A_289, %add3A_291 : vector<16xf32>
        %mul3A_293 = arith.mulf %add3A_292, %exp3A_286 : vector<16xf32>
        %add3A_294 = arith.constant 0.130833432 : f32
        %add3A_295 = vector.broadcast %add3A_294 : f32 to vector<16xf32>
        %add3A_296 = arith.addf %mul3A_293, %add3A_295 : vector<16xf32>
        %mul3A_297 = arith.mulf %add3A_296, %exp3A_286 : vector<16xf32>
        %add3A_298 = arith.constant -0.22316587 : f32
        %add3A_299 = vector.broadcast %add3A_298 : f32 to vector<16xf32>
        %add3A_300 = arith.addf %mul3A_297, %add3A_299 : vector<16xf32>
        %mul3A_301 = arith.mulf %add3A_300, %exp3A_286 : vector<16xf32>
        %add3A_302 = arith.constant 0.327225715 : f32
        %add3A_303 = vector.broadcast %add3A_302 : f32 to vector<16xf32>
        %add3A_304 = arith.addf %mul3A_301, %add3A_303 : vector<16xf32>
        %mul3A_305 = arith.mulf %add3A_304, %exp3A_286 : vector<16xf32>
        %add3A_306 = arith.constant -0.499285042 : f32
        %add3A_307 = vector.broadcast %add3A_306 : f32 to vector<16xf32>
        %add3A_308 = arith.addf %mul3A_305, %add3A_307 : vector<16xf32>
        %mul3A_309 = arith.mulf %add3A_308, %exp3A_286 : vector<16xf32>
        %add3A_310 = arith.constant 0.999967098 : f32
        %add3A_311 = vector.broadcast %add3A_310 : f32 to vector<16xf32>
        %add3A_312 = arith.addf %mul3A_309, %add3A_311 : vector<16xf32>
        %mul3A_313 = arith.mulf %add3A_312, %exp3A_286 : vector<16xf32>
        %add3A_314 = arith.constant 2.55467313E-7 : f32
        %add3A_315 = vector.broadcast %add3A_314 : f32 to vector<16xf32>
        %add3A_316 = arith.addf %mul3A_313, %add3A_315 : vector<16xf32>
        %max3A_317 = arith.constant 0.000000e+00 : f32
        %max3A_318 = vector.broadcast %max3A_317 : f32 to vector<16xf32>
        %max3A_319 = arith.maximumf %mul3A_281, %max3A_318 : vector<16xf32>
        %add3A_320 = arith.addf %max3A_319, %add3A_316 : vector<16xf32>
        %sub3A_321 = arith.subf %mul3A_281, %add3A_320 : vector<16xf32>
        %mul3A_322 = arith.constant 2.000000e+00 : f32
        %mul3A_323 = vector.broadcast %mul3A_322 : f32 to vector<16xf32>
        %mul3A_324 = arith.mulf %mul3A_323, %sub3A_321 : vector<16xf32>
        %exp3A_325 = math.exp %mul3A_324 : vector<16xf32>
        %mul3A_326 = arith.mulf %exp3A_325, %add3A_320 : vector<16xf32>
        %lt3A_327 = arith.constant 0.000000e+00 : f32
        %lt3A_328 = vector.broadcast %lt3A_327 : f32 to vector<16xf32>
        %lt3A_329 = arith.cmpf olt, %mul3A_281, %lt3A_328 : vector<16xf32>
        %jit3A_330 = arith.constant 1.000000e+00 : f32
        %jit3A_331 = arith.constant 0.000000e+00 : f32
        %broadcast_in_dim3A_332 = vector.broadcast %jit3A_330 : f32 to vector<16xf32>
        %broadcast_in_dim3A_333 = vector.broadcast %jit3A_331 : f32 to vector<16xf32>
        %select_n3A_334 = arith.select %lt3A_329, %broadcast_in_dim3A_332, %broadcast_in_dim3A_333 : vector<16xi1>, vector<16xf32>
        %add3A_335 = arith.addf %add3A_212, %mul3A_326 : vector<16xf32>
        %add3A_336 = arith.addf %add3A_213, %select_n3A_334 : vector<16xf32>
        %scan3A_337 = arith.constant 62 : i32
        %get3A_338 = arith.index_cast %scan3A_91 : i32 to index
        %get3A_339 = arith.constant 984 : index
        %get3A_340 = tpu.vector_load %arg9[%get3A_338, %get3A_339] {strides = array<i32>} : memref<16x1000xf32, #tpu.memory_space<vmem>>, vector<1x16xf32>,
        %get3A_341 = vector.shape_cast %get3A_340 : vector<1x16xf32> to vector<16xf32>
        %get3A_342 = arith.index_cast %scan3A_91 : i32 to index
        %get3A_343 = arith.constant 984 : index
        %get3A_344 = tpu.vector_load %arg10[%get3A_342, %get3A_343] {strides = array<i32>} : memref<16x1000xf32, #tpu.memory_space<vmem>>, vector<1x16xf32>,
        %get3A_345 = vector.shape_cast %get3A_344 : vector<1x16xf32> to vector<16xf32>
        %mul3A_346 = arith.mulf %get3A_341, %get3A_341 : vector<16xf32>
        %sub3A_347 = arith.constant 1.000000e+00 : f32
        %sub3A_348 = vector.broadcast %sub3A_347 : f32 to vector<16xf32>
        %sub3A_349 = arith.subf %sub3A_348, %mul3A_346 : vector<16xf32>
        %max3A_350 = arith.constant 0.000000e+00 : f32
        %max3A_351 = vector.broadcast %max3A_350 : f32 to vector<16xf32>
        %max3A_352 = arith.maximumf %sub3A_349, %max3A_351 : vector<16xf32>
        %bitcast_convert_type3A_353 = tpu.bitcast %max3A_352 : vector<16xf32> -> vector<16xi32>
        %shift_right_arithmetic3A_354 = arith.constant 1 : i32
        %shift_right_arithmetic3A_355 = vector.broadcast %shift_right_arithmetic3A_354 : i32 to vector<16xi32>
        %shift_right_arithmetic3A_356 = arith.shrsi %bitcast_convert_type3A_353, %shift_right_arithmetic3A_355 : vector<16xi32>
        %sub3A_357 = arith.constant 1597463007 : i32
        %sub3A_358 = vector.broadcast %sub3A_357 : i32 to vector<16xi32>
        %sub3A_359 = arith.subi %sub3A_358, %shift_right_arithmetic3A_356 : vector<16xi32>
        %bitcast_convert_type3A_360 = tpu.bitcast %sub3A_359 : vector<16xi32> -> vector<16xf32>
        %mul3A_361 = arith.constant 5.000000e-01 : f32
        %mul3A_362 = vector.broadcast %mul3A_361 : f32 to vector<16xf32>
        %mul3A_363 = arith.mulf %mul3A_362, %max3A_352 : vector<16xf32>
        %mul3A_364 = arith.mulf %mul3A_363, %bitcast_convert_type3A_360 : vector<16xf32>
        %mul3A_365 = arith.mulf %mul3A_364, %bitcast_convert_type3A_360 : vector<16xf32>
        %sub3A_366 = arith.constant 1.500000e+00 : f32
        %sub3A_367 = vector.broadcast %sub3A_366 : f32 to vector<16xf32>
        %sub3A_368 = arith.subf %sub3A_367, %mul3A_365 : vector<16xf32>
        %mul3A_369 = arith.mulf %bitcast_convert_type3A_360, %sub3A_368 : vector<16xf32>
        %mul3A_370 = arith.mulf %mul3A_363, %mul3A_369 : vector<16xf32>
        %mul3A_371 = arith.mulf %mul3A_370, %mul3A_369 : vector<16xf32>
        %sub3A_372 = arith.constant 1.500000e+00 : f32
        %sub3A_373 = vector.broadcast %sub3A_372 : f32 to vector<16xf32>
        %sub3A_374 = arith.subf %sub3A_373, %mul3A_371 : vector<16xf32>
        %mul3A_375 = arith.mulf %mul3A_369, %sub3A_374 : vector<16xf32>
        %mul3A_376 = arith.mulf %max3A_352, %mul3A_375 : vector<16xf32>
        %mul3A_377 = arith.constant 0.87758255 : f32
        %mul3A_378 = vector.broadcast %mul3A_377 : f32 to vector<16xf32>
        %mul3A_379 = arith.mulf %get3A_341, %mul3A_378 : vector<16xf32>
        %mul3A_380 = arith.constant 0.47942555 : f32
        %mul3A_381 = vector.broadcast %mul3A_380 : f32 to vector<16xf32>
        %mul3A_382 = arith.mulf %mul3A_376, %mul3A_381 : vector<16xf32>
        %sub3A_383 = arith.subf %mul3A_379, %mul3A_382 : vector<16xf32>
        %gt3A_384 = arith.constant -0.87758255 : f32
        %gt3A_385 = vector.broadcast %gt3A_384 : f32 to vector<16xf32>
        %gt3A_386 = arith.cmpf ogt, %get3A_341, %gt3A_385 : vector<16xf32>
        %sub3A_387 = arith.constant -2.000000e+00 : f32
        %sub3A_388 = vector.broadcast %sub3A_387 : f32 to vector<16xf32>
        %sub3A_389 = arith.subf %sub3A_388, %sub3A_383 : vector<16xf32>
        %select_n3A_390 = arith.select %gt3A_386, %sub3A_383, %sub3A_389 : vector<16xi1>, vector<16xf32>
        %ne3A_391 = arith.constant 0.000000e+00 : f32
        %ne3A_392 = vector.broadcast %ne3A_391 : f32 to vector<16xf32>
        %ne3A_393 = arith.cmpf one, %get3A_345, %ne3A_392 : vector<16xf32>
        %select_n3A_394 = arith.select %ne3A_8, %select_n3A_390, %get3A_341 : vector<16xi1>, vector<16xf32>
        %neg3A_395 = arith.constant 0.000000e+00 : f32
        %neg3A_396 = vector.broadcast %neg3A_395 : f32 to vector<16xf32>
        %neg3A_397 = arith.subf %neg3A_396, %select_n3A_394 : vector<16xf32>
        %select_n3A_398 = arith.select %ne3A_393, %neg3A_397, %get3A_341 : vector<16xi1>, vector<16xf32>
        %mul3A_399 = arith.mulf %select_n3A, %select_n3A_398 : vector<16xf32>
        %neg3A_400 = arith.constant 0.000000e+00 : f32
        %neg3A_401 = vector.broadcast %neg3A_400 : f32 to vector<16xf32>
        %neg3A_402 = arith.subf %neg3A_401, %mul3A_399 : vector<16xf32>
        %min3A_403 = arith.minimumf %mul3A_399, %neg3A_402 : vector<16xf32>
        %exp3A_404 = math.exp %min3A_403 : vector<16xf32>
        %mul3A_405 = arith.constant 0.0100092897 : f32
        %mul3A_406 = vector.broadcast %mul3A_405 : f32 to vector<16xf32>
        %mul3A_407 = arith.mulf %mul3A_406, %exp3A_404 : vector<16xf32>
        %add3A_408 = arith.constant -0.0524375364 : f32
        %add3A_409 = vector.broadcast %add3A_408 : f32 to vector<16xf32>
        %add3A_410 = arith.addf %mul3A_407, %add3A_409 : vector<16xf32>
        %mul3A_411 = arith.mulf %add3A_410, %exp3A_404 : vector<16xf32>
        %add3A_412 = arith.constant 0.130833432 : f32
        %add3A_413 = vector.broadcast %add3A_412 : f32 to vector<16xf32>
        %add3A_414 = arith.addf %mul3A_411, %add3A_413 : vector<16xf32>
        %mul3A_415 = arith.mulf %add3A_414, %exp3A_404 : vector<16xf32>
        %add3A_416 = arith.constant -0.22316587 : f32
        %add3A_417 = vector.broadcast %add3A_416 : f32 to vector<16xf32>
        %add3A_418 = arith.addf %mul3A_415, %add3A_417 : vector<16xf32>
        %mul3A_419 = arith.mulf %add3A_418, %exp3A_404 : vector<16xf32>
        %add3A_420 = arith.constant 0.327225715 : f32
        %add3A_421 = vector.broadcast %add3A_420 : f32 to vector<16xf32>
        %add3A_422 = arith.addf %mul3A_419, %add3A_421 : vector<16xf32>
        %mul3A_423 = arith.mulf %add3A_422, %exp3A_404 : vector<16xf32>
        %add3A_424 = arith.constant -0.499285042 : f32
        %add3A_425 = vector.broadcast %add3A_424 : f32 to vector<16xf32>
        %add3A_426 = arith.addf %mul3A_423, %add3A_425 : vector<16xf32>
        %mul3A_427 = arith.mulf %add3A_426, %exp3A_404 : vector<16xf32>
        %add3A_428 = arith.constant 0.999967098 : f32
        %add3A_429 = vector.broadcast %add3A_428 : f32 to vector<16xf32>
        %add3A_430 = arith.addf %mul3A_427, %add3A_429 : vector<16xf32>
        %mul3A_431 = arith.mulf %add3A_430, %exp3A_404 : vector<16xf32>
        %add3A_432 = arith.constant 2.55467313E-7 : f32
        %add3A_433 = vector.broadcast %add3A_432 : f32 to vector<16xf32>
        %add3A_434 = arith.addf %mul3A_431, %add3A_433 : vector<16xf32>
        %max3A_435 = arith.constant 0.000000e+00 : f32
        %max3A_436 = vector.broadcast %max3A_435 : f32 to vector<16xf32>
        %max3A_437 = arith.maximumf %mul3A_399, %max3A_436 : vector<16xf32>
        %add3A_438 = arith.addf %max3A_437, %add3A_434 : vector<16xf32>
        %sub3A_439 = arith.subf %mul3A_399, %add3A_438 : vector<16xf32>
        %mul3A_440 = arith.constant 2.000000e+00 : f32
        %mul3A_441 = vector.broadcast %mul3A_440 : f32 to vector<16xf32>
        %mul3A_442 = arith.mulf %mul3A_441, %sub3A_439 : vector<16xf32>
        %exp3A_443 = math.exp %mul3A_442 : vector<16xf32>
        %mul3A_444 = arith.mulf %exp3A_443, %add3A_438 : vector<16xf32>
        %lt3A_445 = arith.constant 0.000000e+00 : f32
        %lt3A_446 = vector.broadcast %lt3A_445 : f32 to vector<16xf32>
        %lt3A_447 = arith.cmpf olt, %mul3A_399, %lt3A_446 : vector<16xf32>
        %jit3A_448 = arith.constant 1.000000e+00 : f32
        %jit3A_449 = arith.constant 0.000000e+00 : f32
        %broadcast_in_dim3A_450 = vector.broadcast %jit3A_448 : f32 to vector<16xf32>
        %broadcast_in_dim3A_451 = vector.broadcast %jit3A_449 : f32 to vector<16xf32>
        %select_n3A_452 = arith.select %lt3A_447, %broadcast_in_dim3A_450, %broadcast_in_dim3A_451 : vector<16xi1>, vector<16xf32>
        %jit3A_453 = arith.constant 0.000000e+00 : f32
        %broadcast_in_dim3A_454 = vector.broadcast %jit3A_453 : f32 to vector<16xf32>
        %select_n3A_455 = arith.select %ge3A_84, %mul3A_444, %broadcast_in_dim3A_454 : vector<16xi1>, vector<16xf32>
        %add3A_456 = arith.addf %add3A_335, %select_n3A_455 : vector<16xf32>
        %jit3A_457 = arith.constant 0.000000e+00 : f32
        %broadcast_in_dim3A_458 = vector.broadcast %jit3A_457 : f32 to vector<16xf32>
        %select_n3A_459 = arith.select %ge3A_84, %select_n3A_452, %broadcast_in_dim3A_458 : vector<16xi1>, vector<16xf32>
        %add3A_460 = arith.addf %add3A_336, %select_n3A_459 : vector<16xf32>
        scf.yield %add3A_456, %add3A_460 : vector<16xf32>, vector<16xf32>
      }
      %scan3A_90 = arith.constant 16 : i32
      scf.yield %scan3A_89#0, %scan3A_89#1 : vector<16xf32>, vector<16xf32>
    }
    %scan3A_26 = arith.constant 3 : i32
    %swap3A = arith.constant 0 : index
    %swap3A_27 = tpu.vector_load %arg12[%swap3A] {strides = array<i32>} : memref<16xf32, #tpu.memory_space<vmem>>, vector<16xf32>,
    %swap3A_28 = vector.shape_cast %swap3A_27 : vector<16xf32> to vector<16xf32>
    %swap3A_29 = vector.shape_cast %scan3A_25#0 : vector<16xf32> to vector<16xf32>
    tpu.vector_store %arg12[%swap3A], %swap3A_29 {strides = array<i32>} : memref<16xf32, #tpu.memory_space<vmem>>, vector<16xf32>,
    "tpu.region"() ({
      %run_scoped3A = tpu.sem_alloc : memref<!tpu.dma_semaphore, #tpu.memory_space<semaphore_mem>>
      %dma_start3A_34 = arith.constant 0 : i32
      %dma_start3A_35 = tpu.memref_slice %arg5[%add3A, %dma_start3A_34] : memref<32x16xf32, #tpu.memory_space<hbm>> -> memref<1x16xf32, #tpu.memory_space<hbm>>
      %dma_start3A_36 = tpu.memref_squeeze %dma_start3A_35 : memref<1x16xf32, #tpu.memory_space<hbm>> -> memref<16xf32, #tpu.memory_space<hbm>>
      %dma_start3A_37 = arith.constant 0 : i32
      %dma_start3A_38 = tpu.memref_slice %arg5[%add3A, %dma_start3A_37] : memref<32x16xf32, #tpu.memory_space<hbm>> -> memref<1x16xf32, #tpu.memory_space<hbm>>
      %dma_start3A_39 = tpu.memref_squeeze %dma_start3A_38 : memref<1x16xf32, #tpu.memory_space<hbm>> -> memref<16xf32, #tpu.memory_space<hbm>>
      tpu.enqueue_dma source(%arg12 : memref<16xf32, #tpu.memory_space<vmem>>) target(%dma_start3A_39 : memref<16xf32, #tpu.memory_space<hbm>>) target_semaphore(%run_scoped3A : memref<!tpu.dma_semaphore, #tpu.memory_space<semaphore_mem>>)
      %dma_wait3A = arith.constant 0 : i32
      %dma_wait3A_40 = tpu.memref_slice %arg5[%add3A, %dma_wait3A] : memref<32x16xf32, #tpu.memory_space<hbm>> -> memref<1x16xf32, #tpu.memory_space<hbm>>
      %dma_wait3A_41 = tpu.memref_squeeze %dma_wait3A_40 : memref<1x16xf32, #tpu.memory_space<hbm>> -> memref<16xf32, #tpu.memory_space<hbm>>
      %dma_wait3A_42 = arith.constant 0 : i32
      %dma_wait3A_43 = tpu.memref_slice %arg5[%add3A, %dma_wait3A_42] : memref<32x16xf32, #tpu.memory_space<hbm>> -> memref<1x16xf32, #tpu.memory_space<hbm>>
      %dma_wait3A_44 = tpu.memref_squeeze %dma_wait3A_43 : memref<1x16xf32, #tpu.memory_space<hbm>> -> memref<16xf32, #tpu.memory_space<hbm>>
      tpu.wait_dma2 semaphore(%run_scoped3A : memref<!tpu.dma_semaphore, #tpu.memory_space<semaphore_mem>>) src(%arg12 : memref<16xf32, #tpu.memory_space<vmem>>) dst(%dma_wait3A_44 : memref<16xf32, #tpu.memory_space<hbm>>)
      tpu.yield
    }) : () -> ()
    %swap3A_30 = arith.constant 0 : index
    %swap3A_31 = tpu.vector_load %arg12[%swap3A_30] {strides = array<i32>} : memref<16xf32, #tpu.memory_space<vmem>>, vector<16xf32>,
    %swap3A_32 = vector.shape_cast %swap3A_31 : vector<16xf32> to vector<16xf32>
    %swap3A_33 = vector.shape_cast %scan3A_25#1 : vector<16xf32> to vector<16xf32>
    tpu.vector_store %arg12[%swap3A_30], %swap3A_33 {strides = array<i32>} : memref<16xf32, #tpu.memory_space<vmem>>, vector<16xf32>,
    "tpu.region"() ({
      %run_scoped3A = tpu.sem_alloc : memref<!tpu.dma_semaphore, #tpu.memory_space<semaphore_mem>>
      %dma_start3A_34 = arith.constant 0 : i32
      %dma_start3A_35 = tpu.memref_slice %arg6[%add3A, %dma_start3A_34] : memref<32x16xf32, #tpu.memory_space<hbm>> -> memref<1x16xf32, #tpu.memory_space<hbm>>
      %dma_start3A_36 = tpu.memref_squeeze %dma_start3A_35 : memref<1x16xf32, #tpu.memory_space<hbm>> -> memref<16xf32, #tpu.memory_space<hbm>>
      %dma_start3A_37 = arith.constant 0 : i32
      %dma_start3A_38 = tpu.memref_slice %arg6[%add3A, %dma_start3A_37] : memref<32x16xf32, #tpu.memory_space<hbm>> -> memref<1x16xf32, #tpu.memory_space<hbm>>
      %dma_start3A_39 = tpu.memref_squeeze %dma_start3A_38 : memref<1x16xf32, #tpu.memory_space<hbm>> -> memref<16xf32, #tpu.memory_space<hbm>>
      tpu.enqueue_dma source(%arg12 : memref<16xf32, #tpu.memory_space<vmem>>) target(%dma_start3A_39 : memref<16xf32, #tpu.memory_space<hbm>>) target_semaphore(%run_scoped3A : memref<!tpu.dma_semaphore, #tpu.memory_space<semaphore_mem>>)
      %dma_wait3A = arith.constant 0 : i32
      %dma_wait3A_40 = tpu.memref_slice %arg6[%add3A, %dma_wait3A] : memref<32x16xf32, #tpu.memory_space<hbm>> -> memref<1x16xf32, #tpu.memory_space<hbm>>
      %dma_wait3A_41 = tpu.memref_squeeze %dma_wait3A_40 : memref<1x16xf32, #tpu.memory_space<hbm>> -> memref<16xf32, #tpu.memory_space<hbm>>
      %dma_wait3A_42 = arith.constant 0 : i32
      %dma_wait3A_43 = tpu.memref_slice %arg6[%add3A, %dma_wait3A_42] : memref<32x16xf32, #tpu.memory_space<hbm>> -> memref<1x16xf32, #tpu.memory_space<hbm>>
      %dma_wait3A_44 = tpu.memref_squeeze %dma_wait3A_43 : memref<1x16xf32, #tpu.memory_space<hbm>> -> memref<16xf32, #tpu.memory_space<hbm>>
      tpu.wait_dma2 semaphore(%run_scoped3A : memref<!tpu.dma_semaphore, #tpu.memory_space<semaphore_mem>>) src(%arg12 : memref<16xf32, #tpu.memory_space<vmem>>) dst(%dma_wait3A_44 : memref<16xf32, #tpu.memory_space<hbm>>)
      tpu.yield
    }) : () -> ()
    return
  }
}

module attributes {stable_mosaic.version = 14 : i64} {
  func.func @_tc_body(%arg0: i32, %arg1: memref<1x1xi32, #tpu.memory_space<smem>>, %arg2: memref<1x1xf32, #tpu.memory_space<smem>>, %arg3: memref<512x1000xf32, #tpu.memory_space<vmem>>, %arg4: memref<512x1000xf32, #tpu.memory_space<vmem>>, %arg5: memref<1x1xf32, #tpu.memory_space<smem>>, %arg6: memref<1x1xf32, #tpu.memory_space<smem>>, %arg7: memref<8x1000xf32, #tpu.memory_space<vmem>>, %arg8: memref<8x1000xf32, #tpu.memory_space<vmem>>) attributes {dimension_semantics = [#tpu.dimension_semantics<arbitrary>], iteration_bounds = array<i64: 26>, scalar_prefetch = 0 : i64, scratch_operands = 2 : i64, tpu.core_type = #tpu.core_type<tc>, window_params = [{transform_indices = @transform_0, window_bounds = array<i64: 1, 1>}, {transform_indices = @transform_1, window_bounds = array<i64: 1, 1>}, {transform_indices = @transform_2, window_bounds = array<i64: 512, 1000>}, {transform_indices = @transform_3, window_bounds = array<i64: 512, 1000>}, {transform_indices = @transform_4, window_bounds = array<i64: 1, 1>}, {transform_indices = @transform_5, window_bounds = array<i64: 1, 1>}]} {
    %get3A = arith.constant 0 : index
    %get3A_0 = arith.constant 0 : index
    %get3A_1 = memref.load %arg1[%get3A, %get3A_0] : memref<1x1xi32, #tpu.memory_space<smem>>
    %ne3A = arith.constant 0 : i32
    %ne3A_2 = arith.cmpi ne, %get3A_1, %ne3A : i32
    %get3A_3 = arith.constant 0 : index
    %get3A_4 = arith.constant 0 : index
    %get3A_5 = memref.load %arg2[%get3A_3, %get3A_4] : memref<1x1xf32, #tpu.memory_space<smem>>
    %eq3A = arith.constant 0 : i32
    %eq3A_6 = arith.cmpi eq, %arg0, %eq3A : i32
    %convert_element_type3A = arith.extui %eq3A_6 : i1 to i32
    %cond3A = arith.constant 0 : i32
    %cond3A_7 = arith.cmpi ne, %convert_element_type3A, %cond3A : i32
    scf.if %cond3A_7 {
      %broadcast_in_dim3A = arith.constant 0.000000e+00 : f32
      %broadcast_in_dim3A_17 = vector.broadcast %broadcast_in_dim3A : f32 to vector<8x1000xf32>
      %swap3A = arith.constant 0 : index
      %swap3A_18 = arith.constant 0 : index
      %swap3A_19 = vector.load %arg7[%swap3A, %swap3A_18] : memref<8x1000xf32, #tpu.memory_space<vmem>>, vector<8x1000xf32>
      tpu.vector_store %arg7[%swap3A, %swap3A_18], %broadcast_in_dim3A_17 {strides = array<i32>} : memref<8x1000xf32, #tpu.memory_space<vmem>>, vector<8x1000xf32>,
      %broadcast_in_dim3A_20 = arith.constant 0.000000e+00 : f32
      %broadcast_in_dim3A_21 = vector.broadcast %broadcast_in_dim3A_20 : f32 to vector<8x1000xf32>
      %swap3A_22 = arith.constant 0 : index
      %swap3A_23 = arith.constant 0 : index
      %swap3A_24 = vector.load %arg8[%swap3A_22, %swap3A_23] : memref<8x1000xf32, #tpu.memory_space<vmem>>, vector<8x1000xf32>
      tpu.vector_store %arg8[%swap3A_22, %swap3A_23], %broadcast_in_dim3A_21 {strides = array<i32>} : memref<8x1000xf32, #tpu.memory_space<vmem>>, vector<8x1000xf32>,
    } else {
    }
    %scan3A = arith.constant 0 : i32
    %scan3A_8 = arith.constant 4 : i32
    %scan3A_9 = arith.addi %scan3A, %scan3A_8 : i32
    %scan3A_10 = arith.constant 1 : i32
    scf.for %scan3A_17 = %scan3A to %scan3A_9 step %scan3A_10  : i32 {
      %mul3A = arith.constant 16 : i32
      %mul3A_18 = arith.muli %scan3A_17, %mul3A : i32
      %add3A = arith.constant 0 : i32
      %add3A_19 = arith.addi %mul3A_18, %add3A : i32
      %mul3A_20 = arith.constant 8 : i32
      %mul3A_21 = arith.muli %add3A_19, %mul3A_20 : i32
      %get3A_22 = arith.index_cast %mul3A_21 : i32 to index
      %get3A_23 = arith.constant 0 : index
      %get3A_24 = vector.load %arg3[%get3A_22, %get3A_23] : memref<512x1000xf32, #tpu.memory_space<vmem>>, vector<8x1000xf32>
      %mul3A_25 = arith.constant 8 : i32
      %mul3A_26 = arith.muli %add3A_19, %mul3A_25 : i32
      %get3A_27 = arith.index_cast %mul3A_26 : i32 to index
      %get3A_28 = arith.constant 0 : index
      %get3A_29 = vector.load %arg4[%get3A_27, %get3A_28] : memref<512x1000xf32, #tpu.memory_space<vmem>>, vector<8x1000xf32>
      %mul3A_30 = arith.mulf %get3A_24, %get3A_24 : vector<8x1000xf32>
      %sub3A = arith.constant 1.000000e+00 : f32
      %sub3A_31 = vector.broadcast %sub3A : f32 to vector<8x1000xf32>
      %sub3A_32 = arith.subf %sub3A_31, %mul3A_30 : vector<8x1000xf32>
      %max3A = arith.constant 0.000000e+00 : f32
      %max3A_33 = vector.broadcast %max3A : f32 to vector<8x1000xf32>
      %max3A_34 = arith.maximumf %sub3A_32, %max3A_33 : vector<8x1000xf32>
      %sqrt3A = math.sqrt %max3A_34 : vector<8x1000xf32>
      %mul3A_35 = arith.constant 0.87758255 : f32
      %mul3A_36 = vector.broadcast %mul3A_35 : f32 to vector<8x1000xf32>
      %mul3A_37 = arith.mulf %get3A_24, %mul3A_36 : vector<8x1000xf32>
      %mul3A_38 = arith.constant 0.47942555 : f32
      %mul3A_39 = vector.broadcast %mul3A_38 : f32 to vector<8x1000xf32>
      %mul3A_40 = arith.mulf %sqrt3A, %mul3A_39 : vector<8x1000xf32>
      %sub3A_41 = arith.subf %mul3A_37, %mul3A_40 : vector<8x1000xf32>
      %gt3A = arith.constant -0.87758255 : f32
      %gt3A_42 = vector.broadcast %gt3A : f32 to vector<8x1000xf32>
      %gt3A_43 = arith.cmpf ogt, %get3A_24, %gt3A_42 : vector<8x1000xf32>
      %sub3A_44 = arith.constant -2.000000e+00 : f32
      %sub3A_45 = vector.broadcast %sub3A_44 : f32 to vector<8x1000xf32>
      %sub3A_46 = arith.subf %sub3A_45, %sub3A_41 : vector<8x1000xf32>
      %select_n3A = arith.select %gt3A_43, %sub3A_41, %sub3A_46 : vector<8x1000xi1>, vector<8x1000xf32>
      %ne3A_47 = arith.constant 0.000000e+00 : f32
      %ne3A_48 = vector.broadcast %ne3A_47 : f32 to vector<8x1000xf32>
      %ne3A_49 = arith.cmpf one, %get3A_29, %ne3A_48 : vector<8x1000xf32>
      %select_n3A_50 = arith.select %ne3A_2, %select_n3A, %get3A_24 : vector<8x1000xf32>
      %neg3A = arith.constant 0.000000e+00 : f32
      %neg3A_51 = vector.broadcast %neg3A : f32 to vector<8x1000xf32>
      %neg3A_52 = arith.subf %neg3A_51, %select_n3A_50 : vector<8x1000xf32>
      %select_n3A_53 = arith.select %ne3A_49, %neg3A_52, %get3A_24 : vector<8x1000xi1>, vector<8x1000xf32>
      %mul3A_54 = vector.broadcast %get3A_5 : f32 to vector<8x1000xf32>
      %mul3A_55 = arith.mulf %mul3A_54, %select_n3A_53 : vector<8x1000xf32>
      %neg3A_56 = arith.constant 0.000000e+00 : f32
      %neg3A_57 = vector.broadcast %neg3A_56 : f32 to vector<8x1000xf32>
      %neg3A_58 = arith.subf %neg3A_57, %mul3A_55 : vector<8x1000xf32>
      %min3A = arith.minimumf %mul3A_55, %neg3A_58 : vector<8x1000xf32>
      %mul3A_59 = arith.constant 1.44269502 : f32
      %mul3A_60 = vector.broadcast %mul3A_59 : f32 to vector<8x1000xf32>
      %mul3A_61 = arith.mulf %min3A, %mul3A_60 : vector<8x1000xf32>
      %exp23A = math.exp2 %mul3A_61 : vector<8x1000xf32>
      %max3A_62 = arith.constant 0.000000e+00 : f32
      %max3A_63 = vector.broadcast %max3A_62 : f32 to vector<8x1000xf32>
      %max3A_64 = arith.maximumf %mul3A_55, %max3A_63 : vector<8x1000xf32>
      %add3A_65 = arith.constant 1.000000e+00 : f32
      %add3A_66 = vector.broadcast %add3A_65 : f32 to vector<8x1000xf32>
      %add3A_67 = arith.addf %add3A_66, %exp23A : vector<8x1000xf32>
      %log3A = math.log %add3A_67 : vector<8x1000xf32>
      %log3A_68 = arith.constant 2.000000e+00 : f32
      %log3A_69 = math.log %log3A_68 : f32
      %div3A = vector.broadcast %log3A_69 : f32 to vector<8x1000xf32>
      %div3A_70 = arith.divf %log3A, %div3A : vector<8x1000xf32>
      %mul3A_71 = arith.constant 0.693147182 : f32
      %mul3A_72 = vector.broadcast %mul3A_71 : f32 to vector<8x1000xf32>
      %mul3A_73 = arith.mulf %div3A_70, %mul3A_72 : vector<8x1000xf32>
      %add3A_74 = arith.addf %max3A_64, %mul3A_73 : vector<8x1000xf32>
      %sub3A_75 = arith.subf %mul3A_55, %add3A_74 : vector<8x1000xf32>
      %mul3A_76 = arith.constant 2.885390e+00 : f32
      %mul3A_77 = vector.broadcast %mul3A_76 : f32 to vector<8x1000xf32>
      %mul3A_78 = arith.mulf %mul3A_77, %sub3A_75 : vector<8x1000xf32>
      %exp23A_79 = math.exp2 %mul3A_78 : vector<8x1000xf32>
      %mul3A_80 = arith.mulf %exp23A_79, %add3A_74 : vector<8x1000xf32>
      %lt3A = arith.constant 0.000000e+00 : f32
      %lt3A_81 = vector.broadcast %lt3A : f32 to vector<8x1000xf32>
      %lt3A_82 = arith.cmpf olt, %mul3A_55, %lt3A_81 : vector<8x1000xf32>
      %jit3A = arith.constant 1.000000e+00 : f32
      %jit3A_83 = arith.constant 0.000000e+00 : f32
      %broadcast_in_dim3A = vector.broadcast %jit3A : f32 to vector<8x1000xf32>
      %broadcast_in_dim3A_84 = vector.broadcast %jit3A_83 : f32 to vector<8x1000xf32>
      %select_n3A_85 = arith.select %lt3A_82, %broadcast_in_dim3A, %broadcast_in_dim3A_84 : vector<8x1000xi1>, vector<8x1000xf32>
      %mul3A_86 = arith.constant 16 : i32
      %mul3A_87 = arith.muli %scan3A_17, %mul3A_86 : i32
      %add3A_88 = arith.constant 1 : i32
      %add3A_89 = arith.addi %mul3A_87, %add3A_88 : i32
      %mul3A_90 = arith.constant 8 : i32
      %mul3A_91 = arith.muli %add3A_89, %mul3A_90 : i32
      %get3A_92 = arith.index_cast %mul3A_91 : i32 to index
      %get3A_93 = arith.constant 0 : index
      %get3A_94 = vector.load %arg3[%get3A_92, %get3A_93] : memref<512x1000xf32, #tpu.memory_space<vmem>>, vector<8x1000xf32>
      %mul3A_95 = arith.constant 8 : i32
      %mul3A_96 = arith.muli %add3A_89, %mul3A_95 : i32
      %get3A_97 = arith.index_cast %mul3A_96 : i32 to index
      %get3A_98 = arith.constant 0 : index
      %get3A_99 = vector.load %arg4[%get3A_97, %get3A_98] : memref<512x1000xf32, #tpu.memory_space<vmem>>, vector<8x1000xf32>
      %mul3A_100 = arith.mulf %get3A_94, %get3A_94 : vector<8x1000xf32>
      %sub3A_101 = arith.constant 1.000000e+00 : f32
      %sub3A_102 = vector.broadcast %sub3A_101 : f32 to vector<8x1000xf32>
      %sub3A_103 = arith.subf %sub3A_102, %mul3A_100 : vector<8x1000xf32>
      %max3A_104 = arith.constant 0.000000e+00 : f32
      %max3A_105 = vector.broadcast %max3A_104 : f32 to vector<8x1000xf32>
      %max3A_106 = arith.maximumf %sub3A_103, %max3A_105 : vector<8x1000xf32>
      %sqrt3A_107 = math.sqrt %max3A_106 : vector<8x1000xf32>
      %mul3A_108 = arith.constant 0.87758255 : f32
      %mul3A_109 = vector.broadcast %mul3A_108 : f32 to vector<8x1000xf32>
      %mul3A_110 = arith.mulf %get3A_94, %mul3A_109 : vector<8x1000xf32>
      %mul3A_111 = arith.constant 0.47942555 : f32
      %mul3A_112 = vector.broadcast %mul3A_111 : f32 to vector<8x1000xf32>
      %mul3A_113 = arith.mulf %sqrt3A_107, %mul3A_112 : vector<8x1000xf32>
      %sub3A_114 = arith.subf %mul3A_110, %mul3A_113 : vector<8x1000xf32>
      %gt3A_115 = arith.constant -0.87758255 : f32
      %gt3A_116 = vector.broadcast %gt3A_115 : f32 to vector<8x1000xf32>
      %gt3A_117 = arith.cmpf ogt, %get3A_94, %gt3A_116 : vector<8x1000xf32>
      %sub3A_118 = arith.constant -2.000000e+00 : f32
      %sub3A_119 = vector.broadcast %sub3A_118 : f32 to vector<8x1000xf32>
      %sub3A_120 = arith.subf %sub3A_119, %sub3A_114 : vector<8x1000xf32>
      %select_n3A_121 = arith.select %gt3A_117, %sub3A_114, %sub3A_120 : vector<8x1000xi1>, vector<8x1000xf32>
      %ne3A_122 = arith.constant 0.000000e+00 : f32
      %ne3A_123 = vector.broadcast %ne3A_122 : f32 to vector<8x1000xf32>
      %ne3A_124 = arith.cmpf one, %get3A_99, %ne3A_123 : vector<8x1000xf32>
      %select_n3A_125 = arith.select %ne3A_2, %select_n3A_121, %get3A_94 : vector<8x1000xf32>
      %neg3A_126 = arith.constant 0.000000e+00 : f32
      %neg3A_127 = vector.broadcast %neg3A_126 : f32 to vector<8x1000xf32>
      %neg3A_128 = arith.subf %neg3A_127, %select_n3A_125 : vector<8x1000xf32>
      %select_n3A_129 = arith.select %ne3A_124, %neg3A_128, %get3A_94 : vector<8x1000xi1>, vector<8x1000xf32>
      %mul3A_130 = vector.broadcast %get3A_5 : f32 to vector<8x1000xf32>
      %mul3A_131 = arith.mulf %mul3A_130, %select_n3A_129 : vector<8x1000xf32>
      %neg3A_132 = arith.constant 0.000000e+00 : f32
      %neg3A_133 = vector.broadcast %neg3A_132 : f32 to vector<8x1000xf32>
      %neg3A_134 = arith.subf %neg3A_133, %mul3A_131 : vector<8x1000xf32>
      %min3A_135 = arith.minimumf %mul3A_131, %neg3A_134 : vector<8x1000xf32>
      %mul3A_136 = arith.constant 1.44269502 : f32
      %mul3A_137 = vector.broadcast %mul3A_136 : f32 to vector<8x1000xf32>
      %mul3A_138 = arith.mulf %min3A_135, %mul3A_137 : vector<8x1000xf32>
      %exp23A_139 = math.exp2 %mul3A_138 : vector<8x1000xf32>
      %max3A_140 = arith.constant 0.000000e+00 : f32
      %max3A_141 = vector.broadcast %max3A_140 : f32 to vector<8x1000xf32>
      %max3A_142 = arith.maximumf %mul3A_131, %max3A_141 : vector<8x1000xf32>
      %add3A_143 = arith.constant 1.000000e+00 : f32
      %add3A_144 = vector.broadcast %add3A_143 : f32 to vector<8x1000xf32>
      %add3A_145 = arith.addf %add3A_144, %exp23A_139 : vector<8x1000xf32>
      %log3A_146 = math.log %add3A_145 : vector<8x1000xf32>
      %log3A_147 = arith.constant 2.000000e+00 : f32
      %log3A_148 = math.log %log3A_147 : f32
      %div3A_149 = vector.broadcast %log3A_148 : f32 to vector<8x1000xf32>
      %div3A_150 = arith.divf %log3A_146, %div3A_149 : vector<8x1000xf32>
      %mul3A_151 = arith.constant 0.693147182 : f32
      %mul3A_152 = vector.broadcast %mul3A_151 : f32 to vector<8x1000xf32>
      %mul3A_153 = arith.mulf %div3A_150, %mul3A_152 : vector<8x1000xf32>
      %add3A_154 = arith.addf %max3A_142, %mul3A_153 : vector<8x1000xf32>
      %sub3A_155 = arith.subf %mul3A_131, %add3A_154 : vector<8x1000xf32>
      %mul3A_156 = arith.constant 2.885390e+00 : f32
      %mul3A_157 = vector.broadcast %mul3A_156 : f32 to vector<8x1000xf32>
      %mul3A_158 = arith.mulf %mul3A_157, %sub3A_155 : vector<8x1000xf32>
      %exp23A_159 = math.exp2 %mul3A_158 : vector<8x1000xf32>
      %mul3A_160 = arith.mulf %exp23A_159, %add3A_154 : vector<8x1000xf32>
      %lt3A_161 = arith.constant 0.000000e+00 : f32
      %lt3A_162 = vector.broadcast %lt3A_161 : f32 to vector<8x1000xf32>
      %lt3A_163 = arith.cmpf olt, %mul3A_131, %lt3A_162 : vector<8x1000xf32>
      %jit3A_164 = arith.constant 1.000000e+00 : f32
      %jit3A_165 = arith.constant 0.000000e+00 : f32
      %broadcast_in_dim3A_166 = vector.broadcast %jit3A_164 : f32 to vector<8x1000xf32>
      %broadcast_in_dim3A_167 = vector.broadcast %jit3A_165 : f32 to vector<8x1000xf32>
      %select_n3A_168 = arith.select %lt3A_163, %broadcast_in_dim3A_166, %broadcast_in_dim3A_167 : vector<8x1000xi1>, vector<8x1000xf32>
      %mul3A_169 = arith.constant 16 : i32
      %mul3A_170 = arith.muli %scan3A_17, %mul3A_169 : i32
      %add3A_171 = arith.constant 2 : i32
      %add3A_172 = arith.addi %mul3A_170, %add3A_171 : i32
      %mul3A_173 = arith.constant 8 : i32
      %mul3A_174 = arith.muli %add3A_172, %mul3A_173 : i32
      %get3A_175 = arith.index_cast %mul3A_174 : i32 to index
      %get3A_176 = arith.constant 0 : index
      %get3A_177 = vector.load %arg3[%get3A_175, %get3A_176] : memref<512x1000xf32, #tpu.memory_space<vmem>>, vector<8x1000xf32>
      %mul3A_178 = arith.constant 8 : i32
      %mul3A_179 = arith.muli %add3A_172, %mul3A_178 : i32
      %get3A_180 = arith.index_cast %mul3A_179 : i32 to index
      %get3A_181 = arith.constant 0 : index
      %get3A_182 = vector.load %arg4[%get3A_180, %get3A_181] : memref<512x1000xf32, #tpu.memory_space<vmem>>, vector<8x1000xf32>
      %mul3A_183 = arith.mulf %get3A_177, %get3A_177 : vector<8x1000xf32>
      %sub3A_184 = arith.constant 1.000000e+00 : f32
      %sub3A_185 = vector.broadcast %sub3A_184 : f32 to vector<8x1000xf32>
      %sub3A_186 = arith.subf %sub3A_185, %mul3A_183 : vector<8x1000xf32>
      %max3A_187 = arith.constant 0.000000e+00 : f32
      %max3A_188 = vector.broadcast %max3A_187 : f32 to vector<8x1000xf32>
      %max3A_189 = arith.maximumf %sub3A_186, %max3A_188 : vector<8x1000xf32>
      %sqrt3A_190 = math.sqrt %max3A_189 : vector<8x1000xf32>
      %mul3A_191 = arith.constant 0.87758255 : f32
      %mul3A_192 = vector.broadcast %mul3A_191 : f32 to vector<8x1000xf32>
      %mul3A_193 = arith.mulf %get3A_177, %mul3A_192 : vector<8x1000xf32>
      %mul3A_194 = arith.constant 0.47942555 : f32
      %mul3A_195 = vector.broadcast %mul3A_194 : f32 to vector<8x1000xf32>
      %mul3A_196 = arith.mulf %sqrt3A_190, %mul3A_195 : vector<8x1000xf32>
      %sub3A_197 = arith.subf %mul3A_193, %mul3A_196 : vector<8x1000xf32>
      %gt3A_198 = arith.constant -0.87758255 : f32
      %gt3A_199 = vector.broadcast %gt3A_198 : f32 to vector<8x1000xf32>
      %gt3A_200 = arith.cmpf ogt, %get3A_177, %gt3A_199 : vector<8x1000xf32>
      %sub3A_201 = arith.constant -2.000000e+00 : f32
      %sub3A_202 = vector.broadcast %sub3A_201 : f32 to vector<8x1000xf32>
      %sub3A_203 = arith.subf %sub3A_202, %sub3A_197 : vector<8x1000xf32>
      %select_n3A_204 = arith.select %gt3A_200, %sub3A_197, %sub3A_203 : vector<8x1000xi1>, vector<8x1000xf32>
      %ne3A_205 = arith.constant 0.000000e+00 : f32
      %ne3A_206 = vector.broadcast %ne3A_205 : f32 to vector<8x1000xf32>
      %ne3A_207 = arith.cmpf one, %get3A_182, %ne3A_206 : vector<8x1000xf32>
      %select_n3A_208 = arith.select %ne3A_2, %select_n3A_204, %get3A_177 : vector<8x1000xf32>
      %neg3A_209 = arith.constant 0.000000e+00 : f32
      %neg3A_210 = vector.broadcast %neg3A_209 : f32 to vector<8x1000xf32>
      %neg3A_211 = arith.subf %neg3A_210, %select_n3A_208 : vector<8x1000xf32>
      %select_n3A_212 = arith.select %ne3A_207, %neg3A_211, %get3A_177 : vector<8x1000xi1>, vector<8x1000xf32>
      %mul3A_213 = vector.broadcast %get3A_5 : f32 to vector<8x1000xf32>
      %mul3A_214 = arith.mulf %mul3A_213, %select_n3A_212 : vector<8x1000xf32>
      %neg3A_215 = arith.constant 0.000000e+00 : f32
      %neg3A_216 = vector.broadcast %neg3A_215 : f32 to vector<8x1000xf32>
      %neg3A_217 = arith.subf %neg3A_216, %mul3A_214 : vector<8x1000xf32>
      %min3A_218 = arith.minimumf %mul3A_214, %neg3A_217 : vector<8x1000xf32>
      %mul3A_219 = arith.constant 1.44269502 : f32
      %mul3A_220 = vector.broadcast %mul3A_219 : f32 to vector<8x1000xf32>
      %mul3A_221 = arith.mulf %min3A_218, %mul3A_220 : vector<8x1000xf32>
      %exp23A_222 = math.exp2 %mul3A_221 : vector<8x1000xf32>
      %max3A_223 = arith.constant 0.000000e+00 : f32
      %max3A_224 = vector.broadcast %max3A_223 : f32 to vector<8x1000xf32>
      %max3A_225 = arith.maximumf %mul3A_214, %max3A_224 : vector<8x1000xf32>
      %add3A_226 = arith.constant 1.000000e+00 : f32
      %add3A_227 = vector.broadcast %add3A_226 : f32 to vector<8x1000xf32>
      %add3A_228 = arith.addf %add3A_227, %exp23A_222 : vector<8x1000xf32>
      %log3A_229 = math.log %add3A_228 : vector<8x1000xf32>
      %log3A_230 = arith.constant 2.000000e+00 : f32
      %log3A_231 = math.log %log3A_230 : f32
      %div3A_232 = vector.broadcast %log3A_231 : f32 to vector<8x1000xf32>
      %div3A_233 = arith.divf %log3A_229, %div3A_232 : vector<8x1000xf32>
      %mul3A_234 = arith.constant 0.693147182 : f32
      %mul3A_235 = vector.broadcast %mul3A_234 : f32 to vector<8x1000xf32>
      %mul3A_236 = arith.mulf %div3A_233, %mul3A_235 : vector<8x1000xf32>
      %add3A_237 = arith.addf %max3A_225, %mul3A_236 : vector<8x1000xf32>
      %sub3A_238 = arith.subf %mul3A_214, %add3A_237 : vector<8x1000xf32>
      %mul3A_239 = arith.constant 2.885390e+00 : f32
      %mul3A_240 = vector.broadcast %mul3A_239 : f32 to vector<8x1000xf32>
      %mul3A_241 = arith.mulf %mul3A_240, %sub3A_238 : vector<8x1000xf32>
      %exp23A_242 = math.exp2 %mul3A_241 : vector<8x1000xf32>
      %mul3A_243 = arith.mulf %exp23A_242, %add3A_237 : vector<8x1000xf32>
      %lt3A_244 = arith.constant 0.000000e+00 : f32
      %lt3A_245 = vector.broadcast %lt3A_244 : f32 to vector<8x1000xf32>
      %lt3A_246 = arith.cmpf olt, %mul3A_214, %lt3A_245 : vector<8x1000xf32>
      %jit3A_247 = arith.constant 1.000000e+00 : f32
      %jit3A_248 = arith.constant 0.000000e+00 : f32
      %broadcast_in_dim3A_249 = vector.broadcast %jit3A_247 : f32 to vector<8x1000xf32>
      %broadcast_in_dim3A_250 = vector.broadcast %jit3A_248 : f32 to vector<8x1000xf32>
      %select_n3A_251 = arith.select %lt3A_246, %broadcast_in_dim3A_249, %broadcast_in_dim3A_250 : vector<8x1000xi1>, vector<8x1000xf32>
      %mul3A_252 = arith.constant 16 : i32
      %mul3A_253 = arith.muli %scan3A_17, %mul3A_252 : i32
      %add3A_254 = arith.constant 3 : i32
      %add3A_255 = arith.addi %mul3A_253, %add3A_254 : i32
      %mul3A_256 = arith.constant 8 : i32
      %mul3A_257 = arith.muli %add3A_255, %mul3A_256 : i32
      %get3A_258 = arith.index_cast %mul3A_257 : i32 to index
      %get3A_259 = arith.constant 0 : index
      %get3A_260 = vector.load %arg3[%get3A_258, %get3A_259] : memref<512x1000xf32, #tpu.memory_space<vmem>>, vector<8x1000xf32>
      %mul3A_261 = arith.constant 8 : i32
      %mul3A_262 = arith.muli %add3A_255, %mul3A_261 : i32
      %get3A_263 = arith.index_cast %mul3A_262 : i32 to index
      %get3A_264 = arith.constant 0 : index
      %get3A_265 = vector.load %arg4[%get3A_263, %get3A_264] : memref<512x1000xf32, #tpu.memory_space<vmem>>, vector<8x1000xf32>
      %mul3A_266 = arith.mulf %get3A_260, %get3A_260 : vector<8x1000xf32>
      %sub3A_267 = arith.constant 1.000000e+00 : f32
      %sub3A_268 = vector.broadcast %sub3A_267 : f32 to vector<8x1000xf32>
      %sub3A_269 = arith.subf %sub3A_268, %mul3A_266 : vector<8x1000xf32>
      %max3A_270 = arith.constant 0.000000e+00 : f32
      %max3A_271 = vector.broadcast %max3A_270 : f32 to vector<8x1000xf32>
      %max3A_272 = arith.maximumf %sub3A_269, %max3A_271 : vector<8x1000xf32>
      %sqrt3A_273 = math.sqrt %max3A_272 : vector<8x1000xf32>
      %mul3A_274 = arith.constant 0.87758255 : f32
      %mul3A_275 = vector.broadcast %mul3A_274 : f32 to vector<8x1000xf32>
      %mul3A_276 = arith.mulf %get3A_260, %mul3A_275 : vector<8x1000xf32>
      %mul3A_277 = arith.constant 0.47942555 : f32
      %mul3A_278 = vector.broadcast %mul3A_277 : f32 to vector<8x1000xf32>
      %mul3A_279 = arith.mulf %sqrt3A_273, %mul3A_278 : vector<8x1000xf32>
      %sub3A_280 = arith.subf %mul3A_276, %mul3A_279 : vector<8x1000xf32>
      %gt3A_281 = arith.constant -0.87758255 : f32
      %gt3A_282 = vector.broadcast %gt3A_281 : f32 to vector<8x1000xf32>
      %gt3A_283 = arith.cmpf ogt, %get3A_260, %gt3A_282 : vector<8x1000xf32>
      %sub3A_284 = arith.constant -2.000000e+00 : f32
      %sub3A_285 = vector.broadcast %sub3A_284 : f32 to vector<8x1000xf32>
      %sub3A_286 = arith.subf %sub3A_285, %sub3A_280 : vector<8x1000xf32>
      %select_n3A_287 = arith.select %gt3A_283, %sub3A_280, %sub3A_286 : vector<8x1000xi1>, vector<8x1000xf32>
      %ne3A_288 = arith.constant 0.000000e+00 : f32
      %ne3A_289 = vector.broadcast %ne3A_288 : f32 to vector<8x1000xf32>
      %ne3A_290 = arith.cmpf one, %get3A_265, %ne3A_289 : vector<8x1000xf32>
      %select_n3A_291 = arith.select %ne3A_2, %select_n3A_287, %get3A_260 : vector<8x1000xf32>
      %neg3A_292 = arith.constant 0.000000e+00 : f32
      %neg3A_293 = vector.broadcast %neg3A_292 : f32 to vector<8x1000xf32>
      %neg3A_294 = arith.subf %neg3A_293, %select_n3A_291 : vector<8x1000xf32>
      %select_n3A_295 = arith.select %ne3A_290, %neg3A_294, %get3A_260 : vector<8x1000xi1>, vector<8x1000xf32>
      %mul3A_296 = vector.broadcast %get3A_5 : f32 to vector<8x1000xf32>
      %mul3A_297 = arith.mulf %mul3A_296, %select_n3A_295 : vector<8x1000xf32>
      %neg3A_298 = arith.constant 0.000000e+00 : f32
      %neg3A_299 = vector.broadcast %neg3A_298 : f32 to vector<8x1000xf32>
      %neg3A_300 = arith.subf %neg3A_299, %mul3A_297 : vector<8x1000xf32>
      %min3A_301 = arith.minimumf %mul3A_297, %neg3A_300 : vector<8x1000xf32>
      %mul3A_302 = arith.constant 1.44269502 : f32
      %mul3A_303 = vector.broadcast %mul3A_302 : f32 to vector<8x1000xf32>
      %mul3A_304 = arith.mulf %min3A_301, %mul3A_303 : vector<8x1000xf32>
      %exp23A_305 = math.exp2 %mul3A_304 : vector<8x1000xf32>
      %max3A_306 = arith.constant 0.000000e+00 : f32
      %max3A_307 = vector.broadcast %max3A_306 : f32 to vector<8x1000xf32>
      %max3A_308 = arith.maximumf %mul3A_297, %max3A_307 : vector<8x1000xf32>
      %add3A_309 = arith.constant 1.000000e+00 : f32
      %add3A_310 = vector.broadcast %add3A_309 : f32 to vector<8x1000xf32>
      %add3A_311 = arith.addf %add3A_310, %exp23A_305 : vector<8x1000xf32>
      %log3A_312 = math.log %add3A_311 : vector<8x1000xf32>
      %log3A_313 = arith.constant 2.000000e+00 : f32
      %log3A_314 = math.log %log3A_313 : f32
      %div3A_315 = vector.broadcast %log3A_314 : f32 to vector<8x1000xf32>
      %div3A_316 = arith.divf %log3A_312, %div3A_315 : vector<8x1000xf32>
      %mul3A_317 = arith.constant 0.693147182 : f32
      %mul3A_318 = vector.broadcast %mul3A_317 : f32 to vector<8x1000xf32>
      %mul3A_319 = arith.mulf %div3A_316, %mul3A_318 : vector<8x1000xf32>
      %add3A_320 = arith.addf %max3A_308, %mul3A_319 : vector<8x1000xf32>
      %sub3A_321 = arith.subf %mul3A_297, %add3A_320 : vector<8x1000xf32>
      %mul3A_322 = arith.constant 2.885390e+00 : f32
      %mul3A_323 = vector.broadcast %mul3A_322 : f32 to vector<8x1000xf32>
      %mul3A_324 = arith.mulf %mul3A_323, %sub3A_321 : vector<8x1000xf32>
      %exp23A_325 = math.exp2 %mul3A_324 : vector<8x1000xf32>
      %mul3A_326 = arith.mulf %exp23A_325, %add3A_320 : vector<8x1000xf32>
      %lt3A_327 = arith.constant 0.000000e+00 : f32
      %lt3A_328 = vector.broadcast %lt3A_327 : f32 to vector<8x1000xf32>
      %lt3A_329 = arith.cmpf olt, %mul3A_297, %lt3A_328 : vector<8x1000xf32>
      %jit3A_330 = arith.constant 1.000000e+00 : f32
      %jit3A_331 = arith.constant 0.000000e+00 : f32
      %broadcast_in_dim3A_332 = vector.broadcast %jit3A_330 : f32 to vector<8x1000xf32>
      %broadcast_in_dim3A_333 = vector.broadcast %jit3A_331 : f32 to vector<8x1000xf32>
      %select_n3A_334 = arith.select %lt3A_329, %broadcast_in_dim3A_332, %broadcast_in_dim3A_333 : vector<8x1000xi1>, vector<8x1000xf32>
      %mul3A_335 = arith.constant 16 : i32
      %mul3A_336 = arith.muli %scan3A_17, %mul3A_335 : i32
      %add3A_337 = arith.constant 4 : i32
      %add3A_338 = arith.addi %mul3A_336, %add3A_337 : i32
      %mul3A_339 = arith.constant 8 : i32
      %mul3A_340 = arith.muli %add3A_338, %mul3A_339 : i32
      %get3A_341 = arith.index_cast %mul3A_340 : i32 to index
      %get3A_342 = arith.constant 0 : index
      %get3A_343 = vector.load %arg3[%get3A_341, %get3A_342] : memref<512x1000xf32, #tpu.memory_space<vmem>>, vector<8x1000xf32>
      %mul3A_344 = arith.constant 8 : i32
      %mul3A_345 = arith.muli %add3A_338, %mul3A_344 : i32
      %get3A_346 = arith.index_cast %mul3A_345 : i32 to index
      %get3A_347 = arith.constant 0 : index
      %get3A_348 = vector.load %arg4[%get3A_346, %get3A_347] : memref<512x1000xf32, #tpu.memory_space<vmem>>, vector<8x1000xf32>
      %mul3A_349 = arith.mulf %get3A_343, %get3A_343 : vector<8x1000xf32>
      %sub3A_350 = arith.constant 1.000000e+00 : f32
      %sub3A_351 = vector.broadcast %sub3A_350 : f32 to vector<8x1000xf32>
      %sub3A_352 = arith.subf %sub3A_351, %mul3A_349 : vector<8x1000xf32>
      %max3A_353 = arith.constant 0.000000e+00 : f32
      %max3A_354 = vector.broadcast %max3A_353 : f32 to vector<8x1000xf32>
      %max3A_355 = arith.maximumf %sub3A_352, %max3A_354 : vector<8x1000xf32>
      %sqrt3A_356 = math.sqrt %max3A_355 : vector<8x1000xf32>
      %mul3A_357 = arith.constant 0.87758255 : f32
      %mul3A_358 = vector.broadcast %mul3A_357 : f32 to vector<8x1000xf32>
      %mul3A_359 = arith.mulf %get3A_343, %mul3A_358 : vector<8x1000xf32>
      %mul3A_360 = arith.constant 0.47942555 : f32
      %mul3A_361 = vector.broadcast %mul3A_360 : f32 to vector<8x1000xf32>
      %mul3A_362 = arith.mulf %sqrt3A_356, %mul3A_361 : vector<8x1000xf32>
      %sub3A_363 = arith.subf %mul3A_359, %mul3A_362 : vector<8x1000xf32>
      %gt3A_364 = arith.constant -0.87758255 : f32
      %gt3A_365 = vector.broadcast %gt3A_364 : f32 to vector<8x1000xf32>
      %gt3A_366 = arith.cmpf ogt, %get3A_343, %gt3A_365 : vector<8x1000xf32>
      %sub3A_367 = arith.constant -2.000000e+00 : f32
      %sub3A_368 = vector.broadcast %sub3A_367 : f32 to vector<8x1000xf32>
      %sub3A_369 = arith.subf %sub3A_368, %sub3A_363 : vector<8x1000xf32>
      %select_n3A_370 = arith.select %gt3A_366, %sub3A_363, %sub3A_369 : vector<8x1000xi1>, vector<8x1000xf32>
      %ne3A_371 = arith.constant 0.000000e+00 : f32
      %ne3A_372 = vector.broadcast %ne3A_371 : f32 to vector<8x1000xf32>
      %ne3A_373 = arith.cmpf one, %get3A_348, %ne3A_372 : vector<8x1000xf32>
      %select_n3A_374 = arith.select %ne3A_2, %select_n3A_370, %get3A_343 : vector<8x1000xf32>
      %neg3A_375 = arith.constant 0.000000e+00 : f32
      %neg3A_376 = vector.broadcast %neg3A_375 : f32 to vector<8x1000xf32>
      %neg3A_377 = arith.subf %neg3A_376, %select_n3A_374 : vector<8x1000xf32>
      %select_n3A_378 = arith.select %ne3A_373, %neg3A_377, %get3A_343 : vector<8x1000xi1>, vector<8x1000xf32>
      %mul3A_379 = vector.broadcast %get3A_5 : f32 to vector<8x1000xf32>
      %mul3A_380 = arith.mulf %mul3A_379, %select_n3A_378 : vector<8x1000xf32>
      %neg3A_381 = arith.constant 0.000000e+00 : f32
      %neg3A_382 = vector.broadcast %neg3A_381 : f32 to vector<8x1000xf32>
      %neg3A_383 = arith.subf %neg3A_382, %mul3A_380 : vector<8x1000xf32>
      %min3A_384 = arith.minimumf %mul3A_380, %neg3A_383 : vector<8x1000xf32>
      %mul3A_385 = arith.constant 1.44269502 : f32
      %mul3A_386 = vector.broadcast %mul3A_385 : f32 to vector<8x1000xf32>
      %mul3A_387 = arith.mulf %min3A_384, %mul3A_386 : vector<8x1000xf32>
      %exp23A_388 = math.exp2 %mul3A_387 : vector<8x1000xf32>
      %max3A_389 = arith.constant 0.000000e+00 : f32
      %max3A_390 = vector.broadcast %max3A_389 : f32 to vector<8x1000xf32>
      %max3A_391 = arith.maximumf %mul3A_380, %max3A_390 : vector<8x1000xf32>
      %add3A_392 = arith.constant 1.000000e+00 : f32
      %add3A_393 = vector.broadcast %add3A_392 : f32 to vector<8x1000xf32>
      %add3A_394 = arith.addf %add3A_393, %exp23A_388 : vector<8x1000xf32>
      %log3A_395 = math.log %add3A_394 : vector<8x1000xf32>
      %log3A_396 = arith.constant 2.000000e+00 : f32
      %log3A_397 = math.log %log3A_396 : f32
      %div3A_398 = vector.broadcast %log3A_397 : f32 to vector<8x1000xf32>
      %div3A_399 = arith.divf %log3A_395, %div3A_398 : vector<8x1000xf32>
      %mul3A_400 = arith.constant 0.693147182 : f32
      %mul3A_401 = vector.broadcast %mul3A_400 : f32 to vector<8x1000xf32>
      %mul3A_402 = arith.mulf %div3A_399, %mul3A_401 : vector<8x1000xf32>
      %add3A_403 = arith.addf %max3A_391, %mul3A_402 : vector<8x1000xf32>
      %sub3A_404 = arith.subf %mul3A_380, %add3A_403 : vector<8x1000xf32>
      %mul3A_405 = arith.constant 2.885390e+00 : f32
      %mul3A_406 = vector.broadcast %mul3A_405 : f32 to vector<8x1000xf32>
      %mul3A_407 = arith.mulf %mul3A_406, %sub3A_404 : vector<8x1000xf32>
      %exp23A_408 = math.exp2 %mul3A_407 : vector<8x1000xf32>
      %mul3A_409 = arith.mulf %exp23A_408, %add3A_403 : vector<8x1000xf32>
      %lt3A_410 = arith.constant 0.000000e+00 : f32
      %lt3A_411 = vector.broadcast %lt3A_410 : f32 to vector<8x1000xf32>
      %lt3A_412 = arith.cmpf olt, %mul3A_380, %lt3A_411 : vector<8x1000xf32>
      %jit3A_413 = arith.constant 1.000000e+00 : f32
      %jit3A_414 = arith.constant 0.000000e+00 : f32
      %broadcast_in_dim3A_415 = vector.broadcast %jit3A_413 : f32 to vector<8x1000xf32>
      %broadcast_in_dim3A_416 = vector.broadcast %jit3A_414 : f32 to vector<8x1000xf32>
      %select_n3A_417 = arith.select %lt3A_412, %broadcast_in_dim3A_415, %broadcast_in_dim3A_416 : vector<8x1000xi1>, vector<8x1000xf32>
      %mul3A_418 = arith.constant 16 : i32
      %mul3A_419 = arith.muli %scan3A_17, %mul3A_418 : i32
      %add3A_420 = arith.constant 5 : i32
      %add3A_421 = arith.addi %mul3A_419, %add3A_420 : i32
      %mul3A_422 = arith.constant 8 : i32
      %mul3A_423 = arith.muli %add3A_421, %mul3A_422 : i32
      %get3A_424 = arith.index_cast %mul3A_423 : i32 to index
      %get3A_425 = arith.constant 0 : index
      %get3A_426 = vector.load %arg3[%get3A_424, %get3A_425] : memref<512x1000xf32, #tpu.memory_space<vmem>>, vector<8x1000xf32>
      %mul3A_427 = arith.constant 8 : i32
      %mul3A_428 = arith.muli %add3A_421, %mul3A_427 : i32
      %get3A_429 = arith.index_cast %mul3A_428 : i32 to index
      %get3A_430 = arith.constant 0 : index
      %get3A_431 = vector.load %arg4[%get3A_429, %get3A_430] : memref<512x1000xf32, #tpu.memory_space<vmem>>, vector<8x1000xf32>
      %mul3A_432 = arith.mulf %get3A_426, %get3A_426 : vector<8x1000xf32>
      %sub3A_433 = arith.constant 1.000000e+00 : f32
      %sub3A_434 = vector.broadcast %sub3A_433 : f32 to vector<8x1000xf32>
      %sub3A_435 = arith.subf %sub3A_434, %mul3A_432 : vector<8x1000xf32>
      %max3A_436 = arith.constant 0.000000e+00 : f32
      %max3A_437 = vector.broadcast %max3A_436 : f32 to vector<8x1000xf32>
      %max3A_438 = arith.maximumf %sub3A_435, %max3A_437 : vector<8x1000xf32>
      %sqrt3A_439 = math.sqrt %max3A_438 : vector<8x1000xf32>
      %mul3A_440 = arith.constant 0.87758255 : f32
      %mul3A_441 = vector.broadcast %mul3A_440 : f32 to vector<8x1000xf32>
      %mul3A_442 = arith.mulf %get3A_426, %mul3A_441 : vector<8x1000xf32>
      %mul3A_443 = arith.constant 0.47942555 : f32
      %mul3A_444 = vector.broadcast %mul3A_443 : f32 to vector<8x1000xf32>
      %mul3A_445 = arith.mulf %sqrt3A_439, %mul3A_444 : vector<8x1000xf32>
      %sub3A_446 = arith.subf %mul3A_442, %mul3A_445 : vector<8x1000xf32>
      %gt3A_447 = arith.constant -0.87758255 : f32
      %gt3A_448 = vector.broadcast %gt3A_447 : f32 to vector<8x1000xf32>
      %gt3A_449 = arith.cmpf ogt, %get3A_426, %gt3A_448 : vector<8x1000xf32>
      %sub3A_450 = arith.constant -2.000000e+00 : f32
      %sub3A_451 = vector.broadcast %sub3A_450 : f32 to vector<8x1000xf32>
      %sub3A_452 = arith.subf %sub3A_451, %sub3A_446 : vector<8x1000xf32>
      %select_n3A_453 = arith.select %gt3A_449, %sub3A_446, %sub3A_452 : vector<8x1000xi1>, vector<8x1000xf32>
      %ne3A_454 = arith.constant 0.000000e+00 : f32
      %ne3A_455 = vector.broadcast %ne3A_454 : f32 to vector<8x1000xf32>
      %ne3A_456 = arith.cmpf one, %get3A_431, %ne3A_455 : vector<8x1000xf32>
      %select_n3A_457 = arith.select %ne3A_2, %select_n3A_453, %get3A_426 : vector<8x1000xf32>
      %neg3A_458 = arith.constant 0.000000e+00 : f32
      %neg3A_459 = vector.broadcast %neg3A_458 : f32 to vector<8x1000xf32>
      %neg3A_460 = arith.subf %neg3A_459, %select_n3A_457 : vector<8x1000xf32>
      %select_n3A_461 = arith.select %ne3A_456, %neg3A_460, %get3A_426 : vector<8x1000xi1>, vector<8x1000xf32>
      %mul3A_462 = vector.broadcast %get3A_5 : f32 to vector<8x1000xf32>
      %mul3A_463 = arith.mulf %mul3A_462, %select_n3A_461 : vector<8x1000xf32>
      %neg3A_464 = arith.constant 0.000000e+00 : f32
      %neg3A_465 = vector.broadcast %neg3A_464 : f32 to vector<8x1000xf32>
      %neg3A_466 = arith.subf %neg3A_465, %mul3A_463 : vector<8x1000xf32>
      %min3A_467 = arith.minimumf %mul3A_463, %neg3A_466 : vector<8x1000xf32>
      %mul3A_468 = arith.constant 1.44269502 : f32
      %mul3A_469 = vector.broadcast %mul3A_468 : f32 to vector<8x1000xf32>
      %mul3A_470 = arith.mulf %min3A_467, %mul3A_469 : vector<8x1000xf32>
      %exp23A_471 = math.exp2 %mul3A_470 : vector<8x1000xf32>
      %max3A_472 = arith.constant 0.000000e+00 : f32
      %max3A_473 = vector.broadcast %max3A_472 : f32 to vector<8x1000xf32>
      %max3A_474 = arith.maximumf %mul3A_463, %max3A_473 : vector<8x1000xf32>
      %add3A_475 = arith.constant 1.000000e+00 : f32
      %add3A_476 = vector.broadcast %add3A_475 : f32 to vector<8x1000xf32>
      %add3A_477 = arith.addf %add3A_476, %exp23A_471 : vector<8x1000xf32>
      %log3A_478 = math.log %add3A_477 : vector<8x1000xf32>
      %log3A_479 = arith.constant 2.000000e+00 : f32
      %log3A_480 = math.log %log3A_479 : f32
      %div3A_481 = vector.broadcast %log3A_480 : f32 to vector<8x1000xf32>
      %div3A_482 = arith.divf %log3A_478, %div3A_481 : vector<8x1000xf32>
      %mul3A_483 = arith.constant 0.693147182 : f32
      %mul3A_484 = vector.broadcast %mul3A_483 : f32 to vector<8x1000xf32>
      %mul3A_485 = arith.mulf %div3A_482, %mul3A_484 : vector<8x1000xf32>
      %add3A_486 = arith.addf %max3A_474, %mul3A_485 : vector<8x1000xf32>
      %sub3A_487 = arith.subf %mul3A_463, %add3A_486 : vector<8x1000xf32>
      %mul3A_488 = arith.constant 2.885390e+00 : f32
      %mul3A_489 = vector.broadcast %mul3A_488 : f32 to vector<8x1000xf32>
      %mul3A_490 = arith.mulf %mul3A_489, %sub3A_487 : vector<8x1000xf32>
      %exp23A_491 = math.exp2 %mul3A_490 : vector<8x1000xf32>
      %mul3A_492 = arith.mulf %exp23A_491, %add3A_486 : vector<8x1000xf32>
      %lt3A_493 = arith.constant 0.000000e+00 : f32
      %lt3A_494 = vector.broadcast %lt3A_493 : f32 to vector<8x1000xf32>
      %lt3A_495 = arith.cmpf olt, %mul3A_463, %lt3A_494 : vector<8x1000xf32>
      %jit3A_496 = arith.constant 1.000000e+00 : f32
      %jit3A_497 = arith.constant 0.000000e+00 : f32
      %broadcast_in_dim3A_498 = vector.broadcast %jit3A_496 : f32 to vector<8x1000xf32>
      %broadcast_in_dim3A_499 = vector.broadcast %jit3A_497 : f32 to vector<8x1000xf32>
      %select_n3A_500 = arith.select %lt3A_495, %broadcast_in_dim3A_498, %broadcast_in_dim3A_499 : vector<8x1000xi1>, vector<8x1000xf32>
      %mul3A_501 = arith.constant 16 : i32
      %mul3A_502 = arith.muli %scan3A_17, %mul3A_501 : i32
      %add3A_503 = arith.constant 6 : i32
      %add3A_504 = arith.addi %mul3A_502, %add3A_503 : i32
      %mul3A_505 = arith.constant 8 : i32
      %mul3A_506 = arith.muli %add3A_504, %mul3A_505 : i32
      %get3A_507 = arith.index_cast %mul3A_506 : i32 to index
      %get3A_508 = arith.constant 0 : index
      %get3A_509 = vector.load %arg3[%get3A_507, %get3A_508] : memref<512x1000xf32, #tpu.memory_space<vmem>>, vector<8x1000xf32>
      %mul3A_510 = arith.constant 8 : i32
      %mul3A_511 = arith.muli %add3A_504, %mul3A_510 : i32
      %get3A_512 = arith.index_cast %mul3A_511 : i32 to index
      %get3A_513 = arith.constant 0 : index
      %get3A_514 = vector.load %arg4[%get3A_512, %get3A_513] : memref<512x1000xf32, #tpu.memory_space<vmem>>, vector<8x1000xf32>
      %mul3A_515 = arith.mulf %get3A_509, %get3A_509 : vector<8x1000xf32>
      %sub3A_516 = arith.constant 1.000000e+00 : f32
      %sub3A_517 = vector.broadcast %sub3A_516 : f32 to vector<8x1000xf32>
      %sub3A_518 = arith.subf %sub3A_517, %mul3A_515 : vector<8x1000xf32>
      %max3A_519 = arith.constant 0.000000e+00 : f32
      %max3A_520 = vector.broadcast %max3A_519 : f32 to vector<8x1000xf32>
      %max3A_521 = arith.maximumf %sub3A_518, %max3A_520 : vector<8x1000xf32>
      %sqrt3A_522 = math.sqrt %max3A_521 : vector<8x1000xf32>
      %mul3A_523 = arith.constant 0.87758255 : f32
      %mul3A_524 = vector.broadcast %mul3A_523 : f32 to vector<8x1000xf32>
      %mul3A_525 = arith.mulf %get3A_509, %mul3A_524 : vector<8x1000xf32>
      %mul3A_526 = arith.constant 0.47942555 : f32
      %mul3A_527 = vector.broadcast %mul3A_526 : f32 to vector<8x1000xf32>
      %mul3A_528 = arith.mulf %sqrt3A_522, %mul3A_527 : vector<8x1000xf32>
      %sub3A_529 = arith.subf %mul3A_525, %mul3A_528 : vector<8x1000xf32>
      %gt3A_530 = arith.constant -0.87758255 : f32
      %gt3A_531 = vector.broadcast %gt3A_530 : f32 to vector<8x1000xf32>
      %gt3A_532 = arith.cmpf ogt, %get3A_509, %gt3A_531 : vector<8x1000xf32>
      %sub3A_533 = arith.constant -2.000000e+00 : f32
      %sub3A_534 = vector.broadcast %sub3A_533 : f32 to vector<8x1000xf32>
      %sub3A_535 = arith.subf %sub3A_534, %sub3A_529 : vector<8x1000xf32>
      %select_n3A_536 = arith.select %gt3A_532, %sub3A_529, %sub3A_535 : vector<8x1000xi1>, vector<8x1000xf32>
      %ne3A_537 = arith.constant 0.000000e+00 : f32
      %ne3A_538 = vector.broadcast %ne3A_537 : f32 to vector<8x1000xf32>
      %ne3A_539 = arith.cmpf one, %get3A_514, %ne3A_538 : vector<8x1000xf32>
      %select_n3A_540 = arith.select %ne3A_2, %select_n3A_536, %get3A_509 : vector<8x1000xf32>
      %neg3A_541 = arith.constant 0.000000e+00 : f32
      %neg3A_542 = vector.broadcast %neg3A_541 : f32 to vector<8x1000xf32>
      %neg3A_543 = arith.subf %neg3A_542, %select_n3A_540 : vector<8x1000xf32>
      %select_n3A_544 = arith.select %ne3A_539, %neg3A_543, %get3A_509 : vector<8x1000xi1>, vector<8x1000xf32>
      %mul3A_545 = vector.broadcast %get3A_5 : f32 to vector<8x1000xf32>
      %mul3A_546 = arith.mulf %mul3A_545, %select_n3A_544 : vector<8x1000xf32>
      %neg3A_547 = arith.constant 0.000000e+00 : f32
      %neg3A_548 = vector.broadcast %neg3A_547 : f32 to vector<8x1000xf32>
      %neg3A_549 = arith.subf %neg3A_548, %mul3A_546 : vector<8x1000xf32>
      %min3A_550 = arith.minimumf %mul3A_546, %neg3A_549 : vector<8x1000xf32>
      %mul3A_551 = arith.constant 1.44269502 : f32
      %mul3A_552 = vector.broadcast %mul3A_551 : f32 to vector<8x1000xf32>
      %mul3A_553 = arith.mulf %min3A_550, %mul3A_552 : vector<8x1000xf32>
      %exp23A_554 = math.exp2 %mul3A_553 : vector<8x1000xf32>
      %max3A_555 = arith.constant 0.000000e+00 : f32
      %max3A_556 = vector.broadcast %max3A_555 : f32 to vector<8x1000xf32>
      %max3A_557 = arith.maximumf %mul3A_546, %max3A_556 : vector<8x1000xf32>
      %add3A_558 = arith.constant 1.000000e+00 : f32
      %add3A_559 = vector.broadcast %add3A_558 : f32 to vector<8x1000xf32>
      %add3A_560 = arith.addf %add3A_559, %exp23A_554 : vector<8x1000xf32>
      %log3A_561 = math.log %add3A_560 : vector<8x1000xf32>
      %log3A_562 = arith.constant 2.000000e+00 : f32
      %log3A_563 = math.log %log3A_562 : f32
      %div3A_564 = vector.broadcast %log3A_563 : f32 to vector<8x1000xf32>
      %div3A_565 = arith.divf %log3A_561, %div3A_564 : vector<8x1000xf32>
      %mul3A_566 = arith.constant 0.693147182 : f32
      %mul3A_567 = vector.broadcast %mul3A_566 : f32 to vector<8x1000xf32>
      %mul3A_568 = arith.mulf %div3A_565, %mul3A_567 : vector<8x1000xf32>
      %add3A_569 = arith.addf %max3A_557, %mul3A_568 : vector<8x1000xf32>
      %sub3A_570 = arith.subf %mul3A_546, %add3A_569 : vector<8x1000xf32>
      %mul3A_571 = arith.constant 2.885390e+00 : f32
      %mul3A_572 = vector.broadcast %mul3A_571 : f32 to vector<8x1000xf32>
      %mul3A_573 = arith.mulf %mul3A_572, %sub3A_570 : vector<8x1000xf32>
      %exp23A_574 = math.exp2 %mul3A_573 : vector<8x1000xf32>
      %mul3A_575 = arith.mulf %exp23A_574, %add3A_569 : vector<8x1000xf32>
      %lt3A_576 = arith.constant 0.000000e+00 : f32
      %lt3A_577 = vector.broadcast %lt3A_576 : f32 to vector<8x1000xf32>
      %lt3A_578 = arith.cmpf olt, %mul3A_546, %lt3A_577 : vector<8x1000xf32>
      %jit3A_579 = arith.constant 1.000000e+00 : f32
      %jit3A_580 = arith.constant 0.000000e+00 : f32
      %broadcast_in_dim3A_581 = vector.broadcast %jit3A_579 : f32 to vector<8x1000xf32>
      %broadcast_in_dim3A_582 = vector.broadcast %jit3A_580 : f32 to vector<8x1000xf32>
      %select_n3A_583 = arith.select %lt3A_578, %broadcast_in_dim3A_581, %broadcast_in_dim3A_582 : vector<8x1000xi1>, vector<8x1000xf32>
      %mul3A_584 = arith.constant 16 : i32
      %mul3A_585 = arith.muli %scan3A_17, %mul3A_584 : i32
      %add3A_586 = arith.constant 7 : i32
      %add3A_587 = arith.addi %mul3A_585, %add3A_586 : i32
      %mul3A_588 = arith.constant 8 : i32
      %mul3A_589 = arith.muli %add3A_587, %mul3A_588 : i32
      %get3A_590 = arith.index_cast %mul3A_589 : i32 to index
      %get3A_591 = arith.constant 0 : index
      %get3A_592 = vector.load %arg3[%get3A_590, %get3A_591] : memref<512x1000xf32, #tpu.memory_space<vmem>>, vector<8x1000xf32>
      %mul3A_593 = arith.constant 8 : i32
      %mul3A_594 = arith.muli %add3A_587, %mul3A_593 : i32
      %get3A_595 = arith.index_cast %mul3A_594 : i32 to index
      %get3A_596 = arith.constant 0 : index
      %get3A_597 = vector.load %arg4[%get3A_595, %get3A_596] : memref<512x1000xf32, #tpu.memory_space<vmem>>, vector<8x1000xf32>
      %mul3A_598 = arith.mulf %get3A_592, %get3A_592 : vector<8x1000xf32>
      %sub3A_599 = arith.constant 1.000000e+00 : f32
      %sub3A_600 = vector.broadcast %sub3A_599 : f32 to vector<8x1000xf32>
      %sub3A_601 = arith.subf %sub3A_600, %mul3A_598 : vector<8x1000xf32>
      %max3A_602 = arith.constant 0.000000e+00 : f32
      %max3A_603 = vector.broadcast %max3A_602 : f32 to vector<8x1000xf32>
      %max3A_604 = arith.maximumf %sub3A_601, %max3A_603 : vector<8x1000xf32>
      %sqrt3A_605 = math.sqrt %max3A_604 : vector<8x1000xf32>
      %mul3A_606 = arith.constant 0.87758255 : f32
      %mul3A_607 = vector.broadcast %mul3A_606 : f32 to vector<8x1000xf32>
      %mul3A_608 = arith.mulf %get3A_592, %mul3A_607 : vector<8x1000xf32>
      %mul3A_609 = arith.constant 0.47942555 : f32
      %mul3A_610 = vector.broadcast %mul3A_609 : f32 to vector<8x1000xf32>
      %mul3A_611 = arith.mulf %sqrt3A_605, %mul3A_610 : vector<8x1000xf32>
      %sub3A_612 = arith.subf %mul3A_608, %mul3A_611 : vector<8x1000xf32>
      %gt3A_613 = arith.constant -0.87758255 : f32
      %gt3A_614 = vector.broadcast %gt3A_613 : f32 to vector<8x1000xf32>
      %gt3A_615 = arith.cmpf ogt, %get3A_592, %gt3A_614 : vector<8x1000xf32>
      %sub3A_616 = arith.constant -2.000000e+00 : f32
      %sub3A_617 = vector.broadcast %sub3A_616 : f32 to vector<8x1000xf32>
      %sub3A_618 = arith.subf %sub3A_617, %sub3A_612 : vector<8x1000xf32>
      %select_n3A_619 = arith.select %gt3A_615, %sub3A_612, %sub3A_618 : vector<8x1000xi1>, vector<8x1000xf32>
      %ne3A_620 = arith.constant 0.000000e+00 : f32
      %ne3A_621 = vector.broadcast %ne3A_620 : f32 to vector<8x1000xf32>
      %ne3A_622 = arith.cmpf one, %get3A_597, %ne3A_621 : vector<8x1000xf32>
      %select_n3A_623 = arith.select %ne3A_2, %select_n3A_619, %get3A_592 : vector<8x1000xf32>
      %neg3A_624 = arith.constant 0.000000e+00 : f32
      %neg3A_625 = vector.broadcast %neg3A_624 : f32 to vector<8x1000xf32>
      %neg3A_626 = arith.subf %neg3A_625, %select_n3A_623 : vector<8x1000xf32>
      %select_n3A_627 = arith.select %ne3A_622, %neg3A_626, %get3A_592 : vector<8x1000xi1>, vector<8x1000xf32>
      %mul3A_628 = vector.broadcast %get3A_5 : f32 to vector<8x1000xf32>
      %mul3A_629 = arith.mulf %mul3A_628, %select_n3A_627 : vector<8x1000xf32>
      %neg3A_630 = arith.constant 0.000000e+00 : f32
      %neg3A_631 = vector.broadcast %neg3A_630 : f32 to vector<8x1000xf32>
      %neg3A_632 = arith.subf %neg3A_631, %mul3A_629 : vector<8x1000xf32>
      %min3A_633 = arith.minimumf %mul3A_629, %neg3A_632 : vector<8x1000xf32>
      %mul3A_634 = arith.constant 1.44269502 : f32
      %mul3A_635 = vector.broadcast %mul3A_634 : f32 to vector<8x1000xf32>
      %mul3A_636 = arith.mulf %min3A_633, %mul3A_635 : vector<8x1000xf32>
      %exp23A_637 = math.exp2 %mul3A_636 : vector<8x1000xf32>
      %max3A_638 = arith.constant 0.000000e+00 : f32
      %max3A_639 = vector.broadcast %max3A_638 : f32 to vector<8x1000xf32>
      %max3A_640 = arith.maximumf %mul3A_629, %max3A_639 : vector<8x1000xf32>
      %add3A_641 = arith.constant 1.000000e+00 : f32
      %add3A_642 = vector.broadcast %add3A_641 : f32 to vector<8x1000xf32>
      %add3A_643 = arith.addf %add3A_642, %exp23A_637 : vector<8x1000xf32>
      %log3A_644 = math.log %add3A_643 : vector<8x1000xf32>
      %log3A_645 = arith.constant 2.000000e+00 : f32
      %log3A_646 = math.log %log3A_645 : f32
      %div3A_647 = vector.broadcast %log3A_646 : f32 to vector<8x1000xf32>
      %div3A_648 = arith.divf %log3A_644, %div3A_647 : vector<8x1000xf32>
      %mul3A_649 = arith.constant 0.693147182 : f32
      %mul3A_650 = vector.broadcast %mul3A_649 : f32 to vector<8x1000xf32>
      %mul3A_651 = arith.mulf %div3A_648, %mul3A_650 : vector<8x1000xf32>
      %add3A_652 = arith.addf %max3A_640, %mul3A_651 : vector<8x1000xf32>
      %sub3A_653 = arith.subf %mul3A_629, %add3A_652 : vector<8x1000xf32>
      %mul3A_654 = arith.constant 2.885390e+00 : f32
      %mul3A_655 = vector.broadcast %mul3A_654 : f32 to vector<8x1000xf32>
      %mul3A_656 = arith.mulf %mul3A_655, %sub3A_653 : vector<8x1000xf32>
      %exp23A_657 = math.exp2 %mul3A_656 : vector<8x1000xf32>
      %mul3A_658 = arith.mulf %exp23A_657, %add3A_652 : vector<8x1000xf32>
      %lt3A_659 = arith.constant 0.000000e+00 : f32
      %lt3A_660 = vector.broadcast %lt3A_659 : f32 to vector<8x1000xf32>
      %lt3A_661 = arith.cmpf olt, %mul3A_629, %lt3A_660 : vector<8x1000xf32>
      %jit3A_662 = arith.constant 1.000000e+00 : f32
      %jit3A_663 = arith.constant 0.000000e+00 : f32
      %broadcast_in_dim3A_664 = vector.broadcast %jit3A_662 : f32 to vector<8x1000xf32>
      %broadcast_in_dim3A_665 = vector.broadcast %jit3A_663 : f32 to vector<8x1000xf32>
      %select_n3A_666 = arith.select %lt3A_661, %broadcast_in_dim3A_664, %broadcast_in_dim3A_665 : vector<8x1000xi1>, vector<8x1000xf32>
      %mul3A_667 = arith.constant 16 : i32
      %mul3A_668 = arith.muli %scan3A_17, %mul3A_667 : i32
      %add3A_669 = arith.constant 8 : i32
      %add3A_670 = arith.addi %mul3A_668, %add3A_669 : i32
      %mul3A_671 = arith.constant 8 : i32
      %mul3A_672 = arith.muli %add3A_670, %mul3A_671 : i32
      %get3A_673 = arith.index_cast %mul3A_672 : i32 to index
      %get3A_674 = arith.constant 0 : index
      %get3A_675 = vector.load %arg3[%get3A_673, %get3A_674] : memref<512x1000xf32, #tpu.memory_space<vmem>>, vector<8x1000xf32>
      %mul3A_676 = arith.constant 8 : i32
      %mul3A_677 = arith.muli %add3A_670, %mul3A_676 : i32
      %get3A_678 = arith.index_cast %mul3A_677 : i32 to index
      %get3A_679 = arith.constant 0 : index
      %get3A_680 = vector.load %arg4[%get3A_678, %get3A_679] : memref<512x1000xf32, #tpu.memory_space<vmem>>, vector<8x1000xf32>
      %mul3A_681 = arith.mulf %get3A_675, %get3A_675 : vector<8x1000xf32>
      %sub3A_682 = arith.constant 1.000000e+00 : f32
      %sub3A_683 = vector.broadcast %sub3A_682 : f32 to vector<8x1000xf32>
      %sub3A_684 = arith.subf %sub3A_683, %mul3A_681 : vector<8x1000xf32>
      %max3A_685 = arith.constant 0.000000e+00 : f32
      %max3A_686 = vector.broadcast %max3A_685 : f32 to vector<8x1000xf32>
      %max3A_687 = arith.maximumf %sub3A_684, %max3A_686 : vector<8x1000xf32>
      %sqrt3A_688 = math.sqrt %max3A_687 : vector<8x1000xf32>
      %mul3A_689 = arith.constant 0.87758255 : f32
      %mul3A_690 = vector.broadcast %mul3A_689 : f32 to vector<8x1000xf32>
      %mul3A_691 = arith.mulf %get3A_675, %mul3A_690 : vector<8x1000xf32>
      %mul3A_692 = arith.constant 0.47942555 : f32
      %mul3A_693 = vector.broadcast %mul3A_692 : f32 to vector<8x1000xf32>
      %mul3A_694 = arith.mulf %sqrt3A_688, %mul3A_693 : vector<8x1000xf32>
      %sub3A_695 = arith.subf %mul3A_691, %mul3A_694 : vector<8x1000xf32>
      %gt3A_696 = arith.constant -0.87758255 : f32
      %gt3A_697 = vector.broadcast %gt3A_696 : f32 to vector<8x1000xf32>
      %gt3A_698 = arith.cmpf ogt, %get3A_675, %gt3A_697 : vector<8x1000xf32>
      %sub3A_699 = arith.constant -2.000000e+00 : f32
      %sub3A_700 = vector.broadcast %sub3A_699 : f32 to vector<8x1000xf32>
      %sub3A_701 = arith.subf %sub3A_700, %sub3A_695 : vector<8x1000xf32>
      %select_n3A_702 = arith.select %gt3A_698, %sub3A_695, %sub3A_701 : vector<8x1000xi1>, vector<8x1000xf32>
      %ne3A_703 = arith.constant 0.000000e+00 : f32
      %ne3A_704 = vector.broadcast %ne3A_703 : f32 to vector<8x1000xf32>
      %ne3A_705 = arith.cmpf one, %get3A_680, %ne3A_704 : vector<8x1000xf32>
      %select_n3A_706 = arith.select %ne3A_2, %select_n3A_702, %get3A_675 : vector<8x1000xf32>
      %neg3A_707 = arith.constant 0.000000e+00 : f32
      %neg3A_708 = vector.broadcast %neg3A_707 : f32 to vector<8x1000xf32>
      %neg3A_709 = arith.subf %neg3A_708, %select_n3A_706 : vector<8x1000xf32>
      %select_n3A_710 = arith.select %ne3A_705, %neg3A_709, %get3A_675 : vector<8x1000xi1>, vector<8x1000xf32>
      %mul3A_711 = vector.broadcast %get3A_5 : f32 to vector<8x1000xf32>
      %mul3A_712 = arith.mulf %mul3A_711, %select_n3A_710 : vector<8x1000xf32>
      %neg3A_713 = arith.constant 0.000000e+00 : f32
      %neg3A_714 = vector.broadcast %neg3A_713 : f32 to vector<8x1000xf32>
      %neg3A_715 = arith.subf %neg3A_714, %mul3A_712 : vector<8x1000xf32>
      %min3A_716 = arith.minimumf %mul3A_712, %neg3A_715 : vector<8x1000xf32>
      %mul3A_717 = arith.constant 1.44269502 : f32
      %mul3A_718 = vector.broadcast %mul3A_717 : f32 to vector<8x1000xf32>
      %mul3A_719 = arith.mulf %min3A_716, %mul3A_718 : vector<8x1000xf32>
      %exp23A_720 = math.exp2 %mul3A_719 : vector<8x1000xf32>
      %max3A_721 = arith.constant 0.000000e+00 : f32
      %max3A_722 = vector.broadcast %max3A_721 : f32 to vector<8x1000xf32>
      %max3A_723 = arith.maximumf %mul3A_712, %max3A_722 : vector<8x1000xf32>
      %add3A_724 = arith.constant 1.000000e+00 : f32
      %add3A_725 = vector.broadcast %add3A_724 : f32 to vector<8x1000xf32>
      %add3A_726 = arith.addf %add3A_725, %exp23A_720 : vector<8x1000xf32>
      %log3A_727 = math.log %add3A_726 : vector<8x1000xf32>
      %log3A_728 = arith.constant 2.000000e+00 : f32
      %log3A_729 = math.log %log3A_728 : f32
      %div3A_730 = vector.broadcast %log3A_729 : f32 to vector<8x1000xf32>
      %div3A_731 = arith.divf %log3A_727, %div3A_730 : vector<8x1000xf32>
      %mul3A_732 = arith.constant 0.693147182 : f32
      %mul3A_733 = vector.broadcast %mul3A_732 : f32 to vector<8x1000xf32>
      %mul3A_734 = arith.mulf %div3A_731, %mul3A_733 : vector<8x1000xf32>
      %add3A_735 = arith.addf %max3A_723, %mul3A_734 : vector<8x1000xf32>
      %sub3A_736 = arith.subf %mul3A_712, %add3A_735 : vector<8x1000xf32>
      %mul3A_737 = arith.constant 2.885390e+00 : f32
      %mul3A_738 = vector.broadcast %mul3A_737 : f32 to vector<8x1000xf32>
      %mul3A_739 = arith.mulf %mul3A_738, %sub3A_736 : vector<8x1000xf32>
      %exp23A_740 = math.exp2 %mul3A_739 : vector<8x1000xf32>
      %mul3A_741 = arith.mulf %exp23A_740, %add3A_735 : vector<8x1000xf32>
      %lt3A_742 = arith.constant 0.000000e+00 : f32
      %lt3A_743 = vector.broadcast %lt3A_742 : f32 to vector<8x1000xf32>
      %lt3A_744 = arith.cmpf olt, %mul3A_712, %lt3A_743 : vector<8x1000xf32>
      %jit3A_745 = arith.constant 1.000000e+00 : f32
      %jit3A_746 = arith.constant 0.000000e+00 : f32
      %broadcast_in_dim3A_747 = vector.broadcast %jit3A_745 : f32 to vector<8x1000xf32>
      %broadcast_in_dim3A_748 = vector.broadcast %jit3A_746 : f32 to vector<8x1000xf32>
      %select_n3A_749 = arith.select %lt3A_744, %broadcast_in_dim3A_747, %broadcast_in_dim3A_748 : vector<8x1000xi1>, vector<8x1000xf32>
      %mul3A_750 = arith.constant 16 : i32
      %mul3A_751 = arith.muli %scan3A_17, %mul3A_750 : i32
      %add3A_752 = arith.constant 9 : i32
      %add3A_753 = arith.addi %mul3A_751, %add3A_752 : i32
      %mul3A_754 = arith.constant 8 : i32
      %mul3A_755 = arith.muli %add3A_753, %mul3A_754 : i32
      %get3A_756 = arith.index_cast %mul3A_755 : i32 to index
      %get3A_757 = arith.constant 0 : index
      %get3A_758 = vector.load %arg3[%get3A_756, %get3A_757] : memref<512x1000xf32, #tpu.memory_space<vmem>>, vector<8x1000xf32>
      %mul3A_759 = arith.constant 8 : i32
      %mul3A_760 = arith.muli %add3A_753, %mul3A_759 : i32
      %get3A_761 = arith.index_cast %mul3A_760 : i32 to index
      %get3A_762 = arith.constant 0 : index
      %get3A_763 = vector.load %arg4[%get3A_761, %get3A_762] : memref<512x1000xf32, #tpu.memory_space<vmem>>, vector<8x1000xf32>
      %mul3A_764 = arith.mulf %get3A_758, %get3A_758 : vector<8x1000xf32>
      %sub3A_765 = arith.constant 1.000000e+00 : f32
      %sub3A_766 = vector.broadcast %sub3A_765 : f32 to vector<8x1000xf32>
      %sub3A_767 = arith.subf %sub3A_766, %mul3A_764 : vector<8x1000xf32>
      %max3A_768 = arith.constant 0.000000e+00 : f32
      %max3A_769 = vector.broadcast %max3A_768 : f32 to vector<8x1000xf32>
      %max3A_770 = arith.maximumf %sub3A_767, %max3A_769 : vector<8x1000xf32>
      %sqrt3A_771 = math.sqrt %max3A_770 : vector<8x1000xf32>
      %mul3A_772 = arith.constant 0.87758255 : f32
      %mul3A_773 = vector.broadcast %mul3A_772 : f32 to vector<8x1000xf32>
      %mul3A_774 = arith.mulf %get3A_758, %mul3A_773 : vector<8x1000xf32>
      %mul3A_775 = arith.constant 0.47942555 : f32
      %mul3A_776 = vector.broadcast %mul3A_775 : f32 to vector<8x1000xf32>
      %mul3A_777 = arith.mulf %sqrt3A_771, %mul3A_776 : vector<8x1000xf32>
      %sub3A_778 = arith.subf %mul3A_774, %mul3A_777 : vector<8x1000xf32>
      %gt3A_779 = arith.constant -0.87758255 : f32
      %gt3A_780 = vector.broadcast %gt3A_779 : f32 to vector<8x1000xf32>
      %gt3A_781 = arith.cmpf ogt, %get3A_758, %gt3A_780 : vector<8x1000xf32>
      %sub3A_782 = arith.constant -2.000000e+00 : f32
      %sub3A_783 = vector.broadcast %sub3A_782 : f32 to vector<8x1000xf32>
      %sub3A_784 = arith.subf %sub3A_783, %sub3A_778 : vector<8x1000xf32>
      %select_n3A_785 = arith.select %gt3A_781, %sub3A_778, %sub3A_784 : vector<8x1000xi1>, vector<8x1000xf32>
      %ne3A_786 = arith.constant 0.000000e+00 : f32
      %ne3A_787 = vector.broadcast %ne3A_786 : f32 to vector<8x1000xf32>
      %ne3A_788 = arith.cmpf one, %get3A_763, %ne3A_787 : vector<8x1000xf32>
      %select_n3A_789 = arith.select %ne3A_2, %select_n3A_785, %get3A_758 : vector<8x1000xf32>
      %neg3A_790 = arith.constant 0.000000e+00 : f32
      %neg3A_791 = vector.broadcast %neg3A_790 : f32 to vector<8x1000xf32>
      %neg3A_792 = arith.subf %neg3A_791, %select_n3A_789 : vector<8x1000xf32>
      %select_n3A_793 = arith.select %ne3A_788, %neg3A_792, %get3A_758 : vector<8x1000xi1>, vector<8x1000xf32>
      %mul3A_794 = vector.broadcast %get3A_5 : f32 to vector<8x1000xf32>
      %mul3A_795 = arith.mulf %mul3A_794, %select_n3A_793 : vector<8x1000xf32>
      %neg3A_796 = arith.constant 0.000000e+00 : f32
      %neg3A_797 = vector.broadcast %neg3A_796 : f32 to vector<8x1000xf32>
      %neg3A_798 = arith.subf %neg3A_797, %mul3A_795 : vector<8x1000xf32>
      %min3A_799 = arith.minimumf %mul3A_795, %neg3A_798 : vector<8x1000xf32>
      %mul3A_800 = arith.constant 1.44269502 : f32
      %mul3A_801 = vector.broadcast %mul3A_800 : f32 to vector<8x1000xf32>
      %mul3A_802 = arith.mulf %min3A_799, %mul3A_801 : vector<8x1000xf32>
      %exp23A_803 = math.exp2 %mul3A_802 : vector<8x1000xf32>
      %max3A_804 = arith.constant 0.000000e+00 : f32
      %max3A_805 = vector.broadcast %max3A_804 : f32 to vector<8x1000xf32>
      %max3A_806 = arith.maximumf %mul3A_795, %max3A_805 : vector<8x1000xf32>
      %add3A_807 = arith.constant 1.000000e+00 : f32
      %add3A_808 = vector.broadcast %add3A_807 : f32 to vector<8x1000xf32>
      %add3A_809 = arith.addf %add3A_808, %exp23A_803 : vector<8x1000xf32>
      %log3A_810 = math.log %add3A_809 : vector<8x1000xf32>
      %log3A_811 = arith.constant 2.000000e+00 : f32
      %log3A_812 = math.log %log3A_811 : f32
      %div3A_813 = vector.broadcast %log3A_812 : f32 to vector<8x1000xf32>
      %div3A_814 = arith.divf %log3A_810, %div3A_813 : vector<8x1000xf32>
      %mul3A_815 = arith.constant 0.693147182 : f32
      %mul3A_816 = vector.broadcast %mul3A_815 : f32 to vector<8x1000xf32>
      %mul3A_817 = arith.mulf %div3A_814, %mul3A_816 : vector<8x1000xf32>
      %add3A_818 = arith.addf %max3A_806, %mul3A_817 : vector<8x1000xf32>
      %sub3A_819 = arith.subf %mul3A_795, %add3A_818 : vector<8x1000xf32>
      %mul3A_820 = arith.constant 2.885390e+00 : f32
      %mul3A_821 = vector.broadcast %mul3A_820 : f32 to vector<8x1000xf32>
      %mul3A_822 = arith.mulf %mul3A_821, %sub3A_819 : vector<8x1000xf32>
      %exp23A_823 = math.exp2 %mul3A_822 : vector<8x1000xf32>
      %mul3A_824 = arith.mulf %exp23A_823, %add3A_818 : vector<8x1000xf32>
      %lt3A_825 = arith.constant 0.000000e+00 : f32
      %lt3A_826 = vector.broadcast %lt3A_825 : f32 to vector<8x1000xf32>
      %lt3A_827 = arith.cmpf olt, %mul3A_795, %lt3A_826 : vector<8x1000xf32>
      %jit3A_828 = arith.constant 1.000000e+00 : f32
      %jit3A_829 = arith.constant 0.000000e+00 : f32
      %broadcast_in_dim3A_830 = vector.broadcast %jit3A_828 : f32 to vector<8x1000xf32>
      %broadcast_in_dim3A_831 = vector.broadcast %jit3A_829 : f32 to vector<8x1000xf32>
      %select_n3A_832 = arith.select %lt3A_827, %broadcast_in_dim3A_830, %broadcast_in_dim3A_831 : vector<8x1000xi1>, vector<8x1000xf32>
      %mul3A_833 = arith.constant 16 : i32
      %mul3A_834 = arith.muli %scan3A_17, %mul3A_833 : i32
      %add3A_835 = arith.constant 10 : i32
      %add3A_836 = arith.addi %mul3A_834, %add3A_835 : i32
      %mul3A_837 = arith.constant 8 : i32
      %mul3A_838 = arith.muli %add3A_836, %mul3A_837 : i32
      %get3A_839 = arith.index_cast %mul3A_838 : i32 to index
      %get3A_840 = arith.constant 0 : index
      %get3A_841 = vector.load %arg3[%get3A_839, %get3A_840] : memref<512x1000xf32, #tpu.memory_space<vmem>>, vector<8x1000xf32>
      %mul3A_842 = arith.constant 8 : i32
      %mul3A_843 = arith.muli %add3A_836, %mul3A_842 : i32
      %get3A_844 = arith.index_cast %mul3A_843 : i32 to index
      %get3A_845 = arith.constant 0 : index
      %get3A_846 = vector.load %arg4[%get3A_844, %get3A_845] : memref<512x1000xf32, #tpu.memory_space<vmem>>, vector<8x1000xf32>
      %mul3A_847 = arith.mulf %get3A_841, %get3A_841 : vector<8x1000xf32>
      %sub3A_848 = arith.constant 1.000000e+00 : f32
      %sub3A_849 = vector.broadcast %sub3A_848 : f32 to vector<8x1000xf32>
      %sub3A_850 = arith.subf %sub3A_849, %mul3A_847 : vector<8x1000xf32>
      %max3A_851 = arith.constant 0.000000e+00 : f32
      %max3A_852 = vector.broadcast %max3A_851 : f32 to vector<8x1000xf32>
      %max3A_853 = arith.maximumf %sub3A_850, %max3A_852 : vector<8x1000xf32>
      %sqrt3A_854 = math.sqrt %max3A_853 : vector<8x1000xf32>
      %mul3A_855 = arith.constant 0.87758255 : f32
      %mul3A_856 = vector.broadcast %mul3A_855 : f32 to vector<8x1000xf32>
      %mul3A_857 = arith.mulf %get3A_841, %mul3A_856 : vector<8x1000xf32>
      %mul3A_858 = arith.constant 0.47942555 : f32
      %mul3A_859 = vector.broadcast %mul3A_858 : f32 to vector<8x1000xf32>
      %mul3A_860 = arith.mulf %sqrt3A_854, %mul3A_859 : vector<8x1000xf32>
      %sub3A_861 = arith.subf %mul3A_857, %mul3A_860 : vector<8x1000xf32>
      %gt3A_862 = arith.constant -0.87758255 : f32
      %gt3A_863 = vector.broadcast %gt3A_862 : f32 to vector<8x1000xf32>
      %gt3A_864 = arith.cmpf ogt, %get3A_841, %gt3A_863 : vector<8x1000xf32>
      %sub3A_865 = arith.constant -2.000000e+00 : f32
      %sub3A_866 = vector.broadcast %sub3A_865 : f32 to vector<8x1000xf32>
      %sub3A_867 = arith.subf %sub3A_866, %sub3A_861 : vector<8x1000xf32>
      %select_n3A_868 = arith.select %gt3A_864, %sub3A_861, %sub3A_867 : vector<8x1000xi1>, vector<8x1000xf32>
      %ne3A_869 = arith.constant 0.000000e+00 : f32
      %ne3A_870 = vector.broadcast %ne3A_869 : f32 to vector<8x1000xf32>
      %ne3A_871 = arith.cmpf one, %get3A_846, %ne3A_870 : vector<8x1000xf32>
      %select_n3A_872 = arith.select %ne3A_2, %select_n3A_868, %get3A_841 : vector<8x1000xf32>
      %neg3A_873 = arith.constant 0.000000e+00 : f32
      %neg3A_874 = vector.broadcast %neg3A_873 : f32 to vector<8x1000xf32>
      %neg3A_875 = arith.subf %neg3A_874, %select_n3A_872 : vector<8x1000xf32>
      %select_n3A_876 = arith.select %ne3A_871, %neg3A_875, %get3A_841 : vector<8x1000xi1>, vector<8x1000xf32>
      %mul3A_877 = vector.broadcast %get3A_5 : f32 to vector<8x1000xf32>
      %mul3A_878 = arith.mulf %mul3A_877, %select_n3A_876 : vector<8x1000xf32>
      %neg3A_879 = arith.constant 0.000000e+00 : f32
      %neg3A_880 = vector.broadcast %neg3A_879 : f32 to vector<8x1000xf32>
      %neg3A_881 = arith.subf %neg3A_880, %mul3A_878 : vector<8x1000xf32>
      %min3A_882 = arith.minimumf %mul3A_878, %neg3A_881 : vector<8x1000xf32>
      %mul3A_883 = arith.constant 1.44269502 : f32
      %mul3A_884 = vector.broadcast %mul3A_883 : f32 to vector<8x1000xf32>
      %mul3A_885 = arith.mulf %min3A_882, %mul3A_884 : vector<8x1000xf32>
      %exp23A_886 = math.exp2 %mul3A_885 : vector<8x1000xf32>
      %max3A_887 = arith.constant 0.000000e+00 : f32
      %max3A_888 = vector.broadcast %max3A_887 : f32 to vector<8x1000xf32>
      %max3A_889 = arith.maximumf %mul3A_878, %max3A_888 : vector<8x1000xf32>
      %add3A_890 = arith.constant 1.000000e+00 : f32
      %add3A_891 = vector.broadcast %add3A_890 : f32 to vector<8x1000xf32>
      %add3A_892 = arith.addf %add3A_891, %exp23A_886 : vector<8x1000xf32>
      %log3A_893 = math.log %add3A_892 : vector<8x1000xf32>
      %log3A_894 = arith.constant 2.000000e+00 : f32
      %log3A_895 = math.log %log3A_894 : f32
      %div3A_896 = vector.broadcast %log3A_895 : f32 to vector<8x1000xf32>
      %div3A_897 = arith.divf %log3A_893, %div3A_896 : vector<8x1000xf32>
      %mul3A_898 = arith.constant 0.693147182 : f32
      %mul3A_899 = vector.broadcast %mul3A_898 : f32 to vector<8x1000xf32>
      %mul3A_900 = arith.mulf %div3A_897, %mul3A_899 : vector<8x1000xf32>
      %add3A_901 = arith.addf %max3A_889, %mul3A_900 : vector<8x1000xf32>
      %sub3A_902 = arith.subf %mul3A_878, %add3A_901 : vector<8x1000xf32>
      %mul3A_903 = arith.constant 2.885390e+00 : f32
      %mul3A_904 = vector.broadcast %mul3A_903 : f32 to vector<8x1000xf32>
      %mul3A_905 = arith.mulf %mul3A_904, %sub3A_902 : vector<8x1000xf32>
      %exp23A_906 = math.exp2 %mul3A_905 : vector<8x1000xf32>
      %mul3A_907 = arith.mulf %exp23A_906, %add3A_901 : vector<8x1000xf32>
      %lt3A_908 = arith.constant 0.000000e+00 : f32
      %lt3A_909 = vector.broadcast %lt3A_908 : f32 to vector<8x1000xf32>
      %lt3A_910 = arith.cmpf olt, %mul3A_878, %lt3A_909 : vector<8x1000xf32>
      %jit3A_911 = arith.constant 1.000000e+00 : f32
      %jit3A_912 = arith.constant 0.000000e+00 : f32
      %broadcast_in_dim3A_913 = vector.broadcast %jit3A_911 : f32 to vector<8x1000xf32>
      %broadcast_in_dim3A_914 = vector.broadcast %jit3A_912 : f32 to vector<8x1000xf32>
      %select_n3A_915 = arith.select %lt3A_910, %broadcast_in_dim3A_913, %broadcast_in_dim3A_914 : vector<8x1000xi1>, vector<8x1000xf32>
      %mul3A_916 = arith.constant 16 : i32
      %mul3A_917 = arith.muli %scan3A_17, %mul3A_916 : i32
      %add3A_918 = arith.constant 11 : i32
      %add3A_919 = arith.addi %mul3A_917, %add3A_918 : i32
      %mul3A_920 = arith.constant 8 : i32
      %mul3A_921 = arith.muli %add3A_919, %mul3A_920 : i32
      %get3A_922 = arith.index_cast %mul3A_921 : i32 to index
      %get3A_923 = arith.constant 0 : index
      %get3A_924 = vector.load %arg3[%get3A_922, %get3A_923] : memref<512x1000xf32, #tpu.memory_space<vmem>>, vector<8x1000xf32>
      %mul3A_925 = arith.constant 8 : i32
      %mul3A_926 = arith.muli %add3A_919, %mul3A_925 : i32
      %get3A_927 = arith.index_cast %mul3A_926 : i32 to index
      %get3A_928 = arith.constant 0 : index
      %get3A_929 = vector.load %arg4[%get3A_927, %get3A_928] : memref<512x1000xf32, #tpu.memory_space<vmem>>, vector<8x1000xf32>
      %mul3A_930 = arith.mulf %get3A_924, %get3A_924 : vector<8x1000xf32>
      %sub3A_931 = arith.constant 1.000000e+00 : f32
      %sub3A_932 = vector.broadcast %sub3A_931 : f32 to vector<8x1000xf32>
      %sub3A_933 = arith.subf %sub3A_932, %mul3A_930 : vector<8x1000xf32>
      %max3A_934 = arith.constant 0.000000e+00 : f32
      %max3A_935 = vector.broadcast %max3A_934 : f32 to vector<8x1000xf32>
      %max3A_936 = arith.maximumf %sub3A_933, %max3A_935 : vector<8x1000xf32>
      %sqrt3A_937 = math.sqrt %max3A_936 : vector<8x1000xf32>
      %mul3A_938 = arith.constant 0.87758255 : f32
      %mul3A_939 = vector.broadcast %mul3A_938 : f32 to vector<8x1000xf32>
      %mul3A_940 = arith.mulf %get3A_924, %mul3A_939 : vector<8x1000xf32>
      %mul3A_941 = arith.constant 0.47942555 : f32
      %mul3A_942 = vector.broadcast %mul3A_941 : f32 to vector<8x1000xf32>
      %mul3A_943 = arith.mulf %sqrt3A_937, %mul3A_942 : vector<8x1000xf32>
      %sub3A_944 = arith.subf %mul3A_940, %mul3A_943 : vector<8x1000xf32>
      %gt3A_945 = arith.constant -0.87758255 : f32
      %gt3A_946 = vector.broadcast %gt3A_945 : f32 to vector<8x1000xf32>
      %gt3A_947 = arith.cmpf ogt, %get3A_924, %gt3A_946 : vector<8x1000xf32>
      %sub3A_948 = arith.constant -2.000000e+00 : f32
      %sub3A_949 = vector.broadcast %sub3A_948 : f32 to vector<8x1000xf32>
      %sub3A_950 = arith.subf %sub3A_949, %sub3A_944 : vector<8x1000xf32>
      %select_n3A_951 = arith.select %gt3A_947, %sub3A_944, %sub3A_950 : vector<8x1000xi1>, vector<8x1000xf32>
      %ne3A_952 = arith.constant 0.000000e+00 : f32
      %ne3A_953 = vector.broadcast %ne3A_952 : f32 to vector<8x1000xf32>
      %ne3A_954 = arith.cmpf one, %get3A_929, %ne3A_953 : vector<8x1000xf32>
      %select_n3A_955 = arith.select %ne3A_2, %select_n3A_951, %get3A_924 : vector<8x1000xf32>
      %neg3A_956 = arith.constant 0.000000e+00 : f32
      %neg3A_957 = vector.broadcast %neg3A_956 : f32 to vector<8x1000xf32>
      %neg3A_958 = arith.subf %neg3A_957, %select_n3A_955 : vector<8x1000xf32>
      %select_n3A_959 = arith.select %ne3A_954, %neg3A_958, %get3A_924 : vector<8x1000xi1>, vector<8x1000xf32>
      %mul3A_960 = vector.broadcast %get3A_5 : f32 to vector<8x1000xf32>
      %mul3A_961 = arith.mulf %mul3A_960, %select_n3A_959 : vector<8x1000xf32>
      %neg3A_962 = arith.constant 0.000000e+00 : f32
      %neg3A_963 = vector.broadcast %neg3A_962 : f32 to vector<8x1000xf32>
      %neg3A_964 = arith.subf %neg3A_963, %mul3A_961 : vector<8x1000xf32>
      %min3A_965 = arith.minimumf %mul3A_961, %neg3A_964 : vector<8x1000xf32>
      %mul3A_966 = arith.constant 1.44269502 : f32
      %mul3A_967 = vector.broadcast %mul3A_966 : f32 to vector<8x1000xf32>
      %mul3A_968 = arith.mulf %min3A_965, %mul3A_967 : vector<8x1000xf32>
      %exp23A_969 = math.exp2 %mul3A_968 : vector<8x1000xf32>
      %max3A_970 = arith.constant 0.000000e+00 : f32
      %max3A_971 = vector.broadcast %max3A_970 : f32 to vector<8x1000xf32>
      %max3A_972 = arith.maximumf %mul3A_961, %max3A_971 : vector<8x1000xf32>
      %add3A_973 = arith.constant 1.000000e+00 : f32
      %add3A_974 = vector.broadcast %add3A_973 : f32 to vector<8x1000xf32>
      %add3A_975 = arith.addf %add3A_974, %exp23A_969 : vector<8x1000xf32>
      %log3A_976 = math.log %add3A_975 : vector<8x1000xf32>
      %log3A_977 = arith.constant 2.000000e+00 : f32
      %log3A_978 = math.log %log3A_977 : f32
      %div3A_979 = vector.broadcast %log3A_978 : f32 to vector<8x1000xf32>
      %div3A_980 = arith.divf %log3A_976, %div3A_979 : vector<8x1000xf32>
      %mul3A_981 = arith.constant 0.693147182 : f32
      %mul3A_982 = vector.broadcast %mul3A_981 : f32 to vector<8x1000xf32>
      %mul3A_983 = arith.mulf %div3A_980, %mul3A_982 : vector<8x1000xf32>
      %add3A_984 = arith.addf %max3A_972, %mul3A_983 : vector<8x1000xf32>
      %sub3A_985 = arith.subf %mul3A_961, %add3A_984 : vector<8x1000xf32>
      %mul3A_986 = arith.constant 2.885390e+00 : f32
      %mul3A_987 = vector.broadcast %mul3A_986 : f32 to vector<8x1000xf32>
      %mul3A_988 = arith.mulf %mul3A_987, %sub3A_985 : vector<8x1000xf32>
      %exp23A_989 = math.exp2 %mul3A_988 : vector<8x1000xf32>
      %mul3A_990 = arith.mulf %exp23A_989, %add3A_984 : vector<8x1000xf32>
      %lt3A_991 = arith.constant 0.000000e+00 : f32
      %lt3A_992 = vector.broadcast %lt3A_991 : f32 to vector<8x1000xf32>
      %lt3A_993 = arith.cmpf olt, %mul3A_961, %lt3A_992 : vector<8x1000xf32>
      %jit3A_994 = arith.constant 1.000000e+00 : f32
      %jit3A_995 = arith.constant 0.000000e+00 : f32
      %broadcast_in_dim3A_996 = vector.broadcast %jit3A_994 : f32 to vector<8x1000xf32>
      %broadcast_in_dim3A_997 = vector.broadcast %jit3A_995 : f32 to vector<8x1000xf32>
      %select_n3A_998 = arith.select %lt3A_993, %broadcast_in_dim3A_996, %broadcast_in_dim3A_997 : vector<8x1000xi1>, vector<8x1000xf32>
      %mul3A_999 = arith.constant 16 : i32
      %mul3A_1000 = arith.muli %scan3A_17, %mul3A_999 : i32
      %add3A_1001 = arith.constant 12 : i32
      %add3A_1002 = arith.addi %mul3A_1000, %add3A_1001 : i32
      %mul3A_1003 = arith.constant 8 : i32
      %mul3A_1004 = arith.muli %add3A_1002, %mul3A_1003 : i32
      %get3A_1005 = arith.index_cast %mul3A_1004 : i32 to index
      %get3A_1006 = arith.constant 0 : index
      %get3A_1007 = vector.load %arg3[%get3A_1005, %get3A_1006] : memref<512x1000xf32, #tpu.memory_space<vmem>>, vector<8x1000xf32>
      %mul3A_1008 = arith.constant 8 : i32
      %mul3A_1009 = arith.muli %add3A_1002, %mul3A_1008 : i32
      %get3A_1010 = arith.index_cast %mul3A_1009 : i32 to index
      %get3A_1011 = arith.constant 0 : index
      %get3A_1012 = vector.load %arg4[%get3A_1010, %get3A_1011] : memref<512x1000xf32, #tpu.memory_space<vmem>>, vector<8x1000xf32>
      %mul3A_1013 = arith.mulf %get3A_1007, %get3A_1007 : vector<8x1000xf32>
      %sub3A_1014 = arith.constant 1.000000e+00 : f32
      %sub3A_1015 = vector.broadcast %sub3A_1014 : f32 to vector<8x1000xf32>
      %sub3A_1016 = arith.subf %sub3A_1015, %mul3A_1013 : vector<8x1000xf32>
      %max3A_1017 = arith.constant 0.000000e+00 : f32
      %max3A_1018 = vector.broadcast %max3A_1017 : f32 to vector<8x1000xf32>
      %max3A_1019 = arith.maximumf %sub3A_1016, %max3A_1018 : vector<8x1000xf32>
      %sqrt3A_1020 = math.sqrt %max3A_1019 : vector<8x1000xf32>
      %mul3A_1021 = arith.constant 0.87758255 : f32
      %mul3A_1022 = vector.broadcast %mul3A_1021 : f32 to vector<8x1000xf32>
      %mul3A_1023 = arith.mulf %get3A_1007, %mul3A_1022 : vector<8x1000xf32>
      %mul3A_1024 = arith.constant 0.47942555 : f32
      %mul3A_1025 = vector.broadcast %mul3A_1024 : f32 to vector<8x1000xf32>
      %mul3A_1026 = arith.mulf %sqrt3A_1020, %mul3A_1025 : vector<8x1000xf32>
      %sub3A_1027 = arith.subf %mul3A_1023, %mul3A_1026 : vector<8x1000xf32>
      %gt3A_1028 = arith.constant -0.87758255 : f32
      %gt3A_1029 = vector.broadcast %gt3A_1028 : f32 to vector<8x1000xf32>
      %gt3A_1030 = arith.cmpf ogt, %get3A_1007, %gt3A_1029 : vector<8x1000xf32>
      %sub3A_1031 = arith.constant -2.000000e+00 : f32
      %sub3A_1032 = vector.broadcast %sub3A_1031 : f32 to vector<8x1000xf32>
      %sub3A_1033 = arith.subf %sub3A_1032, %sub3A_1027 : vector<8x1000xf32>
      %select_n3A_1034 = arith.select %gt3A_1030, %sub3A_1027, %sub3A_1033 : vector<8x1000xi1>, vector<8x1000xf32>
      %ne3A_1035 = arith.constant 0.000000e+00 : f32
      %ne3A_1036 = vector.broadcast %ne3A_1035 : f32 to vector<8x1000xf32>
      %ne3A_1037 = arith.cmpf one, %get3A_1012, %ne3A_1036 : vector<8x1000xf32>
      %select_n3A_1038 = arith.select %ne3A_2, %select_n3A_1034, %get3A_1007 : vector<8x1000xf32>
      %neg3A_1039 = arith.constant 0.000000e+00 : f32
      %neg3A_1040 = vector.broadcast %neg3A_1039 : f32 to vector<8x1000xf32>
      %neg3A_1041 = arith.subf %neg3A_1040, %select_n3A_1038 : vector<8x1000xf32>
      %select_n3A_1042 = arith.select %ne3A_1037, %neg3A_1041, %get3A_1007 : vector<8x1000xi1>, vector<8x1000xf32>
      %mul3A_1043 = vector.broadcast %get3A_5 : f32 to vector<8x1000xf32>
      %mul3A_1044 = arith.mulf %mul3A_1043, %select_n3A_1042 : vector<8x1000xf32>
      %neg3A_1045 = arith.constant 0.000000e+00 : f32
      %neg3A_1046 = vector.broadcast %neg3A_1045 : f32 to vector<8x1000xf32>
      %neg3A_1047 = arith.subf %neg3A_1046, %mul3A_1044 : vector<8x1000xf32>
      %min3A_1048 = arith.minimumf %mul3A_1044, %neg3A_1047 : vector<8x1000xf32>
      %mul3A_1049 = arith.constant 1.44269502 : f32
      %mul3A_1050 = vector.broadcast %mul3A_1049 : f32 to vector<8x1000xf32>
      %mul3A_1051 = arith.mulf %min3A_1048, %mul3A_1050 : vector<8x1000xf32>
      %exp23A_1052 = math.exp2 %mul3A_1051 : vector<8x1000xf32>
      %max3A_1053 = arith.constant 0.000000e+00 : f32
      %max3A_1054 = vector.broadcast %max3A_1053 : f32 to vector<8x1000xf32>
      %max3A_1055 = arith.maximumf %mul3A_1044, %max3A_1054 : vector<8x1000xf32>
      %add3A_1056 = arith.constant 1.000000e+00 : f32
      %add3A_1057 = vector.broadcast %add3A_1056 : f32 to vector<8x1000xf32>
      %add3A_1058 = arith.addf %add3A_1057, %exp23A_1052 : vector<8x1000xf32>
      %log3A_1059 = math.log %add3A_1058 : vector<8x1000xf32>
      %log3A_1060 = arith.constant 2.000000e+00 : f32
      %log3A_1061 = math.log %log3A_1060 : f32
      %div3A_1062 = vector.broadcast %log3A_1061 : f32 to vector<8x1000xf32>
      %div3A_1063 = arith.divf %log3A_1059, %div3A_1062 : vector<8x1000xf32>
      %mul3A_1064 = arith.constant 0.693147182 : f32
      %mul3A_1065 = vector.broadcast %mul3A_1064 : f32 to vector<8x1000xf32>
      %mul3A_1066 = arith.mulf %div3A_1063, %mul3A_1065 : vector<8x1000xf32>
      %add3A_1067 = arith.addf %max3A_1055, %mul3A_1066 : vector<8x1000xf32>
      %sub3A_1068 = arith.subf %mul3A_1044, %add3A_1067 : vector<8x1000xf32>
      %mul3A_1069 = arith.constant 2.885390e+00 : f32
      %mul3A_1070 = vector.broadcast %mul3A_1069 : f32 to vector<8x1000xf32>
      %mul3A_1071 = arith.mulf %mul3A_1070, %sub3A_1068 : vector<8x1000xf32>
      %exp23A_1072 = math.exp2 %mul3A_1071 : vector<8x1000xf32>
      %mul3A_1073 = arith.mulf %exp23A_1072, %add3A_1067 : vector<8x1000xf32>
      %lt3A_1074 = arith.constant 0.000000e+00 : f32
      %lt3A_1075 = vector.broadcast %lt3A_1074 : f32 to vector<8x1000xf32>
      %lt3A_1076 = arith.cmpf olt, %mul3A_1044, %lt3A_1075 : vector<8x1000xf32>
      %jit3A_1077 = arith.constant 1.000000e+00 : f32
      %jit3A_1078 = arith.constant 0.000000e+00 : f32
      %broadcast_in_dim3A_1079 = vector.broadcast %jit3A_1077 : f32 to vector<8x1000xf32>
      %broadcast_in_dim3A_1080 = vector.broadcast %jit3A_1078 : f32 to vector<8x1000xf32>
      %select_n3A_1081 = arith.select %lt3A_1076, %broadcast_in_dim3A_1079, %broadcast_in_dim3A_1080 : vector<8x1000xi1>, vector<8x1000xf32>
      %mul3A_1082 = arith.constant 16 : i32
      %mul3A_1083 = arith.muli %scan3A_17, %mul3A_1082 : i32
      %add3A_1084 = arith.constant 13 : i32
      %add3A_1085 = arith.addi %mul3A_1083, %add3A_1084 : i32
      %mul3A_1086 = arith.constant 8 : i32
      %mul3A_1087 = arith.muli %add3A_1085, %mul3A_1086 : i32
      %get3A_1088 = arith.index_cast %mul3A_1087 : i32 to index
      %get3A_1089 = arith.constant 0 : index
      %get3A_1090 = vector.load %arg3[%get3A_1088, %get3A_1089] : memref<512x1000xf32, #tpu.memory_space<vmem>>, vector<8x1000xf32>
      %mul3A_1091 = arith.constant 8 : i32
      %mul3A_1092 = arith.muli %add3A_1085, %mul3A_1091 : i32
      %get3A_1093 = arith.index_cast %mul3A_1092 : i32 to index
      %get3A_1094 = arith.constant 0 : index
      %get3A_1095 = vector.load %arg4[%get3A_1093, %get3A_1094] : memref<512x1000xf32, #tpu.memory_space<vmem>>, vector<8x1000xf32>
      %mul3A_1096 = arith.mulf %get3A_1090, %get3A_1090 : vector<8x1000xf32>
      %sub3A_1097 = arith.constant 1.000000e+00 : f32
      %sub3A_1098 = vector.broadcast %sub3A_1097 : f32 to vector<8x1000xf32>
      %sub3A_1099 = arith.subf %sub3A_1098, %mul3A_1096 : vector<8x1000xf32>
      %max3A_1100 = arith.constant 0.000000e+00 : f32
      %max3A_1101 = vector.broadcast %max3A_1100 : f32 to vector<8x1000xf32>
      %max3A_1102 = arith.maximumf %sub3A_1099, %max3A_1101 : vector<8x1000xf32>
      %sqrt3A_1103 = math.sqrt %max3A_1102 : vector<8x1000xf32>
      %mul3A_1104 = arith.constant 0.87758255 : f32
      %mul3A_1105 = vector.broadcast %mul3A_1104 : f32 to vector<8x1000xf32>
      %mul3A_1106 = arith.mulf %get3A_1090, %mul3A_1105 : vector<8x1000xf32>
      %mul3A_1107 = arith.constant 0.47942555 : f32
      %mul3A_1108 = vector.broadcast %mul3A_1107 : f32 to vector<8x1000xf32>
      %mul3A_1109 = arith.mulf %sqrt3A_1103, %mul3A_1108 : vector<8x1000xf32>
      %sub3A_1110 = arith.subf %mul3A_1106, %mul3A_1109 : vector<8x1000xf32>
      %gt3A_1111 = arith.constant -0.87758255 : f32
      %gt3A_1112 = vector.broadcast %gt3A_1111 : f32 to vector<8x1000xf32>
      %gt3A_1113 = arith.cmpf ogt, %get3A_1090, %gt3A_1112 : vector<8x1000xf32>
      %sub3A_1114 = arith.constant -2.000000e+00 : f32
      %sub3A_1115 = vector.broadcast %sub3A_1114 : f32 to vector<8x1000xf32>
      %sub3A_1116 = arith.subf %sub3A_1115, %sub3A_1110 : vector<8x1000xf32>
      %select_n3A_1117 = arith.select %gt3A_1113, %sub3A_1110, %sub3A_1116 : vector<8x1000xi1>, vector<8x1000xf32>
      %ne3A_1118 = arith.constant 0.000000e+00 : f32
      %ne3A_1119 = vector.broadcast %ne3A_1118 : f32 to vector<8x1000xf32>
      %ne3A_1120 = arith.cmpf one, %get3A_1095, %ne3A_1119 : vector<8x1000xf32>
      %select_n3A_1121 = arith.select %ne3A_2, %select_n3A_1117, %get3A_1090 : vector<8x1000xf32>
      %neg3A_1122 = arith.constant 0.000000e+00 : f32
      %neg3A_1123 = vector.broadcast %neg3A_1122 : f32 to vector<8x1000xf32>
      %neg3A_1124 = arith.subf %neg3A_1123, %select_n3A_1121 : vector<8x1000xf32>
      %select_n3A_1125 = arith.select %ne3A_1120, %neg3A_1124, %get3A_1090 : vector<8x1000xi1>, vector<8x1000xf32>
      %mul3A_1126 = vector.broadcast %get3A_5 : f32 to vector<8x1000xf32>
      %mul3A_1127 = arith.mulf %mul3A_1126, %select_n3A_1125 : vector<8x1000xf32>
      %neg3A_1128 = arith.constant 0.000000e+00 : f32
      %neg3A_1129 = vector.broadcast %neg3A_1128 : f32 to vector<8x1000xf32>
      %neg3A_1130 = arith.subf %neg3A_1129, %mul3A_1127 : vector<8x1000xf32>
      %min3A_1131 = arith.minimumf %mul3A_1127, %neg3A_1130 : vector<8x1000xf32>
      %mul3A_1132 = arith.constant 1.44269502 : f32
      %mul3A_1133 = vector.broadcast %mul3A_1132 : f32 to vector<8x1000xf32>
      %mul3A_1134 = arith.mulf %min3A_1131, %mul3A_1133 : vector<8x1000xf32>
      %exp23A_1135 = math.exp2 %mul3A_1134 : vector<8x1000xf32>
      %max3A_1136 = arith.constant 0.000000e+00 : f32
      %max3A_1137 = vector.broadcast %max3A_1136 : f32 to vector<8x1000xf32>
      %max3A_1138 = arith.maximumf %mul3A_1127, %max3A_1137 : vector<8x1000xf32>
      %add3A_1139 = arith.constant 1.000000e+00 : f32
      %add3A_1140 = vector.broadcast %add3A_1139 : f32 to vector<8x1000xf32>
      %add3A_1141 = arith.addf %add3A_1140, %exp23A_1135 : vector<8x1000xf32>
      %log3A_1142 = math.log %add3A_1141 : vector<8x1000xf32>
      %log3A_1143 = arith.constant 2.000000e+00 : f32
      %log3A_1144 = math.log %log3A_1143 : f32
      %div3A_1145 = vector.broadcast %log3A_1144 : f32 to vector<8x1000xf32>
      %div3A_1146 = arith.divf %log3A_1142, %div3A_1145 : vector<8x1000xf32>
      %mul3A_1147 = arith.constant 0.693147182 : f32
      %mul3A_1148 = vector.broadcast %mul3A_1147 : f32 to vector<8x1000xf32>
      %mul3A_1149 = arith.mulf %div3A_1146, %mul3A_1148 : vector<8x1000xf32>
      %add3A_1150 = arith.addf %max3A_1138, %mul3A_1149 : vector<8x1000xf32>
      %sub3A_1151 = arith.subf %mul3A_1127, %add3A_1150 : vector<8x1000xf32>
      %mul3A_1152 = arith.constant 2.885390e+00 : f32
      %mul3A_1153 = vector.broadcast %mul3A_1152 : f32 to vector<8x1000xf32>
      %mul3A_1154 = arith.mulf %mul3A_1153, %sub3A_1151 : vector<8x1000xf32>
      %exp23A_1155 = math.exp2 %mul3A_1154 : vector<8x1000xf32>
      %mul3A_1156 = arith.mulf %exp23A_1155, %add3A_1150 : vector<8x1000xf32>
      %lt3A_1157 = arith.constant 0.000000e+00 : f32
      %lt3A_1158 = vector.broadcast %lt3A_1157 : f32 to vector<8x1000xf32>
      %lt3A_1159 = arith.cmpf olt, %mul3A_1127, %lt3A_1158 : vector<8x1000xf32>
      %jit3A_1160 = arith.constant 1.000000e+00 : f32
      %jit3A_1161 = arith.constant 0.000000e+00 : f32
      %broadcast_in_dim3A_1162 = vector.broadcast %jit3A_1160 : f32 to vector<8x1000xf32>
      %broadcast_in_dim3A_1163 = vector.broadcast %jit3A_1161 : f32 to vector<8x1000xf32>
      %select_n3A_1164 = arith.select %lt3A_1159, %broadcast_in_dim3A_1162, %broadcast_in_dim3A_1163 : vector<8x1000xi1>, vector<8x1000xf32>
      %mul3A_1165 = arith.constant 16 : i32
      %mul3A_1166 = arith.muli %scan3A_17, %mul3A_1165 : i32
      %add3A_1167 = arith.constant 14 : i32
      %add3A_1168 = arith.addi %mul3A_1166, %add3A_1167 : i32
      %mul3A_1169 = arith.constant 8 : i32
      %mul3A_1170 = arith.muli %add3A_1168, %mul3A_1169 : i32
      %get3A_1171 = arith.index_cast %mul3A_1170 : i32 to index
      %get3A_1172 = arith.constant 0 : index
      %get3A_1173 = vector.load %arg3[%get3A_1171, %get3A_1172] : memref<512x1000xf32, #tpu.memory_space<vmem>>, vector<8x1000xf32>
      %mul3A_1174 = arith.constant 8 : i32
      %mul3A_1175 = arith.muli %add3A_1168, %mul3A_1174 : i32
      %get3A_1176 = arith.index_cast %mul3A_1175 : i32 to index
      %get3A_1177 = arith.constant 0 : index
      %get3A_1178 = vector.load %arg4[%get3A_1176, %get3A_1177] : memref<512x1000xf32, #tpu.memory_space<vmem>>, vector<8x1000xf32>
      %mul3A_1179 = arith.mulf %get3A_1173, %get3A_1173 : vector<8x1000xf32>
      %sub3A_1180 = arith.constant 1.000000e+00 : f32
      %sub3A_1181 = vector.broadcast %sub3A_1180 : f32 to vector<8x1000xf32>
      %sub3A_1182 = arith.subf %sub3A_1181, %mul3A_1179 : vector<8x1000xf32>
      %max3A_1183 = arith.constant 0.000000e+00 : f32
      %max3A_1184 = vector.broadcast %max3A_1183 : f32 to vector<8x1000xf32>
      %max3A_1185 = arith.maximumf %sub3A_1182, %max3A_1184 : vector<8x1000xf32>
      %sqrt3A_1186 = math.sqrt %max3A_1185 : vector<8x1000xf32>
      %mul3A_1187 = arith.constant 0.87758255 : f32
      %mul3A_1188 = vector.broadcast %mul3A_1187 : f32 to vector<8x1000xf32>
      %mul3A_1189 = arith.mulf %get3A_1173, %mul3A_1188 : vector<8x1000xf32>
      %mul3A_1190 = arith.constant 0.47942555 : f32
      %mul3A_1191 = vector.broadcast %mul3A_1190 : f32 to vector<8x1000xf32>
      %mul3A_1192 = arith.mulf %sqrt3A_1186, %mul3A_1191 : vector<8x1000xf32>
      %sub3A_1193 = arith.subf %mul3A_1189, %mul3A_1192 : vector<8x1000xf32>
      %gt3A_1194 = arith.constant -0.87758255 : f32
      %gt3A_1195 = vector.broadcast %gt3A_1194 : f32 to vector<8x1000xf32>
      %gt3A_1196 = arith.cmpf ogt, %get3A_1173, %gt3A_1195 : vector<8x1000xf32>
      %sub3A_1197 = arith.constant -2.000000e+00 : f32
      %sub3A_1198 = vector.broadcast %sub3A_1197 : f32 to vector<8x1000xf32>
      %sub3A_1199 = arith.subf %sub3A_1198, %sub3A_1193 : vector<8x1000xf32>
      %select_n3A_1200 = arith.select %gt3A_1196, %sub3A_1193, %sub3A_1199 : vector<8x1000xi1>, vector<8x1000xf32>
      %ne3A_1201 = arith.constant 0.000000e+00 : f32
      %ne3A_1202 = vector.broadcast %ne3A_1201 : f32 to vector<8x1000xf32>
      %ne3A_1203 = arith.cmpf one, %get3A_1178, %ne3A_1202 : vector<8x1000xf32>
      %select_n3A_1204 = arith.select %ne3A_2, %select_n3A_1200, %get3A_1173 : vector<8x1000xf32>
      %neg3A_1205 = arith.constant 0.000000e+00 : f32
      %neg3A_1206 = vector.broadcast %neg3A_1205 : f32 to vector<8x1000xf32>
      %neg3A_1207 = arith.subf %neg3A_1206, %select_n3A_1204 : vector<8x1000xf32>
      %select_n3A_1208 = arith.select %ne3A_1203, %neg3A_1207, %get3A_1173 : vector<8x1000xi1>, vector<8x1000xf32>
      %mul3A_1209 = vector.broadcast %get3A_5 : f32 to vector<8x1000xf32>
      %mul3A_1210 = arith.mulf %mul3A_1209, %select_n3A_1208 : vector<8x1000xf32>
      %neg3A_1211 = arith.constant 0.000000e+00 : f32
      %neg3A_1212 = vector.broadcast %neg3A_1211 : f32 to vector<8x1000xf32>
      %neg3A_1213 = arith.subf %neg3A_1212, %mul3A_1210 : vector<8x1000xf32>
      %min3A_1214 = arith.minimumf %mul3A_1210, %neg3A_1213 : vector<8x1000xf32>
      %mul3A_1215 = arith.constant 1.44269502 : f32
      %mul3A_1216 = vector.broadcast %mul3A_1215 : f32 to vector<8x1000xf32>
      %mul3A_1217 = arith.mulf %min3A_1214, %mul3A_1216 : vector<8x1000xf32>
      %exp23A_1218 = math.exp2 %mul3A_1217 : vector<8x1000xf32>
      %max3A_1219 = arith.constant 0.000000e+00 : f32
      %max3A_1220 = vector.broadcast %max3A_1219 : f32 to vector<8x1000xf32>
      %max3A_1221 = arith.maximumf %mul3A_1210, %max3A_1220 : vector<8x1000xf32>
      %add3A_1222 = arith.constant 1.000000e+00 : f32
      %add3A_1223 = vector.broadcast %add3A_1222 : f32 to vector<8x1000xf32>
      %add3A_1224 = arith.addf %add3A_1223, %exp23A_1218 : vector<8x1000xf32>
      %log3A_1225 = math.log %add3A_1224 : vector<8x1000xf32>
      %log3A_1226 = arith.constant 2.000000e+00 : f32
      %log3A_1227 = math.log %log3A_1226 : f32
      %div3A_1228 = vector.broadcast %log3A_1227 : f32 to vector<8x1000xf32>
      %div3A_1229 = arith.divf %log3A_1225, %div3A_1228 : vector<8x1000xf32>
      %mul3A_1230 = arith.constant 0.693147182 : f32
      %mul3A_1231 = vector.broadcast %mul3A_1230 : f32 to vector<8x1000xf32>
      %mul3A_1232 = arith.mulf %div3A_1229, %mul3A_1231 : vector<8x1000xf32>
      %add3A_1233 = arith.addf %max3A_1221, %mul3A_1232 : vector<8x1000xf32>
      %sub3A_1234 = arith.subf %mul3A_1210, %add3A_1233 : vector<8x1000xf32>
      %mul3A_1235 = arith.constant 2.885390e+00 : f32
      %mul3A_1236 = vector.broadcast %mul3A_1235 : f32 to vector<8x1000xf32>
      %mul3A_1237 = arith.mulf %mul3A_1236, %sub3A_1234 : vector<8x1000xf32>
      %exp23A_1238 = math.exp2 %mul3A_1237 : vector<8x1000xf32>
      %mul3A_1239 = arith.mulf %exp23A_1238, %add3A_1233 : vector<8x1000xf32>
      %lt3A_1240 = arith.constant 0.000000e+00 : f32
      %lt3A_1241 = vector.broadcast %lt3A_1240 : f32 to vector<8x1000xf32>
      %lt3A_1242 = arith.cmpf olt, %mul3A_1210, %lt3A_1241 : vector<8x1000xf32>
      %jit3A_1243 = arith.constant 1.000000e+00 : f32
      %jit3A_1244 = arith.constant 0.000000e+00 : f32
      %broadcast_in_dim3A_1245 = vector.broadcast %jit3A_1243 : f32 to vector<8x1000xf32>
      %broadcast_in_dim3A_1246 = vector.broadcast %jit3A_1244 : f32 to vector<8x1000xf32>
      %select_n3A_1247 = arith.select %lt3A_1242, %broadcast_in_dim3A_1245, %broadcast_in_dim3A_1246 : vector<8x1000xi1>, vector<8x1000xf32>
      %mul3A_1248 = arith.constant 16 : i32
      %mul3A_1249 = arith.muli %scan3A_17, %mul3A_1248 : i32
      %add3A_1250 = arith.constant 15 : i32
      %add3A_1251 = arith.addi %mul3A_1249, %add3A_1250 : i32
      %mul3A_1252 = arith.constant 8 : i32
      %mul3A_1253 = arith.muli %add3A_1251, %mul3A_1252 : i32
      %get3A_1254 = arith.index_cast %mul3A_1253 : i32 to index
      %get3A_1255 = arith.constant 0 : index
      %get3A_1256 = vector.load %arg3[%get3A_1254, %get3A_1255] : memref<512x1000xf32, #tpu.memory_space<vmem>>, vector<8x1000xf32>
      %mul3A_1257 = arith.constant 8 : i32
      %mul3A_1258 = arith.muli %add3A_1251, %mul3A_1257 : i32
      %get3A_1259 = arith.index_cast %mul3A_1258 : i32 to index
      %get3A_1260 = arith.constant 0 : index
      %get3A_1261 = vector.load %arg4[%get3A_1259, %get3A_1260] : memref<512x1000xf32, #tpu.memory_space<vmem>>, vector<8x1000xf32>
      %mul3A_1262 = arith.mulf %get3A_1256, %get3A_1256 : vector<8x1000xf32>
      %sub3A_1263 = arith.constant 1.000000e+00 : f32
      %sub3A_1264 = vector.broadcast %sub3A_1263 : f32 to vector<8x1000xf32>
      %sub3A_1265 = arith.subf %sub3A_1264, %mul3A_1262 : vector<8x1000xf32>
      %max3A_1266 = arith.constant 0.000000e+00 : f32
      %max3A_1267 = vector.broadcast %max3A_1266 : f32 to vector<8x1000xf32>
      %max3A_1268 = arith.maximumf %sub3A_1265, %max3A_1267 : vector<8x1000xf32>
      %sqrt3A_1269 = math.sqrt %max3A_1268 : vector<8x1000xf32>
      %mul3A_1270 = arith.constant 0.87758255 : f32
      %mul3A_1271 = vector.broadcast %mul3A_1270 : f32 to vector<8x1000xf32>
      %mul3A_1272 = arith.mulf %get3A_1256, %mul3A_1271 : vector<8x1000xf32>
      %mul3A_1273 = arith.constant 0.47942555 : f32
      %mul3A_1274 = vector.broadcast %mul3A_1273 : f32 to vector<8x1000xf32>
      %mul3A_1275 = arith.mulf %sqrt3A_1269, %mul3A_1274 : vector<8x1000xf32>
      %sub3A_1276 = arith.subf %mul3A_1272, %mul3A_1275 : vector<8x1000xf32>
      %gt3A_1277 = arith.constant -0.87758255 : f32
      %gt3A_1278 = vector.broadcast %gt3A_1277 : f32 to vector<8x1000xf32>
      %gt3A_1279 = arith.cmpf ogt, %get3A_1256, %gt3A_1278 : vector<8x1000xf32>
      %sub3A_1280 = arith.constant -2.000000e+00 : f32
      %sub3A_1281 = vector.broadcast %sub3A_1280 : f32 to vector<8x1000xf32>
      %sub3A_1282 = arith.subf %sub3A_1281, %sub3A_1276 : vector<8x1000xf32>
      %select_n3A_1283 = arith.select %gt3A_1279, %sub3A_1276, %sub3A_1282 : vector<8x1000xi1>, vector<8x1000xf32>
      %ne3A_1284 = arith.constant 0.000000e+00 : f32
      %ne3A_1285 = vector.broadcast %ne3A_1284 : f32 to vector<8x1000xf32>
      %ne3A_1286 = arith.cmpf one, %get3A_1261, %ne3A_1285 : vector<8x1000xf32>
      %select_n3A_1287 = arith.select %ne3A_2, %select_n3A_1283, %get3A_1256 : vector<8x1000xf32>
      %neg3A_1288 = arith.constant 0.000000e+00 : f32
      %neg3A_1289 = vector.broadcast %neg3A_1288 : f32 to vector<8x1000xf32>
      %neg3A_1290 = arith.subf %neg3A_1289, %select_n3A_1287 : vector<8x1000xf32>
      %select_n3A_1291 = arith.select %ne3A_1286, %neg3A_1290, %get3A_1256 : vector<8x1000xi1>, vector<8x1000xf32>
      %mul3A_1292 = vector.broadcast %get3A_5 : f32 to vector<8x1000xf32>
      %mul3A_1293 = arith.mulf %mul3A_1292, %select_n3A_1291 : vector<8x1000xf32>
      %neg3A_1294 = arith.constant 0.000000e+00 : f32
      %neg3A_1295 = vector.broadcast %neg3A_1294 : f32 to vector<8x1000xf32>
      %neg3A_1296 = arith.subf %neg3A_1295, %mul3A_1293 : vector<8x1000xf32>
      %min3A_1297 = arith.minimumf %mul3A_1293, %neg3A_1296 : vector<8x1000xf32>
      %mul3A_1298 = arith.constant 1.44269502 : f32
      %mul3A_1299 = vector.broadcast %mul3A_1298 : f32 to vector<8x1000xf32>
      %mul3A_1300 = arith.mulf %min3A_1297, %mul3A_1299 : vector<8x1000xf32>
      %exp23A_1301 = math.exp2 %mul3A_1300 : vector<8x1000xf32>
      %max3A_1302 = arith.constant 0.000000e+00 : f32
      %max3A_1303 = vector.broadcast %max3A_1302 : f32 to vector<8x1000xf32>
      %max3A_1304 = arith.maximumf %mul3A_1293, %max3A_1303 : vector<8x1000xf32>
      %add3A_1305 = arith.constant 1.000000e+00 : f32
      %add3A_1306 = vector.broadcast %add3A_1305 : f32 to vector<8x1000xf32>
      %add3A_1307 = arith.addf %add3A_1306, %exp23A_1301 : vector<8x1000xf32>
      %log3A_1308 = math.log %add3A_1307 : vector<8x1000xf32>
      %log3A_1309 = arith.constant 2.000000e+00 : f32
      %log3A_1310 = math.log %log3A_1309 : f32
      %div3A_1311 = vector.broadcast %log3A_1310 : f32 to vector<8x1000xf32>
      %div3A_1312 = arith.divf %log3A_1308, %div3A_1311 : vector<8x1000xf32>
      %mul3A_1313 = arith.constant 0.693147182 : f32
      %mul3A_1314 = vector.broadcast %mul3A_1313 : f32 to vector<8x1000xf32>
      %mul3A_1315 = arith.mulf %div3A_1312, %mul3A_1314 : vector<8x1000xf32>
      %add3A_1316 = arith.addf %max3A_1304, %mul3A_1315 : vector<8x1000xf32>
      %sub3A_1317 = arith.subf %mul3A_1293, %add3A_1316 : vector<8x1000xf32>
      %mul3A_1318 = arith.constant 2.885390e+00 : f32
      %mul3A_1319 = vector.broadcast %mul3A_1318 : f32 to vector<8x1000xf32>
      %mul3A_1320 = arith.mulf %mul3A_1319, %sub3A_1317 : vector<8x1000xf32>
      %exp23A_1321 = math.exp2 %mul3A_1320 : vector<8x1000xf32>
      %mul3A_1322 = arith.mulf %exp23A_1321, %add3A_1316 : vector<8x1000xf32>
      %lt3A_1323 = arith.constant 0.000000e+00 : f32
      %lt3A_1324 = vector.broadcast %lt3A_1323 : f32 to vector<8x1000xf32>
      %lt3A_1325 = arith.cmpf olt, %mul3A_1293, %lt3A_1324 : vector<8x1000xf32>
      %jit3A_1326 = arith.constant 1.000000e+00 : f32
      %jit3A_1327 = arith.constant 0.000000e+00 : f32
      %broadcast_in_dim3A_1328 = vector.broadcast %jit3A_1326 : f32 to vector<8x1000xf32>
      %broadcast_in_dim3A_1329 = vector.broadcast %jit3A_1327 : f32 to vector<8x1000xf32>
      %select_n3A_1330 = arith.select %lt3A_1325, %broadcast_in_dim3A_1328, %broadcast_in_dim3A_1329 : vector<8x1000xi1>, vector<8x1000xf32>
      %add3A_1331 = arith.addf %mul3A_80, %mul3A_160 : vector<8x1000xf32>
      %add3A_1332 = arith.addf %mul3A_243, %mul3A_326 : vector<8x1000xf32>
      %add3A_1333 = arith.addf %mul3A_409, %mul3A_492 : vector<8x1000xf32>
      %add3A_1334 = arith.addf %mul3A_575, %mul3A_658 : vector<8x1000xf32>
      %add3A_1335 = arith.addf %mul3A_741, %mul3A_824 : vector<8x1000xf32>
      %add3A_1336 = arith.addf %mul3A_907, %mul3A_990 : vector<8x1000xf32>
      %add3A_1337 = arith.addf %mul3A_1073, %mul3A_1156 : vector<8x1000xf32>
      %add3A_1338 = arith.addf %mul3A_1239, %mul3A_1322 : vector<8x1000xf32>
      %add3A_1339 = arith.addf %select_n3A_85, %select_n3A_168 : vector<8x1000xf32>
      %add3A_1340 = arith.addf %select_n3A_251, %select_n3A_334 : vector<8x1000xf32>
      %add3A_1341 = arith.addf %select_n3A_417, %select_n3A_500 : vector<8x1000xf32>
      %add3A_1342 = arith.addf %select_n3A_583, %select_n3A_666 : vector<8x1000xf32>
      %add3A_1343 = arith.addf %select_n3A_749, %select_n3A_832 : vector<8x1000xf32>
      %add3A_1344 = arith.addf %select_n3A_915, %select_n3A_998 : vector<8x1000xf32>
      %add3A_1345 = arith.addf %select_n3A_1081, %select_n3A_1164 : vector<8x1000xf32>
      %add3A_1346 = arith.addf %select_n3A_1247, %select_n3A_1330 : vector<8x1000xf32>
      %add3A_1347 = arith.addf %add3A_1331, %add3A_1332 : vector<8x1000xf32>
      %add3A_1348 = arith.addf %add3A_1333, %add3A_1334 : vector<8x1000xf32>
      %add3A_1349 = arith.addf %add3A_1335, %add3A_1336 : vector<8x1000xf32>
      %add3A_1350 = arith.addf %add3A_1337, %add3A_1338 : vector<8x1000xf32>
      %add3A_1351 = arith.addf %add3A_1339, %add3A_1340 : vector<8x1000xf32>
      %add3A_1352 = arith.addf %add3A_1341, %add3A_1342 : vector<8x1000xf32>
      %add3A_1353 = arith.addf %add3A_1343, %add3A_1344 : vector<8x1000xf32>
      %add3A_1354 = arith.addf %add3A_1345, %add3A_1346 : vector<8x1000xf32>
      %add3A_1355 = arith.addf %add3A_1347, %add3A_1348 : vector<8x1000xf32>
      %add3A_1356 = arith.addf %add3A_1349, %add3A_1350 : vector<8x1000xf32>
      %add3A_1357 = arith.addf %add3A_1351, %add3A_1352 : vector<8x1000xf32>
      %add3A_1358 = arith.addf %add3A_1353, %add3A_1354 : vector<8x1000xf32>
      %add3A_1359 = arith.addf %add3A_1355, %add3A_1356 : vector<8x1000xf32>
      %add3A_1360 = arith.addf %add3A_1357, %add3A_1358 : vector<8x1000xf32>
      %get3A_1361 = arith.constant 0 : index
      %get3A_1362 = arith.constant 0 : index
      %get3A_1363 = vector.load %arg7[%get3A_1361, %get3A_1362] : memref<8x1000xf32, #tpu.memory_space<vmem>>, vector<8x1000xf32>
      %add3A_1364 = arith.addf %get3A_1363, %add3A_1359 : vector<8x1000xf32>
      %swap3A = arith.constant 0 : index
      %swap3A_1365 = arith.constant 0 : index
      %swap3A_1366 = vector.load %arg7[%swap3A, %swap3A_1365] : memref<8x1000xf32, #tpu.memory_space<vmem>>, vector<8x1000xf32>
      tpu.vector_store %arg7[%swap3A, %swap3A_1365], %add3A_1364 {strides = array<i32>} : memref<8x1000xf32, #tpu.memory_space<vmem>>, vector<8x1000xf32>,
      %get3A_1367 = arith.constant 0 : index
      %get3A_1368 = arith.constant 0 : index
      %get3A_1369 = vector.load %arg8[%get3A_1367, %get3A_1368] : memref<8x1000xf32, #tpu.memory_space<vmem>>, vector<8x1000xf32>
      %add3A_1370 = arith.addf %get3A_1369, %add3A_1360 : vector<8x1000xf32>
      %swap3A_1371 = arith.constant 0 : index
      %swap3A_1372 = arith.constant 0 : index
      %swap3A_1373 = vector.load %arg8[%swap3A_1371, %swap3A_1372] : memref<8x1000xf32, #tpu.memory_space<vmem>>, vector<8x1000xf32>
      tpu.vector_store %arg8[%swap3A_1371, %swap3A_1372], %add3A_1370 {strides = array<i32>} : memref<8x1000xf32, #tpu.memory_space<vmem>>, vector<8x1000xf32>,
    }
    %scan3A_11 = arith.constant 4 : i32
    %eq3A_12 = arith.constant 25 : i32
    %eq3A_13 = arith.cmpi eq, %arg0, %eq3A_12 : i32
    %convert_element_type3A_14 = arith.extui %eq3A_13 : i1 to i32
    %cond3A_15 = arith.constant 0 : i32
    %cond3A_16 = arith.cmpi ne, %convert_element_type3A_14, %cond3A_15 : i32
    scf.if %cond3A_16 {
      %get3A_17 = arith.constant 0 : index
      %get3A_18 = arith.constant 0 : index
      %get3A_19 = vector.load %arg7[%get3A_17, %get3A_18] : memref<8x1000xf32, #tpu.memory_space<vmem>>, vector<8x1000xf32>
      %reduce_sum3A = vector.shape_cast %get3A_19 : vector<8x1000xf32> to vector<1x8x1000xf32>
      %reduce_sum3A_20 = arith.constant dense<0.000000e+00> : vector<1xf32>
      %reduce_sum3A_21 = vector.multi_reduction <add>, %reduce_sum3A, %reduce_sum3A_20 [1, 2] : vector<1x8x1000xf32> to vector<1xf32>
      %reduce_sum3A_22 = vector.shape_cast %reduce_sum3A_21 : vector<1xf32> to vector<1x1x1xf32>
      %reduce_sum3A_23 = vector.extract %reduce_sum3A_22[0, 0, 0] : f32 from vector<1x1x1xf32>
      %swap3A = arith.constant 0 : index
      %swap3A_24 = arith.constant 0 : index
      %swap3A_25 = memref.load %arg5[%swap3A, %swap3A_24] : memref<1x1xf32, #tpu.memory_space<smem>>
      memref.store %reduce_sum3A_23, %arg5[%swap3A, %swap3A_24] : memref<1x1xf32, #tpu.memory_space<smem>>
      %get3A_26 = arith.constant 0 : index
      %get3A_27 = arith.constant 0 : index
      %get3A_28 = vector.load %arg8[%get3A_26, %get3A_27] : memref<8x1000xf32, #tpu.memory_space<vmem>>, vector<8x1000xf32>
      %reduce_sum3A_29 = vector.shape_cast %get3A_28 : vector<8x1000xf32> to vector<1x8x1000xf32>
      %reduce_sum3A_30 = arith.constant dense<0.000000e+00> : vector<1xf32>
      %reduce_sum3A_31 = vector.multi_reduction <add>, %reduce_sum3A_29, %reduce_sum3A_30 [1, 2] : vector<1x8x1000xf32> to vector<1xf32>
      %reduce_sum3A_32 = vector.shape_cast %reduce_sum3A_31 : vector<1xf32> to vector<1x1x1xf32>
      %reduce_sum3A_33 = vector.extract %reduce_sum3A_32[0, 0, 0] : f32 from vector<1x1x1xf32>
      %swap3A_34 = arith.constant 0 : index
      %swap3A_35 = arith.constant 0 : index
      %swap3A_36 = memref.load %arg6[%swap3A_34, %swap3A_35] : memref<1x1xf32, #tpu.memory_space<smem>>
      memref.store %reduce_sum3A_33, %arg6[%swap3A_34, %swap3A_35] : memref<1x1xf32, #tpu.memory_space<smem>>
    } else {
    }
    return
  }
  func.func @transform_0(%arg0: i32) -> (i32, i32) {
    %c0_i32 = arith.constant 0 : i32
    %c0_i32_0 = arith.constant 0 : i32
    %c0_i32_1 = arith.constant 0 : i32
    return %c0_i32, %c0_i32_0 : i32, i32
  }
  func.func @transform_1(%arg0: i32) -> (i32, i32) {
    %c0_i32 = arith.constant 0 : i32
    %c0_i32_0 = arith.constant 0 : i32
    %c0_i32_1 = arith.constant 0 : i32
    return %c0_i32, %c0_i32_0 : i32, i32
  }
  func.func @transform_2(%arg0: i32) -> (i32, i32) {
    %c0_i32 = arith.constant 0 : i32
    %c0_i32_0 = arith.constant 0 : i32
    return %arg0, %c0_i32 : i32, i32
  }
  func.func @transform_3(%arg0: i32) -> (i32, i32) {
    %c0_i32 = arith.constant 0 : i32
    %c0_i32_0 = arith.constant 0 : i32
    return %arg0, %c0_i32 : i32, i32
  }
  func.func @transform_4(%arg0: i32) -> (i32, i32) {
    %c0_i32 = arith.constant 0 : i32
    %c0_i32_0 = arith.constant 0 : i32
    %c0_i32_1 = arith.constant 0 : i32
    return %c0_i32, %c0_i32_0 : i32, i32
  }
  func.func @transform_5(%arg0: i32) -> (i32, i32) {
    %c0_i32 = arith.constant 0 : i32
    %c0_i32_0 = arith.constant 0 : i32
    %c0_i32_1 = arith.constant 0 : i32
    return %c0_i32, %c0_i32_0 : i32, i32
  }
}

</mosaic_0001>

<sc_bundles>
// kernel: kernel.4.cloned.1.call-start
scs
__scs_entry_jumppad:
0x0: {  	(pc) =	sbr.rel $0x88, $3  }
0x1: {  	(tag) =	ssettag $0x0;
	lr =	simm.s32 $0x1  }
0x2: {  	[smem:$0x3F9E] =	sst lr;
	_ =	strace $0xD0000000  }
0x3: {  	_ = 	snop  }
0x4: {  	_ = 	snop  }
0x5: {  	_ = 	snop  }
0x6: {  	_ = 	snop  }
0x7: {  	_ = 	snop  }
__scs_overlays_trampoline_lowered:
0x8: {  	[smem:$0x3FAD] =	sst s0  }
0x9: {  	[smem:$0x3FAE] =	sst s1  }
0xa: {  	[smem:$0x3FAF] =	sst s2  }
0xb: {  	[smem:$0x3FB0] =	sst s3  }
0xc: {  	[smem:$0x3FB1] =	sst s4  }
0xd: {  	[smem:$0x3FB2] =	sst s5  }
0xe: {  	[smem:$0x3FB3] =	sst s6  }
0xf: {  	[smem:$0x3FB4] =	sst s7  }
0x10: {  	[smem:$0x3FB5] =	sst s8  }
0x11: {  	[smem:$0x3FB6] =	sst s9;
	s0 =	simm.s32 @!p0 $0x0  }
0x12: {  	s1 =	sld [smem:$0x3F9C];
	s0 =	simm.s32 @p0 $0x1  }
0x13: {  	[smem:$0x3FB7] =	sst s0;
	s0 =	simm.s32 @!p1 $0x0  }
0x14: {  	s2 =	sld [smem:$0x3F9B];
	s0 =	simm.s32 @p1 $0x1  }
0x15: {  	[smem:$0x3FB8] =	sst s0;
	s0 =	simm.s32 @!p2 $0x0  }
0x16: {  	s3 =	sld [smem:$0x3FDB];
	s0 =	simm.s32 @p2 $0x1  }
0x17: {  	s4 =	simm.s32 $0x1BF5;
	[smem:$0x3FBA] =	sst s0  }
0x18: {  	s0 =	sld [smem:$0x3F9D];
	_ =	swait.ge [sflag:s4], $0x0  }
0x19: {  	s7 =	sld [smem:$0x3F9E]  }
0x1a: {  	s8 =	sadd.s32 $0xFFFFE003, lr  }
0x1b: {  	s9 =	sadd.s32 $0xFFFFFEF7, lr;
	s5 =	simm.s32 $0xFFFFFFFF;
	p2 =	slt.u32 s8, $0xFFFFF086  }
0x1c: {  	p1 =	slt.u32 s9, $0xF7A;
	s5 =	simm.s32 @!p2 $0x0  }
0x1d: {  	s5 =	simm.s32 @p1 $0x1;
	p0 =	seq.s32 s7, s2  }
0x1e: {  	s7 =	smul.u32 @!p0 $0xF7A, s2;
	p2 =	seq.s32 @!p0 s5, $0x0  }
0x1f: {  	s9 =	smul.u32 $0xF7A, s1;
	s8 =	simm.s32 @!p0 $0x1BF5;
	p2 =	por !p2, p0  }
0x20: {  	[sflag:s8] =	ssyncset.s32 @!p0 $0xFFFFF086;
	s6 =	sadd.s32 @!p0 s3, s7;
	s7 =	simm.s32 @!p0 $0x108  }
0x21: {  	s3 =	sadd.s32 s3, s9;
	s6 =	sadd.s32 @!p0 $0x88, s6;
	s7 =	simm.s32 @p2 $0x1082  }
0x22: {  	[simem:s7], [sflag:s8] =	dma.local @!p0 [hbm:s6], $0xF7A  }
0x23: {  	s9 =	sor.u32 $0xD0000000, s2;
	s6 =	simm.s32 $0x108;
	_ =	swait.ge @!p0 [sflag:s8], $0x0  }
0x24: {  	s3 =	sadd.s32 $0x88, s3;
	s6 =	simm.s32 @!p1 $0x1082;
	[sflag:s4] =	ssyncset.s32 $0xFFFFF086  }
0x25: {  	[simem:s6], [sflag:s4] =	dma.local [hbm:s3], $0xF7A  }
0x26: {  	[smem:$0x3F9E] =	sst s1;
	(tag) =	ssettag s2;
	_ =	strace s9  }
0x27: {  	s1 =	sld [smem:$0x3FAE]  }
0x28: {  	s2 =	sld [smem:$0x3FAF]  }
0x29: {  	s4 =	sld [smem:$0x3FB1]  }
0x2a: {  	p0 =	seq.s32 s5, $0x0;
	s5 =	sld [smem:$0x3FB2]  }
0x2b: {  	s6 =	sld [smem:$0x3FB3]  }
0x2c: {  	s7 =	sld [smem:$0x3FB4]  }
0x2d: {  	s3 =	simm.s32 $0x108;
	s8 =	sld [smem:$0x3FB5]  }
0x2e: {  	s3 =	simm.s32 @!p0 $0x1082;
	s9 =	sld [smem:$0x3FB6]  }
0x2f: {  	lr =	sadd.s32 s0, s3;
	s0 =	sld [smem:$0x3FAD]  }
0x30: {  	s3 =	sld [smem:$0x3FB0]  }
0x31: {  	[smem:$0x3FB9] =	sst s10  }
0x32: {  	s10 =	sld [smem:$0x3FB7];
	_ =	sdelay $0x3  }
0x33: {  	p0 =	seq.s32 s10, $0x1;
	s10 =	sld [smem:$0x3FB9];
	_ =	sdelay $0x3  }
0x34: {  	[smem:$0x3FB9] =	sst s10  }
0x35: {  	s10 =	sld [smem:$0x3FB8];
	_ =	sdelay $0x3  }
0x36: {  	p1 =	seq.s32 s10, $0x1;
	s10 =	sld [smem:$0x3FB9];
	_ =	sdelay $0x3  }
0x37: {  	[smem:$0x3FB9] =	sst s10  }
0x38: {  	s10 =	sld [smem:$0x3FBA]  }
0x39: {  	_ = 	snop;
	(pc) =	sbr.ind lr, $3  }
0x3a: {  	_ = 	snop  }
0x3b: {  	_ = 	snop  }
0x3c: {  	p2 =	seq.s32 s10, $0x1;
	s10 =	sld [smem:$0x3FB9]  }
0x3d: {  	_ =	shalt  }
0x3e: {  	_ =	shalt  }
0x3f: {  	_ =	shalt  }
0x40: {  	_ =	shalt  }
0x41: {  	_ =	shalt  }
0x42: {  	_ =	shalt  }
0x43: {  	_ =	shalt  }
0x44: {  	_ =	shalt  }
0x45: {  	_ =	shalt  }
0x46: {  	_ =	shalt  }
0x47: {  	_ =	shalt  }
0x48: {  	_ =	shalt  }
0x49: {  	_ =	shalt  }
0x4a: {  	_ =	shalt  }
0x4b: {  	_ =	shalt  }
0x4c: {  	_ =	shalt  }
0x4d: {  	_ =	shalt  }
0x4e: {  	_ =	shalt  }
0x4f: {  	_ =	shalt  }
0x50: {  	_ =	shalt  }
0x51: {  	_ =	shalt  }
0x52: {  	_ =	shalt  }
0x53: {  	_ =	shalt  }
0x54: {  	_ =	shalt  }
0x55: {  	_ =	shalt  }
0x56: {  	_ =	shalt  }
0x57: {  	_ =	shalt  }
0x58: {  	_ =	shalt  }
0x59: {  	_ =	shalt  }
0x5a: {  	_ =	shalt  }
0x5b: {  	_ =	shalt  }
0x5c: {  	_ =	shalt  }
0x5d: {  	_ =	shalt  }
0x5e: {  	_ =	shalt  }
0x5f: {  	_ =	shalt  }
0x60: {  	_ =	shalt  }
0x61: {  	_ =	shalt  }
0x62: {  	_ =	shalt  }
0x63: {  	_ =	shalt  }
0x64: {  	_ =	shalt  }
0x65: {  	_ =	shalt  }
0x66: {  	_ =	shalt  }
0x67: {  	_ =	shalt  }
0x68: {  	_ =	shalt  }
0x69: {  	_ =	shalt  }
0x6a: {  	_ =	shalt  }
0x6b: {  	_ =	shalt  }
0x6c: {  	_ =	shalt  }
0x6d: {  	_ =	shalt  }
0x6e: {  	_ =	shalt  }
0x6f: {  	_ =	shalt  }
0x70: {  	_ =	shalt  }
0x71: {  	_ =	shalt  }
0x72: {  	_ =	shalt  }
0x73: {  	_ =	shalt  }
0x74: {  	_ =	shalt  }
0x75: {  	_ =	shalt  }
0x76: {  	_ =	shalt  }
0x77: {  	_ =	shalt  }
0x78: {  	_ =	shalt  }
0x79: {  	_ =	shalt  }
0x7a: {  	_ =	shalt  }
0x7b: {  	_ =	shalt  }
0x7c: {  	_ =	shalt  }
0x7d: {  	_ =	shalt  }
0x7e: {  	_ =	shalt  }
0x7f: {  	_ =	shalt  }
0x80: {  	_ =	shalt  }
0x81: {  	_ =	shalt  }
0x82: {  	_ =	shalt  }
0x83: {  	_ =	shalt  }
0x84: {  	_ =	shalt  }
0x85: {  	_ =	shalt  }
0x86: {  	_ =	shalt  }
0x87: {  	_ =	shalt  }
.Lfunc_end0:
.L_simem_size_0:
called_computation_lowered:
.L_overlay_start_0:
0x88: {  	s2 =	sld [smem:$0x3FD9]  }
0x89: {  	s3 =	sld [smem:$0x3FFE];
	_ =	sdelay $0x1  }
0x8a: {  	s1 =	srdreg.scid  }
0x8b: {  	s0 =	sand.u32 $0x1, s1  }
0x8c: {  	s16 =	sshll.u32 s0, $0xA;
	s2 =	sadd.s32 s3, s2  }
0x8d: {  	s2 =	sadd.s32 s2, s16  }
0x8e: {  	[smem:$0x3FC5] =	sst s2  }
0x8f: {  	_ = 	snop  }
0x90: {  	(tm) =	ssettm $0x1  }
0x91: {  	s17 =	sld [smem:$0x3FFB];
	_ =	sdelay $0x3  }
0x92: {  	_ =	strace s17  }
0x93: {  	s2 =	sld [smem:$0x3FFC];
	_ =	sdelay $0x3  }
0x94: {  	_ =	strace s2  }
0x95: {  	s2 =	sld [smem:$0x3FFD];
	_ =	sdelay $0x3  }
0x96: {  	_ =	strace s2  }
0x97: {  	_ =	strace $0x8FFFFFFF  }
0x98: {  	s18 =	sld [smem:$0x3FDB];
	_ =	sdelay $0x1  }
0x99: {  	s19 =	simm.s32 $_scs_section_size  }
0x9a: {  	s4 =	simm.s32 $_size__tile_overlayer_lowered;
	s5 =	simm.s32 $_tile_overlayer_lowered  }
0x9b: {  	s22 =	simm.s32 $0x1BFF;
	s21 =	sshll.u32 s5, $0x1;
	s2 =	sadd.s32 s19, s18  }
0x9c: {  	s6 =	simm.s32 $0x0;
	s20 =	sshll.u32 s4, $0x1;
	s4 =	sadd.s32 s21, s2  }
0x9d: {  	[timem:s6], [sflag:s22] =	dma.local [hbm:s4], s20  }
0x9e: {  	_ =	swait.ge [sflag:s22], s20  }
0x9f: {  	s3 =	ssub.s32 $0x0, s20;
	[sflag:s22] =	ssyncset.done $0x0  }
0xa0: {  	[sflag:s22] =	ssyncadd.s32 s3;
	_ =	sdelay $0x1  }
0xa1: {  	s23 =	simm.s32 $0x1B8B  }
0xa2: {  	_ =	swait.ge [sflag:s23], $0x1  }
0xa3: {  	[sflag:s23] =	ssyncset.done $0x0  }
0xa4: {  	s25 =	simm.s32 $0x1B8E;
	s24 =	sld [smem:$0x3FFE];
	[sflag:s23] =	ssyncadd.s32 $0xFFFFFFFF  }
0xa5: {  	s26 =	simm.s32 $execute0_lowered;
	[smem:$0x3FD2] =	sst s25  }
0xa6: {  	s4 =	sshll.u32 s26, $0x1;
	_ =	strace $0x80000046;
	[dreg:$0x1] =	wrdreg $0xFFFFFFFF  }
0xa7: {  	s28 =	simm.s32 $_size_execute0_lowered;
	s2 =	sadd.s32 s2, s4;
	[dreg:$0x0] =	wrdreg $0x0  }
0xa8: {  	s4 =	sshll.u32 s28, $0x1;
	[dreg:$0x2] =	wrdreg s2  }
0xa9: {  	[dreg:$0x3] =	wrdreg s4  }
0xaa: {  	[dreg:$0x4] =	wrdreg $0xC0  }
0xab: {  	_ =	task [dreg:s6], $0x5FFFF  }
0xac: {  	[dreg:$0x1] =	wrdreg $0xFFFFFFFF  }
0xad: {  	[dreg:$0x0] =	wrdreg $0x60  }
0xae: {  	[dreg:$0x2] =	wrdreg s24  }
0xaf: {  	[dreg:$0x3] =	wrdreg $0x9  }
0xb0: {  	_ =	task.clear_ibuf [dreg:s6], $0x4FFFF;
	_ =	strace $0x90000046  }
0xb1: {  	s29 =	simm.s32 $0x9;
	_ =	strace $0x80000048  }
0xb2: {  	_ =	swait.ge [sflag:s29], $0x1  }
0xb3: {  	[sflag:s29] =	ssyncadd.s32 $0xFFFFFFFF  }
0xb4: {  	_ =	strace $0x90000048  }
0xb5: {  	_ =	sfence  }
0xb6: {  	s30 =	sld [smem:$0x0];
	_ =	sdelay $0x2  }
0xb7: {  	s31 =	sshll.u32 s1, $0xD;
	s1 =	sshrl.u32 s1, $0x2  }
0xb8: {  	s3 =	sand.u32 $0x4000, s31;
	s1 =	sadd.s32 s1, s30  }
0xb9: {  	s0 =	sor.u32 s3, s0;
	s1 =	sshll.u32 s1, $0x11  }
0xba: {  	s0 =	sor.u32 s1, s0  }
0xbb: {  	s0 =	sadd.s32 $0x8F2B, s0  }
0xbc: {  	[sflag:s0] =	ssyncadd.remote.s32 $0x1  }
0xbd: {  	_ =	sfence.sel $0xFFFF  }
0xbe: {  	[dreg:$0x0] =	wrdreg $0xFFFFFFFF;
	(pc) =	sbr.abs _section_cstart, $3  }
0xbf: {  	[dreg:$0x1] =	wrdreg $0xFFFFFFFF  }
0xc0: {  	_ =	task.clear_ibuf [dreg:s6], $0x2FFFF;
	_ =	strace $0x9FFFFFFF  }
0xc1: {  	(tm) =	ssettm $0x7FFFFFFF  }
tec
execute0_lowered:
.L_overlay_start_1:
0x0: {  	(tag) =	ssettag $0x1  }
0x1: {  	s2 =	rddreg [dreg:$0x0]  }
0x2: {  	s3 =	simm.s32 $0x0;
	s0 =	srdreg.scid;
	s1 =	stileid.u32  }
0x3: {  	s14 =	simm.s32 $0x3;
	s16 =	simm.s32 $0x1;
	s17 =	simm.s32 $0x8000  }
0x4: {  	s18 =	simm.s32 $0xC000;
	s19 =	simm.s32 $0x2;
	s20 =	simm.s32 $0x10080  }
0x5: {  	v0 =	vimm.s32 $0xFEDCBA98;
	s21 =	simm.s32 $0x0;
	s0 =	sand.u32 $0x1, s0;
	s1 =	sshll.u32 s1, $0x1  }
0x6: {  	v1 =	vimm.s32 $0x76543210;
	[smem:$0x7FF] =	sst s3;
	s4 =	sadd.s32 $0x400000, s2;
	v0 =	vunpack.c.l.s4.s8 v0;
	s1 =	sor.u32 s0, s1  }
0x7: {  	v1 =	vunpack.c.l.s4.s8 v1;
	s0 =	ssub.s32 $0x2, s0;
	s9 =	smul.u32 $0x3000, s1;
	s1 =	sshll.u32 s1, $0x4  }
0x8: {  	_ =	strace $0x80000047;
	s6 =	sshrl.u32 s0, $0x1;
	v2 =	vunpack.c.0.s8.s32 v0;
	s1 =	sadd.s32 s1, s2  }
0x9: {  	v3 =	vunpack.c.0.s8.s32 v1;
	s0 =	ssub.s32 s0, s6;
	s6 =	sadd.s32 $0x1A0000, s9;
	s9 =	sadd.s32 $0x1A1000, s9  }
0xa: {  	vm0 =	vmmov $0xff;
	s5 =	sadd.s32 $0x200000, s2;
	s10 =	sadd.s32 $0x400400, s1;
	s11 =	sadd.s32 $0x400200, s1;
	v2 =	vand.u32 $0xF, v2  }
0xb: {  	v0 =	vimm.f32 $1.000000000e+00;
	v1 =	vimm.f32 $0.0e+00;
	s12 =	smax.u32 s0, $0x1;
	s7 =	sadd.s32 s2, s6;
	s8 =	sadd.s32 s5, s6;
	v2 =	vcombine.low v2, v3  }
.LBB2_1:
0xc: {  	s0 =	simm.s32 $0x10000  }
0xd: {  	[tilespmem:s0], [sflag:$0x3] =	stream.linear.gather [hbm4b:s4+s3], $0x80, $0x38;
	[tilespmem:$0x10100] =	vst v63  }
0xe: {  	_ =	swait.ge [sflag:s14], $0x80  }
0xf: {  	[sflag:s14] =	ssyncset.done $0x0  }
0x10: {  	[sflag:s14] =	ssyncadd.s32 $0xFFFFFF80  }
0x11: {  	v3 =	vld [tilespmem:$0x10000];
	_ =	sdelay $0x4  }
0x12: {  	[tilespmem:s3], [sflag:$0x1] =	stream.linear.gather [hbm4b:s7+s3], $0x4000, $0x38;
	vm1 =	vlt.f32 v3, $0.0e+00;
	vm2 =	vgt.f32 v3, $0.0e+00;
	[tilespmem:$0x10100] =	vst v63  }
0x13: {  	s31 =	simm.s32 $0x4000;
	s22 =	simm.s32 $0x0;
	vm1 =	vmor vm2, vm1  }
0x14: {  	v4 =	vimm.f32 $0.0e+00;
	v5 =	vimm.f32 $0.0e+00;
	[tilespmem:s31], [sflag:$0x1] =	stream.linear.gather [hbm4b:s8+s3], $0x4000, $0x38;
	v3 =	vsel vm1, $0x41F00000, v0;
	[tilespmem:$0x10100] =	vst v63  }
.LBB2_2:
0x15: {  	_ =	swait.ge [sflag:s16], $0x4000  }
0x16: {  	[sflag:s16] =	ssyncset.done $0x0  }
0x17: {  	s23 =	sshll.u32 s22, $0xC;
	[sflag:s16] =	ssyncadd.s32 $0xFFFFC000  }
0x18: {  	s0 =	sadd.s32 s23, s6;
	_ =	swait.ge [sflag:s16], $0x4000  }
0x19: {  	s0 =	sadd.s32 $0x800, s0;
	[sflag:s16] =	ssyncset.done $0x0  }
0x1a: {  	s24 =	simm.s32 $0x0;
	s1 =	sadd.s32 s2, s0;
	[sflag:s16] =	ssyncadd.s32 $0xFFFFC000  }
0x1b: {  	[tilespmem:s17], [sflag:$0x2] =	stream.linear.gather [hbm4b:s1+s24], $0x4000, $0x38;
	[tilespmem:$0x10100] =	vst v63  }
0x1c: {  	s25 =	simm.s32 $0x0;
	s0 =	sadd.s32 s5, s0  }
0x1d: {  	[tilespmem:s18], [sflag:$0x2] =	stream.linear.gather [hbm4b:s0+s24], $0x4000, $0x38;
	[tilespmem:$0x10100] =	vst v63  }
.LBB2_3:
0x1e: {  	s26 =	sshll.u32 s25, $0xA  }
0x1f: {  	s0 =	sand.u32 $0x40, s24;
	s29 =	sand.u32 $0x2000, s26  }
0x20: {  	s1 =	sshll.u32 s25, $0x7;
	s30 =	sand.u32 $0x1C00, s24;
	s0 =	sor.u32 s0, s29  }
0x21: {  	s28 =	sand.u32 $0x380, s1;
	s0 =	sor.u32 s30, s0  }
0x22: {  	s0 =	sor.u32 s28, s0  }
0x23: {  	v6 =	vld [tilespmem:s0+$0x0];
	s13 =	sor.u32 $0x30, s0  }
0x24: {  	s30 =	sor.u32 $0x20, s0;
	v7 =	vld [tilespmem:s13+$0x0]  }
0x25: {  	s15 =	sor.u32 $0x10, s0;
	v8 =	vld [tilespmem:s30+$0x0]  }
0x26: {  	v9 =	vld [tilespmem:s15+$0x0];
	_ =	sdelay $0x3  }
0x27: {  	v10 =	vmul.f32 v6, v6;
	v11 =	vmul.f32 v7, v7  }
0x28: {  	v12 =	vmul.f32 v8, v8;
	v13 =	vmul.f32 v9, v9  }
0x29: {  	v10 =	vsub.f32 $1.000000000e+00, v10;
	v11 =	vsub.f32 $1.000000000e+00, v11  }
0x2a: {  	v13 =	vsub.f32 $1.000000000e+00, v13;
	v12 =	vsub.f32 $1.000000000e+00, v12  }
0x2b: {  	v10 =	vmax.f32 v10, $0.0e+00  }
0x2c: {  	v13 =	vmax.f32 v13, $0.0e+00;
	v12 =	vmax.f32 v12, $0.0e+00;
	v11 =	vmax.f32 v11, $0.0e+00  }
0x2d: {  	v14 =	vshra.s32 v10, $0x1;
	v15 =	vmul.f32 $5.000000000e-01, v10;
	v16 =	vshra.s32 v12, $0x1  }
0x2e: {  	v17 =	vshra.s32 v11, $0x1;
	v18 =	vmul.f32 $5.000000000e-01, v11;
	v14 =	vsub.s32 $0x5F3759DF, v14  }
0x2f: {  	v19 =	vshra.s32 v13, $0x1;
	v20 =	vmul.f32 $5.000000000e-01, v13;
	v21 =	vmul.f32 v14, v15  }
0x30: {  	v22 =	vmul.f32 $5.000000000e-01, v12;
	v17 =	vsub.s32 $0x5F3759DF, v17;
	v19 =	vsub.s32 $0x5F3759DF, v19  }
0x31: {  	v16 =	vsub.s32 $0x5F3759DF, v16;
	v23 =	vmul.f32 v19, v20;
	v21 =	vmul.f32 v14, v21  }
0x32: {  	v25 =	vmul.f32 v17, v18;
	v26 =	vmul.f32 v16, v22  }
0x33: {  	v24 =	vld [tilespmem:s0+$0x4000];
	v23 =	vmul.f32 v19, v23;
	v21 =	vsub.f32 $1.500000000e+00, v21  }
0x34: {  	v25 =	vmul.f32 v17, v25;
	v26 =	vmul.f32 v16, v26  }
0x35: {  	v54 =	vmul.f32 $8.775825500e-01, v6;
	v23 =	vsub.f32 $1.500000000e+00, v23;
	v14 =	vmul.f32 v14, v21  }
0x36: {  	v56 =	vmul.f32 $8.775825500e-01, v7;
	v25 =	vsub.f32 $1.500000000e+00, v25;
	v26 =	vsub.f32 $1.500000000e+00, v26  }
0x37: {  	v19 =	vmul.f32 v19, v23;
	v15 =	vmul.f32 v14, v15  }
0x38: {  	vm6 =	vlt.f32 v24, $0.0e+00;
	v17 =	vmul.f32 v17, v25;
	v16 =	vmul.f32 v16, v26  }
0x39: {  	vm7 =	vgt.f32 v24, $0.0e+00;
	v20 =	vmul.f32 v19, v20;
	v15 =	vmul.f32 v15, v14  }
0x3a: {  	s13 =	sor.u32 $0x4030, s0;
	vm2 =	vgt.f32 v6, $-8.775825500e-01;
	v18 =	vmul.f32 v17, v18;
	v22 =	vmul.f32 v16, v22  }
0x3b: {  	v27 =	vld [tilespmem:s13+$0x0];
	v57 =	vmul.f32 $8.775825500e-01, v9;
	v20 =	vmul.f32 v20, v19;
	v15 =	vsub.f32 $1.500000000e+00, v15  }
0x3c: {  	s15 =	sor.u32 $0x4020, s0;
	vm9 =	vgt.f32 v7, $-8.775825500e-01;
	v22 =	vmul.f32 v22, v16;
	v18 =	vmul.f32 v18, v17  }
0x3d: {  	v55 =	vld [tilespmem:s15+$0x0];
	vm6 =	vmor vm7, vm6;
	v14 =	vmul.f32 v15, v14;
	v15 =	vsub.f32 $1.500000000e+00, v20  }
0x3e: {  	vm7 =	vgt.f32 v8, $-8.775825500e-01;
	v22 =	vsub.f32 $1.500000000e+00, v22;
	v18 =	vsub.f32 $1.500000000e+00, v18  }
0x3f: {  	s0 =	sor.u32 $0x4010, s0;
	vm12 =	vgt.f32 v9, $-8.775825500e-01;
	v10 =	vmul.f32 v14, v10;
	v14 =	vmul.f32 v15, v19  }
0x40: {  	v58 =	vld [tilespmem:s0+$0x0];
	vm5 =	vlt.f32 v27, $0.0e+00;
	v15 =	vmul.f32 v22, v16;
	v16 =	vmul.f32 v18, v17  }
0x41: {  	vm8 =	vgt.f32 v27, $0.0e+00;
	v13 =	vmul.f32 v14, v13;
	v10 =	vmul.f32 $4.794255500e-01, v10  }
0x42: {  	vm3 =	vlt.f32 v55, $0.0e+00;
	v11 =	vmul.f32 v16, v11;
	v12 =	vmul.f32 v15, v12  }
0x43: {  	v20 =	vmul.f32 $8.775825500e-01, v8;
	v13 =	vmul.f32 $4.794255500e-01, v13;
	v10 =	vsub.f32 v54, v10  }
0x44: {  	s1 =	simm.s32 $0x40;
	vm4 =	vgt.f32 v55, $0.0e+00;
	v11 =	vmul.f32 $4.794255500e-01, v11;
	v12 =	vmul.f32 $4.794255500e-01, v12  }
0x45: {  	s30 =	simm.s32 $0x200;
	s0 =	sand.u32 $0x40, s1;
	vm10 =	vlt.f32 v58, $0.0e+00;
	v13 =	vsub.f32 v57, v13;
	v14 =	vsub.f32 $-2.000000000e+00, v10  }
0x46: {  	s13 =	sand.u32 $0x1C00, s30;
	s0 =	sor.u32 s0, s29;
	vm11 =	vgt.f32 v58, $0.0e+00;
	v11 =	vsub.f32 v56, v11;
	v12 =	vsub.f32 v20, v12  }
0x47: {  	s0 =	sor.u32 s13, s0;
	vm5 =	vmor vm8, vm5;
	v15 =	vsub.f32 $-2.000000000e+00, v13;
	v10 =	vsel vm2, v10, v14  }
0x48: {  	s0 =	sor.u32 s28, s0;
	v14 =	vsub.f32 $-2.000000000e+00, v12;
	v16 =	vsub.f32 $-2.000000000e+00, v11;
	v10 =	vsel vm1, v10, v6  }
0x49: {  	s15 =	sor.u32 $0x4030, s0;
	vm2 =	vmor vm11, vm10;
	v10 =	vsub.f32 $0.0e+00, v10;
	v13 =	vsel vm12, v13, v15  }
0x4a: {  	v17 =	vld [tilespmem:s15+$0x0];
	v12 =	vsel vm7, v12, v14;
	v14 =	vsel vm9, v11, v16;
	v13 =	vsel vm1, v13, v9  }
0x4b: {  	v12 =	vsel vm1, v12, v8;
	v6 =	vsel vm6, v10, v6;
	v10 =	vsub.f32 $0.0e+00, v13  }
0x4c: {  	v12 =	vsub.f32 $0.0e+00, v12;
	v13 =	vsel vm1, v14, v7;
	v11 =	vmul.f32 v6, v3  }
0x4d: {  	v15 =	vld [tilespmem:s0+$0x4000];
	v9 =	vsel vm2, v10, v9;
	vm2 =	vmor vm4, vm3;
	v10 =	vsub.f32 $0.0e+00, v13  }
0x4e: {  	v16 =	vsub.f32 $0.0e+00, v11;
	v14 =	vmul.f32 v9, v3;
	v8 =	vsel vm2, v12, v8  }
0x4f: {  	vm8 =	vlt.f32 v17, $0.0e+00;
	v13 =	vmul.f32 v8, v3;
	v7 =	vsel vm5, v10, v7  }
0x50: {  	v8 =	vmin.f32 v11, v16;
	v9 =	vsub.f32 $0.0e+00, v14;
	v12 =	vmul.f32 v7, v3  }
0x51: {  	s31 =	sor.u32 $0x4020, s0;
	vm9 =	vgt.f32 v17, $0.0e+00;
	v6 =	vld [tilespmem:s0+$0x0];
	v16 =	vmul.f32 $1.442695020e+00, v8;
	v18 =	vsub.f32 $0.0e+00, v13  }
0x52: {  	s13 =	sor.u32 $0x30, s0;
	vm6 =	vlt.f32 v15, $0.0e+00;
	v10 =	vld [tilespmem:s31+$0x0];
	v19 =	vmin.f32 v14, v9;
	v20 =	vsub.f32 $0.0e+00, v12  }
0x53: {  	s31 =	sor.u32 $0x20, s0;
	v7 =	vld [tilespmem:s13+$0x0];
	v19 =	vmul.f32 $1.442695020e+00, v19;
	v18 =	vmin.f32 v13, v18;
	(erf) = vpow2.f32 v16  }
0x54: {  	s15 =	sor.u32 $0x10, s0;
	vm7 =	vgt.f32 v15, $0.0e+00;
	v45 =	vmax.f32 v11, $0.0e+00;
	v8 =	vld [tilespmem:s31+$0x0];
	v18 =	vmul.f32 $1.442695020e+00, v18  }
0x55: {  	vm11 =	vmor vm7, vm6;
	v9 =	vld [tilespmem:s15+$0x0];
	v20 =	vmin.f32 v12, v20;
	(erf) = vpow2.f32 v19  }
0x56: {  	vm7 =	vmor vm9, vm8;
	v17 =	vmul.f32 $1.442695020e+00, v20;
	(erf) = vpow2.f32 v18  }
0x57: {  	vm6 =	vlt.f32 v11, $0.0e+00;
	v47 =	vmax.f32 v14, $0.0e+00;
	v15 =	vmul.f32 $8.775825500e-01, v6  }
0x58: {  	v49 =	vmax.f32 v13, $0.0e+00;
	v53 =	vmax.f32 v12, $0.0e+00;
	(erf) = vpow2.f32 v17  }
0x59: {  	v16 =	vmul.f32 v6, v6;
	vm2 =	vlt.f32 v10, $0.0e+00;
	v19 =	vmul.f32 v7, v7  }
0x5a: {  	vm3 =	vgt.f32 v10, $0.0e+00;
	v18 =	vmul.f32 v8, v8;
	v20 =	vmul.f32 v9, v9  }
0x5b: {  	v10 =	vsub.f32 $1.000000000e+00, v16;
	v59 =	vsub.f32 $1.000000000e+00, v19;
	v17 =	vmul.f32 $8.775825500e-01, v7  }
0x5c: {  	v16 =	vmul.f32 $8.775825500e-01, v9;
	v60 =	vsub.f32 $1.000000000e+00, v18;
	v19 =	vsub.f32 $1.000000000e+00, v20;
	v61 =	vpop (erf)  }
0x5d: {  	v20 =	vmax.f32 v10, $0.0e+00;
	v10 =	vmul.f32 $8.775825500e-01, v8;
	v39 =	vmul.f32 $1.000928970e-02, v61  }
0x5e: {  	v21 =	vmax.f32 v59, $0.0e+00;
	v62 =	vshra.s32 v20, $0x1;
	v63 =	vmul.f32 $5.000000000e-01, v20;
	v29 =	vpop (erf)  }
0x5f: {  	v41 =	vshra.s32 v21, $0x1;
	v25 =	vadd.f32 $-5.243753640e-02, v39;
	v31 =	vmul.f32 $1.000928970e-02, v29;
	v32 =	vpop (erf)  }
0x60: {  	v28 =	vmul.f32 $5.000000000e-01, v21;
	v18 =	vmax.f32 v19, $0.0e+00;
	v35 =	vmul.f32 $1.000928970e-02, v32  }
0x61: {  	v19 =	vmax.f32 v60, $0.0e+00;
	v36 =	vpop (erf);
	v25 =	vmul.f32 v25, v61;
	v31 =	vadd.f32 $-5.243753640e-02, v31  }
0x62: {  	v23 =	vsub.s32 $0x5F3759DF, v62;
	v37 =	vmul.f32 $1.000928970e-02, v36;
	v35 =	vadd.f32 $-5.243753640e-02, v35  }
0x63: {  	v27 =	vsub.s32 $0x5F3759DF, v41;
	v25 =	vadd.f32 $1.308334320e-01, v25;
	v31 =	vmul.f32 v31, v29  }
0x64: {  	v40 =	vshra.s32 v19, $0x1;
	v37 =	vadd.f32 $-5.243753640e-02, v37;
	v35 =	vmul.f32 v35, v32  }
0x65: {  	v30 =	vmul.f32 $5.000000000e-01, v19;
	v25 =	vmul.f32 v25, v61;
	v31 =	vadd.f32 $1.308334320e-01, v31  }
0x66: {  	v33 =	vshra.s32 v18, $0x1;
	v37 =	vmul.f32 v37, v36;
	v35 =	vadd.f32 $1.308334320e-01, v35  }
0x67: {  	v34 =	vmul.f32 $5.000000000e-01, v18;
	v25 =	vadd.f32 $-2.231658700e-01, v25;
	v31 =	vmul.f32 v31, v29  }
0x68: {  	v38 =	vmul.f32 v23, v63;
	v37 =	vadd.f32 $1.308334320e-01, v37;
	v35 =	vmul.f32 v35, v32  }
0x69: {  	v26 =	vsub.s32 $0x5F3759DF, v40;
	v25 =	vmul.f32 v25, v61;
	v31 =	vadd.f32 $-2.231658700e-01, v31  }
0x6a: {  	v33 =	vsub.s32 $0x5F3759DF, v33;
	v37 =	vmul.f32 v37, v36;
	v35 =	vadd.f32 $-2.231658700e-01, v35  }
0x6b: {  	v40 =	vmul.f32 v26, v30;
	v25 =	vadd.f32 $3.272257150e-01, v25;
	v31 =	vmul.f32 v31, v29  }
0x6c: {  	v41 =	vmul.f32 v33, v34;
	v37 =	vadd.f32 $-2.231658700e-01, v37;
	v35 =	vmul.f32 v35, v32  }
0x6d: {  	v38 =	vmul.f32 v23, v38;
	v25 =	vmul.f32 v25, v61;
	v31 =	vadd.f32 $3.272257150e-01, v31  }
0x6e: {  	v39 =	vmul.f32 v27, v28;
	v37 =	vmul.f32 v37, v36;
	v35 =	vadd.f32 $3.272257150e-01, v35  }
0x6f: {  	v40 =	vmul.f32 v26, v40;
	v25 =	vadd.f32 $-4.992850420e-01, v25;
	v31 =	vmul.f32 v31, v29  }
0x70: {  	v41 =	vmul.f32 v33, v41;
	v37 =	vadd.f32 $3.272257150e-01, v37;
	v35 =	vmul.f32 v35, v32  }
0x71: {  	v38 =	vsub.f32 $1.500000000e+00, v38;
	v25 =	vmul.f32 v25, v61;
	v31 =	vadd.f32 $-4.992850420e-01, v31  }
0x72: {  	v39 =	vmul.f32 v27, v39;
	v37 =	vmul.f32 v37, v36;
	v35 =	vadd.f32 $-4.992850420e-01, v35  }
0x73: {  	v40 =	vsub.f32 $1.500000000e+00, v40;
	v25 =	vadd.f32 $9.999670980e-01, v25;
	v31 =	vmul.f32 v31, v29  }
0x74: {  	v41 =	vsub.f32 $1.500000000e+00, v41;
	v37 =	vadd.f32 $-4.992850420e-01, v37;
	v35 =	vmul.f32 v35, v32  }
0x75: {  	v23 =	vmul.f32 v23, v38;
	v22 =	vmul.f32 v25, v61;
	v42 =	vadd.f32 $9.999670980e-01, v31  }
0x76: {  	v39 =	vsub.f32 $1.500000000e+00, v39;
	v44 =	vmul.f32 v37, v36;
	v43 =	vadd.f32 $9.999670980e-01, v35  }
0x77: {  	v26 =	vmul.f32 v26, v40;
	v22 =	vadd.f32 $2.554673130e-07, v22;
	v25 =	vmul.f32 v42, v29  }
0x78: {  	v33 =	vmul.f32 v33, v41;
	v46 =	vadd.f32 $9.999670980e-01, v44;
	v31 =	vmul.f32 v43, v32  }
0x79: {  	v24 =	vmul.f32 v23, v63;
	v22 =	vadd.f32 v22, v45;
	v25 =	vadd.f32 $2.554673130e-07, v25  }
0x7a: {  	v27 =	vmul.f32 v27, v39;
	v32 =	vmul.f32 v46, v36;
	v31 =	vadd.f32 $2.554673130e-07, v31  }
0x7b: {  	v30 =	vmul.f32 v26, v30;
	v48 =	vsub.f32 v11, v22;
	v25 =	vadd.f32 v25, v47  }
0x7c: {  	v34 =	vmul.f32 v33, v34;
	v50 =	vadd.f32 $2.554673130e-07, v32;
	v29 =	vadd.f32 v31, v49  }
0x7d: {  	v24 =	vmul.f32 v24, v23;
	v51 =	vadd.f32 v48, v48;
	v52 =	vsub.f32 v14, v25  }
0x7e: {  	v28 =	vmul.f32 v27, v28;
	v30 =	vmul.f32 v30, v26;
	v31 =	vadd.f32 v50, v53  }
0x7f: {  	v54 =	vsub.f32 v13, v29;
	v32 =	vmul.f32 $1.442695020e+00, v51;
	v35 =	vadd.f32 v52, v52  }
0x80: {  	v24 =	vsub.f32 $1.500000000e+00, v24;
	v34 =	vmul.f32 v34, v33;
	v56 =	vsub.f32 v12, v31  }
0x81: {  	s0 =	sor.u32 $0x4010, s0;
	v36 =	vadd.f32 v54, v54;
	v35 =	vmul.f32 $1.442695020e+00, v35;
	(erf) = vpow2.f32 v32  }
0x82: {  	v55 =	vld [tilespmem:s0+$0x0];
	v28 =	vmul.f32 v28, v27;
	v23 =	vmul.f32 v24, v23;
	v57 =	vsub.f32 $1.500000000e+00, v30  }
0x83: {  	v59 =	vadd.f32 v56, v56;
	v58 =	vmul.f32 $1.442695020e+00, v36;
	(erf) = vpow2.f32 v35  }
0x84: {  	v34 =	vsub.f32 $1.500000000e+00, v34;
	v28 =	vsub.f32 $1.500000000e+00, v28;
	v24 =	vmul.f32 v57, v26  }
0x85: {  	vm4 =	vgt.f32 v6, $-8.775825500e-01;
	v61 =	vmul.f32 $1.442695020e+00, v59;
	(erf) = vpow2.f32 v58  }
0x86: {  	vm5 =	vgt.f32 v7, $-8.775825500e-01;
	v62 =	vmul.f32 v34, v33;
	v60 =	vmul.f32 v28, v27  }
0x87: {  	vm10 =	vlt.f32 v55, $0.0e+00;
	v20 =	vmul.f32 v23, v20;
	(erf) = vpow2.f32 v61  }
0x88: {  	vm12 =	vgt.f32 v55, $0.0e+00;
	v18 =	vmul.f32 v62, v18;
	v21 =	vmul.f32 v60, v21  }
0x89: {  	vm13 =	vgt.f32 v8, $-8.775825500e-01;
	v19 =	vmul.f32 v24, v19;
	v20 =	vmul.f32 $4.794255500e-01, v20  }
0x8a: {  	vm14 =	vgt.f32 v9, $-8.775825500e-01;
	v23 =	vmul.f32 $4.794255500e-01, v18;
	v21 =	vmul.f32 $4.794255500e-01, v21;
	v63 =	vpop (erf)  }
0x8b: {  	v19 =	vmul.f32 $4.794255500e-01, v19;
	v18 =	vsub.f32 v15, v20;
	v20 =	vmul.f32 v63, v22  }
0x8c: {  	v15 =	vsub.f32 v17, v21;
	v11 =	vsel vm6, $0x3F800000, v1;
	vm6 =	vlt.f32 v14, $0.0e+00;
	v14 =	vpop (erf)  }
0x8d: {  	v4 =	vadd.f32 v11, v4;
	v5 =	vadd.f32 v20, v5;
	v11 =	vmul.f32 v14, v25  }
0x8e: {  	v14 =	vsub.f32 v16, v23;
	v16 =	vsel vm6, $0x3F800000, v1;
	vm6 =	vlt.f32 v13, $0.0e+00;
	v13 =	vpop (erf)  }
0x8f: {  	v4 =	vadd.f32 v16, v4;
	v5 =	vadd.f32 v11, v5;
	v11 =	vmul.f32 v13, v29  }
0x90: {  	v16 =	vsel vm6, $0x3F800000, v1;
	vm6 =	vlt.f32 v12, $0.0e+00;
	v12 =	vpop (erf);
	v13 =	vsub.f32 $-2.000000000e+00, v18  }
0x91: {  	s0 =	simm.s32 $0x80;
	s31 =	simm.s32 $0x4;
	v4 =	vadd.f32 v16, v4;
	v5 =	vadd.f32 v11, v5;
	v11 =	vmul.f32 v12, v31  }
.LBB2_4:
0x92: {  	s1 =	sand.u32 $0x40, s0;
	v12 =	vsub.f32 $-2.000000000e+00, v14;
	v10 =	vsub.f32 v10, v19;
	s30 =	sadd.s32 $0x200, s30;
	v16 =	vsel vm6, $0x3F800000, v1  }
0x93: {  	v13 =	vsel vm4, v18, v13;
	s13 =	sand.u32 $0x1C00, s30;
	s1 =	sor.u32 s1, s29;
	v5 =	vadd.f32 v11, v5;
	v4 =	vadd.f32 v16, v4  }
0x94: {  	v11 =	vsel vm1, v13, v6;
	v16 =	vsub.f32 $-2.000000000e+00, v15;
	s1 =	sor.u32 s13, s1;
	v13 =	vsub.f32 $-2.000000000e+00, v10  }
0x95: {  	vm4 =	vmor vm12, vm10;
	v11 =	vsub.f32 $0.0e+00, v11;
	v12 =	vsel vm14, v14, v12;
	s1 =	sor.u32 s28, s1  }
0x96: {  	v12 =	vsel vm1, v12, v9;
	v17 =	vld [tilespmem:s1+$0x4000];
	v10 =	vsel vm13, v10, v13;
	v13 =	vsel vm5, v15, v16  }
0x97: {  	v6 =	vsel vm11, v11, v6;
	v12 =	vsub.f32 $0.0e+00, v12;
	v10 =	vsel vm1, v10, v8  }
0x98: {  	v11 =	vmul.f32 v6, v3;
	v13 =	vsel vm1, v13, v7;
	v10 =	vsub.f32 $0.0e+00, v10  }
0x99: {  	vm2 =	vmor vm3, vm2;
	v9 =	vsel vm4, v12, v9;
	v12 =	vsub.f32 $0.0e+00, v13;
	v6 =	vld [tilespmem:s1+$0x0]  }
0x9a: {  	s13 =	sor.u32 $0x4030, s1;
	v15 =	vsub.f32 $0.0e+00, v11;
	v14 =	vmul.f32 v9, v3;
	v8 =	vsel vm2, v10, v8  }
0x9b: {  	s15 =	sor.u32 $0x4020, s1;
	v7 =	vsel vm7, v12, v7;
	vm6 =	vlt.f32 v17, $0.0e+00;
	v10 =	vld [tilespmem:s13+$0x0];
	v13 =	vmul.f32 v8, v3  }
0x9c: {  	s13 =	sor.u32 $0x30, s1;
	v8 =	vmin.f32 v11, v15;
	v9 =	vsub.f32 $0.0e+00, v14;
	v12 =	vmul.f32 v7, v3;
	v16 =	vld [tilespmem:s15+$0x0]  }
0x9d: {  	vm7 =	vgt.f32 v17, $0.0e+00;
	s15 =	sor.u32 $0x20, s1;
	v17 =	vmul.f32 $1.442695020e+00, v8;
	v7 =	vld [tilespmem:s13+$0x0];
	v18 =	vsub.f32 $0.0e+00, v13  }
0x9e: {  	s13 =	sor.u32 $0x10, s1;
	v19 =	vmin.f32 v14, v9;
	v20 =	vsub.f32 $0.0e+00, v12;
	v15 =	vmul.f32 $8.775825500e-01, v6;
	v8 =	vld [tilespmem:s15+$0x0]  }
0x9f: {  	v19 =	vmul.f32 $1.442695020e+00, v19;
	v9 =	vld [tilespmem:s13+$0x0];
	v18 =	vmin.f32 v13, v18;
	(erf) = vpow2.f32 v17  }
0xa0: {  	vm4 =	vgt.f32 v6, $-8.775825500e-01;
	v17 =	vmul.f32 v6, v6;
	v18 =	vmul.f32 $1.442695020e+00, v18  }
0xa1: {  	v20 =	vmin.f32 v12, v20;
	vm8 =	vlt.f32 v10, $0.0e+00;
	(erf) = vpow2.f32 v19  }
0xa2: {  	vm9 =	vgt.f32 v10, $0.0e+00;
	v10 =	vmul.f32 $1.442695020e+00, v20;
	(erf) = vpow2.f32 v18  }
0xa3: {  	vm2 =	vlt.f32 v16, $0.0e+00;
	v19 =	vmul.f32 v7, v7;
	v18 =	vmul.f32 v8, v8  }
0xa4: {  	vm3 =	vgt.f32 v16, $0.0e+00;
	v20 =	vmul.f32 v9, v9;
	(erf) = vpow2.f32 v10  }
0xa5: {  	vm5 =	vgt.f32 v7, $-8.775825500e-01;
	v10 =	vsub.f32 $1.000000000e+00, v17;
	v21 =	vsub.f32 $1.000000000e+00, v19  }
0xa6: {  	v17 =	vmul.f32 $8.775825500e-01, v7;
	v23 =	vsub.f32 $1.000000000e+00, v18;
	v19 =	vsub.f32 $1.000000000e+00, v20  }
0xa7: {  	v16 =	vmul.f32 $8.775825500e-01, v9;
	v20 =	vmax.f32 v10, $0.0e+00;
	v10 =	vmul.f32 $8.775825500e-01, v8  }
0xa8: {  	v21 =	vmax.f32 v21, $0.0e+00;
	v18 =	vmax.f32 v19, $0.0e+00;
	v19 =	vmax.f32 v23, $0.0e+00;
	v22 =	vpop (erf)  }
0xa9: {  	v24 =	vmul.f32 $5.000000000e-01, v20;
	v23 =	vshra.s32 v20, $0x1;
	v25 =	vmul.f32 $1.000928970e-02, v22  }
0xaa: {  	v27 =	vshra.s32 v21, $0x1;
	v28 =	vmul.f32 $5.000000000e-01, v21;
	v26 =	vshra.s32 v19, $0x1;
	v29 =	vpop (erf)  }
0xab: {  	v30 =	vmul.f32 $5.000000000e-01, v19;
	v25 =	vadd.f32 $-5.243753640e-02, v25;
	v31 =	vmul.f32 $1.000928970e-02, v29;
	v32 =	vpop (erf)  }
0xac: {  	v33 =	vshra.s32 v18, $0x1;
	v34 =	vmul.f32 $5.000000000e-01, v18;
	v35 =	vmul.f32 $1.000928970e-02, v32  }
0xad: {  	v23 =	vsub.s32 $0x5F3759DF, v23;
	v25 =	vmul.f32 v25, v22;
	v31 =	vadd.f32 $-5.243753640e-02, v31;
	v36 =	vpop (erf)  }
0xae: {  	v27 =	vsub.s32 $0x5F3759DF, v27;
	v35 =	vadd.f32 $-5.243753640e-02, v35;
	v37 =	vmul.f32 $1.000928970e-02, v36  }
0xaf: {  	v26 =	vsub.s32 $0x5F3759DF, v26;
	v25 =	vadd.f32 $1.308334320e-01, v25;
	v31 =	vmul.f32 v31, v29  }
0xb0: {  	v33 =	vsub.s32 $0x5F3759DF, v33;
	v35 =	vmul.f32 v35, v32;
	v37 =	vadd.f32 $-5.243753640e-02, v37  }
0xb1: {  	v38 =	vmul.f32 v23, v24;
	v25 =	vmul.f32 v25, v22;
	v31 =	vadd.f32 $1.308334320e-01, v31  }
0xb2: {  	v39 =	vmul.f32 v27, v28;
	v35 =	vadd.f32 $1.308334320e-01, v35;
	v37 =	vmul.f32 v37, v36  }
0xb3: {  	v40 =	vmul.f32 v26, v30;
	v25 =	vadd.f32 $-2.231658700e-01, v25;
	v31 =	vmul.f32 v31, v29  }
0xb4: {  	v41 =	vmul.f32 v33, v34;
	v35 =	vmul.f32 v35, v32;
	v37 =	vadd.f32 $1.308334320e-01, v37  }
0xb5: {  	v38 =	vmul.f32 v23, v38;
	v25 =	vmul.f32 v25, v22;
	v31 =	vadd.f32 $-2.231658700e-01, v31  }
0xb6: {  	v39 =	vmul.f32 v27, v39;
	v35 =	vadd.f32 $-2.231658700e-01, v35;
	v37 =	vmul.f32 v37, v36  }
0xb7: {  	s31 =	sadd.s32 $0x4, s31;
	v40 =	vmul.f32 v26, v40;
	v25 =	vadd.f32 $3.272257150e-01, v25;
	v31 =	vmul.f32 v31, v29  }
0xb8: {  	p0 =	slt.u32 s31, $0x38;
	v41 =	vmul.f32 v33, v41;
	v35 =	vmul.f32 v35, v32;
	v37 =	vadd.f32 $-2.231658700e-01, v37  }
0xb9: {  	v38 =	vsub.f32 $1.500000000e+00, v38;
	v25 =	vmul.f32 v25, v22;
	v31 =	vadd.f32 $3.272257150e-01, v31  }
0xba: {  	v39 =	vsub.f32 $1.500000000e+00, v39;
	v35 =	vadd.f32 $3.272257150e-01, v35;
	v37 =	vmul.f32 v37, v36  }
0xbb: {  	v40 =	vsub.f32 $1.500000000e+00, v40;
	v25 =	vadd.f32 $-4.992850420e-01, v25;
	v31 =	vmul.f32 v31, v29  }
0xbc: {  	v41 =	vsub.f32 $1.500000000e+00, v41;
	v35 =	vmul.f32 v35, v32;
	v37 =	vadd.f32 $3.272257150e-01, v37  }
0xbd: {  	v23 =	vmul.f32 v23, v38;
	v25 =	vmul.f32 v25, v22;
	v31 =	vadd.f32 $-4.992850420e-01, v31  }
0xbe: {  	v27 =	vmul.f32 v27, v39;
	v35 =	vadd.f32 $-4.992850420e-01, v35;
	v37 =	vmul.f32 v37, v36  }
0xbf: {  	v26 =	vmul.f32 v26, v40;
	v25 =	vadd.f32 $9.999670980e-01, v25;
	v31 =	vmul.f32 v31, v29  }
0xc0: {  	v33 =	vmul.f32 v33, v41;
	v35 =	vmul.f32 v35, v32;
	v37 =	vadd.f32 $-4.992850420e-01, v37  }
0xc1: {  	v24 =	vmul.f32 v23, v24;
	v22 =	vmul.f32 v25, v22;
	v25 =	vadd.f32 $9.999670980e-01, v31  }
0xc2: {  	v28 =	vmul.f32 v27, v28;
	v31 =	vadd.f32 $9.999670980e-01, v35;
	v35 =	vmul.f32 v37, v36  }
0xc3: {  	v30 =	vmul.f32 v26, v30;
	v22 =	vadd.f32 $2.554673130e-07, v22;
	v25 =	vmul.f32 v25, v29  }
0xc4: {  	v29 =	vmax.f32 v11, $0.0e+00;
	v31 =	vmul.f32 v31, v32;
	v32 =	vadd.f32 $9.999670980e-01, v35  }
0xc5: {  	v34 =	vmul.f32 v33, v34;
	v22 =	vadd.f32 v22, v29;
	v25 =	vadd.f32 $2.554673130e-07, v25  }
0xc6: {  	v29 =	vmax.f32 v14, $0.0e+00;
	v31 =	vadd.f32 $2.554673130e-07, v31;
	v32 =	vmul.f32 v32, v36  }
0xc7: {  	v35 =	vsub.f32 v11, v22;
	v25 =	vadd.f32 v25, v29;
	v29 =	vmax.f32 v13, $0.0e+00  }
0xc8: {  	v24 =	vmul.f32 v24, v23;
	v29 =	vadd.f32 v31, v29;
	v31 =	vadd.f32 $2.554673130e-07, v32  }
0xc9: {  	v36 =	vmax.f32 v12, $0.0e+00;
	v32 =	vadd.f32 v35, v35;
	v35 =	vsub.f32 v14, v25  }
0xca: {  	v28 =	vmul.f32 v28, v27;
	v30 =	vmul.f32 v30, v26;
	v31 =	vadd.f32 v31, v36  }
0xcb: {  	s1 =	sor.u32 $0x4010, s1;
	v36 =	vsub.f32 v13, v29;
	v32 =	vmul.f32 $1.442695020e+00, v32;
	v35 =	vadd.f32 v35, v35  }
0xcc: {  	v34 =	vmul.f32 v34, v33;
	v24 =	vsub.f32 $1.500000000e+00, v24;
	v37 =	vld [tilespmem:s1+$0x0];
	v38 =	vsub.f32 v12, v31  }
0xcd: {  	v36 =	vadd.f32 v36, v36;
	v35 =	vmul.f32 $1.442695020e+00, v35;
	(erf) = vpow2.f32 v32  }
0xce: {  	v28 =	vsub.f32 $1.500000000e+00, v28;
	v23 =	vmul.f32 v24, v23;
	v24 =	vsub.f32 $1.500000000e+00, v30  }
0xcf: {  	v30 =	vmul.f32 $1.442695020e+00, v36;
	v32 =	vadd.f32 v38, v38;
	(erf) = vpow2.f32 v35  }
0xd0: {  	v34 =	vsub.f32 $1.500000000e+00, v34;
	v24 =	vmul.f32 v24, v26;
	v26 =	vmul.f32 v28, v27  }
0xd1: {  	v27 =	vmul.f32 $1.442695020e+00, v32;
	vm10 =	vlt.f32 v37, $0.0e+00;
	(erf) = vpow2.f32 v30  }
0xd2: {  	v20 =	vmul.f32 v23, v20;
	v23 =	vmul.f32 v34, v33;
	vm12 =	vgt.f32 v37, $0.0e+00  }
0xd3: {  	vm11 =	vmor vm7, vm6;
	v21 =	vmul.f32 v26, v21;
	(erf) = vpow2.f32 v27  }
0xd4: {  	vm13 =	vgt.f32 v8, $-8.775825500e-01;
	v18 =	vmul.f32 v23, v18;
	v19 =	vmul.f32 v24, v19  }
0xd5: {  	vm14 =	vgt.f32 v9, $-8.775825500e-01;
	v20 =	vmul.f32 $4.794255500e-01, v20;
	v21 =	vmul.f32 $4.794255500e-01, v21  }
0xd6: {  	vm7 =	vmor vm9, vm8;
	v23 =	vmul.f32 $4.794255500e-01, v18;
	v19 =	vmul.f32 $4.794255500e-01, v19;
	v24 =	vpop (erf)  }
0xd7: {  	vm6 =	vlt.f32 v11, $0.0e+00;
	v18 =	vsub.f32 v15, v20;
	v20 =	vmul.f32 v24, v22  }
0xd8: {  	v15 =	vsub.f32 v17, v21;
	v11 =	vsel vm6, $0x3F800000, v1;
	vm6 =	vlt.f32 v14, $0.0e+00;
	v14 =	vpop (erf)  }
.Ltmp0:
0xd9: {  	v4 =	vadd.f32 v11, v4;
	v5 =	vadd.f32 v20, v5;
	v11 =	vmul.f32 v14, v25;
	(pc) =	sbr.rel @p0 .LBB2_4-.Ltmp0, $4  }
0xda: {  	v14 =	vsub.f32 v16, v23;
	v16 =	vsel vm6, $0x3F800000, v1;
	vm6 =	vlt.f32 v13, $0.0e+00;
	v13 =	vpop (erf)  }
0xdb: {  	v4 =	vadd.f32 v16, v4;
	v5 =	vadd.f32 v11, v5;
	v11 =	vmul.f32 v13, v29  }
0xdc: {  	v16 =	vsel vm6, $0x3F800000, v1;
	vm6 =	vlt.f32 v12, $0.0e+00;
	v13 =	vsub.f32 $-2.000000000e+00, v18;
	v12 =	vpop (erf)  }
0xdd: {  	s0 =	sadd.s32 $0x40, s0;
	v4 =	vadd.f32 v16, v4;
	v5 =	vadd.f32 v11, v5;
	v11 =	vmul.f32 v12, v31  }
0xde: {  	v10 =	vsub.f32 v10, v19;
	v13 =	vsel vm4, v18, v13  }
0xdf: {  	v12 =	vsub.f32 $-2.000000000e+00, v14;
	v17 =	vsub.f32 $-2.000000000e+00, v15;
	v13 =	vsel vm1, v13, v6  }
0xe0: {  	v16 =	vsub.f32 $-2.000000000e+00, v10;
	v13 =	vsub.f32 $0.0e+00, v13  }
0xe1: {  	vm2 =	vmor vm3, vm2;
	v12 =	vsel vm14, v14, v12;
	v63 =	vsel vm5, v15, v17  }
0xe2: {  	v12 =	vsel vm1, v12, v9;
	v10 =	vsel vm13, v10, v16;
	v6 =	vsel vm11, v13, v6  }
0xe3: {  	v12 =	vsub.f32 $0.0e+00, v12;
	v16 =	vsel vm1, v10, v8;
	v10 =	vmul.f32 v6, v3  }
0xe4: {  	vm14 =	vmor vm12, vm10;
	v17 =	vsel vm1, v63, v7;
	v6 =	vsub.f32 $0.0e+00, v16  }
0xe5: {  	v19 =	vsub.f32 $0.0e+00, v17;
	v18 =	vsel vm14, v12, v9;
	v20 =	vsub.f32 $0.0e+00, v10  }
0xe6: {  	v9 =	vmul.f32 v18, v3;
	v6 =	vsel vm2, v6, v8  }
0xe7: {  	v8 =	vmul.f32 v6, v3;
	v6 =	vsel vm7, v19, v7;
	v7 =	vmin.f32 v10, v20  }
0xe8: {  	v21 =	vsub.f32 $0.0e+00, v9;
	v6 =	vmul.f32 v6, v3;
	v7 =	vmul.f32 $1.442695020e+00, v7  }
0xe9: {  	s0 =	sor.u32 s26, s28;
	v22 =	vsub.f32 $0.0e+00, v8  }
0xea: {  	s1 =	sor.u32 $0x1C40, s0;
	v12 =	vmin.f32 v9, v21;
	v23 =	vsub.f32 $0.0e+00, v6;
	(erf) = vpow2.f32 v7  }
0xeb: {  	v26 =	vld [tilespmem:s1+$0x0];
	v12 =	vmul.f32 $1.442695020e+00, v12;
	v13 =	vmin.f32 v8, v22  }
0xec: {  	v7 =	vmul.f32 $1.442695020e+00, v13;
	v24 =	vmin.f32 v6, v23  }
0xed: {  	(erf) = vpow2.f32 v12;
	v25 =	vmul.f32 $1.442695020e+00, v24  }
0xee: {  	(erf) = vpow2.f32 v7  }
0xef: {  	(erf) = vpow2.f32 v25  }
0xf0: {  	v29 =	vmul.f32 v26, v26;
	_ =	sdelay $0x1  }
0xf1: {  	v15 =	vsub.f32 $1.000000000e+00, v29  }
0xf2: {  	v7 =	vpop (erf)  }
0xf3: {  	v15 =	vmax.f32 v15, $0.0e+00;
	v27 =	vmul.f32 $1.000928970e-02, v7  }
0xf4: {  	v21 =	vshra.s32 v15, $0x1;
	v22 =	vmul.f32 $5.000000000e-01, v15  }
0xf5: {  	v21 =	vsub.s32 $0x5F3759DF, v21;
	v28 =	vpop (erf);
	v12 =	vadd.f32 $-5.243753640e-02, v27  }
0xf6: {  	v23 =	vmul.f32 v21, v22;
	v30 =	vmul.f32 $1.000928970e-02, v28;
	v31 =	vpop (erf)  }
0xf7: {  	v32 =	vmul.f32 $1.000928970e-02, v31;
	v12 =	vmul.f32 v12, v7;
	v33 =	vpop (erf)  }
0xf8: {  	v23 =	vmul.f32 v21, v23;
	v16 =	vadd.f32 $-5.243753640e-02, v30;
	v20 =	vmul.f32 $1.000928970e-02, v33  }
0xf9: {  	v18 =	vadd.f32 $-5.243753640e-02, v32;
	v12 =	vadd.f32 $1.308334320e-01, v12  }
0xfa: {  	v23 =	vsub.f32 $1.500000000e+00, v23;
	v16 =	vmul.f32 v16, v28;
	v20 =	vadd.f32 $-5.243753640e-02, v20  }
0xfb: {  	v18 =	vmul.f32 v18, v31;
	v12 =	vmul.f32 v12, v7  }
0xfc: {  	v21 =	vmul.f32 v21, v23;
	v16 =	vadd.f32 $1.308334320e-01, v16;
	v20 =	vmul.f32 v20, v33  }
0xfd: {  	v18 =	vadd.f32 $1.308334320e-01, v18;
	v12 =	vadd.f32 $-2.231658700e-01, v12  }
0xfe: {  	v22 =	vmul.f32 v21, v22;
	v16 =	vmul.f32 v16, v28;
	v20 =	vadd.f32 $1.308334320e-01, v20  }
0xff: {  	v18 =	vmul.f32 v18, v31;
	v12 =	vmul.f32 v12, v7  }
0x100: {  	v22 =	vmul.f32 v22, v21;
	v16 =	vadd.f32 $-2.231658700e-01, v16;
	v20 =	vmul.f32 v20, v33  }
0x101: {  	v18 =	vadd.f32 $-2.231658700e-01, v18;
	v12 =	vadd.f32 $3.272257150e-01, v12  }
0x102: {  	v22 =	vsub.f32 $1.500000000e+00, v22;
	v16 =	vmul.f32 v16, v28;
	v20 =	vadd.f32 $-2.231658700e-01, v20  }
0x103: {  	v18 =	vmul.f32 v18, v31;
	v12 =	vmul.f32 v12, v7  }
0x104: {  	v21 =	vmul.f32 v22, v21;
	v16 =	vadd.f32 $3.272257150e-01, v16;
	v20 =	vmul.f32 v20, v33  }
0x105: {  	v36 =	vmul.f32 $8.775825500e-01, v26;
	v18 =	vadd.f32 $3.272257150e-01, v18;
	v12 =	vadd.f32 $-4.992850420e-01, v12  }
0x106: {  	v40 =	vld [tilespmem:s1+$0x4000];
	v15 =	vmul.f32 v21, v15;
	v16 =	vmul.f32 v16, v28;
	v20 =	vadd.f32 $3.272257150e-01, v20  }
0x107: {  	v18 =	vmul.f32 v18, v31;
	v12 =	vmul.f32 v12, v7  }
0x108: {  	v15 =	vmul.f32 $4.794255500e-01, v15;
	v16 =	vadd.f32 $-4.992850420e-01, v16;
	v20 =	vmul.f32 v20, v33  }
0x109: {  	v37 =	vmax.f32 v10, $0.0e+00;
	v18 =	vadd.f32 $-4.992850420e-01, v18;
	v12 =	vadd.f32 $9.999670980e-01, v12  }
0x10a: {  	v38 =	vsub.f32 v36, v15;
	v16 =	vmul.f32 v16, v28;
	v20 =	vadd.f32 $-4.992850420e-01, v20  }
0x10b: {  	vm3 =	vgt.f32 v40, $0.0e+00;
	v18 =	vmul.f32 v18, v31;
	v7 =	vmul.f32 v12, v7  }
0x10c: {  	v41 =	vsub.f32 $-2.000000000e+00, v38;
	v34 =	vadd.f32 $9.999670980e-01, v16;
	v35 =	vmul.f32 v20, v33  }
0x10d: {  	vm2 =	vgt.f32 v26, $-8.775825500e-01;
	v18 =	vadd.f32 $9.999670980e-01, v18;
	v7 =	vadd.f32 $2.554673130e-07, v7  }
0x10e: {  	v39 =	vmax.f32 v9, $0.0e+00;
	v14 =	vmul.f32 v34, v28;
	v16 =	vadd.f32 $9.999670980e-01, v35  }
0x10f: {  	v44 =	vsel vm2, v38, v41;
	v17 =	vmul.f32 v18, v31;
	v12 =	vadd.f32 v7, v37  }
0x110: {  	v7 =	vadd.f32 $2.554673130e-07, v14;
	v14 =	vsel vm1, v44, v26;
	v16 =	vmul.f32 v16, v33  }
0x111: {  	v43 =	vmax.f32 v8, $0.0e+00;
	v46 =	vsub.f32 $0.0e+00, v14;
	v17 =	vadd.f32 $2.554673130e-07, v17  }
0x112: {  	v45 =	vmax.f32 v6, $0.0e+00;
	v15 =	vadd.f32 v7, v39;
	v16 =	vadd.f32 $2.554673130e-07, v16  }
0x113: {  	vm2 =	vlt.f32 v40, $0.0e+00;
	v42 =	vsub.f32 v10, v12;
	v7 =	vadd.f32 v17, v43  }
0x114: {  	vm2 =	vmor vm3, vm2;
	v47 =	vsub.f32 v9, v15;
	v14 =	vadd.f32 v16, v45  }
0x115: {  	v13 =	vsel vm2, v46, v26;
	v48 =	vadd.f32 v42, v42;
	v49 =	vsub.f32 v8, v7  }
0x116: {  	v13 =	vmul.f32 v13, v3;
	v50 =	vadd.f32 v47, v47;
	v51 =	vsub.f32 v6, v14  }
0x117: {  	v16 =	vmul.f32 $1.442695020e+00, v48;
	v17 =	vadd.f32 v49, v49  }
0x118: {  	v52 =	vsub.f32 $0.0e+00, v13;
	v18 =	vmul.f32 $1.442695020e+00, v50;
	v19 =	vadd.f32 v51, v51  }
0x119: {  	(erf) = vpow2.f32 v16;
	v53 =	vmul.f32 $1.442695020e+00, v17  }
0x11a: {  	v55 =	vmin.f32 v13, v52;
	(erf) = vpow2.f32 v18;
	v54 =	vmul.f32 $1.442695020e+00, v19  }
0x11b: {  	s31 =	sor.u32 $0x1C50, s0;
	v56 =	vmul.f32 $1.442695020e+00, v55;
	(erf) = vpow2.f32 v53  }
0x11c: {  	v57 =	vld [tilespmem:s31+$0x0];
	(erf) = vpow2.f32 v54  }
0x11d: {  	(erf) = vpow2.f32 v56;
	_ =	sdelay $0x3  }
0x11e: {  	v58 =	vmul.f32 v57, v57  }
0x11f: {  	v59 =	vpop (erf)  }
0x120: {  	v61 =	vsub.f32 $1.000000000e+00, v58;
	v60 =	vpop (erf)  }
0x121: {  	v62 =	vpop (erf)  }
0x122: {  	v21 =	vmax.f32 v61, $0.0e+00;
	v63 =	vpop (erf)  }
0x123: {  	v29 =	vshra.s32 v21, $0x1;
	v24 =	vmul.f32 $5.000000000e-01, v21;
	v28 =	vpop (erf)  }
0x124: {  	v23 =	vsub.s32 $0x5F3759DF, v29;
	v25 =	vmul.f32 $1.000928970e-02, v28  }
0x125: {  	v26 =	vmul.f32 v23, v24  }
0x126: {  	v25 =	vadd.f32 $-5.243753640e-02, v25  }
0x127: {  	v26 =	vmul.f32 v23, v26  }
0x128: {  	v25 =	vmul.f32 v25, v28  }
0x129: {  	v26 =	vsub.f32 $1.500000000e+00, v26  }
0x12a: {  	v25 =	vadd.f32 $1.308334320e-01, v25  }
0x12b: {  	v23 =	vmul.f32 v23, v26  }
0x12c: {  	v25 =	vmul.f32 v25, v28  }
0x12d: {  	v24 =	vmul.f32 v23, v24  }
0x12e: {  	v25 =	vadd.f32 $-2.231658700e-01, v25  }
0x12f: {  	v24 =	vmul.f32 v24, v23  }
0x130: {  	v25 =	vmul.f32 v25, v28  }
0x131: {  	v24 =	vsub.f32 $1.500000000e+00, v24  }
0x132: {  	v25 =	vadd.f32 $3.272257150e-01, v25  }
0x133: {  	v23 =	vmul.f32 v24, v23  }
0x134: {  	v30 =	vmul.f32 v25, v28  }
0x135: {  	v21 =	vmul.f32 v23, v21  }
0x136: {  	v31 =	vadd.f32 $-4.992850420e-01, v30  }
0x137: {  	v32 =	vmul.f32 $8.775825500e-01, v57;
	v21 =	vmul.f32 $4.794255500e-01, v21  }
0x138: {  	v23 =	vmul.f32 v31, v28  }
0x139: {  	v21 =	vsub.f32 v32, v21  }
0x13a: {  	v33 =	vld [tilespmem:s31+$0x4000];
	v23 =	vadd.f32 $9.999670980e-01, v23  }
0x13b: {  	v34 =	vsub.f32 $-2.000000000e+00, v21  }
0x13c: {  	vm2 =	vgt.f32 v57, $-8.775825500e-01;
	v22 =	vmul.f32 v23, v28  }
0x13d: {  	v21 =	vsel vm2, v21, v34  }
0x13e: {  	v35 =	vmax.f32 v13, $0.0e+00;
	v25 =	vsel vm1, v21, v57;
	v22 =	vadd.f32 $2.554673130e-07, v22  }
0x13f: {  	s0 =	sor.u32 $0x1C60, s0;
	vm3 =	vgt.f32 v33, $0.0e+00;
	vm2 =	vlt.f32 v33, $0.0e+00;
	v36 =	vsub.f32 $0.0e+00, v25  }
0x140: {  	v39 =	vld.msk [tilespmem:s0+$0x0], $0xff;
	vm2 =	vmor vm3, vm2;
	v22 =	vadd.f32 v22, v35  }
0x141: {  	v37 =	vsel vm2, v36, v57  }
0x142: {  	v23 =	vmul.f32 v37, v3;
	v38 =	vsub.f32 v13, v22;
	_ =	sdelay $0x1  }
0x143: {  	v40 =	vsub.f32 $0.0e+00, v23;
	v24 =	vadd.f32 v38, v38  }
0x144: {  	v27 =	vmul.f32 v39, v39  }
0x145: {  	v26 =	vmin.f32 v23, v40;
	v24 =	vmul.f32 $1.442695020e+00, v24  }
0x146: {  	v41 =	vsub.f32 $1.000000000e+00, v27;
	v26 =	vmul.f32 $1.442695020e+00, v26  }
0x147: {  	(erf) = vpow2.f32 v24  }
0x148: {  	v24 =	vmax.f32 v41, $0.0e+00;
	(erf) = vpow2.f32 v26  }
0x149: {  	v42 =	vshra.s32 v24, $0x1;
	v43 =	vmul.f32 $5.000000000e-01, v24  }
0x14a: {  	v26 =	vsub.s32 $0x5F3759DF, v42  }
0x14b: {  	v28 =	vmul.f32 v26, v43;
	_ =	sdelay $0x1  }
0x14c: {  	v28 =	vmul.f32 v26, v28;
	_ =	sdelay $0x1  }
0x14d: {  	v28 =	vsub.f32 $1.500000000e+00, v28  }
0x14e: {  	v29 =	vpop (erf)  }
0x14f: {  	v26 =	vmul.f32 v26, v28;
	v30 =	vpop (erf)  }
0x150: {  	v31 =	vmul.f32 $1.000928970e-02, v30  }
0x151: {  	v27 =	vmul.f32 v26, v43  }
0x152: {  	v44 =	vadd.f32 $-5.243753640e-02, v31  }
0x153: {  	v27 =	vmul.f32 v27, v26  }
0x154: {  	v28 =	vmul.f32 v44, v30  }
0x155: {  	v27 =	vsub.f32 $1.500000000e+00, v27  }
0x156: {  	v28 =	vadd.f32 $1.308334320e-01, v28  }
0x157: {  	v26 =	vmul.f32 v27, v26  }
0x158: {  	v28 =	vmul.f32 v28, v30  }
0x159: {  	v24 =	vmul.f32 v26, v24  }
0x15a: {  	v45 =	vadd.f32 $-2.231658700e-01, v28  }
0x15b: {  	v47 =	vmul.f32 $8.775825500e-01, v39;
	v24 =	vmul.f32 $4.794255500e-01, v24  }
0x15c: {  	v46 =	vmul.f32 v45, v30  }
0x15d: {  	v24 =	vsub.f32 v47, v24  }
0x15e: {  	v26 =	vadd.f32 $3.272257150e-01, v46  }
0x15f: {  	v27 =	vsub.f32 $-2.000000000e+00, v24  }
0x160: {  	vm3 =	vgt.f32 v39, $-8.775825500e-01;
	v26 =	vmul.f32 v26, v30  }
0x161: {  	v48 =	vperm.xlane v57, v2;
	v49 =	vperm.xlane v39, v2;
	v24 =	vsel vm3, v24, v27  }
0x162: {  	v50 =	vld.msk [tilespmem:s0+$0x4000], $0xff;
	v21 =	vperm.xlane v21, v2;
	v24 =	vperm.xlane v24, v2;
	v26 =	vadd.f32 $-4.992850420e-01, v26;
	_ =	sdelay $0x1  }
0x163: {  	v27 =	vsel vm0, v48, v49;
	v21 =	vsel vm0, v21, v24;
	v26 =	vmul.f32 v26, v30  }
0x164: {  	v21 =	vsel vm1, v21, v27  }
0x165: {  	v21 =	vsub.f32 $0.0e+00, v21;
	v51 =	vadd.f32 $9.999670980e-01, v26  }
0x166: {  	vm15 =	vgt.f32 v50, $0.0e+00  }
0x167: {  	vm3 =	vlt.f32 v50, $0.0e+00;
	v21 =	vperm.xlane v21, v2;
	v24 =	vmul.f32 v51, v30  }
0x168: {  	vm3 =	vmor vm15, vm3  }
0x169: {  	v20 =	vsel vm2, v21, v57;
	v21 =	vsel vm3, v21, v39;
	v24 =	vadd.f32 $2.554673130e-07, v24  }
0x16a: {  	v52 =	vmax.f32 v23, $0.0e+00;
	v20 =	vperm.xlane v20, v2;
	v21 =	vperm.xlane v21, v2  }
0x16b: {  	v24 =	vadd.f32 v24, v52  }
0x16c: {  	v20 =	vsel vm0, v20, v21  }
0x16d: {  	v20 =	vmul.f32 v20, v3;
	v53 =	vsub.f32 v23, v24;
	_ =	sdelay $0x1  }
0x16e: {  	v54 =	vsub.f32 $0.0e+00, v20;
	v21 =	vadd.f32 v53, v53;
	_ =	sdelay $0x1  }
0x16f: {  	v25 =	vmin.f32 v20, v54;
	v21 =	vmul.f32 $1.442695020e+00, v21  }
0x170: {  	v25 =	vmul.f32 $1.442695020e+00, v25  }
0x171: {  	(erf) = vpow2.f32 v21  }
0x172: {  	(erf) = vpow2.f32 v25;
	_ =	sdelay $0x7  }
0x173: {  	v21 =	vpop (erf)  }
0x174: {  	v25 =	vpop (erf)  }
0x175: {  	v55 =	vmul.f32 $1.000928970e-02, v25;
	_ =	sdelay $0x1  }
0x176: {  	v26 =	vadd.f32 $-5.243753640e-02, v55;
	_ =	sdelay $0x1  }
0x177: {  	v26 =	vmul.f32 v26, v25;
	_ =	sdelay $0x1  }
0x178: {  	v26 =	vadd.f32 $1.308334320e-01, v26;
	_ =	sdelay $0x1  }
0x179: {  	v26 =	vmul.f32 v26, v25;
	_ =	sdelay $0x1  }
0x17a: {  	v26 =	vadd.f32 $-2.231658700e-01, v26;
	_ =	sdelay $0x1  }
0x17b: {  	v26 =	vmul.f32 v26, v25;
	_ =	sdelay $0x1  }
0x17c: {  	v26 =	vadd.f32 $3.272257150e-01, v26;
	_ =	sdelay $0x1  }
0x17d: {  	v26 =	vmul.f32 v26, v25;
	_ =	sdelay $0x1  }
0x17e: {  	v26 =	vadd.f32 $-4.992850420e-01, v26;
	_ =	sdelay $0x1  }
0x17f: {  	v26 =	vmul.f32 v26, v25;
	_ =	sdelay $0x1  }
0x180: {  	v26 =	vadd.f32 $9.999670980e-01, v26;
	_ =	sdelay $0x1  }
0x181: {  	v25 =	vmul.f32 v26, v25;
	_ =	sdelay $0x1  }
0x182: {  	v25 =	vadd.f32 $2.554673130e-07, v25  }
0x183: {  	v56 =	vmax.f32 v20, $0.0e+00  }
0x184: {  	v25 =	vadd.f32 v25, v56;
	_ =	sdelay $0x1  }
0x185: {  	v26 =	vsub.f32 v20, v25;
	_ =	sdelay $0x1  }
0x186: {  	v26 =	vadd.f32 v26, v26  }
0x187: {  	v5 =	vadd.f32 v11, v5  }
0x188: {  	v58 =	vsel vm6, $0x3F800000, v1;
	v57 =	vmul.f32 v59, v12;
	v59 =	vmul.f32 $1.442695020e+00, v26  }
0x189: {  	v4 =	vadd.f32 v58, v4;
	v60 =	vmul.f32 v60, v15;
	vm2 =	vlt.f32 v10, $0.0e+00  }
0x18a: {  	v61 =	vsel vm2, $0x3F800000, v1;
	v5 =	vadd.f32 v57, v5;
	(erf) = vpow2.f32 v59  }
0x18b: {  	vm2 =	vlt.f32 v9, $0.0e+00;
	v4 =	vadd.f32 v61, v4  }
0x18c: {  	v7 =	vmul.f32 v62, v7;
	v9 =	vsel vm2, $0x3F800000, v1;
	v5 =	vadd.f32 v60, v5  }
0x18d: {  	vm2 =	vlt.f32 v8, $0.0e+00;
	v4 =	vadd.f32 v9, v4  }
0x18e: {  	v62 =	vmul.f32 v63, v14;
	v5 =	vadd.f32 v7, v5;
	v7 =	vsel vm2, $0x3F800000, v1  }
0x18f: {  	vm2 =	vlt.f32 v6, $0.0e+00;
	v4 =	vadd.f32 v7, v4;
	v7 =	vmul.f32 v29, v22  }
0x190: {  	v6 =	vsel vm2, $0x3F800000, v1  }
0x191: {  	s25 =	sadd.s32 $0x1, s25;
	vm2 =	vlt.f32 v13, $0.0e+00;
	v5 =	vadd.f32 v62, v5;
	v4 =	vadd.f32 v6, v4  }
0x192: {  	p0 =	sne.s32 s25, $0x10;
	v6 =	vsel vm2, $0x3F800000, v1;
	vm2 =	vlt.f32 v23, $0.0e+00  }
.Ltmp1:
0x193: {  	v5 =	vadd.f32 v7, v5;
	v4 =	vadd.f32 v6, v4;
	v6 =	vmul.f32 v21, v24;
	v7 =	vpop (erf);
	(pc) =	sbr.rel @p0 .LBB2_3-.Ltmp1, $4  }
0x194: {  	v63 =	vsel vm2, $0x3F800000, v1;
	vm2 =	vlt.f32 v20, $0.0e+00;
	v7 =	vmul.f32 v7, v25  }
0x195: {  	v4 =	vadd.f32 v63, v4;
	v5 =	vadd.f32 v6, v5;
	v6 =	vsel vm2, $0x3F800000, v1  }
0x196: {  	v6 =	vsel vm0, $0x0, v6;
	v7 =	vsel vm0, $0x0, v7  }
0x197: {  	v4 =	vadd.f32 v4, v6;
	v5 =	vadd.f32 v5, v7  }
0x198: {  	_ =	swait.ge [sflag:s19], $0x4000  }
0x199: {  	[sflag:s19] =	ssyncset.done $0x0  }
0x19a: {  	[sflag:s19] =	ssyncadd.s32 $0xFFFFC000  }
0x19b: {  	p0 =	seq.s32 s22, $0x2;
	_ =	swait.ge [sflag:s19], $0x4000  }
0x19c: {  	s24 =	simm.s32 $0x0;
	s0 =	sadd.s32 @!p0 s23, s9;
	[sflag:s19] =	ssyncset.done $0x0  }
0x19d: {  	s13 =	simm.s32 @!p0 $0x0;
	s1 =	sadd.s32 @!p0 s2, s0;
	[sflag:s19] =	ssyncadd.s32 $0xFFFFC000  }
0x19e: {  	[tilespmem:s13], [sflag:$0x1] =	stream.linear.gather @!p0 [hbm4b:s1+s13], $0x4000, $0x38;
	[tilespmem:$0x10100] =	vst v63  }
0x19f: {  	s23 =	simm.s32 $0x0;
	s0 =	sadd.s32 @!p0 s5, s0;
	s1 =	simm.s32 @!p0 $0x4000  }
0x1a0: {  	[tilespmem:s1], [sflag:$0x1] =	stream.linear.gather @!p0 [hbm4b:s0+s13], $0x4000, $0x38;
	[tilespmem:$0x10100] =	vst v63  }
.LBB2_7:
0x1a1: {  	s25 =	sshll.u32 s24, $0xA  }
0x1a2: {  	s0 =	sand.u32 $0x40, s23;
	s28 =	sand.u32 $0x2000, s25  }
0x1a3: {  	s1 =	sshll.u32 s24, $0x7;
	s13 =	sand.u32 $0x1C00, s23;
	s0 =	sor.u32 s0, s28  }
0x1a4: {  	s26 =	sand.u32 $0x380, s1;
	s0 =	sor.u32 s13, s0  }
0x1a5: {  	s0 =	sor.u32 s26, s0  }
0x1a6: {  	v6 =	vld [tilespmem:s0+$0x8000];
	s13 =	sor.u32 $0x8030, s0  }
0x1a7: {  	s15 =	sor.u32 $0x8020, s0;
	v7 =	vld [tilespmem:s13+$0x0]  }
0x1a8: {  	s31 =	sor.u32 $0x8010, s0;
	v8 =	vld [tilespmem:s15+$0x0]  }
0x1a9: {  	v9 =	vld [tilespmem:s31+$0x0];
	_ =	sdelay $0x3  }
0x1aa: {  	v10 =	vmul.f32 v6, v6;
	v11 =	vmul.f32 v7, v7  }
0x1ab: {  	v12 =	vmul.f32 v8, v8;
	v13 =	vmul.f32 v9, v9  }
0x1ac: {  	v10 =	vsub.f32 $1.000000000e+00, v10;
	v11 =	vsub.f32 $1.000000000e+00, v11  }
0x1ad: {  	v13 =	vsub.f32 $1.000000000e+00, v13;
	v12 =	vsub.f32 $1.000000000e+00, v12  }
0x1ae: {  	v10 =	vmax.f32 v10, $0.0e+00  }
0x1af: {  	v13 =	vmax.f32 v13, $0.0e+00;
	v12 =	vmax.f32 v12, $0.0e+00;
	v11 =	vmax.f32 v11, $0.0e+00  }
0x1b0: {  	v14 =	vshra.s32 v10, $0x1;
	v15 =	vmul.f32 $5.000000000e-01, v10;
	v16 =	vshra.s32 v12, $0x1  }
0x1b1: {  	v17 =	vshra.s32 v11, $0x1;
	v18 =	vmul.f32 $5.000000000e-01, v11;
	v14 =	vsub.s32 $0x5F3759DF, v14  }
0x1b2: {  	v19 =	vshra.s32 v13, $0x1;
	v20 =	vmul.f32 $5.000000000e-01, v13;
	v21 =	vmul.f32 v14, v15  }
0x1b3: {  	v22 =	vmul.f32 $5.000000000e-01, v12;
	v17 =	vsub.s32 $0x5F3759DF, v17;
	v19 =	vsub.s32 $0x5F3759DF, v19  }
0x1b4: {  	v16 =	vsub.s32 $0x5F3759DF, v16;
	v23 =	vmul.f32 v19, v20;
	v21 =	vmul.f32 v14, v21  }
0x1b5: {  	v25 =	vmul.f32 v17, v18;
	v26 =	vmul.f32 v16, v22  }
0x1b6: {  	v24 =	vld [tilespmem:s0+$0xC000];
	v23 =	vmul.f32 v19, v23;
	v21 =	vsub.f32 $1.500000000e+00, v21  }
0x1b7: {  	v25 =	vmul.f32 v17, v25;
	v26 =	vmul.f32 v16, v26  }
0x1b8: {  	v54 =	vmul.f32 $8.775825500e-01, v6;
	v23 =	vsub.f32 $1.500000000e+00, v23;
	v14 =	vmul.f32 v14, v21  }
0x1b9: {  	v56 =	vmul.f32 $8.775825500e-01, v7;
	v25 =	vsub.f32 $1.500000000e+00, v25;
	v26 =	vsub.f32 $1.500000000e+00, v26  }
0x1ba: {  	v19 =	vmul.f32 v19, v23;
	v15 =	vmul.f32 v14, v15  }
0x1bb: {  	vm6 =	vlt.f32 v24, $0.0e+00;
	v17 =	vmul.f32 v17, v25;
	v16 =	vmul.f32 v16, v26  }
0x1bc: {  	vm7 =	vgt.f32 v24, $0.0e+00;
	v20 =	vmul.f32 v19, v20;
	v15 =	vmul.f32 v15, v14  }
0x1bd: {  	s15 =	sor.u32 $0xC030, s0;
	vm2 =	vgt.f32 v6, $-8.775825500e-01;
	v18 =	vmul.f32 v17, v18;
	v22 =	vmul.f32 v16, v22  }
0x1be: {  	v27 =	vld [tilespmem:s15+$0x0];
	v57 =	vmul.f32 $8.775825500e-01, v9;
	v20 =	vmul.f32 v20, v19;
	v15 =	vsub.f32 $1.500000000e+00, v15  }
0x1bf: {  	s31 =	sor.u32 $0xC020, s0;
	vm9 =	vgt.f32 v7, $-8.775825500e-01;
	v22 =	vmul.f32 v22, v16;
	v18 =	vmul.f32 v18, v17  }
0x1c0: {  	v55 =	vld [tilespmem:s31+$0x0];
	vm6 =	vmor vm7, vm6;
	v14 =	vmul.f32 v15, v14;
	v15 =	vsub.f32 $1.500000000e+00, v20  }
0x1c1: {  	vm7 =	vgt.f32 v8, $-8.775825500e-01;
	v22 =	vsub.f32 $1.500000000e+00, v22;
	v18 =	vsub.f32 $1.500000000e+00, v18  }
0x1c2: {  	s0 =	sor.u32 $0xC010, s0;
	vm12 =	vgt.f32 v9, $-8.775825500e-01;
	v10 =	vmul.f32 v14, v10;
	v14 =	vmul.f32 v15, v19  }
0x1c3: {  	v58 =	vld [tilespmem:s0+$0x0];
	vm5 =	vlt.f32 v27, $0.0e+00;
	v15 =	vmul.f32 v22, v16;
	v16 =	vmul.f32 v18, v17  }
0x1c4: {  	vm8 =	vgt.f32 v27, $0.0e+00;
	v13 =	vmul.f32 v14, v13;
	v10 =	vmul.f32 $4.794255500e-01, v10  }
0x1c5: {  	vm3 =	vlt.f32 v55, $0.0e+00;
	v11 =	vmul.f32 v16, v11;
	v12 =	vmul.f32 v15, v12  }
0x1c6: {  	v20 =	vmul.f32 $8.775825500e-01, v8;
	v13 =	vmul.f32 $4.794255500e-01, v13;
	v10 =	vsub.f32 v54, v10  }
0x1c7: {  	s1 =	simm.s32 $0x40;
	vm4 =	vgt.f32 v55, $0.0e+00;
	v11 =	vmul.f32 $4.794255500e-01, v11;
	v12 =	vmul.f32 $4.794255500e-01, v12  }
0x1c8: {  	s29 =	simm.s32 $0x200;
	s0 =	sand.u32 $0x40, s1;
	vm10 =	vlt.f32 v58, $0.0e+00;
	v13 =	vsub.f32 v57, v13;
	v14 =	vsub.f32 $-2.000000000e+00, v10  }
0x1c9: {  	s13 =	sand.u32 $0x1C00, s29;
	s0 =	sor.u32 s0, s28;
	vm11 =	vgt.f32 v58, $0.0e+00;
	v11 =	vsub.f32 v56, v11;
	v12 =	vsub.f32 v20, v12  }
0x1ca: {  	s0 =	sor.u32 s13, s0;
	vm5 =	vmor vm8, vm5;
	v15 =	vsub.f32 $-2.000000000e+00, v13;
	v10 =	vsel vm2, v10, v14  }
0x1cb: {  	s0 =	sor.u32 s26, s0;
	v14 =	vsub.f32 $-2.000000000e+00, v12;
	v16 =	vsub.f32 $-2.000000000e+00, v11;
	v10 =	vsel vm1, v10, v6  }
0x1cc: {  	s15 =	sor.u32 $0xC030, s0;
	vm2 =	vmor vm11, vm10;
	v10 =	vsub.f32 $0.0e+00, v10;
	v13 =	vsel vm12, v13, v15  }
0x1cd: {  	v17 =	vld [tilespmem:s15+$0x0];
	v12 =	vsel vm7, v12, v14;
	v14 =	vsel vm9, v11, v16;
	v13 =	vsel vm1, v13, v9  }
0x1ce: {  	v12 =	vsel vm1, v12, v8;
	v6 =	vsel vm6, v10, v6;
	v10 =	vsub.f32 $0.0e+00, v13  }
0x1cf: {  	v12 =	vsub.f32 $0.0e+00, v12;
	v13 =	vsel vm1, v14, v7;
	v11 =	vmul.f32 v6, v3  }
0x1d0: {  	v15 =	vld [tilespmem:s0+$0xC000];
	v9 =	vsel vm2, v10, v9;
	vm2 =	vmor vm4, vm3;
	v10 =	vsub.f32 $0.0e+00, v13  }
0x1d1: {  	v16 =	vsub.f32 $0.0e+00, v11;
	v14 =	vmul.f32 v9, v3;
	v8 =	vsel vm2, v12, v8  }
0x1d2: {  	vm8 =	vlt.f32 v17, $0.0e+00;
	v13 =	vmul.f32 v8, v3;
	v7 =	vsel vm5, v10, v7  }
0x1d3: {  	v8 =	vmin.f32 v11, v16;
	v9 =	vsub.f32 $0.0e+00, v14;
	v12 =	vmul.f32 v7, v3  }
0x1d4: {  	s31 =	sor.u32 $0xC020, s0;
	vm9 =	vgt.f32 v17, $0.0e+00;
	v6 =	vld [tilespmem:s0+$0x8000];
	v16 =	vmul.f32 $1.442695020e+00, v8;
	v18 =	vsub.f32 $0.0e+00, v13  }
0x1d5: {  	s13 =	sor.u32 $0x8030, s0;
	vm6 =	vlt.f32 v15, $0.0e+00;
	v10 =	vld [tilespmem:s31+$0x0];
	v19 =	vmin.f32 v14, v9;
	v20 =	vsub.f32 $0.0e+00, v12  }
0x1d6: {  	s15 =	sor.u32 $0x8020, s0;
	v7 =	vld [tilespmem:s13+$0x0];
	v19 =	vmul.f32 $1.442695020e+00, v19;
	v18 =	vmin.f32 v13, v18;
	(erf) = vpow2.f32 v16  }
0x1d7: {  	vm7 =	vgt.f32 v15, $0.0e+00;
	v45 =	vmax.f32 v11, $0.0e+00;
	s31 =	sor.u32 $0x8010, s0;
	v8 =	vld [tilespmem:s15+$0x0];
	v18 =	vmul.f32 $1.442695020e+00, v18  }
0x1d8: {  	vm11 =	vmor vm7, vm6;
	v9 =	vld [tilespmem:s31+$0x0];
	v20 =	vmin.f32 v12, v20;
	(erf) = vpow2.f32 v19  }
0x1d9: {  	vm7 =	vmor vm9, vm8;
	v17 =	vmul.f32 $1.442695020e+00, v20;
	(erf) = vpow2.f32 v18  }
0x1da: {  	vm6 =	vlt.f32 v11, $0.0e+00;
	v47 =	vmax.f32 v14, $0.0e+00;
	v15 =	vmul.f32 $8.775825500e-01, v6  }
0x1db: {  	v49 =	vmax.f32 v13, $0.0e+00;
	v53 =	vmax.f32 v12, $0.0e+00;
	(erf) = vpow2.f32 v17  }
0x1dc: {  	v16 =	vmul.f32 v6, v6;
	vm2 =	vlt.f32 v10, $0.0e+00;
	v19 =	vmul.f32 v7, v7  }
0x1dd: {  	vm3 =	vgt.f32 v10, $0.0e+00;
	v18 =	vmul.f32 v8, v8;
	v20 =	vmul.f32 v9, v9  }
0x1de: {  	v10 =	vsub.f32 $1.000000000e+00, v16;
	v59 =	vsub.f32 $1.000000000e+00, v19;
	v17 =	vmul.f32 $8.775825500e-01, v7  }
0x1df: {  	v16 =	vmul.f32 $8.775825500e-01, v9;
	v60 =	vsub.f32 $1.000000000e+00, v18;
	v19 =	vsub.f32 $1.000000000e+00, v20;
	v61 =	vpop (erf)  }
0x1e0: {  	v20 =	vmax.f32 v10, $0.0e+00;
	v10 =	vmul.f32 $8.775825500e-01, v8;
	v39 =	vmul.f32 $1.000928970e-02, v61  }
0x1e1: {  	v21 =	vmax.f32 v59, $0.0e+00;
	v62 =	vshra.s32 v20, $0x1;
	v63 =	vmul.f32 $5.000000000e-01, v20;
	v29 =	vpop (erf)  }
0x1e2: {  	v41 =	vshra.s32 v21, $0x1;
	v25 =	vadd.f32 $-5.243753640e-02, v39;
	v31 =	vmul.f32 $1.000928970e-02, v29;
	v32 =	vpop (erf)  }
0x1e3: {  	v28 =	vmul.f32 $5.000000000e-01, v21;
	v18 =	vmax.f32 v19, $0.0e+00;
	v35 =	vmul.f32 $1.000928970e-02, v32  }
0x1e4: {  	v19 =	vmax.f32 v60, $0.0e+00;
	v36 =	vpop (erf);
	v25 =	vmul.f32 v25, v61;
	v31 =	vadd.f32 $-5.243753640e-02, v31  }
0x1e5: {  	v23 =	vsub.s32 $0x5F3759DF, v62;
	v37 =	vmul.f32 $1.000928970e-02, v36;
	v35 =	vadd.f32 $-5.243753640e-02, v35  }
0x1e6: {  	v27 =	vsub.s32 $0x5F3759DF, v41;
	v25 =	vadd.f32 $1.308334320e-01, v25;
	v31 =	vmul.f32 v31, v29  }
0x1e7: {  	v40 =	vshra.s32 v19, $0x1;
	v37 =	vadd.f32 $-5.243753640e-02, v37;
	v35 =	vmul.f32 v35, v32  }
0x1e8: {  	v30 =	vmul.f32 $5.000000000e-01, v19;
	v25 =	vmul.f32 v25, v61;
	v31 =	vadd.f32 $1.308334320e-01, v31  }
0x1e9: {  	v33 =	vshra.s32 v18, $0x1;
	v37 =	vmul.f32 v37, v36;
	v35 =	vadd.f32 $1.308334320e-01, v35  }
0x1ea: {  	v34 =	vmul.f32 $5.000000000e-01, v18;
	v25 =	vadd.f32 $-2.231658700e-01, v25;
	v31 =	vmul.f32 v31, v29  }
0x1eb: {  	v38 =	vmul.f32 v23, v63;
	v37 =	vadd.f32 $1.308334320e-01, v37;
	v35 =	vmul.f32 v35, v32  }
0x1ec: {  	v26 =	vsub.s32 $0x5F3759DF, v40;
	v25 =	vmul.f32 v25, v61;
	v31 =	vadd.f32 $-2.231658700e-01, v31  }
0x1ed: {  	v33 =	vsub.s32 $0x5F3759DF, v33;
	v37 =	vmul.f32 v37, v36;
	v35 =	vadd.f32 $-2.231658700e-01, v35  }
0x1ee: {  	v40 =	vmul.f32 v26, v30;
	v25 =	vadd.f32 $3.272257150e-01, v25;
	v31 =	vmul.f32 v31, v29  }
0x1ef: {  	v41 =	vmul.f32 v33, v34;
	v37 =	vadd.f32 $-2.231658700e-01, v37;
	v35 =	vmul.f32 v35, v32  }
0x1f0: {  	v38 =	vmul.f32 v23, v38;
	v25 =	vmul.f32 v25, v61;
	v31 =	vadd.f32 $3.272257150e-01, v31  }
0x1f1: {  	v39 =	vmul.f32 v27, v28;
	v37 =	vmul.f32 v37, v36;
	v35 =	vadd.f32 $3.272257150e-01, v35  }
0x1f2: {  	v40 =	vmul.f32 v26, v40;
	v25 =	vadd.f32 $-4.992850420e-01, v25;
	v31 =	vmul.f32 v31, v29  }
0x1f3: {  	v41 =	vmul.f32 v33, v41;
	v37 =	vadd.f32 $3.272257150e-01, v37;
	v35 =	vmul.f32 v35, v32  }
0x1f4: {  	v38 =	vsub.f32 $1.500000000e+00, v38;
	v25 =	vmul.f32 v25, v61;
	v31 =	vadd.f32 $-4.992850420e-01, v31  }
0x1f5: {  	v39 =	vmul.f32 v27, v39;
	v37 =	vmul.f32 v37, v36;
	v35 =	vadd.f32 $-4.992850420e-01, v35  }
0x1f6: {  	v40 =	vsub.f32 $1.500000000e+00, v40;
	v25 =	vadd.f32 $9.999670980e-01, v25;
	v31 =	vmul.f32 v31, v29  }
0x1f7: {  	v41 =	vsub.f32 $1.500000000e+00, v41;
	v37 =	vadd.f32 $-4.992850420e-01, v37;
	v35 =	vmul.f32 v35, v32  }
0x1f8: {  	v23 =	vmul.f32 v23, v38;
	v22 =	vmul.f32 v25, v61;
	v42 =	vadd.f32 $9.999670980e-01, v31  }
0x1f9: {  	v39 =	vsub.f32 $1.500000000e+00, v39;
	v44 =	vmul.f32 v37, v36;
	v43 =	vadd.f32 $9.999670980e-01, v35  }
0x1fa: {  	v26 =	vmul.f32 v26, v40;
	v22 =	vadd.f32 $2.554673130e-07, v22;
	v25 =	vmul.f32 v42, v29  }
0x1fb: {  	v33 =	vmul.f32 v33, v41;
	v46 =	vadd.f32 $9.999670980e-01, v44;
	v31 =	vmul.f32 v43, v32  }
0x1fc: {  	v24 =	vmul.f32 v23, v63;
	v22 =	vadd.f32 v22, v45;
	v25 =	vadd.f32 $2.554673130e-07, v25  }
0x1fd: {  	v27 =	vmul.f32 v27, v39;
	v32 =	vmul.f32 v46, v36;
	v31 =	vadd.f32 $2.554673130e-07, v31  }
0x1fe: {  	v30 =	vmul.f32 v26, v30;
	v48 =	vsub.f32 v11, v22;
	v25 =	vadd.f32 v25, v47  }
0x1ff: {  	v34 =	vmul.f32 v33, v34;
	v50 =	vadd.f32 $2.554673130e-07, v32;
	v29 =	vadd.f32 v31, v49  }
0x200: {  	v24 =	vmul.f32 v24, v23;
	v51 =	vadd.f32 v48, v48;
	v52 =	vsub.f32 v14, v25  }
0x201: {  	v28 =	vmul.f32 v27, v28;
	v30 =	vmul.f32 v30, v26;
	v31 =	vadd.f32 v50, v53  }
0x202: {  	v54 =	vsub.f32 v13, v29;
	v32 =	vmul.f32 $1.442695020e+00, v51;
	v35 =	vadd.f32 v52, v52  }
0x203: {  	v24 =	vsub.f32 $1.500000000e+00, v24;
	v34 =	vmul.f32 v34, v33;
	v56 =	vsub.f32 v12, v31  }
0x204: {  	s0 =	sor.u32 $0xC010, s0;
	v36 =	vadd.f32 v54, v54;
	v35 =	vmul.f32 $1.442695020e+00, v35;
	(erf) = vpow2.f32 v32  }
0x205: {  	v55 =	vld [tilespmem:s0+$0x0];
	v28 =	vmul.f32 v28, v27;
	v23 =	vmul.f32 v24, v23;
	v57 =	vsub.f32 $1.500000000e+00, v30  }
0x206: {  	v59 =	vadd.f32 v56, v56;
	v58 =	vmul.f32 $1.442695020e+00, v36;
	(erf) = vpow2.f32 v35  }
0x207: {  	v34 =	vsub.f32 $1.500000000e+00, v34;
	v28 =	vsub.f32 $1.500000000e+00, v28;
	v24 =	vmul.f32 v57, v26  }
0x208: {  	vm4 =	vgt.f32 v6, $-8.775825500e-01;
	v61 =	vmul.f32 $1.442695020e+00, v59;
	(erf) = vpow2.f32 v58  }
0x209: {  	vm5 =	vgt.f32 v7, $-8.775825500e-01;
	v62 =	vmul.f32 v34, v33;
	v60 =	vmul.f32 v28, v27  }
0x20a: {  	vm10 =	vlt.f32 v55, $0.0e+00;
	v20 =	vmul.f32 v23, v20;
	(erf) = vpow2.f32 v61  }
0x20b: {  	vm12 =	vgt.f32 v55, $0.0e+00;
	v18 =	vmul.f32 v62, v18;
	v21 =	vmul.f32 v60, v21  }
0x20c: {  	vm13 =	vgt.f32 v8, $-8.775825500e-01;
	v19 =	vmul.f32 v24, v19;
	v20 =	vmul.f32 $4.794255500e-01, v20  }
0x20d: {  	vm14 =	vgt.f32 v9, $-8.775825500e-01;
	v23 =	vmul.f32 $4.794255500e-01, v18;
	v21 =	vmul.f32 $4.794255500e-01, v21;
	v63 =	vpop (erf)  }
0x20e: {  	v19 =	vmul.f32 $4.794255500e-01, v19;
	v18 =	vsub.f32 v15, v20;
	v20 =	vmul.f32 v63, v22  }
0x20f: {  	v15 =	vsub.f32 v17, v21;
	v11 =	vsel vm6, $0x3F800000, v1;
	vm6 =	vlt.f32 v14, $0.0e+00;
	v14 =	vpop (erf)  }
0x210: {  	v4 =	vadd.f32 v11, v4;
	v5 =	vadd.f32 v20, v5;
	v11 =	vmul.f32 v14, v25  }
0x211: {  	v14 =	vsub.f32 v16, v23;
	v16 =	vsel vm6, $0x3F800000, v1;
	vm6 =	vlt.f32 v13, $0.0e+00;
	v13 =	vpop (erf)  }
0x212: {  	v4 =	vadd.f32 v16, v4;
	v5 =	vadd.f32 v11, v5;
	v11 =	vmul.f32 v13, v29  }
0x213: {  	v16 =	vsel vm6, $0x3F800000, v1;
	vm6 =	vlt.f32 v12, $0.0e+00;
	v12 =	vpop (erf);
	v13 =	vsub.f32 $-2.000000000e+00, v18  }
0x214: {  	s30 =	simm.s32 $0x4;
	s0 =	simm.s32 $0x80;
	v4 =	vadd.f32 v16, v4;
	v5 =	vadd.f32 v11, v5;
	v11 =	vmul.f32 v12, v31  }
.LBB2_8:
0x215: {  	s1 =	sand.u32 $0x40, s0;
	v12 =	vsub.f32 $-2.000000000e+00, v14;
	v10 =	vsub.f32 v10, v19;
	s29 =	sadd.s32 $0x200, s29;
	v16 =	vsel vm6, $0x3F800000, v1  }
0x216: {  	v13 =	vsel vm4, v18, v13;
	s13 =	sand.u32 $0x1C00, s29;
	s1 =	sor.u32 s1, s28;
	v5 =	vadd.f32 v11, v5;
	v4 =	vadd.f32 v16, v4  }
0x217: {  	v11 =	vsel vm1, v13, v6;
	v16 =	vsub.f32 $-2.000000000e+00, v15;
	s1 =	sor.u32 s13, s1;
	v13 =	vsub.f32 $-2.000000000e+00, v10  }
0x218: {  	vm4 =	vmor vm12, vm10;
	v11 =	vsub.f32 $0.0e+00, v11;
	v12 =	vsel vm14, v14, v12;
	s1 =	sor.u32 s26, s1  }
0x219: {  	v12 =	vsel vm1, v12, v9;
	v17 =	vld [tilespmem:s1+$0xC000];
	v10 =	vsel vm13, v10, v13;
	v13 =	vsel vm5, v15, v16  }
0x21a: {  	v6 =	vsel vm11, v11, v6;
	v12 =	vsub.f32 $0.0e+00, v12;
	v10 =	vsel vm1, v10, v8  }
0x21b: {  	v11 =	vmul.f32 v6, v3;
	v13 =	vsel vm1, v13, v7;
	v10 =	vsub.f32 $0.0e+00, v10  }
0x21c: {  	vm2 =	vmor vm3, vm2;
	v9 =	vsel vm4, v12, v9;
	v12 =	vsub.f32 $0.0e+00, v13;
	v6 =	vld [tilespmem:s1+$0x8000]  }
0x21d: {  	s13 =	sor.u32 $0xC030, s1;
	v15 =	vsub.f32 $0.0e+00, v11;
	v14 =	vmul.f32 v9, v3;
	v8 =	vsel vm2, v10, v8  }
0x21e: {  	s15 =	sor.u32 $0xC020, s1;
	v7 =	vsel vm7, v12, v7;
	vm6 =	vlt.f32 v17, $0.0e+00;
	v10 =	vld [tilespmem:s13+$0x0];
	v13 =	vmul.f32 v8, v3  }
0x21f: {  	s13 =	sor.u32 $0x8030, s1;
	v8 =	vmin.f32 v11, v15;
	v9 =	vsub.f32 $0.0e+00, v14;
	v12 =	vmul.f32 v7, v3;
	v16 =	vld [tilespmem:s15+$0x0]  }
0x220: {  	vm7 =	vgt.f32 v17, $0.0e+00;
	s15 =	sor.u32 $0x8020, s1;
	v17 =	vmul.f32 $1.442695020e+00, v8;
	v7 =	vld [tilespmem:s13+$0x0];
	v18 =	vsub.f32 $0.0e+00, v13  }
0x221: {  	s13 =	sor.u32 $0x8010, s1;
	v19 =	vmin.f32 v14, v9;
	v20 =	vsub.f32 $0.0e+00, v12;
	v15 =	vmul.f32 $8.775825500e-01, v6;
	v8 =	vld [tilespmem:s15+$0x0]  }
0x222: {  	v19 =	vmul.f32 $1.442695020e+00, v19;
	v9 =	vld [tilespmem:s13+$0x0];
	v18 =	vmin.f32 v13, v18;
	(erf) = vpow2.f32 v17  }
0x223: {  	vm4 =	vgt.f32 v6, $-8.775825500e-01;
	v17 =	vmul.f32 v6, v6;
	v18 =	vmul.f32 $1.442695020e+00, v18  }
0x224: {  	v20 =	vmin.f32 v12, v20;
	vm8 =	vlt.f32 v10, $0.0e+00;
	(erf) = vpow2.f32 v19  }
0x225: {  	vm9 =	vgt.f32 v10, $0.0e+00;
	v10 =	vmul.f32 $1.442695020e+00, v20;
	(erf) = vpow2.f32 v18  }
0x226: {  	vm2 =	vlt.f32 v16, $0.0e+00;
	v19 =	vmul.f32 v7, v7;
	v18 =	vmul.f32 v8, v8  }
0x227: {  	vm3 =	vgt.f32 v16, $0.0e+00;
	v20 =	vmul.f32 v9, v9;
	(erf) = vpow2.f32 v10  }
0x228: {  	vm5 =	vgt.f32 v7, $-8.775825500e-01;
	v10 =	vsub.f32 $1.000000000e+00, v17;
	v21 =	vsub.f32 $1.000000000e+00, v19  }
0x229: {  	v17 =	vmul.f32 $8.775825500e-01, v7;
	v23 =	vsub.f32 $1.000000000e+00, v18;
	v19 =	vsub.f32 $1.000000000e+00, v20  }
0x22a: {  	v16 =	vmul.f32 $8.775825500e-01, v9;
	v20 =	vmax.f32 v10, $0.0e+00;
	v10 =	vmul.f32 $8.775825500e-01, v8  }
0x22b: {  	v21 =	vmax.f32 v21, $0.0e+00;
	v18 =	vmax.f32 v19, $0.0e+00;
	v19 =	vmax.f32 v23, $0.0e+00;
	v22 =	vpop (erf)  }
0x22c: {  	v24 =	vmul.f32 $5.000000000e-01, v20;
	v23 =	vshra.s32 v20, $0x1;
	v25 =	vmul.f32 $1.000928970e-02, v22  }
0x22d: {  	v27 =	vshra.s32 v21, $0x1;
	v28 =	vmul.f32 $5.000000000e-01, v21;
	v26 =	vshra.s32 v19, $0x1;
	v29 =	vpop (erf)  }
0x22e: {  	v30 =	vmul.f32 $5.000000000e-01, v19;
	v25 =	vadd.f32 $-5.243753640e-02, v25;
	v31 =	vmul.f32 $1.000928970e-02, v29;
	v32 =	vpop (erf)  }
0x22f: {  	v33 =	vshra.s32 v18, $0x1;
	v34 =	vmul.f32 $5.000000000e-01, v18;
	v35 =	vmul.f32 $1.000928970e-02, v32  }
0x230: {  	v23 =	vsub.s32 $0x5F3759DF, v23;
	v25 =	vmul.f32 v25, v22;
	v31 =	vadd.f32 $-5.243753640e-02, v31;
	v36 =	vpop (erf)  }
0x231: {  	v27 =	vsub.s32 $0x5F3759DF, v27;
	v35 =	vadd.f32 $-5.243753640e-02, v35;
	v37 =	vmul.f32 $1.000928970e-02, v36  }
0x232: {  	v26 =	vsub.s32 $0x5F3759DF, v26;
	v25 =	vadd.f32 $1.308334320e-01, v25;
	v31 =	vmul.f32 v31, v29  }
0x233: {  	v33 =	vsub.s32 $0x5F3759DF, v33;
	v35 =	vmul.f32 v35, v32;
	v37 =	vadd.f32 $-5.243753640e-02, v37  }
0x234: {  	v38 =	vmul.f32 v23, v24;
	v25 =	vmul.f32 v25, v22;
	v31 =	vadd.f32 $1.308334320e-01, v31  }
0x235: {  	v39 =	vmul.f32 v27, v28;
	v35 =	vadd.f32 $1.308334320e-01, v35;
	v37 =	vmul.f32 v37, v36  }
0x236: {  	v40 =	vmul.f32 v26, v30;
	v25 =	vadd.f32 $-2.231658700e-01, v25;
	v31 =	vmul.f32 v31, v29  }
0x237: {  	v41 =	vmul.f32 v33, v34;
	v35 =	vmul.f32 v35, v32;
	v37 =	vadd.f32 $1.308334320e-01, v37  }
0x238: {  	v38 =	vmul.f32 v23, v38;
	v25 =	vmul.f32 v25, v22;
	v31 =	vadd.f32 $-2.231658700e-01, v31  }
0x239: {  	v39 =	vmul.f32 v27, v39;
	v35 =	vadd.f32 $-2.231658700e-01, v35;
	v37 =	vmul.f32 v37, v36  }
0x23a: {  	s30 =	sadd.s32 $0x4, s30;
	v40 =	vmul.f32 v26, v40;
	v25 =	vadd.f32 $3.272257150e-01, v25;
	v31 =	vmul.f32 v31, v29  }
0x23b: {  	p0 =	slt.u32 s30, $0x38;
	v41 =	vmul.f32 v33, v41;
	v35 =	vmul.f32 v35, v32;
	v37 =	vadd.f32 $-2.231658700e-01, v37  }
0x23c: {  	v38 =	vsub.f32 $1.500000000e+00, v38;
	v25 =	vmul.f32 v25, v22;
	v31 =	vadd.f32 $3.272257150e-01, v31  }
0x23d: {  	v39 =	vsub.f32 $1.500000000e+00, v39;
	v35 =	vadd.f32 $3.272257150e-01, v35;
	v37 =	vmul.f32 v37, v36  }
0x23e: {  	v40 =	vsub.f32 $1.500000000e+00, v40;
	v25 =	vadd.f32 $-4.992850420e-01, v25;
	v31 =	vmul.f32 v31, v29  }
0x23f: {  	v41 =	vsub.f32 $1.500000000e+00, v41;
	v35 =	vmul.f32 v35, v32;
	v37 =	vadd.f32 $3.272257150e-01, v37  }
0x240: {  	v23 =	vmul.f32 v23, v38;
	v25 =	vmul.f32 v25, v22;
	v31 =	vadd.f32 $-4.992850420e-01, v31  }
0x241: {  	v27 =	vmul.f32 v27, v39;
	v35 =	vadd.f32 $-4.992850420e-01, v35;
	v37 =	vmul.f32 v37, v36  }
0x242: {  	v26 =	vmul.f32 v26, v40;
	v25 =	vadd.f32 $9.999670980e-01, v25;
	v31 =	vmul.f32 v31, v29  }
0x243: {  	v33 =	vmul.f32 v33, v41;
	v35 =	vmul.f32 v35, v32;
	v37 =	vadd.f32 $-4.992850420e-01, v37  }
0x244: {  	v24 =	vmul.f32 v23, v24;
	v22 =	vmul.f32 v25, v22;
	v25 =	vadd.f32 $9.999670980e-01, v31  }
0x245: {  	v28 =	vmul.f32 v27, v28;
	v31 =	vadd.f32 $9.999670980e-01, v35;
	v35 =	vmul.f32 v37, v36  }
0x246: {  	v30 =	vmul.f32 v26, v30;
	v22 =	vadd.f32 $2.554673130e-07, v22;
	v25 =	vmul.f32 v25, v29  }
0x247: {  	v29 =	vmax.f32 v11, $0.0e+00;
	v31 =	vmul.f32 v31, v32;
	v32 =	vadd.f32 $9.999670980e-01, v35  }
0x248: {  	v34 =	vmul.f32 v33, v34;
	v22 =	vadd.f32 v22, v29;
	v25 =	vadd.f32 $2.554673130e-07, v25  }
0x249: {  	v29 =	vmax.f32 v14, $0.0e+00;
	v31 =	vadd.f32 $2.554673130e-07, v31;
	v32 =	vmul.f32 v32, v36  }
0x24a: {  	v35 =	vsub.f32 v11, v22;
	v25 =	vadd.f32 v25, v29;
	v29 =	vmax.f32 v13, $0.0e+00  }
0x24b: {  	v24 =	vmul.f32 v24, v23;
	v29 =	vadd.f32 v31, v29;
	v31 =	vadd.f32 $2.554673130e-07, v32  }
0x24c: {  	v36 =	vmax.f32 v12, $0.0e+00;
	v32 =	vadd.f32 v35, v35;
	v35 =	vsub.f32 v14, v25  }
0x24d: {  	v28 =	vmul.f32 v28, v27;
	v30 =	vmul.f32 v30, v26;
	v31 =	vadd.f32 v31, v36  }
0x24e: {  	s1 =	sor.u32 $0xC010, s1;
	v36 =	vsub.f32 v13, v29;
	v32 =	vmul.f32 $1.442695020e+00, v32;
	v35 =	vadd.f32 v35, v35  }
0x24f: {  	v34 =	vmul.f32 v34, v33;
	v24 =	vsub.f32 $1.500000000e+00, v24;
	v37 =	vld [tilespmem:s1+$0x0];
	v38 =	vsub.f32 v12, v31  }
0x250: {  	v36 =	vadd.f32 v36, v36;
	v35 =	vmul.f32 $1.442695020e+00, v35;
	(erf) = vpow2.f32 v32  }
0x251: {  	v28 =	vsub.f32 $1.500000000e+00, v28;
	v23 =	vmul.f32 v24, v23;
	v24 =	vsub.f32 $1.500000000e+00, v30  }
0x252: {  	v30 =	vmul.f32 $1.442695020e+00, v36;
	v32 =	vadd.f32 v38, v38;
	(erf) = vpow2.f32 v35  }
0x253: {  	v34 =	vsub.f32 $1.500000000e+00, v34;
	v24 =	vmul.f32 v24, v26;
	v26 =	vmul.f32 v28, v27  }
0x254: {  	v27 =	vmul.f32 $1.442695020e+00, v32;
	vm10 =	vlt.f32 v37, $0.0e+00;
	(erf) = vpow2.f32 v30  }
0x255: {  	v20 =	vmul.f32 v23, v20;
	v23 =	vmul.f32 v34, v33;
	vm12 =	vgt.f32 v37, $0.0e+00  }
0x256: {  	vm11 =	vmor vm7, vm6;
	v21 =	vmul.f32 v26, v21;
	(erf) = vpow2.f32 v27  }
0x257: {  	vm13 =	vgt.f32 v8, $-8.775825500e-01;
	v18 =	vmul.f32 v23, v18;
	v19 =	vmul.f32 v24, v19  }
0x258: {  	vm14 =	vgt.f32 v9, $-8.775825500e-01;
	v20 =	vmul.f32 $4.794255500e-01, v20;
	v21 =	vmul.f32 $4.794255500e-01, v21  }
0x259: {  	vm7 =	vmor vm9, vm8;
	v23 =	vmul.f32 $4.794255500e-01, v18;
	v19 =	vmul.f32 $4.794255500e-01, v19;
	v24 =	vpop (erf)  }
0x25a: {  	vm6 =	vlt.f32 v11, $0.0e+00;
	v18 =	vsub.f32 v15, v20;
	v20 =	vmul.f32 v24, v22  }
0x25b: {  	v15 =	vsub.f32 v17, v21;
	v11 =	vsel vm6, $0x3F800000, v1;
	vm6 =	vlt.f32 v14, $0.0e+00;
	v14 =	vpop (erf)  }
.Ltmp2:
0x25c: {  	v4 =	vadd.f32 v11, v4;
	v5 =	vadd.f32 v20, v5;
	v11 =	vmul.f32 v14, v25;
	(pc) =	sbr.rel @p0 .LBB2_8-.Ltmp2, $4  }
0x25d: {  	v14 =	vsub.f32 v16, v23;
	v16 =	vsel vm6, $0x3F800000, v1;
	vm6 =	vlt.f32 v13, $0.0e+00;
	v13 =	vpop (erf)  }
0x25e: {  	v4 =	vadd.f32 v16, v4;
	v5 =	vadd.f32 v11, v5;
	v11 =	vmul.f32 v13, v29  }
0x25f: {  	v16 =	vsel vm6, $0x3F800000, v1;
	vm6 =	vlt.f32 v12, $0.0e+00;
	v13 =	vsub.f32 $-2.000000000e+00, v18;
	v12 =	vpop (erf)  }
0x260: {  	s0 =	sadd.s32 $0x40, s0;
	v4 =	vadd.f32 v16, v4;
	v5 =	vadd.f32 v11, v5;
	v11 =	vmul.f32 v12, v31  }
0x261: {  	v10 =	vsub.f32 v10, v19;
	v13 =	vsel vm4, v18, v13  }
0x262: {  	v12 =	vsub.f32 $-2.000000000e+00, v14;
	v17 =	vsub.f32 $-2.000000000e+00, v15;
	v13 =	vsel vm1, v13, v6  }
0x263: {  	v16 =	vsub.f32 $-2.000000000e+00, v10;
	v13 =	vsub.f32 $0.0e+00, v13  }
0x264: {  	vm2 =	vmor vm3, vm2;
	v12 =	vsel vm14, v14, v12;
	v63 =	vsel vm5, v15, v17  }
0x265: {  	v12 =	vsel vm1, v12, v9;
	v10 =	vsel vm13, v10, v16;
	v6 =	vsel vm11, v13, v6  }
0x266: {  	v12 =	vsub.f32 $0.0e+00, v12;
	v16 =	vsel vm1, v10, v8;
	v10 =	vmul.f32 v6, v3  }
0x267: {  	vm14 =	vmor vm12, vm10;
	v17 =	vsel vm1, v63, v7;
	v6 =	vsub.f32 $0.0e+00, v16  }
0x268: {  	v19 =	vsub.f32 $0.0e+00, v17;
	v18 =	vsel vm14, v12, v9;
	v20 =	vsub.f32 $0.0e+00, v10  }
0x269: {  	v9 =	vmul.f32 v18, v3;
	v6 =	vsel vm2, v6, v8  }
0x26a: {  	v8 =	vmul.f32 v6, v3;
	v6 =	vsel vm7, v19, v7;
	v7 =	vmin.f32 v10, v20  }
0x26b: {  	v21 =	vsub.f32 $0.0e+00, v9;
	v6 =	vmul.f32 v6, v3;
	v7 =	vmul.f32 $1.442695020e+00, v7  }
0x26c: {  	s0 =	sor.u32 s25, s26;
	v22 =	vsub.f32 $0.0e+00, v8  }
0x26d: {  	s1 =	sor.u32 $0x1C40, s0;
	v12 =	vmin.f32 v9, v21;
	v23 =	vsub.f32 $0.0e+00, v6;
	(erf) = vpow2.f32 v7  }
0x26e: {  	v26 =	vld [tilespmem:s1+$0x8000];
	v12 =	vmul.f32 $1.442695020e+00, v12;
	v13 =	vmin.f32 v8, v22  }
0x26f: {  	v7 =	vmul.f32 $1.442695020e+00, v13;
	v24 =	vmin.f32 v6, v23  }
0x270: {  	(erf) = vpow2.f32 v12;
	v25 =	vmul.f32 $1.442695020e+00, v24  }
0x271: {  	(erf) = vpow2.f32 v7  }
0x272: {  	(erf) = vpow2.f32 v25  }
0x273: {  	v29 =	vmul.f32 v26, v26;
	_ =	sdelay $0x1  }
0x274: {  	v15 =	vsub.f32 $1.000000000e+00, v29  }
0x275: {  	v7 =	vpop (erf)  }
0x276: {  	v15 =	vmax.f32 v15, $0.0e+00;
	v27 =	vmul.f32 $1.000928970e-02, v7  }
0x277: {  	v21 =	vshra.s32 v15, $0x1;
	v22 =	vmul.f32 $5.000000000e-01, v15  }
0x278: {  	v21 =	vsub.s32 $0x5F3759DF, v21;
	v28 =	vpop (erf);
	v12 =	vadd.f32 $-5.243753640e-02, v27  }
0x279: {  	v23 =	vmul.f32 v21, v22;
	v30 =	vmul.f32 $1.000928970e-02, v28;
	v31 =	vpop (erf)  }
0x27a: {  	v32 =	vmul.f32 $1.000928970e-02, v31;
	v12 =	vmul.f32 v12, v7;
	v33 =	vpop (erf)  }
0x27b: {  	v23 =	vmul.f32 v21, v23;
	v16 =	vadd.f32 $-5.243753640e-02, v30;
	v20 =	vmul.f32 $1.000928970e-02, v33  }
0x27c: {  	v18 =	vadd.f32 $-5.243753640e-02, v32;
	v12 =	vadd.f32 $1.308334320e-01, v12  }
0x27d: {  	v23 =	vsub.f32 $1.500000000e+00, v23;
	v16 =	vmul.f32 v16, v28;
	v20 =	vadd.f32 $-5.243753640e-02, v20  }
0x27e: {  	v18 =	vmul.f32 v18, v31;
	v12 =	vmul.f32 v12, v7  }
0x27f: {  	v21 =	vmul.f32 v21, v23;
	v16 =	vadd.f32 $1.308334320e-01, v16;
	v20 =	vmul.f32 v20, v33  }
0x280: {  	v18 =	vadd.f32 $1.308334320e-01, v18;
	v12 =	vadd.f32 $-2.231658700e-01, v12  }
0x281: {  	v22 =	vmul.f32 v21, v22;
	v16 =	vmul.f32 v16, v28;
	v20 =	vadd.f32 $1.308334320e-01, v20  }
0x282: {  	v18 =	vmul.f32 v18, v31;
	v12 =	vmul.f32 v12, v7  }
0x283: {  	v22 =	vmul.f32 v22, v21;
	v16 =	vadd.f32 $-2.231658700e-01, v16;
	v20 =	vmul.f32 v20, v33  }
0x284: {  	v18 =	vadd.f32 $-2.231658700e-01, v18;
	v12 =	vadd.f32 $3.272257150e-01, v12  }
0x285: {  	v22 =	vsub.f32 $1.500000000e+00, v22;
	v16 =	vmul.f32 v16, v28;
	v20 =	vadd.f32 $-2.231658700e-01, v20  }
0x286: {  	v18 =	vmul.f32 v18, v31;
	v12 =	vmul.f32 v12, v7  }
0x287: {  	v21 =	vmul.f32 v22, v21;
	v16 =	vadd.f32 $3.272257150e-01, v16;
	v20 =	vmul.f32 v20, v33  }
0x288: {  	v36 =	vmul.f32 $8.775825500e-01, v26;
	v18 =	vadd.f32 $3.272257150e-01, v18;
	v12 =	vadd.f32 $-4.992850420e-01, v12  }
0x289: {  	v40 =	vld [tilespmem:s1+$0xC000];
	v15 =	vmul.f32 v21, v15;
	v16 =	vmul.f32 v16, v28;
	v20 =	vadd.f32 $3.272257150e-01, v20  }
0x28a: {  	v18 =	vmul.f32 v18, v31;
	v12 =	vmul.f32 v12, v7  }
0x28b: {  	v15 =	vmul.f32 $4.794255500e-01, v15;
	v16 =	vadd.f32 $-4.992850420e-01, v16;
	v20 =	vmul.f32 v20, v33  }
0x28c: {  	v37 =	vmax.f32 v10, $0.0e+00;
	v18 =	vadd.f32 $-4.992850420e-01, v18;
	v12 =	vadd.f32 $9.999670980e-01, v12  }
0x28d: {  	v38 =	vsub.f32 v36, v15;
	v16 =	vmul.f32 v16, v28;
	v20 =	vadd.f32 $-4.992850420e-01, v20  }
0x28e: {  	vm3 =	vgt.f32 v40, $0.0e+00;
	v18 =	vmul.f32 v18, v31;
	v7 =	vmul.f32 v12, v7  }
0x28f: {  	v41 =	vsub.f32 $-2.000000000e+00, v38;
	v34 =	vadd.f32 $9.999670980e-01, v16;
	v35 =	vmul.f32 v20, v33  }
0x290: {  	vm2 =	vgt.f32 v26, $-8.775825500e-01;
	v18 =	vadd.f32 $9.999670980e-01, v18;
	v7 =	vadd.f32 $2.554673130e-07, v7  }
0x291: {  	v39 =	vmax.f32 v9, $0.0e+00;
	v14 =	vmul.f32 v34, v28;
	v16 =	vadd.f32 $9.999670980e-01, v35  }
0x292: {  	v44 =	vsel vm2, v38, v41;
	v17 =	vmul.f32 v18, v31;
	v12 =	vadd.f32 v7, v37  }
0x293: {  	v7 =	vadd.f32 $2.554673130e-07, v14;
	v14 =	vsel vm1, v44, v26;
	v16 =	vmul.f32 v16, v33  }
0x294: {  	v43 =	vmax.f32 v8, $0.0e+00;
	v46 =	vsub.f32 $0.0e+00, v14;
	v17 =	vadd.f32 $2.554673130e-07, v17  }
0x295: {  	v45 =	vmax.f32 v6, $0.0e+00;
	v15 =	vadd.f32 v7, v39;
	v16 =	vadd.f32 $2.554673130e-07, v16  }
0x296: {  	vm2 =	vlt.f32 v40, $0.0e+00;
	v42 =	vsub.f32 v10, v12;
	v7 =	vadd.f32 v17, v43  }
0x297: {  	vm2 =	vmor vm3, vm2;
	v47 =	vsub.f32 v9, v15;
	v14 =	vadd.f32 v16, v45  }
0x298: {  	v13 =	vsel vm2, v46, v26;
	v48 =	vadd.f32 v42, v42;
	v49 =	vsub.f32 v8, v7  }
0x299: {  	v13 =	vmul.f32 v13, v3;
	v50 =	vadd.f32 v47, v47;
	v51 =	vsub.f32 v6, v14  }
0x29a: {  	v16 =	vmul.f32 $1.442695020e+00, v48;
	v17 =	vadd.f32 v49, v49  }
0x29b: {  	v52 =	vsub.f32 $0.0e+00, v13;
	v18 =	vmul.f32 $1.442695020e+00, v50;
	v19 =	vadd.f32 v51, v51  }
0x29c: {  	(erf) = vpow2.f32 v16;
	v53 =	vmul.f32 $1.442695020e+00, v17  }
0x29d: {  	v55 =	vmin.f32 v13, v52;
	(erf) = vpow2.f32 v18;
	v54 =	vmul.f32 $1.442695020e+00, v19  }
0x29e: {  	s31 =	sor.u32 $0x1C50, s0;
	v56 =	vmul.f32 $1.442695020e+00, v55;
	(erf) = vpow2.f32 v53  }
0x29f: {  	v57 =	vld [tilespmem:s31+$0x8000];
	(erf) = vpow2.f32 v54  }
0x2a0: {  	(erf) = vpow2.f32 v56;
	_ =	sdelay $0x3  }
0x2a1: {  	v58 =	vmul.f32 v57, v57  }
0x2a2: {  	v59 =	vpop (erf)  }
0x2a3: {  	v61 =	vsub.f32 $1.000000000e+00, v58;
	v60 =	vpop (erf)  }
0x2a4: {  	v62 =	vpop (erf)  }
0x2a5: {  	v21 =	vmax.f32 v61, $0.0e+00;
	v63 =	vpop (erf)  }
0x2a6: {  	v29 =	vshra.s32 v21, $0x1;
	v24 =	vmul.f32 $5.000000000e-01, v21;
	v28 =	vpop (erf)  }
0x2a7: {  	v23 =	vsub.s32 $0x5F3759DF, v29;
	v25 =	vmul.f32 $1.000928970e-02, v28  }
0x2a8: {  	v26 =	vmul.f32 v23, v24  }
0x2a9: {  	v25 =	vadd.f32 $-5.243753640e-02, v25  }
0x2aa: {  	v26 =	vmul.f32 v23, v26  }
0x2ab: {  	v25 =	vmul.f32 v25, v28  }
0x2ac: {  	v26 =	vsub.f32 $1.500000000e+00, v26  }
0x2ad: {  	v25 =	vadd.f32 $1.308334320e-01, v25  }
0x2ae: {  	v23 =	vmul.f32 v23, v26  }
0x2af: {  	v25 =	vmul.f32 v25, v28  }
0x2b0: {  	v24 =	vmul.f32 v23, v24  }
0x2b1: {  	v25 =	vadd.f32 $-2.231658700e-01, v25  }
0x2b2: {  	v24 =	vmul.f32 v24, v23  }
0x2b3: {  	v25 =	vmul.f32 v25, v28  }
0x2b4: {  	v24 =	vsub.f32 $1.500000000e+00, v24  }
0x2b5: {  	v25 =	vadd.f32 $3.272257150e-01, v25  }
0x2b6: {  	v23 =	vmul.f32 v24, v23  }
0x2b7: {  	v30 =	vmul.f32 v25, v28  }
0x2b8: {  	v21 =	vmul.f32 v23, v21  }
0x2b9: {  	v31 =	vadd.f32 $-4.992850420e-01, v30  }
0x2ba: {  	v32 =	vmul.f32 $8.775825500e-01, v57;
	v21 =	vmul.f32 $4.794255500e-01, v21  }
0x2bb: {  	v23 =	vmul.f32 v31, v28  }
0x2bc: {  	v21 =	vsub.f32 v32, v21  }
0x2bd: {  	v33 =	vld [tilespmem:s31+$0xC000];
	v23 =	vadd.f32 $9.999670980e-01, v23  }
0x2be: {  	v34 =	vsub.f32 $-2.000000000e+00, v21  }
0x2bf: {  	vm2 =	vgt.f32 v57, $-8.775825500e-01;
	v22 =	vmul.f32 v23, v28  }
0x2c0: {  	v21 =	vsel vm2, v21, v34  }
0x2c1: {  	v35 =	vmax.f32 v13, $0.0e+00;
	v25 =	vsel vm1, v21, v57;
	v22 =	vadd.f32 $2.554673130e-07, v22  }
0x2c2: {  	s0 =	sor.u32 $0x1C60, s0;
	vm3 =	vgt.f32 v33, $0.0e+00;
	vm2 =	vlt.f32 v33, $0.0e+00;
	v36 =	vsub.f32 $0.0e+00, v25  }
0x2c3: {  	v39 =	vld.msk [tilespmem:s0+$0x8000], $0xff;
	vm2 =	vmor vm3, vm2;
	v22 =	vadd.f32 v22, v35  }
0x2c4: {  	v37 =	vsel vm2, v36, v57  }
0x2c5: {  	v23 =	vmul.f32 v37, v3;
	v38 =	vsub.f32 v13, v22;
	_ =	sdelay $0x1  }
0x2c6: {  	v40 =	vsub.f32 $0.0e+00, v23;
	v24 =	vadd.f32 v38, v38  }
0x2c7: {  	v27 =	vmul.f32 v39, v39  }
0x2c8: {  	v26 =	vmin.f32 v23, v40;
	v24 =	vmul.f32 $1.442695020e+00, v24  }
0x2c9: {  	v41 =	vsub.f32 $1.000000000e+00, v27;
	v26 =	vmul.f32 $1.442695020e+00, v26  }
0x2ca: {  	(erf) = vpow2.f32 v24  }
0x2cb: {  	v24 =	vmax.f32 v41, $0.0e+00;
	(erf) = vpow2.f32 v26  }
0x2cc: {  	v42 =	vshra.s32 v24, $0x1;
	v43 =	vmul.f32 $5.000000000e-01, v24  }
0x2cd: {  	v26 =	vsub.s32 $0x5F3759DF, v42  }
0x2ce: {  	v28 =	vmul.f32 v26, v43;
	_ =	sdelay $0x1  }
0x2cf: {  	v28 =	vmul.f32 v26, v28;
	_ =	sdelay $0x1  }
0x2d0: {  	v28 =	vsub.f32 $1.500000000e+00, v28  }
0x2d1: {  	v29 =	vpop (erf)  }
0x2d2: {  	v26 =	vmul.f32 v26, v28;
	v30 =	vpop (erf)  }
0x2d3: {  	v31 =	vmul.f32 $1.000928970e-02, v30  }
0x2d4: {  	v27 =	vmul.f32 v26, v43  }
0x2d5: {  	v44 =	vadd.f32 $-5.243753640e-02, v31  }
0x2d6: {  	v27 =	vmul.f32 v27, v26  }
0x2d7: {  	v28 =	vmul.f32 v44, v30  }
0x2d8: {  	v27 =	vsub.f32 $1.500000000e+00, v27  }
0x2d9: {  	v28 =	vadd.f32 $1.308334320e-01, v28  }
0x2da: {  	v26 =	vmul.f32 v27, v26  }
0x2db: {  	v28 =	vmul.f32 v28, v30  }
0x2dc: {  	v24 =	vmul.f32 v26, v24  }
0x2dd: {  	v45 =	vadd.f32 $-2.231658700e-01, v28  }
0x2de: {  	v47 =	vmul.f32 $8.775825500e-01, v39;
	v24 =	vmul.f32 $4.794255500e-01, v24  }
0x2df: {  	v46 =	vmul.f32 v45, v30  }
0x2e0: {  	v24 =	vsub.f32 v47, v24  }
0x2e1: {  	v26 =	vadd.f32 $3.272257150e-01, v46  }
0x2e2: {  	v27 =	vsub.f32 $-2.000000000e+00, v24  }
0x2e3: {  	vm3 =	vgt.f32 v39, $-8.775825500e-01;
	v26 =	vmul.f32 v26, v30  }
0x2e4: {  	v48 =	vperm.xlane v57, v2;
	v49 =	vperm.xlane v39, v2;
	v24 =	vsel vm3, v24, v27  }
0x2e5: {  	v50 =	vld.msk [tilespmem:s0+$0xC000], $0xff;
	v21 =	vperm.xlane v21, v2;
	v24 =	vperm.xlane v24, v2;
	v26 =	vadd.f32 $-4.992850420e-01, v26;
	_ =	sdelay $0x1  }
0x2e6: {  	v27 =	vsel vm0, v48, v49;
	v21 =	vsel vm0, v21, v24;
	v26 =	vmul.f32 v26, v30  }
0x2e7: {  	v21 =	vsel vm1, v21, v27  }
0x2e8: {  	v21 =	vsub.f32 $0.0e+00, v21;
	v51 =	vadd.f32 $9.999670980e-01, v26  }
0x2e9: {  	vm15 =	vgt.f32 v50, $0.0e+00  }
0x2ea: {  	vm3 =	vlt.f32 v50, $0.0e+00;
	v21 =	vperm.xlane v21, v2;
	v24 =	vmul.f32 v51, v30  }
0x2eb: {  	vm3 =	vmor vm15, vm3  }
0x2ec: {  	v20 =	vsel vm2, v21, v57;
	v21 =	vsel vm3, v21, v39;
	v24 =	vadd.f32 $2.554673130e-07, v24  }
0x2ed: {  	v52 =	vmax.f32 v23, $0.0e+00;
	v20 =	vperm.xlane v20, v2;
	v21 =	vperm.xlane v21, v2  }
0x2ee: {  	v24 =	vadd.f32 v24, v52  }
0x2ef: {  	v20 =	vsel vm0, v20, v21  }
0x2f0: {  	v20 =	vmul.f32 v20, v3;
	v53 =	vsub.f32 v23, v24;
	_ =	sdelay $0x1  }
0x2f1: {  	v54 =	vsub.f32 $0.0e+00, v20;
	v21 =	vadd.f32 v53, v53;
	_ =	sdelay $0x1  }
0x2f2: {  	v25 =	vmin.f32 v20, v54;
	v21 =	vmul.f32 $1.442695020e+00, v21  }
0x2f3: {  	v25 =	vmul.f32 $1.442695020e+00, v25  }
0x2f4: {  	(erf) = vpow2.f32 v21  }
0x2f5: {  	(erf) = vpow2.f32 v25;
	_ =	sdelay $0x7  }
0x2f6: {  	v21 =	vpop (erf)  }
0x2f7: {  	v25 =	vpop (erf)  }
0x2f8: {  	v55 =	vmul.f32 $1.000928970e-02, v25;
	_ =	sdelay $0x1  }
0x2f9: {  	v26 =	vadd.f32 $-5.243753640e-02, v55;
	_ =	sdelay $0x1  }
0x2fa: {  	v26 =	vmul.f32 v26, v25;
	_ =	sdelay $0x1  }
0x2fb: {  	v26 =	vadd.f32 $1.308334320e-01, v26;
	_ =	sdelay $0x1  }
0x2fc: {  	v26 =	vmul.f32 v26, v25;
	_ =	sdelay $0x1  }
0x2fd: {  	v26 =	vadd.f32 $-2.231658700e-01, v26;
	_ =	sdelay $0x1  }
0x2fe: {  	v26 =	vmul.f32 v26, v25;
	_ =	sdelay $0x1  }
0x2ff: {  	v26 =	vadd.f32 $3.272257150e-01, v26;
	_ =	sdelay $0x1  }
0x300: {  	v26 =	vmul.f32 v26, v25;
	_ =	sdelay $0x1  }
0x301: {  	v26 =	vadd.f32 $-4.992850420e-01, v26;
	_ =	sdelay $0x1  }
0x302: {  	v26 =	vmul.f32 v26, v25;
	_ =	sdelay $0x1  }
0x303: {  	v26 =	vadd.f32 $9.999670980e-01, v26;
	_ =	sdelay $0x1  }
0x304: {  	v25 =	vmul.f32 v26, v25;
	_ =	sdelay $0x1  }
0x305: {  	v25 =	vadd.f32 $2.554673130e-07, v25  }
0x306: {  	v56 =	vmax.f32 v20, $0.0e+00  }
0x307: {  	v25 =	vadd.f32 v25, v56;
	_ =	sdelay $0x1  }
0x308: {  	v26 =	vsub.f32 v20, v25;
	_ =	sdelay $0x1  }
0x309: {  	v26 =	vadd.f32 v26, v26  }
0x30a: {  	v5 =	vadd.f32 v11, v5  }
0x30b: {  	v58 =	vsel vm6, $0x3F800000, v1;
	v57 =	vmul.f32 v59, v12;
	v59 =	vmul.f32 $1.442695020e+00, v26  }
0x30c: {  	v4 =	vadd.f32 v58, v4;
	v60 =	vmul.f32 v60, v15;
	vm2 =	vlt.f32 v10, $0.0e+00  }
0x30d: {  	v61 =	vsel vm2, $0x3F800000, v1;
	v5 =	vadd.f32 v57, v5;
	(erf) = vpow2.f32 v59  }
0x30e: {  	vm2 =	vlt.f32 v9, $0.0e+00;
	v4 =	vadd.f32 v61, v4  }
0x30f: {  	v7 =	vmul.f32 v62, v7;
	v9 =	vsel vm2, $0x3F800000, v1;
	v5 =	vadd.f32 v60, v5  }
0x310: {  	vm2 =	vlt.f32 v8, $0.0e+00;
	v4 =	vadd.f32 v9, v4  }
0x311: {  	v62 =	vmul.f32 v63, v14;
	v5 =	vadd.f32 v7, v5;
	v7 =	vsel vm2, $0x3F800000, v1  }
0x312: {  	vm2 =	vlt.f32 v6, $0.0e+00;
	v4 =	vadd.f32 v7, v4;
	v7 =	vmul.f32 v29, v22  }
0x313: {  	v6 =	vsel vm2, $0x3F800000, v1  }
0x314: {  	s24 =	sadd.s32 $0x1, s24;
	vm2 =	vlt.f32 v13, $0.0e+00;
	v5 =	vadd.f32 v62, v5;
	v4 =	vadd.f32 v6, v4  }
0x315: {  	p0 =	sne.s32 s24, $0x10;
	v6 =	vsel vm2, $0x3F800000, v1;
	vm2 =	vlt.f32 v23, $0.0e+00  }
.Ltmp3:
0x316: {  	v5 =	vadd.f32 v7, v5;
	v4 =	vadd.f32 v6, v4;
	v6 =	vmul.f32 v21, v24;
	v7 =	vpop (erf);
	(pc) =	sbr.rel @p0 .LBB2_7-.Ltmp3, $4  }
0x317: {  	v63 =	vsel vm2, $0x3F800000, v1;
	vm2 =	vlt.f32 v20, $0.0e+00;
	v7 =	vmul.f32 v7, v25  }
0x318: {  	v4 =	vadd.f32 v63, v4;
	v5 =	vadd.f32 v6, v5;
	v6 =	vsel vm2, $0x3F800000, v1  }
0x319: {  	v6 =	vsel vm0, $0x0, v6;
	v7 =	vsel vm0, $0x0, v7  }
0x31a: {  	v4 =	vadd.f32 v4, v6;
	v5 =	vadd.f32 v5, v7  }
0x31b: {  	s22 =	sadd.s32 $0x1, s22  }
0x31c: {  	p0 =	sne.s32 s22, $0x3  }
.Ltmp4:
0x31d: {  	_ = 	snop;
	(pc) =	sbr.rel @p0 .LBB2_2-.Ltmp4, $1  }
0x31e: {  	_ =	sdelay $0x3  }
0x31f: {  	[tilespmem:$0x10080] =	vst v5  }
0x320: {  	[hbm4b:s10+s3] =	stream.linear.scatter [tilespmem:s20], [sflag:$0x3], $0x80, $0x38;
	[tilespmem:$0x10100] =	vst v63  }
0x321: {  	_ =	swait.ge [sflag:s14], $0x80  }
0x322: {  	s21 =	sadd.s32 $0x1, s21;
	[sflag:s14] =	ssyncset.done $0x0  }
0x323: {  	p0 =	sne.s32 s21, s12;
	[sflag:s14] =	ssyncadd.s32 $0xFFFFFF80  }
.Ltmp5:
0x324: {  	[tilespmem:$0x10080] =	vst v4;
	(pc) =	sbr.rel @p0 .LBB2_1-.Ltmp5, $4  }
0x325: {  	[hbm4b:s11+s3] =	stream.linear.scatter [tilespmem:s20], [sflag:$0x3], $0x80, $0x38;
	[tilespmem:$0x10100] =	vst v63  }
0x326: {  	_ =	swait.ge [sflag:s14], $0x80  }
0x327: {  	[sflag:s14] =	ssyncset.done $0x0  }
0x328: {  	[sflag:s14] =	ssyncadd.s32 $0xFFFFFF80  }
0x329: {  	_ =	sfence.sel $0x180000  }
0x32a: {  	[bflag:$0x0] =	sbarrier.arrive $0xFFFF  }
0x32b: {  	_ =	strace $0x90000047  }
0x32c: {  	s0 =	stileid.u32;
	[bflag:$0x2] =	sbarrier.arrive $0xFFFF  }
0x32d: {  	p0 =	sne.s32 s0, $0x0;
	s0 =	rddreg [dreg:$0x1]  }
0x32e: {  	s0 =	sadd.s32 @!p0 $0x100000, s0  }
0x32f: {  	[sflag:s0] =	ssyncadd.tile.s32 @!p0 $0x1;
	_ =	shalt  }
.Lfunc_end2:
_tile_overlayer_lowered:
.L_overlay_start_2:
0x330: {  	(tag) =	ssettag $0x2  }
0x331: {  	s0 =	rddreg [dreg:$0x0];
	s2 =	stileid.u32  }
0x332: {  	s1 =	rddreg [dreg:$0x1];
	p0 =	sne.s32 s2, $0x0  }
0x333: {  	s3 =	rddreg [dreg:$0x2];
	[bflag:$0x3] =	sbarrier.arrive $0xFFFF;
	s2 =	simm.s32 @!p0 $0x1C03  }
0x334: {  	[timem:s3], [sflag:s2] =	dma.local @!p0 [hbm:s0], s1  }
0x335: {  	s0 =	simm.s32 @!p0 $0x3  }
0x336: {  	_ =	swait.ge @!p0 [sflag:s0], s1  }
0x337: {  	s1 =	ssub.s32 @!p0 $0x0, s1;
	[sflag:s0] =	ssyncset.done @!p0 $0x0  }
0x338: {  	[sflag:s0] =	ssyncadd.s32 @!p0 s1  }
0x339: {  	[bflag:$0x3] =	sbarrier.arrive $0xFFFF  }
0x33a: {  	_ =	shalt  }

</sc_bundles>
